<compile_context>
chip_gen: v7x
topology: tpu7x:2x2x1
jax: 0.10.2.dev20260603
libtpu: 0.0.44.dev20260713+nightly
codegen_flags: <defaults>
</compile_context>

<pallas_src>
import functools

import jax
import jax.numpy as jnp
from jax import lax
from jax.experimental import pallas as pl
from jax.experimental.pallas import tpu as pltpu
from jax.experimental.pallas import tpu_sc as plsc

NUM_CORES = 2
NUM_SUBCORES = 16
NUM_WORKERS = NUM_CORES * NUM_SUBCORES
LANES = 16

B, C, H, W = 2, 96, 384, 384
N_POINTS = 7
SLAB = H * W
NUM_SLABS = B * C
SLABS_PER_W = NUM_SLABS // NUM_WORKERS
CHUNK = 18432
CHUNKS_PER_SLAB = SLAB // CHUNK

_mesh = plsc.VectorSubcoreMesh(
    core_axis_name="c", subcore_axis_name="s",
    num_cores=NUM_CORES, num_subcores=NUM_SUBCORES)


def _bcast(pvec_ref, lane):
    return plsc.load_gather(pvec_ref, [jnp.full((LANES,), lane, jnp.int32)])


@functools.partial(
    pl.kernel,
    out_type=jax.ShapeDtypeStruct((NUM_SLABS, SLAB), jnp.float32),
    mesh=_mesh,
    scratch_types=[
        pltpu.VMEM((CHUNK,), jnp.float32),
        pltpu.VMEM((CHUNK,), jnp.float32),
        pltpu.VMEM((CHUNK,), jnp.float32),
        pltpu.VMEM((CHUNK,), jnp.float32),
        pltpu.VMEM((LANES,), jnp.float32),
        pltpu.VMEM((LANES,), jnp.float32),
        pltpu.VMEM((LANES,), jnp.float32),
        pltpu.SemaphoreType.DMA,
        pltpu.SemaphoreType.DMA,
        pltpu.SemaphoreType.DMA,
        pltpu.SemaphoreType.DMA,
    ],
    compiler_params=pltpu.CompilerParams(needs_layout_passes=False),
)
def _pwlu_sc(x_hbm, params_hbm, out_hbm, ib0, ib1, ob0, ob1, pvec, fpr, sr,
             isem0, isem1, osem0, osem1):
    wid = lax.axis_index("s") * NUM_CORES + lax.axis_index("c")
    iv = lax.iota(jnp.int32, LANES)
    ibufs = (ib0, ib1)
    obufs = (ob0, ob1)
    isems = (isem0, isem1)
    osems = (osem0, osem1)

    for j in range(SLABS_PER_W):
        slab = wid * SLABS_PER_W + j
        ch = lax.rem(slab, C)
        pltpu.sync_copy(params_hbm.at[ch], pvec)

        left = _bcast(pvec, 0)
        right = _bcast(pvec, 1)
        ls = _bcast(pvec, 2)
        rs = _bcast(pvec, 3)
        pm = plsc.load_gather(pvec, [jnp.clip(iv - 1, 0, N_POINTS - 1) + 4])
        pn = plsc.load_gather(pvec, [jnp.clip(iv, 0, N_POINTS - 1) + 4])

        rlen = right - left
        s_int = (pn - pm) / rlen
        s_tab = jnp.where(iv == 0, ls, jnp.where(iv >= N_POINTS, rs, s_int))
        fp_tab = jnp.where(iv == 0, pm - ls * rlen, pm)
        sr[...] = s_tab
        fpr[...] = fp_tab

        sim_left = left - rlen
        inv7l = 1.0 / (N_POINTS * rlen)

        def compute(xin, xout):
            @plsc.parallel_loop(0, CHUNK // LANES, unroll=8)
            def _(i):
                off = i * LANES
                xv = xin[pl.ds(off, LANES)]
                xn = (xv - sim_left) * inv7l
                t7 = xn * jnp.float32(N_POINTS)
                tcl = (jnp.minimum(jnp.maximum(xn, 0.0), 1.001)
                       * jnp.float32(N_POINTS))
                r_i = tcl.astype(jnp.int32)
                r_f = r_i.astype(jnp.float32)
                fpv = plsc.load_gather(fpr, [r_i])
                sv = plsc.load_gather(sr, [r_i])
                xout[pl.ds(off, LANES)] = fpv + (t7 - r_f) * sv

        pltpu.async_copy(x_hbm.at[slab, pl.ds(0, CHUNK)], ibufs[0], isems[0])

        def pair_body(k, _):
            for b in range(2):
                g = 2 * k + b
                nb = 1 - b

                @pl.when(g + 1 < CHUNKS_PER_SLAB)
                def _issue_in():
                    pltpu.async_copy(
                        x_hbm.at[slab, pl.ds((g + 1) * CHUNK, CHUNK)],
                        ibufs[nb], isems[nb])

                pltpu.make_async_copy(
                    x_hbm.at[slab, pl.ds(g * CHUNK, CHUNK)],
                    ibufs[b], isems[b]).wait()

                @pl.when(g >= 2)
                def _drain_out():
                    pltpu.make_async_copy(
                        obufs[b],
                        out_hbm.at[slab, pl.ds((g - 2) * CHUNK, CHUNK)],
                        osems[b]).wait()

                compute(ibufs[b], obufs[b])
                pltpu.async_copy(
                    obufs[b], out_hbm.at[slab, pl.ds(g * CHUNK, CHUNK)],
                    osems[b])
            return 0

        lax.fori_loop(0, CHUNKS_PER_SLAB // 2, pair_body, 0)
        for g in (CHUNKS_PER_SLAB - 2, CHUNKS_PER_SLAB - 1):
            b = g % 2
            pltpu.make_async_copy(
                obufs[b], out_hbm.at[slab, pl.ds(g * CHUNK, CHUNK)],
                osems[b]).wait()


def kernel(x, points, bounds, left_slopes, right_slopes):
    x2 = x.reshape(NUM_SLABS, SLAB)
    pad = jnp.zeros((C, LANES - 4 - N_POINTS), jnp.float32)
    params = jnp.concatenate(
        [bounds, left_slopes[:, None], right_slopes[:, None], points, pad],
        axis=1)
    out = _pwlu_sc(x2, params)
    return out.reshape(x.shape)

# --- scband reference (transcript-rebuilt; emitter-appended) ---
"""Pipeline reference for scband-pwlubase-36790689857763 (READ-ONLY COPY).

The authoritative reference and input builder live on the scoring server;
editing this copy changes nothing except your own understanding.
"""

import jax, jax.numpy as jnp
import numpy as np

N_REGIONS = 6
N_CHANNELS = 96
BOUND = 2.5


def setup_inputs(seed: int = 0) -> dict:
    key = jax.random.key(seed)
    x = jax.random.normal(key, (2, 96, 384, 384), dtype=jnp.float32)
    # channelwise parameters (subclass sets _n_channels=96), init='relu'
    base = jnp.linspace(-BOUND, BOUND, N_REGIONS + 1).astype(jnp.float32)
    points = jnp.maximum(base, 0.0)  # relu init of control points
    points = jnp.tile(points[None, :], (N_CHANNELS, 1))
    bounds = jnp.tile(jnp.array([-BOUND, BOUND], dtype=jnp.float32)[None, :], (N_CHANNELS, 1))
    left_slopes = jnp.zeros((N_CHANNELS,), dtype=jnp.float32)   # relu: slope 0 left of bound
    right_slopes = jnp.ones((N_CHANNELS,), dtype=jnp.float32)   # relu: slope 1 right of bound
    return {"x": x, "points": points, "bounds": bounds,
            "left_slopes": left_slopes, "right_slopes": right_slopes}


def pwlu_forward(x, points, bounds, left_slopes, right_slopes):
    # channelwise case: points [C, n_points], bounds [C, 2]
    n_points = points.shape[-1]
    n_regions = n_points - 1
    left_bounds = bounds[..., 0]
    right_bounds = bounds[..., 1]
    region_lengths = right_bounds - left_bounds  # [C]
    batch_size, n_channels = x.shape[0], x.shape[1]
    other_dims = x.shape[2:]
    # interior slopes from consecutive points
    slopes = (points - jnp.roll(points, 1, axis=-1))[..., 1:] / region_lengths[..., None]
    slopes = jnp.concatenate([left_slopes[..., None], slopes, right_slopes[..., None]], axis=-1)
    sim_left_bounds = left_bounds - region_lengths  # [C]
    # channelwise, bounds has 2 dims -> channels-last normalization path
    x_channels_last = jnp.moveaxis(x, 1, -1)  # [B, H, W, C]
    x_normal = (x_channels_last - sim_left_bounds) / ((n_regions + 1) * region_lengths)
    x_normal = jnp.moveaxis(x_normal, -1, 0)  # [C, B, H, W]
    regions = jnp.floor(jnp.clip(x_normal, 0.0, 1.001) * (n_regions + 1))
    dists = x_normal * (n_regions + 1) - regions
    regions_packed = regions.astype(jnp.int32).reshape(n_channels, -1)
    false_points = jnp.concatenate(
        [(points[..., 0] - left_slopes * region_lengths)[..., None], points], axis=-1)
    left_points = jnp.take_along_axis(false_points, regions_packed, axis=-1)
    slopes_g = jnp.take_along_axis(slopes, regions_packed, axis=-1)
    left_points = left_points.reshape((n_channels, batch_size) + tuple(other_dims))
    slopes_g = slopes_g.reshape((n_channels, batch_size) + tuple(other_dims))
    ret = left_points + dists * slopes_g
    ret = jnp.moveaxis(ret, 0, 1)  # back to [B, C, H, W]
    return ret


def reference(x, points, bounds, left_slopes, right_slopes):
    return pwlu_forward(x, points, bounds, left_slopes, right_slopes)

if __name__ == "__main__":
    import jax
    _d = setup_inputs()
    print(jax.jit(kernel)(*tuple(_d.values())))

</pallas_src>

<mosaic_0001>
#map = affine_map<(d0, d1) -> (0, 0)>
module attributes {stable_mosaic.version = 14 : i64} {
  func.func @_pwlu_sc(%arg0: i32, %arg1: i32, %arg2: memref<192x147456xf32, #tpu.memory_space<hbm>>, %arg3: memref<96x16xf32, #tpu.memory_space<hbm>>, %arg4: memref<192x147456xf32, #tpu.memory_space<hbm>>, %arg5: memref<18432xf32, #tpu.memory_space<vmem>>, %arg6: memref<18432xf32, #tpu.memory_space<vmem>>, %arg7: memref<18432xf32, #tpu.memory_space<vmem>>, %arg8: memref<18432xf32, #tpu.memory_space<vmem>>, %arg9: memref<16xf32, #tpu.memory_space<vmem>>, %arg10: memref<16xf32, #tpu.memory_space<vmem>>, %arg11: memref<16xf32, #tpu.memory_space<vmem>>, %arg12: memref<!tpu.dma_semaphore, #tpu.memory_space<semaphore_mem>>, %arg13: memref<!tpu.dma_semaphore, #tpu.memory_space<semaphore_mem>>, %arg14: memref<!tpu.dma_semaphore, #tpu.memory_space<semaphore_mem>>, %arg15: memref<!tpu.dma_semaphore, #tpu.memory_space<semaphore_mem>>) attributes {dimension_semantics = [#tpu.dimension_semantics<core_parallel>, #tpu.dimension_semantics<subcore_parallel>], iteration_bounds = array<i64: 2, 16>, scalar_prefetch = 0 : i64, scratch_operands = 11 : i64, tpu.core_type = #tpu.core_type<sc_vector_subcore>, window_params = [{transform_indices = #map}, {transform_indices = #map}, {transform_indices = #map}]} {
    %mul3A = arith.constant 2 : i32
    %mul3A_0 = arith.muli %arg1, %mul3A : i32
    %add3A = arith.addi %mul3A_0, %arg0 : i32
    %iota3A = tpu.iota {dimensions = array<i32: 0>} : vector<16xi32>
    %mul3A_1 = arith.constant 6 : i32
    %mul3A_2 = arith.muli %add3A, %mul3A_1 : i32
    %add3A_3 = arith.constant 0 : i32
    %add3A_4 = arith.addi %mul3A_2, %add3A_3 : i32
    %rem3A = arith.constant 96 : i32
    %rem3A_5 = arith.remsi %add3A_4, %rem3A : i32
    "tpu.region"() ({
      %run_scoped3A = tpu.sem_alloc : memref<!tpu.dma_semaphore, #tpu.memory_space<semaphore_mem>>
      %dma_start3A_550 = arith.constant 0 : i32
      %dma_start3A_551 = tpu.memref_slice %arg3[%rem3A_5, %dma_start3A_550] : memref<96x16xf32, #tpu.memory_space<hbm>> -> memref<1x16xf32, #tpu.memory_space<hbm>>
      %dma_start3A_552 = tpu.memref_squeeze %dma_start3A_551 : memref<1x16xf32, #tpu.memory_space<hbm>> -> memref<16xf32, #tpu.memory_space<hbm>>
      %dma_start3A_553 = arith.constant 0 : i32
      %dma_start3A_554 = tpu.memref_slice %arg3[%rem3A_5, %dma_start3A_553] : memref<96x16xf32, #tpu.memory_space<hbm>> -> memref<1x16xf32, #tpu.memory_space<hbm>>
      %dma_start3A_555 = tpu.memref_squeeze %dma_start3A_554 : memref<1x16xf32, #tpu.memory_space<hbm>> -> memref<16xf32, #tpu.memory_space<hbm>>
      tpu.enqueue_dma source(%dma_start3A_555 : memref<16xf32, #tpu.memory_space<hbm>>) target(%arg9 : memref<16xf32, #tpu.memory_space<vmem>>) target_semaphore(%run_scoped3A : memref<!tpu.dma_semaphore, #tpu.memory_space<semaphore_mem>>)
      %dma_wait3A_556 = arith.constant 0 : i32
      %dma_wait3A_557 = tpu.memref_slice %arg3[%rem3A_5, %dma_wait3A_556] : memref<96x16xf32, #tpu.memory_space<hbm>> -> memref<1x16xf32, #tpu.memory_space<hbm>>
      %dma_wait3A_558 = tpu.memref_squeeze %dma_wait3A_557 : memref<1x16xf32, #tpu.memory_space<hbm>> -> memref<16xf32, #tpu.memory_space<hbm>>
      %dma_wait3A_559 = arith.constant 0 : i32
      %dma_wait3A_560 = tpu.memref_slice %arg3[%rem3A_5, %dma_wait3A_559] : memref<96x16xf32, #tpu.memory_space<hbm>> -> memref<1x16xf32, #tpu.memory_space<hbm>>
      %dma_wait3A_561 = tpu.memref_squeeze %dma_wait3A_560 : memref<1x16xf32, #tpu.memory_space<hbm>> -> memref<16xf32, #tpu.memory_space<hbm>>
      tpu.wait_dma2 semaphore(%run_scoped3A : memref<!tpu.dma_semaphore, #tpu.memory_space<semaphore_mem>>) src(%dma_wait3A_561 : memref<16xf32, #tpu.memory_space<hbm>>) dst(%arg9 : memref<16xf32, #tpu.memory_space<vmem>>)
      tpu.yield
    }) : () -> ()
    %broadcast_in_dim3A = arith.constant 0 : i32
    %broadcast_in_dim3A_6 = vector.broadcast %broadcast_in_dim3A : i32 to vector<16xi32>
    %gather3A = tpu.vector_load_idx %arg9[%broadcast_in_dim3A_6] : memref<16xf32, #tpu.memory_space<vmem>>[vector<16xi32>], vector<16xf32>,
    %broadcast_in_dim3A_7 = arith.constant 1 : i32
    %broadcast_in_dim3A_8 = vector.broadcast %broadcast_in_dim3A_7 : i32 to vector<16xi32>
    %gather3A_9 = tpu.vector_load_idx %arg9[%broadcast_in_dim3A_8] : memref<16xf32, #tpu.memory_space<vmem>>[vector<16xi32>], vector<16xf32>,
    %broadcast_in_dim3A_10 = arith.constant 2 : i32
    %broadcast_in_dim3A_11 = vector.broadcast %broadcast_in_dim3A_10 : i32 to vector<16xi32>
    %gather3A_12 = tpu.vector_load_idx %arg9[%broadcast_in_dim3A_11] : memref<16xf32, #tpu.memory_space<vmem>>[vector<16xi32>], vector<16xf32>,
    %broadcast_in_dim3A_13 = arith.constant 3 : i32
    %broadcast_in_dim3A_14 = vector.broadcast %broadcast_in_dim3A_13 : i32 to vector<16xi32>
    %gather3A_15 = tpu.vector_load_idx %arg9[%broadcast_in_dim3A_14] : memref<16xf32, #tpu.memory_space<vmem>>[vector<16xi32>], vector<16xf32>,
    %sub3A = arith.constant 1 : i32
    %sub3A_16 = vector.broadcast %sub3A : i32 to vector<16xi32>
    %sub3A_17 = arith.subi %iota3A, %sub3A_16 : vector<16xi32>
    %jit3A = arith.constant 0 : i32
    %jit3A_18 = arith.constant 6 : i32
    %max3A = vector.broadcast %jit3A : i32 to vector<16xi32>
    %max3A_19 = arith.maxsi %max3A, %sub3A_17 : vector<16xi32>
    %min3A = vector.broadcast %jit3A_18 : i32 to vector<16xi32>
    %min3A_20 = arith.minsi %min3A, %max3A_19 : vector<16xi32>
    %add3A_21 = arith.constant 4 : i32
    %add3A_22 = vector.broadcast %add3A_21 : i32 to vector<16xi32>
    %add3A_23 = arith.addi %min3A_20, %add3A_22 : vector<16xi32>
    %gather3A_24 = tpu.vector_load_idx %arg9[%add3A_23] : memref<16xf32, #tpu.memory_space<vmem>>[vector<16xi32>], vector<16xf32>,
    %jit3A_25 = arith.constant 0 : i32
    %jit3A_26 = arith.constant 6 : i32
    %max3A_27 = vector.broadcast %jit3A_25 : i32 to vector<16xi32>
    %max3A_28 = arith.maxsi %max3A_27, %iota3A : vector<16xi32>
    %min3A_29 = vector.broadcast %jit3A_26 : i32 to vector<16xi32>
    %min3A_30 = arith.minsi %min3A_29, %max3A_28 : vector<16xi32>
    %add3A_31 = arith.constant 4 : i32
    %add3A_32 = vector.broadcast %add3A_31 : i32 to vector<16xi32>
    %add3A_33 = arith.addi %min3A_30, %add3A_32 : vector<16xi32>
    %gather3A_34 = tpu.vector_load_idx %arg9[%add3A_33] : memref<16xf32, #tpu.memory_space<vmem>>[vector<16xi32>], vector<16xf32>,
    %sub3A_35 = arith.subf %gather3A_9, %gather3A : vector<16xf32>
    %sub3A_36 = arith.subf %gather3A_34, %gather3A_24 : vector<16xf32>
    %div3A = arith.divf %sub3A_36, %sub3A_35 : vector<16xf32>
    %eq3A = arith.constant 0 : i32
    %eq3A_37 = vector.broadcast %eq3A : i32 to vector<16xi32>
    %eq3A_38 = arith.cmpi eq, %iota3A, %eq3A_37 : vector<16xi32>
    %ge3A = arith.constant 7 : i32
    %ge3A_39 = vector.broadcast %ge3A : i32 to vector<16xi32>
    %ge3A_40 = arith.cmpi sge, %iota3A, %ge3A_39 : vector<16xi32>
    %select_n3A = arith.select %ge3A_40, %gather3A_15, %div3A : vector<16xi1>, vector<16xf32>
    %select_n3A_41 = arith.select %eq3A_38, %gather3A_12, %select_n3A : vector<16xi1>, vector<16xf32>
    %eq3A_42 = arith.constant 0 : i32
    %eq3A_43 = vector.broadcast %eq3A_42 : i32 to vector<16xi32>
    %eq3A_44 = arith.cmpi eq, %iota3A, %eq3A_43 : vector<16xi32>
    %mul3A_45 = arith.mulf %gather3A_12, %sub3A_35 : vector<16xf32>
    %sub3A_46 = arith.subf %gather3A_24, %mul3A_45 : vector<16xf32>
    %select_n3A_47 = arith.select %eq3A_44, %sub3A_46, %gather3A_24 : vector<16xi1>, vector<16xf32>
    %swap3A = arith.constant 0 : index
    %swap3A_48 = tpu.vector_load %arg11[%swap3A] {strides = array<i32>} : memref<16xf32, #tpu.memory_space<vmem>>, vector<16xf32>,
    tpu.vector_store %arg11[%swap3A], %select_n3A_41 {strides = array<i32>} : memref<16xf32, #tpu.memory_space<vmem>>, vector<16xf32>,
    %swap3A_49 = arith.constant 0 : index
    %swap3A_50 = tpu.vector_load %arg10[%swap3A_49] {strides = array<i32>} : memref<16xf32, #tpu.memory_space<vmem>>, vector<16xf32>,
    tpu.vector_store %arg10[%swap3A_49], %select_n3A_47 {strides = array<i32>} : memref<16xf32, #tpu.memory_space<vmem>>, vector<16xf32>,
    %sub3A_51 = arith.subf %gather3A, %sub3A_35 : vector<16xf32>
    %mul3A_52 = arith.constant 7.000000e+00 : f32
    %mul3A_53 = vector.broadcast %mul3A_52 : f32 to vector<16xf32>
    %mul3A_54 = arith.mulf %mul3A_53, %sub3A_35 : vector<16xf32>
    %div3A_55 = arith.constant 1.000000e+00 : f32
    %div3A_56 = vector.broadcast %div3A_55 : f32 to vector<16xf32>
    %div3A_57 = arith.divf %div3A_56, %mul3A_54 : vector<16xf32>
    %dma_start3A = arith.constant 0 : i32
    %dma_start3A_58 = tpu.memref_slice %arg2[%add3A_4, %dma_start3A] : memref<192x147456xf32, #tpu.memory_space<hbm>> -> memref<1x18432xf32, #tpu.memory_space<hbm>>
    %dma_start3A_59 = tpu.memref_squeeze %dma_start3A_58 : memref<1x18432xf32, #tpu.memory_space<hbm>> -> memref<18432xf32, #tpu.memory_space<hbm>>
    %dma_start3A_60 = arith.constant 0 : i32
    %dma_start3A_61 = tpu.memref_slice %arg2[%add3A_4, %dma_start3A_60] : memref<192x147456xf32, #tpu.memory_space<hbm>> -> memref<1x18432xf32, #tpu.memory_space<hbm>>
    %dma_start3A_62 = tpu.memref_squeeze %dma_start3A_61 : memref<1x18432xf32, #tpu.memory_space<hbm>> -> memref<18432xf32, #tpu.memory_space<hbm>>
    tpu.enqueue_dma source(%dma_start3A_62 : memref<18432xf32, #tpu.memory_space<hbm>>) target(%arg5 : memref<18432xf32, #tpu.memory_space<vmem>>) target_semaphore(%arg12 : memref<!tpu.dma_semaphore, #tpu.memory_space<semaphore_mem>>)
    %scan3A = arith.constant 0 : i32
    %scan3A_63 = arith.constant 0 : i32
    %scan3A_64 = arith.constant 4 : i32
    %scan3A_65 = arith.addi %scan3A_63, %scan3A_64 : i32
    %scan3A_66 = arith.constant 1 : i32
    %scan3A_67 = scf.for %scan3A_550 = %scan3A_63 to %scan3A_65 step %scan3A_66 iter_args(%scan3A_551 = %scan3A) -> (i32)  : i32 {
      %mul3A_552 = arith.constant 2 : i32
      %mul3A_553 = arith.muli %mul3A_552, %scan3A_550 : i32
      %add3A_554 = arith.constant 0 : i32
      %add3A_555 = arith.addi %mul3A_553, %add3A_554 : i32
      %add3A_556 = arith.constant 1 : i32
      %add3A_557 = arith.addi %add3A_555, %add3A_556 : i32
      %lt3A = arith.constant 8 : i32
      %lt3A_558 = arith.cmpi slt, %add3A_557, %lt3A : i32
      %convert_element_type3A = arith.extui %lt3A_558 : i1 to i32
      %cond3A = arith.constant 0 : i32
      %cond3A_559 = arith.cmpi ne, %convert_element_type3A, %cond3A : i32
      scf.if %cond3A_559 {
        %add3A_611 = arith.constant 1 : i32
        %add3A_612 = arith.addi %add3A_555, %add3A_611 : i32
        %mul3A_613 = arith.constant 18432 : i32
        %mul3A_614 = arith.muli %add3A_612, %mul3A_613 : i32
        %dma_start3A_615 = tpu.memref_slice %arg2[%add3A_4, %mul3A_614] : memref<192x147456xf32, #tpu.memory_space<hbm>> -> memref<1x18432xf32, #tpu.memory_space<hbm>>
        %dma_start3A_616 = tpu.memref_squeeze %dma_start3A_615 : memref<1x18432xf32, #tpu.memory_space<hbm>> -> memref<18432xf32, #tpu.memory_space<hbm>>
        %dma_start3A_617 = tpu.memref_slice %arg2[%add3A_4, %mul3A_614] : memref<192x147456xf32, #tpu.memory_space<hbm>> -> memref<1x18432xf32, #tpu.memory_space<hbm>>
        %dma_start3A_618 = tpu.memref_squeeze %dma_start3A_617 : memref<1x18432xf32, #tpu.memory_space<hbm>> -> memref<18432xf32, #tpu.memory_space<hbm>>
        tpu.enqueue_dma source(%dma_start3A_618 : memref<18432xf32, #tpu.memory_space<hbm>>) target(%arg6 : memref<18432xf32, #tpu.memory_space<vmem>>) target_semaphore(%arg13 : memref<!tpu.dma_semaphore, #tpu.memory_space<semaphore_mem>>)
      } else {
      }
      %mul3A_560 = arith.constant 18432 : i32
      %mul3A_561 = arith.muli %add3A_555, %mul3A_560 : i32
      %dma_wait3A_562 = tpu.memref_slice %arg2[%add3A_4, %mul3A_561] : memref<192x147456xf32, #tpu.memory_space<hbm>> -> memref<1x18432xf32, #tpu.memory_space<hbm>>
      %dma_wait3A_563 = tpu.memref_squeeze %dma_wait3A_562 : memref<1x18432xf32, #tpu.memory_space<hbm>> -> memref<18432xf32, #tpu.memory_space<hbm>>
      %dma_wait3A_564 = tpu.memref_slice %arg2[%add3A_4, %mul3A_561] : memref<192x147456xf32, #tpu.memory_space<hbm>> -> memref<1x18432xf32, #tpu.memory_space<hbm>>
      %dma_wait3A_565 = tpu.memref_squeeze %dma_wait3A_564 : memref<1x18432xf32, #tpu.memory_space<hbm>> -> memref<18432xf32, #tpu.memory_space<hbm>>
      tpu.wait_dma2 semaphore(%arg12 : memref<!tpu.dma_semaphore, #tpu.memory_space<semaphore_mem>>) src(%dma_wait3A_565 : memref<18432xf32, #tpu.memory_space<hbm>>) dst(%arg5 : memref<18432xf32, #tpu.memory_space<vmem>>)
      %ge3A_566 = arith.constant 2 : i32
      %ge3A_567 = arith.cmpi sge, %add3A_555, %ge3A_566 : i32
      %convert_element_type3A_568 = arith.extui %ge3A_567 : i1 to i32
      %cond3A_569 = arith.constant 0 : i32
      %cond3A_570 = arith.cmpi ne, %convert_element_type3A_568, %cond3A_569 : i32
      scf.if %cond3A_570 {
        %sub3A_611 = arith.constant 2 : i32
        %sub3A_612 = arith.subi %add3A_555, %sub3A_611 : i32
        %mul3A_613 = arith.constant 18432 : i32
        %mul3A_614 = arith.muli %sub3A_612, %mul3A_613 : i32
        %dma_wait3A_615 = tpu.memref_slice %arg4[%add3A_4, %mul3A_614] : memref<192x147456xf32, #tpu.memory_space<hbm>> -> memref<1x18432xf32, #tpu.memory_space<hbm>>
        %dma_wait3A_616 = tpu.memref_squeeze %dma_wait3A_615 : memref<1x18432xf32, #tpu.memory_space<hbm>> -> memref<18432xf32, #tpu.memory_space<hbm>>
        %dma_wait3A_617 = tpu.memref_slice %arg4[%add3A_4, %mul3A_614] : memref<192x147456xf32, #tpu.memory_space<hbm>> -> memref<1x18432xf32, #tpu.memory_space<hbm>>
        %dma_wait3A_618 = tpu.memref_squeeze %dma_wait3A_617 : memref<1x18432xf32, #tpu.memory_space<hbm>> -> memref<18432xf32, #tpu.memory_space<hbm>>
        tpu.wait_dma2 semaphore(%arg14 : memref<!tpu.dma_semaphore, #tpu.memory_space<semaphore_mem>>) src(%arg7 : memref<18432xf32, #tpu.memory_space<vmem>>) dst(%dma_wait3A_618 : memref<18432xf32, #tpu.memory_space<hbm>>)
      } else {
      }
      %parallel_loop3A = arith.constant 0 : i32
      %parallel_loop3A_571 = arith.constant 1152 : i32
      %parallel_loop3A_572 = arith.constant 1 : i32
      scf.for %parallel_loop3A_611 = %parallel_loop3A to %parallel_loop3A_571 step %parallel_loop3A_572  : i32 {
        %parallel_loop3A_612 = arith.constant 16 : i32
        %parallel_loop3A_613 = arith.muli %parallel_loop3A_611, %parallel_loop3A_612 : i32
        %parallel_loop3A_614 = arith.index_cast %parallel_loop3A_613 : i32 to index
        %parallel_loop3A_615 = tpu.vector_load %arg5[%parallel_loop3A_614] {strides = array<i32>} : memref<18432xf32, #tpu.memory_space<vmem>>, vector<16xf32>,
        %parallel_loop3A_616 = arith.subf %parallel_loop3A_615, %sub3A_51 : vector<16xf32>
        %parallel_loop3A_617 = arith.mulf %parallel_loop3A_616, %div3A_57 : vector<16xf32>
        %parallel_loop3A_618 = arith.constant 7.000000e+00 : f32
        %parallel_loop3A_619 = vector.broadcast %parallel_loop3A_618 : f32 to vector<16xf32>
        %parallel_loop3A_620 = arith.mulf %parallel_loop3A_617, %parallel_loop3A_619 : vector<16xf32>
        %parallel_loop3A_621 = arith.constant 0.000000e+00 : f32
        %parallel_loop3A_622 = vector.broadcast %parallel_loop3A_621 : f32 to vector<16xf32>
        %parallel_loop3A_623 = arith.maximumf %parallel_loop3A_617, %parallel_loop3A_622 : vector<16xf32>
        %parallel_loop3A_624 = arith.constant 1.001000e+00 : f32
        %parallel_loop3A_625 = vector.broadcast %parallel_loop3A_624 : f32 to vector<16xf32>
        %parallel_loop3A_626 = arith.minimumf %parallel_loop3A_623, %parallel_loop3A_625 : vector<16xf32>
        %parallel_loop3A_627 = arith.constant 7.000000e+00 : f32
        %parallel_loop3A_628 = vector.broadcast %parallel_loop3A_627 : f32 to vector<16xf32>
        %parallel_loop3A_629 = arith.mulf %parallel_loop3A_626, %parallel_loop3A_628 : vector<16xf32>
        %parallel_loop3A_630 = arith.fptosi %parallel_loop3A_629 : vector<16xf32> to vector<16xi32>
        %parallel_loop3A_631 = arith.sitofp %parallel_loop3A_630 : vector<16xi32> to vector<16xf32>
        %parallel_loop3A_632 = tpu.vector_load_idx %arg10[%parallel_loop3A_630] : memref<16xf32, #tpu.memory_space<vmem>>[vector<16xi32>], vector<16xf32>,
        %parallel_loop3A_633 = tpu.vector_load_idx %arg11[%parallel_loop3A_630] : memref<16xf32, #tpu.memory_space<vmem>>[vector<16xi32>], vector<16xf32>,
        %parallel_loop3A_634 = arith.subf %parallel_loop3A_620, %parallel_loop3A_631 : vector<16xf32>
        %parallel_loop3A_635 = arith.mulf %parallel_loop3A_634, %parallel_loop3A_633 : vector<16xf32>
        %parallel_loop3A_636 = arith.addf %parallel_loop3A_632, %parallel_loop3A_635 : vector<16xf32>
        %parallel_loop3A_637 = arith.index_cast %parallel_loop3A_613 : i32 to index
        %parallel_loop3A_638 = tpu.vector_load %arg7[%parallel_loop3A_637] {strides = array<i32>} : memref<18432xf32, #tpu.memory_space<vmem>>, vector<16xf32>,
        tpu.vector_store %arg7[%parallel_loop3A_637], %parallel_loop3A_636 {strides = array<i32>} : memref<18432xf32, #tpu.memory_space<vmem>>, vector<16xf32>,
      } {sc.loop_unroll_factor = 8 : i64, sc.parallel_access}
      %mul3A_573 = arith.constant 18432 : i32
      %mul3A_574 = arith.muli %add3A_555, %mul3A_573 : i32
      %dma_start3A_575 = tpu.memref_slice %arg4[%add3A_4, %mul3A_574] : memref<192x147456xf32, #tpu.memory_space<hbm>> -> memref<1x18432xf32, #tpu.memory_space<hbm>>
      %dma_start3A_576 = tpu.memref_squeeze %dma_start3A_575 : memref<1x18432xf32, #tpu.memory_space<hbm>> -> memref<18432xf32, #tpu.memory_space<hbm>>
      %dma_start3A_577 = tpu.memref_slice %arg4[%add3A_4, %mul3A_574] : memref<192x147456xf32, #tpu.memory_space<hbm>> -> memref<1x18432xf32, #tpu.memory_space<hbm>>
      %dma_start3A_578 = tpu.memref_squeeze %dma_start3A_577 : memref<1x18432xf32, #tpu.memory_space<hbm>> -> memref<18432xf32, #tpu.memory_space<hbm>>
      tpu.enqueue_dma source(%arg7 : memref<18432xf32, #tpu.memory_space<vmem>>) target(%dma_start3A_578 : memref<18432xf32, #tpu.memory_space<hbm>>) target_semaphore(%arg14 : memref<!tpu.dma_semaphore, #tpu.memory_space<semaphore_mem>>)
      %mul3A_579 = arith.constant 2 : i32
      %mul3A_580 = arith.muli %mul3A_579, %scan3A_550 : i32
      %add3A_581 = arith.constant 1 : i32
      %add3A_582 = arith.addi %mul3A_580, %add3A_581 : i32
      %add3A_583 = arith.constant 1 : i32
      %add3A_584 = arith.addi %add3A_582, %add3A_583 : i32
      %lt3A_585 = arith.constant 8 : i32
      %lt3A_586 = arith.cmpi slt, %add3A_584, %lt3A_585 : i32
      %convert_element_type3A_587 = arith.extui %lt3A_586 : i1 to i32
      %cond3A_588 = arith.constant 0 : i32
      %cond3A_589 = arith.cmpi ne, %convert_element_type3A_587, %cond3A_588 : i32
      scf.if %cond3A_589 {
        %add3A_611 = arith.constant 1 : i32
        %add3A_612 = arith.addi %add3A_582, %add3A_611 : i32
        %mul3A_613 = arith.constant 18432 : i32
        %mul3A_614 = arith.muli %add3A_612, %mul3A_613 : i32
        %dma_start3A_615 = tpu.memref_slice %arg2[%add3A_4, %mul3A_614] : memref<192x147456xf32, #tpu.memory_space<hbm>> -> memref<1x18432xf32, #tpu.memory_space<hbm>>
        %dma_start3A_616 = tpu.memref_squeeze %dma_start3A_615 : memref<1x18432xf32, #tpu.memory_space<hbm>> -> memref<18432xf32, #tpu.memory_space<hbm>>
        %dma_start3A_617 = tpu.memref_slice %arg2[%add3A_4, %mul3A_614] : memref<192x147456xf32, #tpu.memory_space<hbm>> -> memref<1x18432xf32, #tpu.memory_space<hbm>>
        %dma_start3A_618 = tpu.memref_squeeze %dma_start3A_617 : memref<1x18432xf32, #tpu.memory_space<hbm>> -> memref<18432xf32, #tpu.memory_space<hbm>>
        tpu.enqueue_dma source(%dma_start3A_618 : memref<18432xf32, #tpu.memory_space<hbm>>) target(%arg5 : memref<18432xf32, #tpu.memory_space<vmem>>) target_semaphore(%arg12 : memref<!tpu.dma_semaphore, #tpu.memory_space<semaphore_mem>>)
      } else {
      }
      %mul3A_590 = arith.constant 18432 : i32
      %mul3A_591 = arith.muli %add3A_582, %mul3A_590 : i32
      %dma_wait3A_592 = tpu.memref_slice %arg2[%add3A_4, %mul3A_591] : memref<192x147456xf32, #tpu.memory_space<hbm>> -> memref<1x18432xf32, #tpu.memory_space<hbm>>
      %dma_wait3A_593 = tpu.memref_squeeze %dma_wait3A_592 : memref<1x18432xf32, #tpu.memory_space<hbm>> -> memref<18432xf32, #tpu.memory_space<hbm>>
      %dma_wait3A_594 = tpu.memref_slice %arg2[%add3A_4, %mul3A_591] : memref<192x147456xf32, #tpu.memory_space<hbm>> -> memref<1x18432xf32, #tpu.memory_space<hbm>>
      %dma_wait3A_595 = tpu.memref_squeeze %dma_wait3A_594 : memref<1x18432xf32, #tpu.memory_space<hbm>> -> memref<18432xf32, #tpu.memory_space<hbm>>
      tpu.wait_dma2 semaphore(%arg13 : memref<!tpu.dma_semaphore, #tpu.memory_space<semaphore_mem>>) src(%dma_wait3A_595 : memref<18432xf32, #tpu.memory_space<hbm>>) dst(%arg6 : memref<18432xf32, #tpu.memory_space<vmem>>)
      %ge3A_596 = arith.constant 2 : i32
      %ge3A_597 = arith.cmpi sge, %add3A_582, %ge3A_596 : i32
      %convert_element_type3A_598 = arith.extui %ge3A_597 : i1 to i32
      %cond3A_599 = arith.constant 0 : i32
      %cond3A_600 = arith.cmpi ne, %convert_element_type3A_598, %cond3A_599 : i32
      scf.if %cond3A_600 {
        %sub3A_611 = arith.constant 2 : i32
        %sub3A_612 = arith.subi %add3A_582, %sub3A_611 : i32
        %mul3A_613 = arith.constant 18432 : i32
        %mul3A_614 = arith.muli %sub3A_612, %mul3A_613 : i32
        %dma_wait3A_615 = tpu.memref_slice %arg4[%add3A_4, %mul3A_614] : memref<192x147456xf32, #tpu.memory_space<hbm>> -> memref<1x18432xf32, #tpu.memory_space<hbm>>
        %dma_wait3A_616 = tpu.memref_squeeze %dma_wait3A_615 : memref<1x18432xf32, #tpu.memory_space<hbm>> -> memref<18432xf32, #tpu.memory_space<hbm>>
        %dma_wait3A_617 = tpu.memref_slice %arg4[%add3A_4, %mul3A_614] : memref<192x147456xf32, #tpu.memory_space<hbm>> -> memref<1x18432xf32, #tpu.memory_space<hbm>>
        %dma_wait3A_618 = tpu.memref_squeeze %dma_wait3A_617 : memref<1x18432xf32, #tpu.memory_space<hbm>> -> memref<18432xf32, #tpu.memory_space<hbm>>
        tpu.wait_dma2 semaphore(%arg15 : memref<!tpu.dma_semaphore, #tpu.memory_space<semaphore_mem>>) src(%arg8 : memref<18432xf32, #tpu.memory_space<vmem>>) dst(%dma_wait3A_618 : memref<18432xf32, #tpu.memory_space<hbm>>)
      } else {
      }
      %parallel_loop3A_601 = arith.constant 0 : i32
      %parallel_loop3A_602 = arith.constant 1152 : i32
      %parallel_loop3A_603 = arith.constant 1 : i32
      scf.for %parallel_loop3A_611 = %parallel_loop3A_601 to %parallel_loop3A_602 step %parallel_loop3A_603  : i32 {
        %parallel_loop3A_612 = arith.constant 16 : i32
        %parallel_loop3A_613 = arith.muli %parallel_loop3A_611, %parallel_loop3A_612 : i32
        %parallel_loop3A_614 = arith.index_cast %parallel_loop3A_613 : i32 to index
        %parallel_loop3A_615 = tpu.vector_load %arg6[%parallel_loop3A_614] {strides = array<i32>} : memref<18432xf32, #tpu.memory_space<vmem>>, vector<16xf32>,
        %parallel_loop3A_616 = arith.subf %parallel_loop3A_615, %sub3A_51 : vector<16xf32>
        %parallel_loop3A_617 = arith.mulf %parallel_loop3A_616, %div3A_57 : vector<16xf32>
        %parallel_loop3A_618 = arith.constant 7.000000e+00 : f32
        %parallel_loop3A_619 = vector.broadcast %parallel_loop3A_618 : f32 to vector<16xf32>
        %parallel_loop3A_620 = arith.mulf %parallel_loop3A_617, %parallel_loop3A_619 : vector<16xf32>
        %parallel_loop3A_621 = arith.constant 0.000000e+00 : f32
        %parallel_loop3A_622 = vector.broadcast %parallel_loop3A_621 : f32 to vector<16xf32>
        %parallel_loop3A_623 = arith.maximumf %parallel_loop3A_617, %parallel_loop3A_622 : vector<16xf32>
        %parallel_loop3A_624 = arith.constant 1.001000e+00 : f32
        %parallel_loop3A_625 = vector.broadcast %parallel_loop3A_624 : f32 to vector<16xf32>
        %parallel_loop3A_626 = arith.minimumf %parallel_loop3A_623, %parallel_loop3A_625 : vector<16xf32>
        %parallel_loop3A_627 = arith.constant 7.000000e+00 : f32
        %parallel_loop3A_628 = vector.broadcast %parallel_loop3A_627 : f32 to vector<16xf32>
        %parallel_loop3A_629 = arith.mulf %parallel_loop3A_626, %parallel_loop3A_628 : vector<16xf32>
        %parallel_loop3A_630 = arith.fptosi %parallel_loop3A_629 : vector<16xf32> to vector<16xi32>
        %parallel_loop3A_631 = arith.sitofp %parallel_loop3A_630 : vector<16xi32> to vector<16xf32>
        %parallel_loop3A_632 = tpu.vector_load_idx %arg10[%parallel_loop3A_630] : memref<16xf32, #tpu.memory_space<vmem>>[vector<16xi32>], vector<16xf32>,
        %parallel_loop3A_633 = tpu.vector_load_idx %arg11[%parallel_loop3A_630] : memref<16xf32, #tpu.memory_space<vmem>>[vector<16xi32>], vector<16xf32>,
        %parallel_loop3A_634 = arith.subf %parallel_loop3A_620, %parallel_loop3A_631 : vector<16xf32>
        %parallel_loop3A_635 = arith.mulf %parallel_loop3A_634, %parallel_loop3A_633 : vector<16xf32>
        %parallel_loop3A_636 = arith.addf %parallel_loop3A_632, %parallel_loop3A_635 : vector<16xf32>
        %parallel_loop3A_637 = arith.index_cast %parallel_loop3A_613 : i32 to index
        %parallel_loop3A_638 = tpu.vector_load %arg8[%parallel_loop3A_637] {strides = array<i32>} : memref<18432xf32, #tpu.memory_space<vmem>>, vector<16xf32>,
        tpu.vector_store %arg8[%parallel_loop3A_637], %parallel_loop3A_636 {strides = array<i32>} : memref<18432xf32, #tpu.memory_space<vmem>>, vector<16xf32>,
      } {sc.loop_unroll_factor = 8 : i64, sc.parallel_access}
      %mul3A_604 = arith.constant 18432 : i32
      %mul3A_605 = arith.muli %add3A_582, %mul3A_604 : i32
      %dma_start3A_606 = tpu.memref_slice %arg4[%add3A_4, %mul3A_605] : memref<192x147456xf32, #tpu.memory_space<hbm>> -> memref<1x18432xf32, #tpu.memory_space<hbm>>
      %dma_start3A_607 = tpu.memref_squeeze %dma_start3A_606 : memref<1x18432xf32, #tpu.memory_space<hbm>> -> memref<18432xf32, #tpu.memory_space<hbm>>
      %dma_start3A_608 = tpu.memref_slice %arg4[%add3A_4, %mul3A_605] : memref<192x147456xf32, #tpu.memory_space<hbm>> -> memref<1x18432xf32, #tpu.memory_space<hbm>>
      %dma_start3A_609 = tpu.memref_squeeze %dma_start3A_608 : memref<1x18432xf32, #tpu.memory_space<hbm>> -> memref<18432xf32, #tpu.memory_space<hbm>>
      tpu.enqueue_dma source(%arg8 : memref<18432xf32, #tpu.memory_space<vmem>>) target(%dma_start3A_609 : memref<18432xf32, #tpu.memory_space<hbm>>) target_semaphore(%arg15 : memref<!tpu.dma_semaphore, #tpu.memory_space<semaphore_mem>>)
      %scan3A_610 = arith.constant 0 : i32
      scf.yield %scan3A_610 : i32
    }
    %scan3A_68 = arith.constant 4 : i32
    %dma_wait3A = arith.constant 110592 : i32
    %dma_wait3A_69 = tpu.memref_slice %arg4[%add3A_4, %dma_wait3A] : memref<192x147456xf32, #tpu.memory_space<hbm>> -> memref<1x18432xf32, #tpu.memory_space<hbm>>
    %dma_wait3A_70 = tpu.memref_squeeze %dma_wait3A_69 : memref<1x18432xf32, #tpu.memory_space<hbm>> -> memref<18432xf32, #tpu.memory_space<hbm>>
    %dma_wait3A_71 = arith.constant 110592 : i32
    %dma_wait3A_72 = tpu.memref_slice %arg4[%add3A_4, %dma_wait3A_71] : memref<192x147456xf32, #tpu.memory_space<hbm>> -> memref<1x18432xf32, #tpu.memory_space<hbm>>
    %dma_wait3A_73 = tpu.memref_squeeze %dma_wait3A_72 : memref<1x18432xf32, #tpu.memory_space<hbm>> -> memref<18432xf32, #tpu.memory_space<hbm>>
    tpu.wait_dma2 semaphore(%arg14 : memref<!tpu.dma_semaphore, #tpu.memory_space<semaphore_mem>>) src(%arg7 : memref<18432xf32, #tpu.memory_space<vmem>>) dst(%dma_wait3A_73 : memref<18432xf32, #tpu.memory_space<hbm>>)
    %dma_wait3A_74 = arith.constant 129024 : i32
    %dma_wait3A_75 = tpu.memref_slice %arg4[%add3A_4, %dma_wait3A_74] : memref<192x147456xf32, #tpu.memory_space<hbm>> -> memref<1x18432xf32, #tpu.memory_space<hbm>>
    %dma_wait3A_76 = tpu.memref_squeeze %dma_wait3A_75 : memref<1x18432xf32, #tpu.memory_space<hbm>> -> memref<18432xf32, #tpu.memory_space<hbm>>
    %dma_wait3A_77 = arith.constant 129024 : i32
    %dma_wait3A_78 = tpu.memref_slice %arg4[%add3A_4, %dma_wait3A_77] : memref<192x147456xf32, #tpu.memory_space<hbm>> -> memref<1x18432xf32, #tpu.memory_space<hbm>>
    %dma_wait3A_79 = tpu.memref_squeeze %dma_wait3A_78 : memref<1x18432xf32, #tpu.memory_space<hbm>> -> memref<18432xf32, #tpu.memory_space<hbm>>
    tpu.wait_dma2 semaphore(%arg15 : memref<!tpu.dma_semaphore, #tpu.memory_space<semaphore_mem>>) src(%arg8 : memref<18432xf32, #tpu.memory_space<vmem>>) dst(%dma_wait3A_79 : memref<18432xf32, #tpu.memory_space<hbm>>)
    %mul3A_80 = arith.constant 6 : i32
    %mul3A_81 = arith.muli %add3A, %mul3A_80 : i32
    %add3A_82 = arith.constant 1 : i32
    %add3A_83 = arith.addi %mul3A_81, %add3A_82 : i32
    %rem3A_84 = arith.constant 96 : i32
    %rem3A_85 = arith.remsi %add3A_83, %rem3A_84 : i32
    "tpu.region"() ({
      %run_scoped3A = tpu.sem_alloc : memref<!tpu.dma_semaphore, #tpu.memory_space<semaphore_mem>>
      %dma_start3A_550 = arith.constant 0 : i32
      %dma_start3A_551 = tpu.memref_slice %arg3[%rem3A_85, %dma_start3A_550] : memref<96x16xf32, #tpu.memory_space<hbm>> -> memref<1x16xf32, #tpu.memory_space<hbm>>
      %dma_start3A_552 = tpu.memref_squeeze %dma_start3A_551 : memref<1x16xf32, #tpu.memory_space<hbm>> -> memref<16xf32, #tpu.memory_space<hbm>>
      %dma_start3A_553 = arith.constant 0 : i32
      %dma_start3A_554 = tpu.memref_slice %arg3[%rem3A_85, %dma_start3A_553] : memref<96x16xf32, #tpu.memory_space<hbm>> -> memref<1x16xf32, #tpu.memory_space<hbm>>
      %dma_start3A_555 = tpu.memref_squeeze %dma_start3A_554 : memref<1x16xf32, #tpu.memory_space<hbm>> -> memref<16xf32, #tpu.memory_space<hbm>>
      tpu.enqueue_dma source(%dma_start3A_555 : memref<16xf32, #tpu.memory_space<hbm>>) target(%arg9 : memref<16xf32, #tpu.memory_space<vmem>>) target_semaphore(%run_scoped3A : memref<!tpu.dma_semaphore, #tpu.memory_space<semaphore_mem>>)
      %dma_wait3A_556 = arith.constant 0 : i32
      %dma_wait3A_557 = tpu.memref_slice %arg3[%rem3A_85, %dma_wait3A_556] : memref<96x16xf32, #tpu.memory_space<hbm>> -> memref<1x16xf32, #tpu.memory_space<hbm>>
      %dma_wait3A_558 = tpu.memref_squeeze %dma_wait3A_557 : memref<1x16xf32, #tpu.memory_space<hbm>> -> memref<16xf32, #tpu.memory_space<hbm>>
      %dma_wait3A_559 = arith.constant 0 : i32
      %dma_wait3A_560 = tpu.memref_slice %arg3[%rem3A_85, %dma_wait3A_559] : memref<96x16xf32, #tpu.memory_space<hbm>> -> memref<1x16xf32, #tpu.memory_space<hbm>>
      %dma_wait3A_561 = tpu.memref_squeeze %dma_wait3A_560 : memref<1x16xf32, #tpu.memory_space<hbm>> -> memref<16xf32, #tpu.memory_space<hbm>>
      tpu.wait_dma2 semaphore(%run_scoped3A : memref<!tpu.dma_semaphore, #tpu.memory_space<semaphore_mem>>) src(%dma_wait3A_561 : memref<16xf32, #tpu.memory_space<hbm>>) dst(%arg9 : memref<16xf32, #tpu.memory_space<vmem>>)
      tpu.yield
    }) : () -> ()
    %broadcast_in_dim3A_86 = arith.constant 0 : i32
    %broadcast_in_dim3A_87 = vector.broadcast %broadcast_in_dim3A_86 : i32 to vector<16xi32>
    %gather3A_88 = tpu.vector_load_idx %arg9[%broadcast_in_dim3A_87] : memref<16xf32, #tpu.memory_space<vmem>>[vector<16xi32>], vector<16xf32>,
    %broadcast_in_dim3A_89 = arith.constant 1 : i32
    %broadcast_in_dim3A_90 = vector.broadcast %broadcast_in_dim3A_89 : i32 to vector<16xi32>
    %gather3A_91 = tpu.vector_load_idx %arg9[%broadcast_in_dim3A_90] : memref<16xf32, #tpu.memory_space<vmem>>[vector<16xi32>], vector<16xf32>,
    %broadcast_in_dim3A_92 = arith.constant 2 : i32
    %broadcast_in_dim3A_93 = vector.broadcast %broadcast_in_dim3A_92 : i32 to vector<16xi32>
    %gather3A_94 = tpu.vector_load_idx %arg9[%broadcast_in_dim3A_93] : memref<16xf32, #tpu.memory_space<vmem>>[vector<16xi32>], vector<16xf32>,
    %broadcast_in_dim3A_95 = arith.constant 3 : i32
    %broadcast_in_dim3A_96 = vector.broadcast %broadcast_in_dim3A_95 : i32 to vector<16xi32>
    %gather3A_97 = tpu.vector_load_idx %arg9[%broadcast_in_dim3A_96] : memref<16xf32, #tpu.memory_space<vmem>>[vector<16xi32>], vector<16xf32>,
    %sub3A_98 = arith.constant 1 : i32
    %sub3A_99 = vector.broadcast %sub3A_98 : i32 to vector<16xi32>
    %sub3A_100 = arith.subi %iota3A, %sub3A_99 : vector<16xi32>
    %jit3A_101 = arith.constant 0 : i32
    %jit3A_102 = arith.constant 6 : i32
    %max3A_103 = vector.broadcast %jit3A_101 : i32 to vector<16xi32>
    %max3A_104 = arith.maxsi %max3A_103, %sub3A_100 : vector<16xi32>
    %min3A_105 = vector.broadcast %jit3A_102 : i32 to vector<16xi32>
    %min3A_106 = arith.minsi %min3A_105, %max3A_104 : vector<16xi32>
    %add3A_107 = arith.constant 4 : i32
    %add3A_108 = vector.broadcast %add3A_107 : i32 to vector<16xi32>
    %add3A_109 = arith.addi %min3A_106, %add3A_108 : vector<16xi32>
    %gather3A_110 = tpu.vector_load_idx %arg9[%add3A_109] : memref<16xf32, #tpu.memory_space<vmem>>[vector<16xi32>], vector<16xf32>,
    %jit3A_111 = arith.constant 0 : i32
    %jit3A_112 = arith.constant 6 : i32
    %max3A_113 = vector.broadcast %jit3A_111 : i32 to vector<16xi32>
    %max3A_114 = arith.maxsi %max3A_113, %iota3A : vector<16xi32>
    %min3A_115 = vector.broadcast %jit3A_112 : i32 to vector<16xi32>
    %min3A_116 = arith.minsi %min3A_115, %max3A_114 : vector<16xi32>
    %add3A_117 = arith.constant 4 : i32
    %add3A_118 = vector.broadcast %add3A_117 : i32 to vector<16xi32>
    %add3A_119 = arith.addi %min3A_116, %add3A_118 : vector<16xi32>
    %gather3A_120 = tpu.vector_load_idx %arg9[%add3A_119] : memref<16xf32, #tpu.memory_space<vmem>>[vector<16xi32>], vector<16xf32>,
    %sub3A_121 = arith.subf %gather3A_91, %gather3A_88 : vector<16xf32>
    %sub3A_122 = arith.subf %gather3A_120, %gather3A_110 : vector<16xf32>
    %div3A_123 = arith.divf %sub3A_122, %sub3A_121 : vector<16xf32>
    %eq3A_124 = arith.constant 0 : i32
    %eq3A_125 = vector.broadcast %eq3A_124 : i32 to vector<16xi32>
    %eq3A_126 = arith.cmpi eq, %iota3A, %eq3A_125 : vector<16xi32>
    %ge3A_127 = arith.constant 7 : i32
    %ge3A_128 = vector.broadcast %ge3A_127 : i32 to vector<16xi32>
    %ge3A_129 = arith.cmpi sge, %iota3A, %ge3A_128 : vector<16xi32>
    %select_n3A_130 = arith.select %ge3A_129, %gather3A_97, %div3A_123 : vector<16xi1>, vector<16xf32>
    %select_n3A_131 = arith.select %eq3A_126, %gather3A_94, %select_n3A_130 : vector<16xi1>, vector<16xf32>
    %eq3A_132 = arith.constant 0 : i32
    %eq3A_133 = vector.broadcast %eq3A_132 : i32 to vector<16xi32>
    %eq3A_134 = arith.cmpi eq, %iota3A, %eq3A_133 : vector<16xi32>
    %mul3A_135 = arith.mulf %gather3A_94, %sub3A_121 : vector<16xf32>
    %sub3A_136 = arith.subf %gather3A_110, %mul3A_135 : vector<16xf32>
    %select_n3A_137 = arith.select %eq3A_134, %sub3A_136, %gather3A_110 : vector<16xi1>, vector<16xf32>
    %swap3A_138 = arith.constant 0 : index
    %swap3A_139 = tpu.vector_load %arg11[%swap3A_138] {strides = array<i32>} : memref<16xf32, #tpu.memory_space<vmem>>, vector<16xf32>,
    tpu.vector_store %arg11[%swap3A_138], %select_n3A_131 {strides = array<i32>} : memref<16xf32, #tpu.memory_space<vmem>>, vector<16xf32>,
    %swap3A_140 = arith.constant 0 : index
    %swap3A_141 = tpu.vector_load %arg10[%swap3A_140] {strides = array<i32>} : memref<16xf32, #tpu.memory_space<vmem>>, vector<16xf32>,
    tpu.vector_store %arg10[%swap3A_140], %select_n3A_137 {strides = array<i32>} : memref<16xf32, #tpu.memory_space<vmem>>, vector<16xf32>,
    %sub3A_142 = arith.subf %gather3A_88, %sub3A_121 : vector<16xf32>
    %mul3A_143 = arith.constant 7.000000e+00 : f32
    %mul3A_144 = vector.broadcast %mul3A_143 : f32 to vector<16xf32>
    %mul3A_145 = arith.mulf %mul3A_144, %sub3A_121 : vector<16xf32>
    %div3A_146 = arith.constant 1.000000e+00 : f32
    %div3A_147 = vector.broadcast %div3A_146 : f32 to vector<16xf32>
    %div3A_148 = arith.divf %div3A_147, %mul3A_145 : vector<16xf32>
    %dma_start3A_149 = arith.constant 0 : i32
    %dma_start3A_150 = tpu.memref_slice %arg2[%add3A_83, %dma_start3A_149] : memref<192x147456xf32, #tpu.memory_space<hbm>> -> memref<1x18432xf32, #tpu.memory_space<hbm>>
    %dma_start3A_151 = tpu.memref_squeeze %dma_start3A_150 : memref<1x18432xf32, #tpu.memory_space<hbm>> -> memref<18432xf32, #tpu.memory_space<hbm>>
    %dma_start3A_152 = arith.constant 0 : i32
    %dma_start3A_153 = tpu.memref_slice %arg2[%add3A_83, %dma_start3A_152] : memref<192x147456xf32, #tpu.memory_space<hbm>> -> memref<1x18432xf32, #tpu.memory_space<hbm>>
    %dma_start3A_154 = tpu.memref_squeeze %dma_start3A_153 : memref<1x18432xf32, #tpu.memory_space<hbm>> -> memref<18432xf32, #tpu.memory_space<hbm>>
    tpu.enqueue_dma source(%dma_start3A_154 : memref<18432xf32, #tpu.memory_space<hbm>>) target(%arg5 : memref<18432xf32, #tpu.memory_space<vmem>>) target_semaphore(%arg12 : memref<!tpu.dma_semaphore, #tpu.memory_space<semaphore_mem>>)
    %scan3A_155 = arith.constant 0 : i32
    %scan3A_156 = arith.constant 0 : i32
    %scan3A_157 = arith.constant 4 : i32
    %scan3A_158 = arith.addi %scan3A_156, %scan3A_157 : i32
    %scan3A_159 = arith.constant 1 : i32
    %scan3A_160 = scf.for %scan3A_550 = %scan3A_156 to %scan3A_158 step %scan3A_159 iter_args(%scan3A_551 = %scan3A_155) -> (i32)  : i32 {
      %mul3A_552 = arith.constant 2 : i32
      %mul3A_553 = arith.muli %mul3A_552, %scan3A_550 : i32
      %add3A_554 = arith.constant 0 : i32
      %add3A_555 = arith.addi %mul3A_553, %add3A_554 : i32
      %add3A_556 = arith.constant 1 : i32
      %add3A_557 = arith.addi %add3A_555, %add3A_556 : i32
      %lt3A = arith.constant 8 : i32
      %lt3A_558 = arith.cmpi slt, %add3A_557, %lt3A : i32
      %convert_element_type3A = arith.extui %lt3A_558 : i1 to i32
      %cond3A = arith.constant 0 : i32
      %cond3A_559 = arith.cmpi ne, %convert_element_type3A, %cond3A : i32
      scf.if %cond3A_559 {
        %add3A_611 = arith.constant 1 : i32
        %add3A_612 = arith.addi %add3A_555, %add3A_611 : i32
        %mul3A_613 = arith.constant 18432 : i32
        %mul3A_614 = arith.muli %add3A_612, %mul3A_613 : i32
        %dma_start3A_615 = tpu.memref_slice %arg2[%add3A_83, %mul3A_614] : memref<192x147456xf32, #tpu.memory_space<hbm>> -> memref<1x18432xf32, #tpu.memory_space<hbm>>
        %dma_start3A_616 = tpu.memref_squeeze %dma_start3A_615 : memref<1x18432xf32, #tpu.memory_space<hbm>> -> memref<18432xf32, #tpu.memory_space<hbm>>
        %dma_start3A_617 = tpu.memref_slice %arg2[%add3A_83, %mul3A_614] : memref<192x147456xf32, #tpu.memory_space<hbm>> -> memref<1x18432xf32, #tpu.memory_space<hbm>>
        %dma_start3A_618 = tpu.memref_squeeze %dma_start3A_617 : memref<1x18432xf32, #tpu.memory_space<hbm>> -> memref<18432xf32, #tpu.memory_space<hbm>>
        tpu.enqueue_dma source(%dma_start3A_618 : memref<18432xf32, #tpu.memory_space<hbm>>) target(%arg6 : memref<18432xf32, #tpu.memory_space<vmem>>) target_semaphore(%arg13 : memref<!tpu.dma_semaphore, #tpu.memory_space<semaphore_mem>>)
      } else {
      }
      %mul3A_560 = arith.constant 18432 : i32
      %mul3A_561 = arith.muli %add3A_555, %mul3A_560 : i32
      %dma_wait3A_562 = tpu.memref_slice %arg2[%add3A_83, %mul3A_561] : memref<192x147456xf32, #tpu.memory_space<hbm>> -> memref<1x18432xf32, #tpu.memory_space<hbm>>
      %dma_wait3A_563 = tpu.memref_squeeze %dma_wait3A_562 : memref<1x18432xf32, #tpu.memory_space<hbm>> -> memref<18432xf32, #tpu.memory_space<hbm>>
      %dma_wait3A_564 = tpu.memref_slice %arg2[%add3A_83, %mul3A_561] : memref<192x147456xf32, #tpu.memory_space<hbm>> -> memref<1x18432xf32, #tpu.memory_space<hbm>>
      %dma_wait3A_565 = tpu.memref_squeeze %dma_wait3A_564 : memref<1x18432xf32, #tpu.memory_space<hbm>> -> memref<18432xf32, #tpu.memory_space<hbm>>
      tpu.wait_dma2 semaphore(%arg12 : memref<!tpu.dma_semaphore, #tpu.memory_space<semaphore_mem>>) src(%dma_wait3A_565 : memref<18432xf32, #tpu.memory_space<hbm>>) dst(%arg5 : memref<18432xf32, #tpu.memory_space<vmem>>)
      %ge3A_566 = arith.constant 2 : i32
      %ge3A_567 = arith.cmpi sge, %add3A_555, %ge3A_566 : i32
      %convert_element_type3A_568 = arith.extui %ge3A_567 : i1 to i32
      %cond3A_569 = arith.constant 0 : i32
      %cond3A_570 = arith.cmpi ne, %convert_element_type3A_568, %cond3A_569 : i32
      scf.if %cond3A_570 {
        %sub3A_611 = arith.constant 2 : i32
        %sub3A_612 = arith.subi %add3A_555, %sub3A_611 : i32
        %mul3A_613 = arith.constant 18432 : i32
        %mul3A_614 = arith.muli %sub3A_612, %mul3A_613 : i32
        %dma_wait3A_615 = tpu.memref_slice %arg4[%add3A_83, %mul3A_614] : memref<192x147456xf32, #tpu.memory_space<hbm>> -> memref<1x18432xf32, #tpu.memory_space<hbm>>
        %dma_wait3A_616 = tpu.memref_squeeze %dma_wait3A_615 : memref<1x18432xf32, #tpu.memory_space<hbm>> -> memref<18432xf32, #tpu.memory_space<hbm>>
        %dma_wait3A_617 = tpu.memref_slice %arg4[%add3A_83, %mul3A_614] : memref<192x147456xf32, #tpu.memory_space<hbm>> -> memref<1x18432xf32, #tpu.memory_space<hbm>>
        %dma_wait3A_618 = tpu.memref_squeeze %dma_wait3A_617 : memref<1x18432xf32, #tpu.memory_space<hbm>> -> memref<18432xf32, #tpu.memory_space<hbm>>
        tpu.wait_dma2 semaphore(%arg14 : memref<!tpu.dma_semaphore, #tpu.memory_space<semaphore_mem>>) src(%arg7 : memref<18432xf32, #tpu.memory_space<vmem>>) dst(%dma_wait3A_618 : memref<18432xf32, #tpu.memory_space<hbm>>)
      } else {
      }
      %parallel_loop3A = arith.constant 0 : i32
      %parallel_loop3A_571 = arith.constant 1152 : i32
      %parallel_loop3A_572 = arith.constant 1 : i32
      scf.for %parallel_loop3A_611 = %parallel_loop3A to %parallel_loop3A_571 step %parallel_loop3A_572  : i32 {
        %parallel_loop3A_612 = arith.constant 16 : i32
        %parallel_loop3A_613 = arith.muli %parallel_loop3A_611, %parallel_loop3A_612 : i32
        %parallel_loop3A_614 = arith.index_cast %parallel_loop3A_613 : i32 to index
        %parallel_loop3A_615 = tpu.vector_load %arg5[%parallel_loop3A_614] {strides = array<i32>} : memref<18432xf32, #tpu.memory_space<vmem>>, vector<16xf32>,
        %parallel_loop3A_616 = arith.subf %parallel_loop3A_615, %sub3A_142 : vector<16xf32>
        %parallel_loop3A_617 = arith.mulf %parallel_loop3A_616, %div3A_148 : vector<16xf32>
        %parallel_loop3A_618 = arith.constant 7.000000e+00 : f32
        %parallel_loop3A_619 = vector.broadcast %parallel_loop3A_618 : f32 to vector<16xf32>
        %parallel_loop3A_620 = arith.mulf %parallel_loop3A_617, %parallel_loop3A_619 : vector<16xf32>
        %parallel_loop3A_621 = arith.constant 0.000000e+00 : f32
        %parallel_loop3A_622 = vector.broadcast %parallel_loop3A_621 : f32 to vector<16xf32>
        %parallel_loop3A_623 = arith.maximumf %parallel_loop3A_617, %parallel_loop3A_622 : vector<16xf32>
        %parallel_loop3A_624 = arith.constant 1.001000e+00 : f32
        %parallel_loop3A_625 = vector.broadcast %parallel_loop3A_624 : f32 to vector<16xf32>
        %parallel_loop3A_626 = arith.minimumf %parallel_loop3A_623, %parallel_loop3A_625 : vector<16xf32>
        %parallel_loop3A_627 = arith.constant 7.000000e+00 : f32
        %parallel_loop3A_628 = vector.broadcast %parallel_loop3A_627 : f32 to vector<16xf32>
        %parallel_loop3A_629 = arith.mulf %parallel_loop3A_626, %parallel_loop3A_628 : vector<16xf32>
        %parallel_loop3A_630 = arith.fptosi %parallel_loop3A_629 : vector<16xf32> to vector<16xi32>
        %parallel_loop3A_631 = arith.sitofp %parallel_loop3A_630 : vector<16xi32> to vector<16xf32>
        %parallel_loop3A_632 = tpu.vector_load_idx %arg10[%parallel_loop3A_630] : memref<16xf32, #tpu.memory_space<vmem>>[vector<16xi32>], vector<16xf32>,
        %parallel_loop3A_633 = tpu.vector_load_idx %arg11[%parallel_loop3A_630] : memref<16xf32, #tpu.memory_space<vmem>>[vector<16xi32>], vector<16xf32>,
        %parallel_loop3A_634 = arith.subf %parallel_loop3A_620, %parallel_loop3A_631 : vector<16xf32>
        %parallel_loop3A_635 = arith.mulf %parallel_loop3A_634, %parallel_loop3A_633 : vector<16xf32>
        %parallel_loop3A_636 = arith.addf %parallel_loop3A_632, %parallel_loop3A_635 : vector<16xf32>
        %parallel_loop3A_637 = arith.index_cast %parallel_loop3A_613 : i32 to index
        %parallel_loop3A_638 = tpu.vector_load %arg7[%parallel_loop3A_637] {strides = array<i32>} : memref<18432xf32, #tpu.memory_space<vmem>>, vector<16xf32>,
        tpu.vector_store %arg7[%parallel_loop3A_637], %parallel_loop3A_636 {strides = array<i32>} : memref<18432xf32, #tpu.memory_space<vmem>>, vector<16xf32>,
      } {sc.loop_unroll_factor = 8 : i64, sc.parallel_access}
      %mul3A_573 = arith.constant 18432 : i32
      %mul3A_574 = arith.muli %add3A_555, %mul3A_573 : i32
      %dma_start3A_575 = tpu.memref_slice %arg4[%add3A_83, %mul3A_574] : memref<192x147456xf32, #tpu.memory_space<hbm>> -> memref<1x18432xf32, #tpu.memory_space<hbm>>
      %dma_start3A_576 = tpu.memref_squeeze %dma_start3A_575 : memref<1x18432xf32, #tpu.memory_space<hbm>> -> memref<18432xf32, #tpu.memory_space<hbm>>
      %dma_start3A_577 = tpu.memref_slice %arg4[%add3A_83, %mul3A_574] : memref<192x147456xf32, #tpu.memory_space<hbm>> -> memref<1x18432xf32, #tpu.memory_space<hbm>>
      %dma_start3A_578 = tpu.memref_squeeze %dma_start3A_577 : memref<1x18432xf32, #tpu.memory_space<hbm>> -> memref<18432xf32, #tpu.memory_space<hbm>>
      tpu.enqueue_dma source(%arg7 : memref<18432xf32, #tpu.memory_space<vmem>>) target(%dma_start3A_578 : memref<18432xf32, #tpu.memory_space<hbm>>) target_semaphore(%arg14 : memref<!tpu.dma_semaphore, #tpu.memory_space<semaphore_mem>>)
      %mul3A_579 = arith.constant 2 : i32
      %mul3A_580 = arith.muli %mul3A_579, %scan3A_550 : i32
      %add3A_581 = arith.constant 1 : i32
      %add3A_582 = arith.addi %mul3A_580, %add3A_581 : i32
      %add3A_583 = arith.constant 1 : i32
      %add3A_584 = arith.addi %add3A_582, %add3A_583 : i32
      %lt3A_585 = arith.constant 8 : i32
      %lt3A_586 = arith.cmpi slt, %add3A_584, %lt3A_585 : i32
      %convert_element_type3A_587 = arith.extui %lt3A_586 : i1 to i32
      %cond3A_588 = arith.constant 0 : i32
      %cond3A_589 = arith.cmpi ne, %convert_element_type3A_587, %cond3A_588 : i32
      scf.if %cond3A_589 {
        %add3A_611 = arith.constant 1 : i32
        %add3A_612 = arith.addi %add3A_582, %add3A_611 : i32
        %mul3A_613 = arith.constant 18432 : i32
        %mul3A_614 = arith.muli %add3A_612, %mul3A_613 : i32
        %dma_start3A_615 = tpu.memref_slice %arg2[%add3A_83, %mul3A_614] : memref<192x147456xf32, #tpu.memory_space<hbm>> -> memref<1x18432xf32, #tpu.memory_space<hbm>>
        %dma_start3A_616 = tpu.memref_squeeze %dma_start3A_615 : memref<1x18432xf32, #tpu.memory_space<hbm>> -> memref<18432xf32, #tpu.memory_space<hbm>>
        %dma_start3A_617 = tpu.memref_slice %arg2[%add3A_83, %mul3A_614] : memref<192x147456xf32, #tpu.memory_space<hbm>> -> memref<1x18432xf32, #tpu.memory_space<hbm>>
        %dma_start3A_618 = tpu.memref_squeeze %dma_start3A_617 : memref<1x18432xf32, #tpu.memory_space<hbm>> -> memref<18432xf32, #tpu.memory_space<hbm>>
        tpu.enqueue_dma source(%dma_start3A_618 : memref<18432xf32, #tpu.memory_space<hbm>>) target(%arg5 : memref<18432xf32, #tpu.memory_space<vmem>>) target_semaphore(%arg12 : memref<!tpu.dma_semaphore, #tpu.memory_space<semaphore_mem>>)
      } else {
      }
      %mul3A_590 = arith.constant 18432 : i32
      %mul3A_591 = arith.muli %add3A_582, %mul3A_590 : i32
      %dma_wait3A_592 = tpu.memref_slice %arg2[%add3A_83, %mul3A_591] : memref<192x147456xf32, #tpu.memory_space<hbm>> -> memref<1x18432xf32, #tpu.memory_space<hbm>>
      %dma_wait3A_593 = tpu.memref_squeeze %dma_wait3A_592 : memref<1x18432xf32, #tpu.memory_space<hbm>> -> memref<18432xf32, #tpu.memory_space<hbm>>
      %dma_wait3A_594 = tpu.memref_slice %arg2[%add3A_83, %mul3A_591] : memref<192x147456xf32, #tpu.memory_space<hbm>> -> memref<1x18432xf32, #tpu.memory_space<hbm>>
      %dma_wait3A_595 = tpu.memref_squeeze %dma_wait3A_594 : memref<1x18432xf32, #tpu.memory_space<hbm>> -> memref<18432xf32, #tpu.memory_space<hbm>>
      tpu.wait_dma2 semaphore(%arg13 : memref<!tpu.dma_semaphore, #tpu.memory_space<semaphore_mem>>) src(%dma_wait3A_595 : memref<18432xf32, #tpu.memory_space<hbm>>) dst(%arg6 : memref<18432xf32, #tpu.memory_space<vmem>>)
      %ge3A_596 = arith.constant 2 : i32
      %ge3A_597 = arith.cmpi sge, %add3A_582, %ge3A_596 : i32
      %convert_element_type3A_598 = arith.extui %ge3A_597 : i1 to i32
      %cond3A_599 = arith.constant 0 : i32
      %cond3A_600 = arith.cmpi ne, %convert_element_type3A_598, %cond3A_599 : i32
      scf.if %cond3A_600 {
        %sub3A_611 = arith.constant 2 : i32
        %sub3A_612 = arith.subi %add3A_582, %sub3A_611 : i32
        %mul3A_613 = arith.constant 18432 : i32
        %mul3A_614 = arith.muli %sub3A_612, %mul3A_613 : i32
        %dma_wait3A_615 = tpu.memref_slice %arg4[%add3A_83, %mul3A_614] : memref<192x147456xf32, #tpu.memory_space<hbm>> -> memref<1x18432xf32, #tpu.memory_space<hbm>>
        %dma_wait3A_616 = tpu.memref_squeeze %dma_wait3A_615 : memref<1x18432xf32, #tpu.memory_space<hbm>> -> memref<18432xf32, #tpu.memory_space<hbm>>
        %dma_wait3A_617 = tpu.memref_slice %arg4[%add3A_83, %mul3A_614] : memref<192x147456xf32, #tpu.memory_space<hbm>> -> memref<1x18432xf32, #tpu.memory_space<hbm>>
        %dma_wait3A_618 = tpu.memref_squeeze %dma_wait3A_617 : memref<1x18432xf32, #tpu.memory_space<hbm>> -> memref<18432xf32, #tpu.memory_space<hbm>>
        tpu.wait_dma2 semaphore(%arg15 : memref<!tpu.dma_semaphore, #tpu.memory_space<semaphore_mem>>) src(%arg8 : memref<18432xf32, #tpu.memory_space<vmem>>) dst(%dma_wait3A_618 : memref<18432xf32, #tpu.memory_space<hbm>>)
      } else {
      }
      %parallel_loop3A_601 = arith.constant 0 : i32
      %parallel_loop3A_602 = arith.constant 1152 : i32
      %parallel_loop3A_603 = arith.constant 1 : i32
      scf.for %parallel_loop3A_611 = %parallel_loop3A_601 to %parallel_loop3A_602 step %parallel_loop3A_603  : i32 {
        %parallel_loop3A_612 = arith.constant 16 : i32
        %parallel_loop3A_613 = arith.muli %parallel_loop3A_611, %parallel_loop3A_612 : i32
        %parallel_loop3A_614 = arith.index_cast %parallel_loop3A_613 : i32 to index
        %parallel_loop3A_615 = tpu.vector_load %arg6[%parallel_loop3A_614] {strides = array<i32>} : memref<18432xf32, #tpu.memory_space<vmem>>, vector<16xf32>,
        %parallel_loop3A_616 = arith.subf %parallel_loop3A_615, %sub3A_142 : vector<16xf32>
        %parallel_loop3A_617 = arith.mulf %parallel_loop3A_616, %div3A_148 : vector<16xf32>
        %parallel_loop3A_618 = arith.constant 7.000000e+00 : f32
        %parallel_loop3A_619 = vector.broadcast %parallel_loop3A_618 : f32 to vector<16xf32>
        %parallel_loop3A_620 = arith.mulf %parallel_loop3A_617, %parallel_loop3A_619 : vector<16xf32>
        %parallel_loop3A_621 = arith.constant 0.000000e+00 : f32
        %parallel_loop3A_622 = vector.broadcast %parallel_loop3A_621 : f32 to vector<16xf32>
        %parallel_loop3A_623 = arith.maximumf %parallel_loop3A_617, %parallel_loop3A_622 : vector<16xf32>
        %parallel_loop3A_624 = arith.constant 1.001000e+00 : f32
        %parallel_loop3A_625 = vector.broadcast %parallel_loop3A_624 : f32 to vector<16xf32>
        %parallel_loop3A_626 = arith.minimumf %parallel_loop3A_623, %parallel_loop3A_625 : vector<16xf32>
        %parallel_loop3A_627 = arith.constant 7.000000e+00 : f32
        %parallel_loop3A_628 = vector.broadcast %parallel_loop3A_627 : f32 to vector<16xf32>
        %parallel_loop3A_629 = arith.mulf %parallel_loop3A_626, %parallel_loop3A_628 : vector<16xf32>
        %parallel_loop3A_630 = arith.fptosi %parallel_loop3A_629 : vector<16xf32> to vector<16xi32>
        %parallel_loop3A_631 = arith.sitofp %parallel_loop3A_630 : vector<16xi32> to vector<16xf32>
        %parallel_loop3A_632 = tpu.vector_load_idx %arg10[%parallel_loop3A_630] : memref<16xf32, #tpu.memory_space<vmem>>[vector<16xi32>], vector<16xf32>,
        %parallel_loop3A_633 = tpu.vector_load_idx %arg11[%parallel_loop3A_630] : memref<16xf32, #tpu.memory_space<vmem>>[vector<16xi32>], vector<16xf32>,
        %parallel_loop3A_634 = arith.subf %parallel_loop3A_620, %parallel_loop3A_631 : vector<16xf32>
        %parallel_loop3A_635 = arith.mulf %parallel_loop3A_634, %parallel_loop3A_633 : vector<16xf32>
        %parallel_loop3A_636 = arith.addf %parallel_loop3A_632, %parallel_loop3A_635 : vector<16xf32>
        %parallel_loop3A_637 = arith.index_cast %parallel_loop3A_613 : i32 to index
        %parallel_loop3A_638 = tpu.vector_load %arg8[%parallel_loop3A_637] {strides = array<i32>} : memref<18432xf32, #tpu.memory_space<vmem>>, vector<16xf32>,
        tpu.vector_store %arg8[%parallel_loop3A_637], %parallel_loop3A_636 {strides = array<i32>} : memref<18432xf32, #tpu.memory_space<vmem>>, vector<16xf32>,
      } {sc.loop_unroll_factor = 8 : i64, sc.parallel_access}
      %mul3A_604 = arith.constant 18432 : i32
      %mul3A_605 = arith.muli %add3A_582, %mul3A_604 : i32
      %dma_start3A_606 = tpu.memref_slice %arg4[%add3A_83, %mul3A_605] : memref<192x147456xf32, #tpu.memory_space<hbm>> -> memref<1x18432xf32, #tpu.memory_space<hbm>>
      %dma_start3A_607 = tpu.memref_squeeze %dma_start3A_606 : memref<1x18432xf32, #tpu.memory_space<hbm>> -> memref<18432xf32, #tpu.memory_space<hbm>>
      %dma_start3A_608 = tpu.memref_slice %arg4[%add3A_83, %mul3A_605] : memref<192x147456xf32, #tpu.memory_space<hbm>> -> memref<1x18432xf32, #tpu.memory_space<hbm>>
      %dma_start3A_609 = tpu.memref_squeeze %dma_start3A_608 : memref<1x18432xf32, #tpu.memory_space<hbm>> -> memref<18432xf32, #tpu.memory_space<hbm>>
      tpu.enqueue_dma source(%arg8 : memref<18432xf32, #tpu.memory_space<vmem>>) target(%dma_start3A_609 : memref<18432xf32, #tpu.memory_space<hbm>>) target_semaphore(%arg15 : memref<!tpu.dma_semaphore, #tpu.memory_space<semaphore_mem>>)
      %scan3A_610 = arith.constant 0 : i32
      scf.yield %scan3A_610 : i32
    }
    %scan3A_161 = arith.constant 4 : i32
    %dma_wait3A_162 = arith.constant 110592 : i32
    %dma_wait3A_163 = tpu.memref_slice %arg4[%add3A_83, %dma_wait3A_162] : memref<192x147456xf32, #tpu.memory_space<hbm>> -> memref<1x18432xf32, #tpu.memory_space<hbm>>
    %dma_wait3A_164 = tpu.memref_squeeze %dma_wait3A_163 : memref<1x18432xf32, #tpu.memory_space<hbm>> -> memref<18432xf32, #tpu.memory_space<hbm>>
    %dma_wait3A_165 = arith.constant 110592 : i32
    %dma_wait3A_166 = tpu.memref_slice %arg4[%add3A_83, %dma_wait3A_165] : memref<192x147456xf32, #tpu.memory_space<hbm>> -> memref<1x18432xf32, #tpu.memory_space<hbm>>
    %dma_wait3A_167 = tpu.memref_squeeze %dma_wait3A_166 : memref<1x18432xf32, #tpu.memory_space<hbm>> -> memref<18432xf32, #tpu.memory_space<hbm>>
    tpu.wait_dma2 semaphore(%arg14 : memref<!tpu.dma_semaphore, #tpu.memory_space<semaphore_mem>>) src(%arg7 : memref<18432xf32, #tpu.memory_space<vmem>>) dst(%dma_wait3A_167 : memref<18432xf32, #tpu.memory_space<hbm>>)
    %dma_wait3A_168 = arith.constant 129024 : i32
    %dma_wait3A_169 = tpu.memref_slice %arg4[%add3A_83, %dma_wait3A_168] : memref<192x147456xf32, #tpu.memory_space<hbm>> -> memref<1x18432xf32, #tpu.memory_space<hbm>>
    %dma_wait3A_170 = tpu.memref_squeeze %dma_wait3A_169 : memref<1x18432xf32, #tpu.memory_space<hbm>> -> memref<18432xf32, #tpu.memory_space<hbm>>
    %dma_wait3A_171 = arith.constant 129024 : i32
    %dma_wait3A_172 = tpu.memref_slice %arg4[%add3A_83, %dma_wait3A_171] : memref<192x147456xf32, #tpu.memory_space<hbm>> -> memref<1x18432xf32, #tpu.memory_space<hbm>>
    %dma_wait3A_173 = tpu.memref_squeeze %dma_wait3A_172 : memref<1x18432xf32, #tpu.memory_space<hbm>> -> memref<18432xf32, #tpu.memory_space<hbm>>
    tpu.wait_dma2 semaphore(%arg15 : memref<!tpu.dma_semaphore, #tpu.memory_space<semaphore_mem>>) src(%arg8 : memref<18432xf32, #tpu.memory_space<vmem>>) dst(%dma_wait3A_173 : memref<18432xf32, #tpu.memory_space<hbm>>)
    %mul3A_174 = arith.constant 6 : i32
    %mul3A_175 = arith.muli %add3A, %mul3A_174 : i32
    %add3A_176 = arith.constant 2 : i32
    %add3A_177 = arith.addi %mul3A_175, %add3A_176 : i32
    %rem3A_178 = arith.constant 96 : i32
    %rem3A_179 = arith.remsi %add3A_177, %rem3A_178 : i32
    "tpu.region"() ({
      %run_scoped3A = tpu.sem_alloc : memref<!tpu.dma_semaphore, #tpu.memory_space<semaphore_mem>>
      %dma_start3A_550 = arith.constant 0 : i32
      %dma_start3A_551 = tpu.memref_slice %arg3[%rem3A_179, %dma_start3A_550] : memref<96x16xf32, #tpu.memory_space<hbm>> -> memref<1x16xf32, #tpu.memory_space<hbm>>
      %dma_start3A_552 = tpu.memref_squeeze %dma_start3A_551 : memref<1x16xf32, #tpu.memory_space<hbm>> -> memref<16xf32, #tpu.memory_space<hbm>>
      %dma_start3A_553 = arith.constant 0 : i32
      %dma_start3A_554 = tpu.memref_slice %arg3[%rem3A_179, %dma_start3A_553] : memref<96x16xf32, #tpu.memory_space<hbm>> -> memref<1x16xf32, #tpu.memory_space<hbm>>
      %dma_start3A_555 = tpu.memref_squeeze %dma_start3A_554 : memref<1x16xf32, #tpu.memory_space<hbm>> -> memref<16xf32, #tpu.memory_space<hbm>>
      tpu.enqueue_dma source(%dma_start3A_555 : memref<16xf32, #tpu.memory_space<hbm>>) target(%arg9 : memref<16xf32, #tpu.memory_space<vmem>>) target_semaphore(%run_scoped3A : memref<!tpu.dma_semaphore, #tpu.memory_space<semaphore_mem>>)
      %dma_wait3A_556 = arith.constant 0 : i32
      %dma_wait3A_557 = tpu.memref_slice %arg3[%rem3A_179, %dma_wait3A_556] : memref<96x16xf32, #tpu.memory_space<hbm>> -> memref<1x16xf32, #tpu.memory_space<hbm>>
      %dma_wait3A_558 = tpu.memref_squeeze %dma_wait3A_557 : memref<1x16xf32, #tpu.memory_space<hbm>> -> memref<16xf32, #tpu.memory_space<hbm>>
      %dma_wait3A_559 = arith.constant 0 : i32
      %dma_wait3A_560 = tpu.memref_slice %arg3[%rem3A_179, %dma_wait3A_559] : memref<96x16xf32, #tpu.memory_space<hbm>> -> memref<1x16xf32, #tpu.memory_space<hbm>>
      %dma_wait3A_561 = tpu.memref_squeeze %dma_wait3A_560 : memref<1x16xf32, #tpu.memory_space<hbm>> -> memref<16xf32, #tpu.memory_space<hbm>>
      tpu.wait_dma2 semaphore(%run_scoped3A : memref<!tpu.dma_semaphore, #tpu.memory_space<semaphore_mem>>) src(%dma_wait3A_561 : memref<16xf32, #tpu.memory_space<hbm>>) dst(%arg9 : memref<16xf32, #tpu.memory_space<vmem>>)
      tpu.yield
    }) : () -> ()
    %broadcast_in_dim3A_180 = arith.constant 0 : i32
    %broadcast_in_dim3A_181 = vector.broadcast %broadcast_in_dim3A_180 : i32 to vector<16xi32>
    %gather3A_182 = tpu.vector_load_idx %arg9[%broadcast_in_dim3A_181] : memref<16xf32, #tpu.memory_space<vmem>>[vector<16xi32>], vector<16xf32>,
    %broadcast_in_dim3A_183 = arith.constant 1 : i32
    %broadcast_in_dim3A_184 = vector.broadcast %broadcast_in_dim3A_183 : i32 to vector<16xi32>
    %gather3A_185 = tpu.vector_load_idx %arg9[%broadcast_in_dim3A_184] : memref<16xf32, #tpu.memory_space<vmem>>[vector<16xi32>], vector<16xf32>,
    %broadcast_in_dim3A_186 = arith.constant 2 : i32
    %broadcast_in_dim3A_187 = vector.broadcast %broadcast_in_dim3A_186 : i32 to vector<16xi32>
    %gather3A_188 = tpu.vector_load_idx %arg9[%broadcast_in_dim3A_187] : memref<16xf32, #tpu.memory_space<vmem>>[vector<16xi32>], vector<16xf32>,
    %broadcast_in_dim3A_189 = arith.constant 3 : i32
    %broadcast_in_dim3A_190 = vector.broadcast %broadcast_in_dim3A_189 : i32 to vector<16xi32>
    %gather3A_191 = tpu.vector_load_idx %arg9[%broadcast_in_dim3A_190] : memref<16xf32, #tpu.memory_space<vmem>>[vector<16xi32>], vector<16xf32>,
    %sub3A_192 = arith.constant 1 : i32
    %sub3A_193 = vector.broadcast %sub3A_192 : i32 to vector<16xi32>
    %sub3A_194 = arith.subi %iota3A, %sub3A_193 : vector<16xi32>
    %jit3A_195 = arith.constant 0 : i32
    %jit3A_196 = arith.constant 6 : i32
    %max3A_197 = vector.broadcast %jit3A_195 : i32 to vector<16xi32>
    %max3A_198 = arith.maxsi %max3A_197, %sub3A_194 : vector<16xi32>
    %min3A_199 = vector.broadcast %jit3A_196 : i32 to vector<16xi32>
    %min3A_200 = arith.minsi %min3A_199, %max3A_198 : vector<16xi32>
    %add3A_201 = arith.constant 4 : i32
    %add3A_202 = vector.broadcast %add3A_201 : i32 to vector<16xi32>
    %add3A_203 = arith.addi %min3A_200, %add3A_202 : vector<16xi32>
    %gather3A_204 = tpu.vector_load_idx %arg9[%add3A_203] : memref<16xf32, #tpu.memory_space<vmem>>[vector<16xi32>], vector<16xf32>,
    %jit3A_205 = arith.constant 0 : i32
    %jit3A_206 = arith.constant 6 : i32
    %max3A_207 = vector.broadcast %jit3A_205 : i32 to vector<16xi32>
    %max3A_208 = arith.maxsi %max3A_207, %iota3A : vector<16xi32>
    %min3A_209 = vector.broadcast %jit3A_206 : i32 to vector<16xi32>
    %min3A_210 = arith.minsi %min3A_209, %max3A_208 : vector<16xi32>
    %add3A_211 = arith.constant 4 : i32
    %add3A_212 = vector.broadcast %add3A_211 : i32 to vector<16xi32>
    %add3A_213 = arith.addi %min3A_210, %add3A_212 : vector<16xi32>
    %gather3A_214 = tpu.vector_load_idx %arg9[%add3A_213] : memref<16xf32, #tpu.memory_space<vmem>>[vector<16xi32>], vector<16xf32>,
    %sub3A_215 = arith.subf %gather3A_185, %gather3A_182 : vector<16xf32>
    %sub3A_216 = arith.subf %gather3A_214, %gather3A_204 : vector<16xf32>
    %div3A_217 = arith.divf %sub3A_216, %sub3A_215 : vector<16xf32>
    %eq3A_218 = arith.constant 0 : i32
    %eq3A_219 = vector.broadcast %eq3A_218 : i32 to vector<16xi32>
    %eq3A_220 = arith.cmpi eq, %iota3A, %eq3A_219 : vector<16xi32>
    %ge3A_221 = arith.constant 7 : i32
    %ge3A_222 = vector.broadcast %ge3A_221 : i32 to vector<16xi32>
    %ge3A_223 = arith.cmpi sge, %iota3A, %ge3A_222 : vector<16xi32>
    %select_n3A_224 = arith.select %ge3A_223, %gather3A_191, %div3A_217 : vector<16xi1>, vector<16xf32>
    %select_n3A_225 = arith.select %eq3A_220, %gather3A_188, %select_n3A_224 : vector<16xi1>, vector<16xf32>
    %eq3A_226 = arith.constant 0 : i32
    %eq3A_227 = vector.broadcast %eq3A_226 : i32 to vector<16xi32>
    %eq3A_228 = arith.cmpi eq, %iota3A, %eq3A_227 : vector<16xi32>
    %mul3A_229 = arith.mulf %gather3A_188, %sub3A_215 : vector<16xf32>
    %sub3A_230 = arith.subf %gather3A_204, %mul3A_229 : vector<16xf32>
    %select_n3A_231 = arith.select %eq3A_228, %sub3A_230, %gather3A_204 : vector<16xi1>, vector<16xf32>
    %swap3A_232 = arith.constant 0 : index
    %swap3A_233 = tpu.vector_load %arg11[%swap3A_232] {strides = array<i32>} : memref<16xf32, #tpu.memory_space<vmem>>, vector<16xf32>,
    tpu.vector_store %arg11[%swap3A_232], %select_n3A_225 {strides = array<i32>} : memref<16xf32, #tpu.memory_space<vmem>>, vector<16xf32>,
    %swap3A_234 = arith.constant 0 : index
    %swap3A_235 = tpu.vector_load %arg10[%swap3A_234] {strides = array<i32>} : memref<16xf32, #tpu.memory_space<vmem>>, vector<16xf32>,
    tpu.vector_store %arg10[%swap3A_234], %select_n3A_231 {strides = array<i32>} : memref<16xf32, #tpu.memory_space<vmem>>, vector<16xf32>,
    %sub3A_236 = arith.subf %gather3A_182, %sub3A_215 : vector<16xf32>
    %mul3A_237 = arith.constant 7.000000e+00 : f32
    %mul3A_238 = vector.broadcast %mul3A_237 : f32 to vector<16xf32>
    %mul3A_239 = arith.mulf %mul3A_238, %sub3A_215 : vector<16xf32>
    %div3A_240 = arith.constant 1.000000e+00 : f32
    %div3A_241 = vector.broadcast %div3A_240 : f32 to vector<16xf32>
    %div3A_242 = arith.divf %div3A_241, %mul3A_239 : vector<16xf32>
    %dma_start3A_243 = arith.constant 0 : i32
    %dma_start3A_244 = tpu.memref_slice %arg2[%add3A_177, %dma_start3A_243] : memref<192x147456xf32, #tpu.memory_space<hbm>> -> memref<1x18432xf32, #tpu.memory_space<hbm>>
    %dma_start3A_245 = tpu.memref_squeeze %dma_start3A_244 : memref<1x18432xf32, #tpu.memory_space<hbm>> -> memref<18432xf32, #tpu.memory_space<hbm>>
    %dma_start3A_246 = arith.constant 0 : i32
    %dma_start3A_247 = tpu.memref_slice %arg2[%add3A_177, %dma_start3A_246] : memref<192x147456xf32, #tpu.memory_space<hbm>> -> memref<1x18432xf32, #tpu.memory_space<hbm>>
    %dma_start3A_248 = tpu.memref_squeeze %dma_start3A_247 : memref<1x18432xf32, #tpu.memory_space<hbm>> -> memref<18432xf32, #tpu.memory_space<hbm>>
    tpu.enqueue_dma source(%dma_start3A_248 : memref<18432xf32, #tpu.memory_space<hbm>>) target(%arg5 : memref<18432xf32, #tpu.memory_space<vmem>>) target_semaphore(%arg12 : memref<!tpu.dma_semaphore, #tpu.memory_space<semaphore_mem>>)
    %scan3A_249 = arith.constant 0 : i32
    %scan3A_250 = arith.constant 0 : i32
    %scan3A_251 = arith.constant 4 : i32
    %scan3A_252 = arith.addi %scan3A_250, %scan3A_251 : i32
    %scan3A_253 = arith.constant 1 : i32
    %scan3A_254 = scf.for %scan3A_550 = %scan3A_250 to %scan3A_252 step %scan3A_253 iter_args(%scan3A_551 = %scan3A_249) -> (i32)  : i32 {
      %mul3A_552 = arith.constant 2 : i32
      %mul3A_553 = arith.muli %mul3A_552, %scan3A_550 : i32
      %add3A_554 = arith.constant 0 : i32
      %add3A_555 = arith.addi %mul3A_553, %add3A_554 : i32
      %add3A_556 = arith.constant 1 : i32
      %add3A_557 = arith.addi %add3A_555, %add3A_556 : i32
      %lt3A = arith.constant 8 : i32
      %lt3A_558 = arith.cmpi slt, %add3A_557, %lt3A : i32
      %convert_element_type3A = arith.extui %lt3A_558 : i1 to i32
      %cond3A = arith.constant 0 : i32
      %cond3A_559 = arith.cmpi ne, %convert_element_type3A, %cond3A : i32
      scf.if %cond3A_559 {
        %add3A_611 = arith.constant 1 : i32
        %add3A_612 = arith.addi %add3A_555, %add3A_611 : i32
        %mul3A_613 = arith.constant 18432 : i32
        %mul3A_614 = arith.muli %add3A_612, %mul3A_613 : i32
        %dma_start3A_615 = tpu.memref_slice %arg2[%add3A_177, %mul3A_614] : memref<192x147456xf32, #tpu.memory_space<hbm>> -> memref<1x18432xf32, #tpu.memory_space<hbm>>
        %dma_start3A_616 = tpu.memref_squeeze %dma_start3A_615 : memref<1x18432xf32, #tpu.memory_space<hbm>> -> memref<18432xf32, #tpu.memory_space<hbm>>
        %dma_start3A_617 = tpu.memref_slice %arg2[%add3A_177, %mul3A_614] : memref<192x147456xf32, #tpu.memory_space<hbm>> -> memref<1x18432xf32, #tpu.memory_space<hbm>>
        %dma_start3A_618 = tpu.memref_squeeze %dma_start3A_617 : memref<1x18432xf32, #tpu.memory_space<hbm>> -> memref<18432xf32, #tpu.memory_space<hbm>>
        tpu.enqueue_dma source(%dma_start3A_618 : memref<18432xf32, #tpu.memory_space<hbm>>) target(%arg6 : memref<18432xf32, #tpu.memory_space<vmem>>) target_semaphore(%arg13 : memref<!tpu.dma_semaphore, #tpu.memory_space<semaphore_mem>>)
      } else {
      }
      %mul3A_560 = arith.constant 18432 : i32
      %mul3A_561 = arith.muli %add3A_555, %mul3A_560 : i32
      %dma_wait3A_562 = tpu.memref_slice %arg2[%add3A_177, %mul3A_561] : memref<192x147456xf32, #tpu.memory_space<hbm>> -> memref<1x18432xf32, #tpu.memory_space<hbm>>
      %dma_wait3A_563 = tpu.memref_squeeze %dma_wait3A_562 : memref<1x18432xf32, #tpu.memory_space<hbm>> -> memref<18432xf32, #tpu.memory_space<hbm>>
      %dma_wait3A_564 = tpu.memref_slice %arg2[%add3A_177, %mul3A_561] : memref<192x147456xf32, #tpu.memory_space<hbm>> -> memref<1x18432xf32, #tpu.memory_space<hbm>>
      %dma_wait3A_565 = tpu.memref_squeeze %dma_wait3A_564 : memref<1x18432xf32, #tpu.memory_space<hbm>> -> memref<18432xf32, #tpu.memory_space<hbm>>
      tpu.wait_dma2 semaphore(%arg12 : memref<!tpu.dma_semaphore, #tpu.memory_space<semaphore_mem>>) src(%dma_wait3A_565 : memref<18432xf32, #tpu.memory_space<hbm>>) dst(%arg5 : memref<18432xf32, #tpu.memory_space<vmem>>)
      %ge3A_566 = arith.constant 2 : i32
      %ge3A_567 = arith.cmpi sge, %add3A_555, %ge3A_566 : i32
      %convert_element_type3A_568 = arith.extui %ge3A_567 : i1 to i32
      %cond3A_569 = arith.constant 0 : i32
      %cond3A_570 = arith.cmpi ne, %convert_element_type3A_568, %cond3A_569 : i32
      scf.if %cond3A_570 {
        %sub3A_611 = arith.constant 2 : i32
        %sub3A_612 = arith.subi %add3A_555, %sub3A_611 : i32
        %mul3A_613 = arith.constant 18432 : i32
        %mul3A_614 = arith.muli %sub3A_612, %mul3A_613 : i32
        %dma_wait3A_615 = tpu.memref_slice %arg4[%add3A_177, %mul3A_614] : memref<192x147456xf32, #tpu.memory_space<hbm>> -> memref<1x18432xf32, #tpu.memory_space<hbm>>
        %dma_wait3A_616 = tpu.memref_squeeze %dma_wait3A_615 : memref<1x18432xf32, #tpu.memory_space<hbm>> -> memref<18432xf32, #tpu.memory_space<hbm>>
        %dma_wait3A_617 = tpu.memref_slice %arg4[%add3A_177, %mul3A_614] : memref<192x147456xf32, #tpu.memory_space<hbm>> -> memref<1x18432xf32, #tpu.memory_space<hbm>>
        %dma_wait3A_618 = tpu.memref_squeeze %dma_wait3A_617 : memref<1x18432xf32, #tpu.memory_space<hbm>> -> memref<18432xf32, #tpu.memory_space<hbm>>
        tpu.wait_dma2 semaphore(%arg14 : memref<!tpu.dma_semaphore, #tpu.memory_space<semaphore_mem>>) src(%arg7 : memref<18432xf32, #tpu.memory_space<vmem>>) dst(%dma_wait3A_618 : memref<18432xf32, #tpu.memory_space<hbm>>)
      } else {
      }
      %parallel_loop3A = arith.constant 0 : i32
      %parallel_loop3A_571 = arith.constant 1152 : i32
      %parallel_loop3A_572 = arith.constant 1 : i32
      scf.for %parallel_loop3A_611 = %parallel_loop3A to %parallel_loop3A_571 step %parallel_loop3A_572  : i32 {
        %parallel_loop3A_612 = arith.constant 16 : i32
        %parallel_loop3A_613 = arith.muli %parallel_loop3A_611, %parallel_loop3A_612 : i32
        %parallel_loop3A_614 = arith.index_cast %parallel_loop3A_613 : i32 to index
        %parallel_loop3A_615 = tpu.vector_load %arg5[%parallel_loop3A_614] {strides = array<i32>} : memref<18432xf32, #tpu.memory_space<vmem>>, vector<16xf32>,
        %parallel_loop3A_616 = arith.subf %parallel_loop3A_615, %sub3A_236 : vector<16xf32>
        %parallel_loop3A_617 = arith.mulf %parallel_loop3A_616, %div3A_242 : vector<16xf32>
        %parallel_loop3A_618 = arith.constant 7.000000e+00 : f32
        %parallel_loop3A_619 = vector.broadcast %parallel_loop3A_618 : f32 to vector<16xf32>
        %parallel_loop3A_620 = arith.mulf %parallel_loop3A_617, %parallel_loop3A_619 : vector<16xf32>
        %parallel_loop3A_621 = arith.constant 0.000000e+00 : f32
        %parallel_loop3A_622 = vector.broadcast %parallel_loop3A_621 : f32 to vector<16xf32>
        %parallel_loop3A_623 = arith.maximumf %parallel_loop3A_617, %parallel_loop3A_622 : vector<16xf32>
        %parallel_loop3A_624 = arith.constant 1.001000e+00 : f32
        %parallel_loop3A_625 = vector.broadcast %parallel_loop3A_624 : f32 to vector<16xf32>
        %parallel_loop3A_626 = arith.minimumf %parallel_loop3A_623, %parallel_loop3A_625 : vector<16xf32>
        %parallel_loop3A_627 = arith.constant 7.000000e+00 : f32
        %parallel_loop3A_628 = vector.broadcast %parallel_loop3A_627 : f32 to vector<16xf32>
        %parallel_loop3A_629 = arith.mulf %parallel_loop3A_626, %parallel_loop3A_628 : vector<16xf32>
        %parallel_loop3A_630 = arith.fptosi %parallel_loop3A_629 : vector<16xf32> to vector<16xi32>
        %parallel_loop3A_631 = arith.sitofp %parallel_loop3A_630 : vector<16xi32> to vector<16xf32>
        %parallel_loop3A_632 = tpu.vector_load_idx %arg10[%parallel_loop3A_630] : memref<16xf32, #tpu.memory_space<vmem>>[vector<16xi32>], vector<16xf32>,
        %parallel_loop3A_633 = tpu.vector_load_idx %arg11[%parallel_loop3A_630] : memref<16xf32, #tpu.memory_space<vmem>>[vector<16xi32>], vector<16xf32>,
        %parallel_loop3A_634 = arith.subf %parallel_loop3A_620, %parallel_loop3A_631 : vector<16xf32>
        %parallel_loop3A_635 = arith.mulf %parallel_loop3A_634, %parallel_loop3A_633 : vector<16xf32>
        %parallel_loop3A_636 = arith.addf %parallel_loop3A_632, %parallel_loop3A_635 : vector<16xf32>
        %parallel_loop3A_637 = arith.index_cast %parallel_loop3A_613 : i32 to index
        %parallel_loop3A_638 = tpu.vector_load %arg7[%parallel_loop3A_637] {strides = array<i32>} : memref<18432xf32, #tpu.memory_space<vmem>>, vector<16xf32>,
        tpu.vector_store %arg7[%parallel_loop3A_637], %parallel_loop3A_636 {strides = array<i32>} : memref<18432xf32, #tpu.memory_space<vmem>>, vector<16xf32>,
      } {sc.loop_unroll_factor = 8 : i64, sc.parallel_access}
      %mul3A_573 = arith.constant 18432 : i32
      %mul3A_574 = arith.muli %add3A_555, %mul3A_573 : i32
      %dma_start3A_575 = tpu.memref_slice %arg4[%add3A_177, %mul3A_574] : memref<192x147456xf32, #tpu.memory_space<hbm>> -> memref<1x18432xf32, #tpu.memory_space<hbm>>
      %dma_start3A_576 = tpu.memref_squeeze %dma_start3A_575 : memref<1x18432xf32, #tpu.memory_space<hbm>> -> memref<18432xf32, #tpu.memory_space<hbm>>
      %dma_start3A_577 = tpu.memref_slice %arg4[%add3A_177, %mul3A_574] : memref<192x147456xf32, #tpu.memory_space<hbm>> -> memref<1x18432xf32, #tpu.memory_space<hbm>>
      %dma_start3A_578 = tpu.memref_squeeze %dma_start3A_577 : memref<1x18432xf32, #tpu.memory_space<hbm>> -> memref<18432xf32, #tpu.memory_space<hbm>>
      tpu.enqueue_dma source(%arg7 : memref<18432xf32, #tpu.memory_space<vmem>>) target(%dma_start3A_578 : memref<18432xf32, #tpu.memory_space<hbm>>) target_semaphore(%arg14 : memref<!tpu.dma_semaphore, #tpu.memory_space<semaphore_mem>>)
      %mul3A_579 = arith.constant 2 : i32
      %mul3A_580 = arith.muli %mul3A_579, %scan3A_550 : i32
      %add3A_581 = arith.constant 1 : i32
      %add3A_582 = arith.addi %mul3A_580, %add3A_581 : i32
      %add3A_583 = arith.constant 1 : i32
      %add3A_584 = arith.addi %add3A_582, %add3A_583 : i32
      %lt3A_585 = arith.constant 8 : i32
      %lt3A_586 = arith.cmpi slt, %add3A_584, %lt3A_585 : i32
      %convert_element_type3A_587 = arith.extui %lt3A_586 : i1 to i32
      %cond3A_588 = arith.constant 0 : i32
      %cond3A_589 = arith.cmpi ne, %convert_element_type3A_587, %cond3A_588 : i32
      scf.if %cond3A_589 {
        %add3A_611 = arith.constant 1 : i32
        %add3A_612 = arith.addi %add3A_582, %add3A_611 : i32
        %mul3A_613 = arith.constant 18432 : i32
        %mul3A_614 = arith.muli %add3A_612, %mul3A_613 : i32
        %dma_start3A_615 = tpu.memref_slice %arg2[%add3A_177, %mul3A_614] : memref<192x147456xf32, #tpu.memory_space<hbm>> -> memref<1x18432xf32, #tpu.memory_space<hbm>>
        %dma_start3A_616 = tpu.memref_squeeze %dma_start3A_615 : memref<1x18432xf32, #tpu.memory_space<hbm>> -> memref<18432xf32, #tpu.memory_space<hbm>>
        %dma_start3A_617 = tpu.memref_slice %arg2[%add3A_177, %mul3A_614] : memref<192x147456xf32, #tpu.memory_space<hbm>> -> memref<1x18432xf32, #tpu.memory_space<hbm>>
        %dma_start3A_618 = tpu.memref_squeeze %dma_start3A_617 : memref<1x18432xf32, #tpu.memory_space<hbm>> -> memref<18432xf32, #tpu.memory_space<hbm>>
        tpu.enqueue_dma source(%dma_start3A_618 : memref<18432xf32, #tpu.memory_space<hbm>>) target(%arg5 : memref<18432xf32, #tpu.memory_space<vmem>>) target_semaphore(%arg12 : memref<!tpu.dma_semaphore, #tpu.memory_space<semaphore_mem>>)
      } else {
      }
      %mul3A_590 = arith.constant 18432 : i32
      %mul3A_591 = arith.muli %add3A_582, %mul3A_590 : i32
      %dma_wait3A_592 = tpu.memref_slice %arg2[%add3A_177, %mul3A_591] : memref<192x147456xf32, #tpu.memory_space<hbm>> -> memref<1x18432xf32, #tpu.memory_space<hbm>>
      %dma_wait3A_593 = tpu.memref_squeeze %dma_wait3A_592 : memref<1x18432xf32, #tpu.memory_space<hbm>> -> memref<18432xf32, #tpu.memory_space<hbm>>
      %dma_wait3A_594 = tpu.memref_slice %arg2[%add3A_177, %mul3A_591] : memref<192x147456xf32, #tpu.memory_space<hbm>> -> memref<1x18432xf32, #tpu.memory_space<hbm>>
      %dma_wait3A_595 = tpu.memref_squeeze %dma_wait3A_594 : memref<1x18432xf32, #tpu.memory_space<hbm>> -> memref<18432xf32, #tpu.memory_space<hbm>>
      tpu.wait_dma2 semaphore(%arg13 : memref<!tpu.dma_semaphore, #tpu.memory_space<semaphore_mem>>) src(%dma_wait3A_595 : memref<18432xf32, #tpu.memory_space<hbm>>) dst(%arg6 : memref<18432xf32, #tpu.memory_space<vmem>>)
      %ge3A_596 = arith.constant 2 : i32
      %ge3A_597 = arith.cmpi sge, %add3A_582, %ge3A_596 : i32
      %convert_element_type3A_598 = arith.extui %ge3A_597 : i1 to i32
      %cond3A_599 = arith.constant 0 : i32
      %cond3A_600 = arith.cmpi ne, %convert_element_type3A_598, %cond3A_599 : i32
      scf.if %cond3A_600 {
        %sub3A_611 = arith.constant 2 : i32
        %sub3A_612 = arith.subi %add3A_582, %sub3A_611 : i32
        %mul3A_613 = arith.constant 18432 : i32
        %mul3A_614 = arith.muli %sub3A_612, %mul3A_613 : i32
        %dma_wait3A_615 = tpu.memref_slice %arg4[%add3A_177, %mul3A_614] : memref<192x147456xf32, #tpu.memory_space<hbm>> -> memref<1x18432xf32, #tpu.memory_space<hbm>>
        %dma_wait3A_616 = tpu.memref_squeeze %dma_wait3A_615 : memref<1x18432xf32, #tpu.memory_space<hbm>> -> memref<18432xf32, #tpu.memory_space<hbm>>
        %dma_wait3A_617 = tpu.memref_slice %arg4[%add3A_177, %mul3A_614] : memref<192x147456xf32, #tpu.memory_space<hbm>> -> memref<1x18432xf32, #tpu.memory_space<hbm>>
        %dma_wait3A_618 = tpu.memref_squeeze %dma_wait3A_617 : memref<1x18432xf32, #tpu.memory_space<hbm>> -> memref<18432xf32, #tpu.memory_space<hbm>>
        tpu.wait_dma2 semaphore(%arg15 : memref<!tpu.dma_semaphore, #tpu.memory_space<semaphore_mem>>) src(%arg8 : memref<18432xf32, #tpu.memory_space<vmem>>) dst(%dma_wait3A_618 : memref<18432xf32, #tpu.memory_space<hbm>>)
      } else {
      }
      %parallel_loop3A_601 = arith.constant 0 : i32
      %parallel_loop3A_602 = arith.constant 1152 : i32
      %parallel_loop3A_603 = arith.constant 1 : i32
      scf.for %parallel_loop3A_611 = %parallel_loop3A_601 to %parallel_loop3A_602 step %parallel_loop3A_603  : i32 {
        %parallel_loop3A_612 = arith.constant 16 : i32
        %parallel_loop3A_613 = arith.muli %parallel_loop3A_611, %parallel_loop3A_612 : i32
        %parallel_loop3A_614 = arith.index_cast %parallel_loop3A_613 : i32 to index
        %parallel_loop3A_615 = tpu.vector_load %arg6[%parallel_loop3A_614] {strides = array<i32>} : memref<18432xf32, #tpu.memory_space<vmem>>, vector<16xf32>,
        %parallel_loop3A_616 = arith.subf %parallel_loop3A_615, %sub3A_236 : vector<16xf32>
        %parallel_loop3A_617 = arith.mulf %parallel_loop3A_616, %div3A_242 : vector<16xf32>
        %parallel_loop3A_618 = arith.constant 7.000000e+00 : f32
        %parallel_loop3A_619 = vector.broadcast %parallel_loop3A_618 : f32 to vector<16xf32>
        %parallel_loop3A_620 = arith.mulf %parallel_loop3A_617, %parallel_loop3A_619 : vector<16xf32>
        %parallel_loop3A_621 = arith.constant 0.000000e+00 : f32
        %parallel_loop3A_622 = vector.broadcast %parallel_loop3A_621 : f32 to vector<16xf32>
        %parallel_loop3A_623 = arith.maximumf %parallel_loop3A_617, %parallel_loop3A_622 : vector<16xf32>
        %parallel_loop3A_624 = arith.constant 1.001000e+00 : f32
        %parallel_loop3A_625 = vector.broadcast %parallel_loop3A_624 : f32 to vector<16xf32>
        %parallel_loop3A_626 = arith.minimumf %parallel_loop3A_623, %parallel_loop3A_625 : vector<16xf32>
        %parallel_loop3A_627 = arith.constant 7.000000e+00 : f32
        %parallel_loop3A_628 = vector.broadcast %parallel_loop3A_627 : f32 to vector<16xf32>
        %parallel_loop3A_629 = arith.mulf %parallel_loop3A_626, %parallel_loop3A_628 : vector<16xf32>
        %parallel_loop3A_630 = arith.fptosi %parallel_loop3A_629 : vector<16xf32> to vector<16xi32>
        %parallel_loop3A_631 = arith.sitofp %parallel_loop3A_630 : vector<16xi32> to vector<16xf32>
        %parallel_loop3A_632 = tpu.vector_load_idx %arg10[%parallel_loop3A_630] : memref<16xf32, #tpu.memory_space<vmem>>[vector<16xi32>], vector<16xf32>,
        %parallel_loop3A_633 = tpu.vector_load_idx %arg11[%parallel_loop3A_630] : memref<16xf32, #tpu.memory_space<vmem>>[vector<16xi32>], vector<16xf32>,
        %parallel_loop3A_634 = arith.subf %parallel_loop3A_620, %parallel_loop3A_631 : vector<16xf32>
        %parallel_loop3A_635 = arith.mulf %parallel_loop3A_634, %parallel_loop3A_633 : vector<16xf32>
        %parallel_loop3A_636 = arith.addf %parallel_loop3A_632, %parallel_loop3A_635 : vector<16xf32>
        %parallel_loop3A_637 = arith.index_cast %parallel_loop3A_613 : i32 to index
        %parallel_loop3A_638 = tpu.vector_load %arg8[%parallel_loop3A_637] {strides = array<i32>} : memref<18432xf32, #tpu.memory_space<vmem>>, vector<16xf32>,
        tpu.vector_store %arg8[%parallel_loop3A_637], %parallel_loop3A_636 {strides = array<i32>} : memref<18432xf32, #tpu.memory_space<vmem>>, vector<16xf32>,
      } {sc.loop_unroll_factor = 8 : i64, sc.parallel_access}
      %mul3A_604 = arith.constant 18432 : i32
      %mul3A_605 = arith.muli %add3A_582, %mul3A_604 : i32
      %dma_start3A_606 = tpu.memref_slice %arg4[%add3A_177, %mul3A_605] : memref<192x147456xf32, #tpu.memory_space<hbm>> -> memref<1x18432xf32, #tpu.memory_space<hbm>>
      %dma_start3A_607 = tpu.memref_squeeze %dma_start3A_606 : memref<1x18432xf32, #tpu.memory_space<hbm>> -> memref<18432xf32, #tpu.memory_space<hbm>>
      %dma_start3A_608 = tpu.memref_slice %arg4[%add3A_177, %mul3A_605] : memref<192x147456xf32, #tpu.memory_space<hbm>> -> memref<1x18432xf32, #tpu.memory_space<hbm>>
      %dma_start3A_609 = tpu.memref_squeeze %dma_start3A_608 : memref<1x18432xf32, #tpu.memory_space<hbm>> -> memref<18432xf32, #tpu.memory_space<hbm>>
      tpu.enqueue_dma source(%arg8 : memref<18432xf32, #tpu.memory_space<vmem>>) target(%dma_start3A_609 : memref<18432xf32, #tpu.memory_space<hbm>>) target_semaphore(%arg15 : memref<!tpu.dma_semaphore, #tpu.memory_space<semaphore_mem>>)
      %scan3A_610 = arith.constant 0 : i32
      scf.yield %scan3A_610 : i32
    }
    %scan3A_255 = arith.constant 4 : i32
    %dma_wait3A_256 = arith.constant 110592 : i32
    %dma_wait3A_257 = tpu.memref_slice %arg4[%add3A_177, %dma_wait3A_256] : memref<192x147456xf32, #tpu.memory_space<hbm>> -> memref<1x18432xf32, #tpu.memory_space<hbm>>
    %dma_wait3A_258 = tpu.memref_squeeze %dma_wait3A_257 : memref<1x18432xf32, #tpu.memory_space<hbm>> -> memref<18432xf32, #tpu.memory_space<hbm>>
    %dma_wait3A_259 = arith.constant 110592 : i32
    %dma_wait3A_260 = tpu.memref_slice %arg4[%add3A_177, %dma_wait3A_259] : memref<192x147456xf32, #tpu.memory_space<hbm>> -> memref<1x18432xf32, #tpu.memory_space<hbm>>
    %dma_wait3A_261 = tpu.memref_squeeze %dma_wait3A_260 : memref<1x18432xf32, #tpu.memory_space<hbm>> -> memref<18432xf32, #tpu.memory_space<hbm>>
    tpu.wait_dma2 semaphore(%arg14 : memref<!tpu.dma_semaphore, #tpu.memory_space<semaphore_mem>>) src(%arg7 : memref<18432xf32, #tpu.memory_space<vmem>>) dst(%dma_wait3A_261 : memref<18432xf32, #tpu.memory_space<hbm>>)
    %dma_wait3A_262 = arith.constant 129024 : i32
    %dma_wait3A_263 = tpu.memref_slice %arg4[%add3A_177, %dma_wait3A_262] : memref<192x147456xf32, #tpu.memory_space<hbm>> -> memref<1x18432xf32, #tpu.memory_space<hbm>>
    %dma_wait3A_264 = tpu.memref_squeeze %dma_wait3A_263 : memref<1x18432xf32, #tpu.memory_space<hbm>> -> memref<18432xf32, #tpu.memory_space<hbm>>
    %dma_wait3A_265 = arith.constant 129024 : i32
    %dma_wait3A_266 = tpu.memref_slice %arg4[%add3A_177, %dma_wait3A_265] : memref<192x147456xf32, #tpu.memory_space<hbm>> -> memref<1x18432xf32, #tpu.memory_space<hbm>>
    %dma_wait3A_267 = tpu.memref_squeeze %dma_wait3A_266 : memref<1x18432xf32, #tpu.memory_space<hbm>> -> memref<18432xf32, #tpu.memory_space<hbm>>
    tpu.wait_dma2 semaphore(%arg15 : memref<!tpu.dma_semaphore, #tpu.memory_space<semaphore_mem>>) src(%arg8 : memref<18432xf32, #tpu.memory_space<vmem>>) dst(%dma_wait3A_267 : memref<18432xf32, #tpu.memory_space<hbm>>)
    %mul3A_268 = arith.constant 6 : i32
    %mul3A_269 = arith.muli %add3A, %mul3A_268 : i32
    %add3A_270 = arith.constant 3 : i32
    %add3A_271 = arith.addi %mul3A_269, %add3A_270 : i32
    %rem3A_272 = arith.constant 96 : i32
    %rem3A_273 = arith.remsi %add3A_271, %rem3A_272 : i32
    "tpu.region"() ({
      %run_scoped3A = tpu.sem_alloc : memref<!tpu.dma_semaphore, #tpu.memory_space<semaphore_mem>>
      %dma_start3A_550 = arith.constant 0 : i32
      %dma_start3A_551 = tpu.memref_slice %arg3[%rem3A_273, %dma_start3A_550] : memref<96x16xf32, #tpu.memory_space<hbm>> -> memref<1x16xf32, #tpu.memory_space<hbm>>
      %dma_start3A_552 = tpu.memref_squeeze %dma_start3A_551 : memref<1x16xf32, #tpu.memory_space<hbm>> -> memref<16xf32, #tpu.memory_space<hbm>>
      %dma_start3A_553 = arith.constant 0 : i32
      %dma_start3A_554 = tpu.memref_slice %arg3[%rem3A_273, %dma_start3A_553] : memref<96x16xf32, #tpu.memory_space<hbm>> -> memref<1x16xf32, #tpu.memory_space<hbm>>
      %dma_start3A_555 = tpu.memref_squeeze %dma_start3A_554 : memref<1x16xf32, #tpu.memory_space<hbm>> -> memref<16xf32, #tpu.memory_space<hbm>>
      tpu.enqueue_dma source(%dma_start3A_555 : memref<16xf32, #tpu.memory_space<hbm>>) target(%arg9 : memref<16xf32, #tpu.memory_space<vmem>>) target_semaphore(%run_scoped3A : memref<!tpu.dma_semaphore, #tpu.memory_space<semaphore_mem>>)
      %dma_wait3A_556 = arith.constant 0 : i32
      %dma_wait3A_557 = tpu.memref_slice %arg3[%rem3A_273, %dma_wait3A_556] : memref<96x16xf32, #tpu.memory_space<hbm>> -> memref<1x16xf32, #tpu.memory_space<hbm>>
      %dma_wait3A_558 = tpu.memref_squeeze %dma_wait3A_557 : memref<1x16xf32, #tpu.memory_space<hbm>> -> memref<16xf32, #tpu.memory_space<hbm>>
      %dma_wait3A_559 = arith.constant 0 : i32
      %dma_wait3A_560 = tpu.memref_slice %arg3[%rem3A_273, %dma_wait3A_559] : memref<96x16xf32, #tpu.memory_space<hbm>> -> memref<1x16xf32, #tpu.memory_space<hbm>>
      %dma_wait3A_561 = tpu.memref_squeeze %dma_wait3A_560 : memref<1x16xf32, #tpu.memory_space<hbm>> -> memref<16xf32, #tpu.memory_space<hbm>>
      tpu.wait_dma2 semaphore(%run_scoped3A : memref<!tpu.dma_semaphore, #tpu.memory_space<semaphore_mem>>) src(%dma_wait3A_561 : memref<16xf32, #tpu.memory_space<hbm>>) dst(%arg9 : memref<16xf32, #tpu.memory_space<vmem>>)
      tpu.yield
    }) : () -> ()
    %broadcast_in_dim3A_274 = arith.constant 0 : i32
    %broadcast_in_dim3A_275 = vector.broadcast %broadcast_in_dim3A_274 : i32 to vector<16xi32>
    %gather3A_276 = tpu.vector_load_idx %arg9[%broadcast_in_dim3A_275] : memref<16xf32, #tpu.memory_space<vmem>>[vector<16xi32>], vector<16xf32>,
    %broadcast_in_dim3A_277 = arith.constant 1 : i32
    %broadcast_in_dim3A_278 = vector.broadcast %broadcast_in_dim3A_277 : i32 to vector<16xi32>
    %gather3A_279 = tpu.vector_load_idx %arg9[%broadcast_in_dim3A_278] : memref<16xf32, #tpu.memory_space<vmem>>[vector<16xi32>], vector<16xf32>,
    %broadcast_in_dim3A_280 = arith.constant 2 : i32
    %broadcast_in_dim3A_281 = vector.broadcast %broadcast_in_dim3A_280 : i32 to vector<16xi32>
    %gather3A_282 = tpu.vector_load_idx %arg9[%broadcast_in_dim3A_281] : memref<16xf32, #tpu.memory_space<vmem>>[vector<16xi32>], vector<16xf32>,
    %broadcast_in_dim3A_283 = arith.constant 3 : i32
    %broadcast_in_dim3A_284 = vector.broadcast %broadcast_in_dim3A_283 : i32 to vector<16xi32>
    %gather3A_285 = tpu.vector_load_idx %arg9[%broadcast_in_dim3A_284] : memref<16xf32, #tpu.memory_space<vmem>>[vector<16xi32>], vector<16xf32>,
    %sub3A_286 = arith.constant 1 : i32
    %sub3A_287 = vector.broadcast %sub3A_286 : i32 to vector<16xi32>
    %sub3A_288 = arith.subi %iota3A, %sub3A_287 : vector<16xi32>
    %jit3A_289 = arith.constant 0 : i32
    %jit3A_290 = arith.constant 6 : i32
    %max3A_291 = vector.broadcast %jit3A_289 : i32 to vector<16xi32>
    %max3A_292 = arith.maxsi %max3A_291, %sub3A_288 : vector<16xi32>
    %min3A_293 = vector.broadcast %jit3A_290 : i32 to vector<16xi32>
    %min3A_294 = arith.minsi %min3A_293, %max3A_292 : vector<16xi32>
    %add3A_295 = arith.constant 4 : i32
    %add3A_296 = vector.broadcast %add3A_295 : i32 to vector<16xi32>
    %add3A_297 = arith.addi %min3A_294, %add3A_296 : vector<16xi32>
    %gather3A_298 = tpu.vector_load_idx %arg9[%add3A_297] : memref<16xf32, #tpu.memory_space<vmem>>[vector<16xi32>], vector<16xf32>,
    %jit3A_299 = arith.constant 0 : i32
    %jit3A_300 = arith.constant 6 : i32
    %max3A_301 = vector.broadcast %jit3A_299 : i32 to vector<16xi32>
    %max3A_302 = arith.maxsi %max3A_301, %iota3A : vector<16xi32>
    %min3A_303 = vector.broadcast %jit3A_300 : i32 to vector<16xi32>
    %min3A_304 = arith.minsi %min3A_303, %max3A_302 : vector<16xi32>
    %add3A_305 = arith.constant 4 : i32
    %add3A_306 = vector.broadcast %add3A_305 : i32 to vector<16xi32>
    %add3A_307 = arith.addi %min3A_304, %add3A_306 : vector<16xi32>
    %gather3A_308 = tpu.vector_load_idx %arg9[%add3A_307] : memref<16xf32, #tpu.memory_space<vmem>>[vector<16xi32>], vector<16xf32>,
    %sub3A_309 = arith.subf %gather3A_279, %gather3A_276 : vector<16xf32>
    %sub3A_310 = arith.subf %gather3A_308, %gather3A_298 : vector<16xf32>
    %div3A_311 = arith.divf %sub3A_310, %sub3A_309 : vector<16xf32>
    %eq3A_312 = arith.constant 0 : i32
    %eq3A_313 = vector.broadcast %eq3A_312 : i32 to vector<16xi32>
    %eq3A_314 = arith.cmpi eq, %iota3A, %eq3A_313 : vector<16xi32>
    %ge3A_315 = arith.constant 7 : i32
    %ge3A_316 = vector.broadcast %ge3A_315 : i32 to vector<16xi32>
    %ge3A_317 = arith.cmpi sge, %iota3A, %ge3A_316 : vector<16xi32>
    %select_n3A_318 = arith.select %ge3A_317, %gather3A_285, %div3A_311 : vector<16xi1>, vector<16xf32>
    %select_n3A_319 = arith.select %eq3A_314, %gather3A_282, %select_n3A_318 : vector<16xi1>, vector<16xf32>
    %eq3A_320 = arith.constant 0 : i32
    %eq3A_321 = vector.broadcast %eq3A_320 : i32 to vector<16xi32>
    %eq3A_322 = arith.cmpi eq, %iota3A, %eq3A_321 : vector<16xi32>
    %mul3A_323 = arith.mulf %gather3A_282, %sub3A_309 : vector<16xf32>
    %sub3A_324 = arith.subf %gather3A_298, %mul3A_323 : vector<16xf32>
    %select_n3A_325 = arith.select %eq3A_322, %sub3A_324, %gather3A_298 : vector<16xi1>, vector<16xf32>
    %swap3A_326 = arith.constant 0 : index
    %swap3A_327 = tpu.vector_load %arg11[%swap3A_326] {strides = array<i32>} : memref<16xf32, #tpu.memory_space<vmem>>, vector<16xf32>,
    tpu.vector_store %arg11[%swap3A_326], %select_n3A_319 {strides = array<i32>} : memref<16xf32, #tpu.memory_space<vmem>>, vector<16xf32>,
    %swap3A_328 = arith.constant 0 : index
    %swap3A_329 = tpu.vector_load %arg10[%swap3A_328] {strides = array<i32>} : memref<16xf32, #tpu.memory_space<vmem>>, vector<16xf32>,
    tpu.vector_store %arg10[%swap3A_328], %select_n3A_325 {strides = array<i32>} : memref<16xf32, #tpu.memory_space<vmem>>, vector<16xf32>,
    %sub3A_330 = arith.subf %gather3A_276, %sub3A_309 : vector<16xf32>
    %mul3A_331 = arith.constant 7.000000e+00 : f32
    %mul3A_332 = vector.broadcast %mul3A_331 : f32 to vector<16xf32>
    %mul3A_333 = arith.mulf %mul3A_332, %sub3A_309 : vector<16xf32>
    %div3A_334 = arith.constant 1.000000e+00 : f32
    %div3A_335 = vector.broadcast %div3A_334 : f32 to vector<16xf32>
    %div3A_336 = arith.divf %div3A_335, %mul3A_333 : vector<16xf32>
    %dma_start3A_337 = arith.constant 0 : i32
    %dma_start3A_338 = tpu.memref_slice %arg2[%add3A_271, %dma_start3A_337] : memref<192x147456xf32, #tpu.memory_space<hbm>> -> memref<1x18432xf32, #tpu.memory_space<hbm>>
    %dma_start3A_339 = tpu.memref_squeeze %dma_start3A_338 : memref<1x18432xf32, #tpu.memory_space<hbm>> -> memref<18432xf32, #tpu.memory_space<hbm>>
    %dma_start3A_340 = arith.constant 0 : i32
    %dma_start3A_341 = tpu.memref_slice %arg2[%add3A_271, %dma_start3A_340] : memref<192x147456xf32, #tpu.memory_space<hbm>> -> memref<1x18432xf32, #tpu.memory_space<hbm>>
    %dma_start3A_342 = tpu.memref_squeeze %dma_start3A_341 : memref<1x18432xf32, #tpu.memory_space<hbm>> -> memref<18432xf32, #tpu.memory_space<hbm>>
    tpu.enqueue_dma source(%dma_start3A_342 : memref<18432xf32, #tpu.memory_space<hbm>>) target(%arg5 : memref<18432xf32, #tpu.memory_space<vmem>>) target_semaphore(%arg12 : memref<!tpu.dma_semaphore, #tpu.memory_space<semaphore_mem>>)
    %scan3A_343 = arith.constant 0 : i32
    %scan3A_344 = arith.constant 0 : i32
    %scan3A_345 = arith.constant 4 : i32
    %scan3A_346 = arith.addi %scan3A_344, %scan3A_345 : i32
    %scan3A_347 = arith.constant 1 : i32
    %scan3A_348 = scf.for %scan3A_550 = %scan3A_344 to %scan3A_346 step %scan3A_347 iter_args(%scan3A_551 = %scan3A_343) -> (i32)  : i32 {
      %mul3A_552 = arith.constant 2 : i32
      %mul3A_553 = arith.muli %mul3A_552, %scan3A_550 : i32
      %add3A_554 = arith.constant 0 : i32
      %add3A_555 = arith.addi %mul3A_553, %add3A_554 : i32
      %add3A_556 = arith.constant 1 : i32
      %add3A_557 = arith.addi %add3A_555, %add3A_556 : i32
      %lt3A = arith.constant 8 : i32
      %lt3A_558 = arith.cmpi slt, %add3A_557, %lt3A : i32
      %convert_element_type3A = arith.extui %lt3A_558 : i1 to i32
      %cond3A = arith.constant 0 : i32
      %cond3A_559 = arith.cmpi ne, %convert_element_type3A, %cond3A : i32
      scf.if %cond3A_559 {
        %add3A_611 = arith.constant 1 : i32
        %add3A_612 = arith.addi %add3A_555, %add3A_611 : i32
        %mul3A_613 = arith.constant 18432 : i32
        %mul3A_614 = arith.muli %add3A_612, %mul3A_613 : i32
        %dma_start3A_615 = tpu.memref_slice %arg2[%add3A_271, %mul3A_614] : memref<192x147456xf32, #tpu.memory_space<hbm>> -> memref<1x18432xf32, #tpu.memory_space<hbm>>
        %dma_start3A_616 = tpu.memref_squeeze %dma_start3A_615 : memref<1x18432xf32, #tpu.memory_space<hbm>> -> memref<18432xf32, #tpu.memory_space<hbm>>
        %dma_start3A_617 = tpu.memref_slice %arg2[%add3A_271, %mul3A_614] : memref<192x147456xf32, #tpu.memory_space<hbm>> -> memref<1x18432xf32, #tpu.memory_space<hbm>>
        %dma_start3A_618 = tpu.memref_squeeze %dma_start3A_617 : memref<1x18432xf32, #tpu.memory_space<hbm>> -> memref<18432xf32, #tpu.memory_space<hbm>>
        tpu.enqueue_dma source(%dma_start3A_618 : memref<18432xf32, #tpu.memory_space<hbm>>) target(%arg6 : memref<18432xf32, #tpu.memory_space<vmem>>) target_semaphore(%arg13 : memref<!tpu.dma_semaphore, #tpu.memory_space<semaphore_mem>>)
      } else {
      }
      %mul3A_560 = arith.constant 18432 : i32
      %mul3A_561 = arith.muli %add3A_555, %mul3A_560 : i32
      %dma_wait3A_562 = tpu.memref_slice %arg2[%add3A_271, %mul3A_561] : memref<192x147456xf32, #tpu.memory_space<hbm>> -> memref<1x18432xf32, #tpu.memory_space<hbm>>
      %dma_wait3A_563 = tpu.memref_squeeze %dma_wait3A_562 : memref<1x18432xf32, #tpu.memory_space<hbm>> -> memref<18432xf32, #tpu.memory_space<hbm>>
      %dma_wait3A_564 = tpu.memref_slice %arg2[%add3A_271, %mul3A_561] : memref<192x147456xf32, #tpu.memory_space<hbm>> -> memref<1x18432xf32, #tpu.memory_space<hbm>>
      %dma_wait3A_565 = tpu.memref_squeeze %dma_wait3A_564 : memref<1x18432xf32, #tpu.memory_space<hbm>> -> memref<18432xf32, #tpu.memory_space<hbm>>
      tpu.wait_dma2 semaphore(%arg12 : memref<!tpu.dma_semaphore, #tpu.memory_space<semaphore_mem>>) src(%dma_wait3A_565 : memref<18432xf32, #tpu.memory_space<hbm>>) dst(%arg5 : memref<18432xf32, #tpu.memory_space<vmem>>)
      %ge3A_566 = arith.constant 2 : i32
      %ge3A_567 = arith.cmpi sge, %add3A_555, %ge3A_566 : i32
      %convert_element_type3A_568 = arith.extui %ge3A_567 : i1 to i32
      %cond3A_569 = arith.constant 0 : i32
      %cond3A_570 = arith.cmpi ne, %convert_element_type3A_568, %cond3A_569 : i32
      scf.if %cond3A_570 {
        %sub3A_611 = arith.constant 2 : i32
        %sub3A_612 = arith.subi %add3A_555, %sub3A_611 : i32
        %mul3A_613 = arith.constant 18432 : i32
        %mul3A_614 = arith.muli %sub3A_612, %mul3A_613 : i32
        %dma_wait3A_615 = tpu.memref_slice %arg4[%add3A_271, %mul3A_614] : memref<192x147456xf32, #tpu.memory_space<hbm>> -> memref<1x18432xf32, #tpu.memory_space<hbm>>
        %dma_wait3A_616 = tpu.memref_squeeze %dma_wait3A_615 : memref<1x18432xf32, #tpu.memory_space<hbm>> -> memref<18432xf32, #tpu.memory_space<hbm>>
        %dma_wait3A_617 = tpu.memref_slice %arg4[%add3A_271, %mul3A_614] : memref<192x147456xf32, #tpu.memory_space<hbm>> -> memref<1x18432xf32, #tpu.memory_space<hbm>>
        %dma_wait3A_618 = tpu.memref_squeeze %dma_wait3A_617 : memref<1x18432xf32, #tpu.memory_space<hbm>> -> memref<18432xf32, #tpu.memory_space<hbm>>
        tpu.wait_dma2 semaphore(%arg14 : memref<!tpu.dma_semaphore, #tpu.memory_space<semaphore_mem>>) src(%arg7 : memref<18432xf32, #tpu.memory_space<vmem>>) dst(%dma_wait3A_618 : memref<18432xf32, #tpu.memory_space<hbm>>)
      } else {
      }
      %parallel_loop3A = arith.constant 0 : i32
      %parallel_loop3A_571 = arith.constant 1152 : i32
      %parallel_loop3A_572 = arith.constant 1 : i32
      scf.for %parallel_loop3A_611 = %parallel_loop3A to %parallel_loop3A_571 step %parallel_loop3A_572  : i32 {
        %parallel_loop3A_612 = arith.constant 16 : i32
        %parallel_loop3A_613 = arith.muli %parallel_loop3A_611, %parallel_loop3A_612 : i32
        %parallel_loop3A_614 = arith.index_cast %parallel_loop3A_613 : i32 to index
        %parallel_loop3A_615 = tpu.vector_load %arg5[%parallel_loop3A_614] {strides = array<i32>} : memref<18432xf32, #tpu.memory_space<vmem>>, vector<16xf32>,
        %parallel_loop3A_616 = arith.subf %parallel_loop3A_615, %sub3A_330 : vector<16xf32>
        %parallel_loop3A_617 = arith.mulf %parallel_loop3A_616, %div3A_336 : vector<16xf32>
        %parallel_loop3A_618 = arith.constant 7.000000e+00 : f32
        %parallel_loop3A_619 = vector.broadcast %parallel_loop3A_618 : f32 to vector<16xf32>
        %parallel_loop3A_620 = arith.mulf %parallel_loop3A_617, %parallel_loop3A_619 : vector<16xf32>
        %parallel_loop3A_621 = arith.constant 0.000000e+00 : f32
        %parallel_loop3A_622 = vector.broadcast %parallel_loop3A_621 : f32 to vector<16xf32>
        %parallel_loop3A_623 = arith.maximumf %parallel_loop3A_617, %parallel_loop3A_622 : vector<16xf32>
        %parallel_loop3A_624 = arith.constant 1.001000e+00 : f32
        %parallel_loop3A_625 = vector.broadcast %parallel_loop3A_624 : f32 to vector<16xf32>
        %parallel_loop3A_626 = arith.minimumf %parallel_loop3A_623, %parallel_loop3A_625 : vector<16xf32>
        %parallel_loop3A_627 = arith.constant 7.000000e+00 : f32
        %parallel_loop3A_628 = vector.broadcast %parallel_loop3A_627 : f32 to vector<16xf32>
        %parallel_loop3A_629 = arith.mulf %parallel_loop3A_626, %parallel_loop3A_628 : vector<16xf32>
        %parallel_loop3A_630 = arith.fptosi %parallel_loop3A_629 : vector<16xf32> to vector<16xi32>
        %parallel_loop3A_631 = arith.sitofp %parallel_loop3A_630 : vector<16xi32> to vector<16xf32>
        %parallel_loop3A_632 = tpu.vector_load_idx %arg10[%parallel_loop3A_630] : memref<16xf32, #tpu.memory_space<vmem>>[vector<16xi32>], vector<16xf32>,
        %parallel_loop3A_633 = tpu.vector_load_idx %arg11[%parallel_loop3A_630] : memref<16xf32, #tpu.memory_space<vmem>>[vector<16xi32>], vector<16xf32>,
        %parallel_loop3A_634 = arith.subf %parallel_loop3A_620, %parallel_loop3A_631 : vector<16xf32>
        %parallel_loop3A_635 = arith.mulf %parallel_loop3A_634, %parallel_loop3A_633 : vector<16xf32>
        %parallel_loop3A_636 = arith.addf %parallel_loop3A_632, %parallel_loop3A_635 : vector<16xf32>
        %parallel_loop3A_637 = arith.index_cast %parallel_loop3A_613 : i32 to index
        %parallel_loop3A_638 = tpu.vector_load %arg7[%parallel_loop3A_637] {strides = array<i32>} : memref<18432xf32, #tpu.memory_space<vmem>>, vector<16xf32>,
        tpu.vector_store %arg7[%parallel_loop3A_637], %parallel_loop3A_636 {strides = array<i32>} : memref<18432xf32, #tpu.memory_space<vmem>>, vector<16xf32>,
      } {sc.loop_unroll_factor = 8 : i64, sc.parallel_access}
      %mul3A_573 = arith.constant 18432 : i32
      %mul3A_574 = arith.muli %add3A_555, %mul3A_573 : i32
      %dma_start3A_575 = tpu.memref_slice %arg4[%add3A_271, %mul3A_574] : memref<192x147456xf32, #tpu.memory_space<hbm>> -> memref<1x18432xf32, #tpu.memory_space<hbm>>
      %dma_start3A_576 = tpu.memref_squeeze %dma_start3A_575 : memref<1x18432xf32, #tpu.memory_space<hbm>> -> memref<18432xf32, #tpu.memory_space<hbm>>
      %dma_start3A_577 = tpu.memref_slice %arg4[%add3A_271, %mul3A_574] : memref<192x147456xf32, #tpu.memory_space<hbm>> -> memref<1x18432xf32, #tpu.memory_space<hbm>>
      %dma_start3A_578 = tpu.memref_squeeze %dma_start3A_577 : memref<1x18432xf32, #tpu.memory_space<hbm>> -> memref<18432xf32, #tpu.memory_space<hbm>>
      tpu.enqueue_dma source(%arg7 : memref<18432xf32, #tpu.memory_space<vmem>>) target(%dma_start3A_578 : memref<18432xf32, #tpu.memory_space<hbm>>) target_semaphore(%arg14 : memref<!tpu.dma_semaphore, #tpu.memory_space<semaphore_mem>>)
      %mul3A_579 = arith.constant 2 : i32
      %mul3A_580 = arith.muli %mul3A_579, %scan3A_550 : i32
      %add3A_581 = arith.constant 1 : i32
      %add3A_582 = arith.addi %mul3A_580, %add3A_581 : i32
      %add3A_583 = arith.constant 1 : i32
      %add3A_584 = arith.addi %add3A_582, %add3A_583 : i32
      %lt3A_585 = arith.constant 8 : i32
      %lt3A_586 = arith.cmpi slt, %add3A_584, %lt3A_585 : i32
      %convert_element_type3A_587 = arith.extui %lt3A_586 : i1 to i32
      %cond3A_588 = arith.constant 0 : i32
      %cond3A_589 = arith.cmpi ne, %convert_element_type3A_587, %cond3A_588 : i32
      scf.if %cond3A_589 {
        %add3A_611 = arith.constant 1 : i32
        %add3A_612 = arith.addi %add3A_582, %add3A_611 : i32
        %mul3A_613 = arith.constant 18432 : i32
        %mul3A_614 = arith.muli %add3A_612, %mul3A_613 : i32
        %dma_start3A_615 = tpu.memref_slice %arg2[%add3A_271, %mul3A_614] : memref<192x147456xf32, #tpu.memory_space<hbm>> -> memref<1x18432xf32, #tpu.memory_space<hbm>>
        %dma_start3A_616 = tpu.memref_squeeze %dma_start3A_615 : memref<1x18432xf32, #tpu.memory_space<hbm>> -> memref<18432xf32, #tpu.memory_space<hbm>>
        %dma_start3A_617 = tpu.memref_slice %arg2[%add3A_271, %mul3A_614] : memref<192x147456xf32, #tpu.memory_space<hbm>> -> memref<1x18432xf32, #tpu.memory_space<hbm>>
        %dma_start3A_618 = tpu.memref_squeeze %dma_start3A_617 : memref<1x18432xf32, #tpu.memory_space<hbm>> -> memref<18432xf32, #tpu.memory_space<hbm>>
        tpu.enqueue_dma source(%dma_start3A_618 : memref<18432xf32, #tpu.memory_space<hbm>>) target(%arg5 : memref<18432xf32, #tpu.memory_space<vmem>>) target_semaphore(%arg12 : memref<!tpu.dma_semaphore, #tpu.memory_space<semaphore_mem>>)
      } else {
      }
      %mul3A_590 = arith.constant 18432 : i32
      %mul3A_591 = arith.muli %add3A_582, %mul3A_590 : i32
      %dma_wait3A_592 = tpu.memref_slice %arg2[%add3A_271, %mul3A_591] : memref<192x147456xf32, #tpu.memory_space<hbm>> -> memref<1x18432xf32, #tpu.memory_space<hbm>>
      %dma_wait3A_593 = tpu.memref_squeeze %dma_wait3A_592 : memref<1x18432xf32, #tpu.memory_space<hbm>> -> memref<18432xf32, #tpu.memory_space<hbm>>
      %dma_wait3A_594 = tpu.memref_slice %arg2[%add3A_271, %mul3A_591] : memref<192x147456xf32, #tpu.memory_space<hbm>> -> memref<1x18432xf32, #tpu.memory_space<hbm>>
      %dma_wait3A_595 = tpu.memref_squeeze %dma_wait3A_594 : memref<1x18432xf32, #tpu.memory_space<hbm>> -> memref<18432xf32, #tpu.memory_space<hbm>>
      tpu.wait_dma2 semaphore(%arg13 : memref<!tpu.dma_semaphore, #tpu.memory_space<semaphore_mem>>) src(%dma_wait3A_595 : memref<18432xf32, #tpu.memory_space<hbm>>) dst(%arg6 : memref<18432xf32, #tpu.memory_space<vmem>>)
      %ge3A_596 = arith.constant 2 : i32
      %ge3A_597 = arith.cmpi sge, %add3A_582, %ge3A_596 : i32
      %convert_element_type3A_598 = arith.extui %ge3A_597 : i1 to i32
      %cond3A_599 = arith.constant 0 : i32
      %cond3A_600 = arith.cmpi ne, %convert_element_type3A_598, %cond3A_599 : i32
      scf.if %cond3A_600 {
        %sub3A_611 = arith.constant 2 : i32
        %sub3A_612 = arith.subi %add3A_582, %sub3A_611 : i32
        %mul3A_613 = arith.constant 18432 : i32
        %mul3A_614 = arith.muli %sub3A_612, %mul3A_613 : i32
        %dma_wait3A_615 = tpu.memref_slice %arg4[%add3A_271, %mul3A_614] : memref<192x147456xf32, #tpu.memory_space<hbm>> -> memref<1x18432xf32, #tpu.memory_space<hbm>>
        %dma_wait3A_616 = tpu.memref_squeeze %dma_wait3A_615 : memref<1x18432xf32, #tpu.memory_space<hbm>> -> memref<18432xf32, #tpu.memory_space<hbm>>
        %dma_wait3A_617 = tpu.memref_slice %arg4[%add3A_271, %mul3A_614] : memref<192x147456xf32, #tpu.memory_space<hbm>> -> memref<1x18432xf32, #tpu.memory_space<hbm>>
        %dma_wait3A_618 = tpu.memref_squeeze %dma_wait3A_617 : memref<1x18432xf32, #tpu.memory_space<hbm>> -> memref<18432xf32, #tpu.memory_space<hbm>>
        tpu.wait_dma2 semaphore(%arg15 : memref<!tpu.dma_semaphore, #tpu.memory_space<semaphore_mem>>) src(%arg8 : memref<18432xf32, #tpu.memory_space<vmem>>) dst(%dma_wait3A_618 : memref<18432xf32, #tpu.memory_space<hbm>>)
      } else {
      }
      %parallel_loop3A_601 = arith.constant 0 : i32
      %parallel_loop3A_602 = arith.constant 1152 : i32
      %parallel_loop3A_603 = arith.constant 1 : i32
      scf.for %parallel_loop3A_611 = %parallel_loop3A_601 to %parallel_loop3A_602 step %parallel_loop3A_603  : i32 {
        %parallel_loop3A_612 = arith.constant 16 : i32
        %parallel_loop3A_613 = arith.muli %parallel_loop3A_611, %parallel_loop3A_612 : i32
        %parallel_loop3A_614 = arith.index_cast %parallel_loop3A_613 : i32 to index
        %parallel_loop3A_615 = tpu.vector_load %arg6[%parallel_loop3A_614] {strides = array<i32>} : memref<18432xf32, #tpu.memory_space<vmem>>, vector<16xf32>,
        %parallel_loop3A_616 = arith.subf %parallel_loop3A_615, %sub3A_330 : vector<16xf32>
        %parallel_loop3A_617 = arith.mulf %parallel_loop3A_616, %div3A_336 : vector<16xf32>
        %parallel_loop3A_618 = arith.constant 7.000000e+00 : f32
        %parallel_loop3A_619 = vector.broadcast %parallel_loop3A_618 : f32 to vector<16xf32>
        %parallel_loop3A_620 = arith.mulf %parallel_loop3A_617, %parallel_loop3A_619 : vector<16xf32>
        %parallel_loop3A_621 = arith.constant 0.000000e+00 : f32
        %parallel_loop3A_622 = vector.broadcast %parallel_loop3A_621 : f32 to vector<16xf32>
        %parallel_loop3A_623 = arith.maximumf %parallel_loop3A_617, %parallel_loop3A_622 : vector<16xf32>
        %parallel_loop3A_624 = arith.constant 1.001000e+00 : f32
        %parallel_loop3A_625 = vector.broadcast %parallel_loop3A_624 : f32 to vector<16xf32>
        %parallel_loop3A_626 = arith.minimumf %parallel_loop3A_623, %parallel_loop3A_625 : vector<16xf32>
        %parallel_loop3A_627 = arith.constant 7.000000e+00 : f32
        %parallel_loop3A_628 = vector.broadcast %parallel_loop3A_627 : f32 to vector<16xf32>
        %parallel_loop3A_629 = arith.mulf %parallel_loop3A_626, %parallel_loop3A_628 : vector<16xf32>
        %parallel_loop3A_630 = arith.fptosi %parallel_loop3A_629 : vector<16xf32> to vector<16xi32>
        %parallel_loop3A_631 = arith.sitofp %parallel_loop3A_630 : vector<16xi32> to vector<16xf32>
        %parallel_loop3A_632 = tpu.vector_load_idx %arg10[%parallel_loop3A_630] : memref<16xf32, #tpu.memory_space<vmem>>[vector<16xi32>], vector<16xf32>,
        %parallel_loop3A_633 = tpu.vector_load_idx %arg11[%parallel_loop3A_630] : memref<16xf32, #tpu.memory_space<vmem>>[vector<16xi32>], vector<16xf32>,
        %parallel_loop3A_634 = arith.subf %parallel_loop3A_620, %parallel_loop3A_631 : vector<16xf32>
        %parallel_loop3A_635 = arith.mulf %parallel_loop3A_634, %parallel_loop3A_633 : vector<16xf32>
        %parallel_loop3A_636 = arith.addf %parallel_loop3A_632, %parallel_loop3A_635 : vector<16xf32>
        %parallel_loop3A_637 = arith.index_cast %parallel_loop3A_613 : i32 to index
        %parallel_loop3A_638 = tpu.vector_load %arg8[%parallel_loop3A_637] {strides = array<i32>} : memref<18432xf32, #tpu.memory_space<vmem>>, vector<16xf32>,
        tpu.vector_store %arg8[%parallel_loop3A_637], %parallel_loop3A_636 {strides = array<i32>} : memref<18432xf32, #tpu.memory_space<vmem>>, vector<16xf32>,
      } {sc.loop_unroll_factor = 8 : i64, sc.parallel_access}
      %mul3A_604 = arith.constant 18432 : i32
      %mul3A_605 = arith.muli %add3A_582, %mul3A_604 : i32
      %dma_start3A_606 = tpu.memref_slice %arg4[%add3A_271, %mul3A_605] : memref<192x147456xf32, #tpu.memory_space<hbm>> -> memref<1x18432xf32, #tpu.memory_space<hbm>>
      %dma_start3A_607 = tpu.memref_squeeze %dma_start3A_606 : memref<1x18432xf32, #tpu.memory_space<hbm>> -> memref<18432xf32, #tpu.memory_space<hbm>>
      %dma_start3A_608 = tpu.memref_slice %arg4[%add3A_271, %mul3A_605] : memref<192x147456xf32, #tpu.memory_space<hbm>> -> memref<1x18432xf32, #tpu.memory_space<hbm>>
      %dma_start3A_609 = tpu.memref_squeeze %dma_start3A_608 : memref<1x18432xf32, #tpu.memory_space<hbm>> -> memref<18432xf32, #tpu.memory_space<hbm>>
      tpu.enqueue_dma source(%arg8 : memref<18432xf32, #tpu.memory_space<vmem>>) target(%dma_start3A_609 : memref<18432xf32, #tpu.memory_space<hbm>>) target_semaphore(%arg15 : memref<!tpu.dma_semaphore, #tpu.memory_space<semaphore_mem>>)
      %scan3A_610 = arith.constant 0 : i32
      scf.yield %scan3A_610 : i32
    }
    %scan3A_349 = arith.constant 4 : i32
    %dma_wait3A_350 = arith.constant 110592 : i32
    %dma_wait3A_351 = tpu.memref_slice %arg4[%add3A_271, %dma_wait3A_350] : memref<192x147456xf32, #tpu.memory_space<hbm>> -> memref<1x18432xf32, #tpu.memory_space<hbm>>
    %dma_wait3A_352 = tpu.memref_squeeze %dma_wait3A_351 : memref<1x18432xf32, #tpu.memory_space<hbm>> -> memref<18432xf32, #tpu.memory_space<hbm>>
    %dma_wait3A_353 = arith.constant 110592 : i32
    %dma_wait3A_354 = tpu.memref_slice %arg4[%add3A_271, %dma_wait3A_353] : memref<192x147456xf32, #tpu.memory_space<hbm>> -> memref<1x18432xf32, #tpu.memory_space<hbm>>
    %dma_wait3A_355 = tpu.memref_squeeze %dma_wait3A_354 : memref<1x18432xf32, #tpu.memory_space<hbm>> -> memref<18432xf32, #tpu.memory_space<hbm>>
    tpu.wait_dma2 semaphore(%arg14 : memref<!tpu.dma_semaphore, #tpu.memory_space<semaphore_mem>>) src(%arg7 : memref<18432xf32, #tpu.memory_space<vmem>>) dst(%dma_wait3A_355 : memref<18432xf32, #tpu.memory_space<hbm>>)
    %dma_wait3A_356 = arith.constant 129024 : i32
    %dma_wait3A_357 = tpu.memref_slice %arg4[%add3A_271, %dma_wait3A_356] : memref<192x147456xf32, #tpu.memory_space<hbm>> -> memref<1x18432xf32, #tpu.memory_space<hbm>>
    %dma_wait3A_358 = tpu.memref_squeeze %dma_wait3A_357 : memref<1x18432xf32, #tpu.memory_space<hbm>> -> memref<18432xf32, #tpu.memory_space<hbm>>
    %dma_wait3A_359 = arith.constant 129024 : i32
    %dma_wait3A_360 = tpu.memref_slice %arg4[%add3A_271, %dma_wait3A_359] : memref<192x147456xf32, #tpu.memory_space<hbm>> -> memref<1x18432xf32, #tpu.memory_space<hbm>>
    %dma_wait3A_361 = tpu.memref_squeeze %dma_wait3A_360 : memref<1x18432xf32, #tpu.memory_space<hbm>> -> memref<18432xf32, #tpu.memory_space<hbm>>
    tpu.wait_dma2 semaphore(%arg15 : memref<!tpu.dma_semaphore, #tpu.memory_space<semaphore_mem>>) src(%arg8 : memref<18432xf32, #tpu.memory_space<vmem>>) dst(%dma_wait3A_361 : memref<18432xf32, #tpu.memory_space<hbm>>)
    %mul3A_362 = arith.constant 6 : i32
    %mul3A_363 = arith.muli %add3A, %mul3A_362 : i32
    %add3A_364 = arith.constant 4 : i32
    %add3A_365 = arith.addi %mul3A_363, %add3A_364 : i32
    %rem3A_366 = arith.constant 96 : i32
    %rem3A_367 = arith.remsi %add3A_365, %rem3A_366 : i32
    "tpu.region"() ({
      %run_scoped3A = tpu.sem_alloc : memref<!tpu.dma_semaphore, #tpu.memory_space<semaphore_mem>>
      %dma_start3A_550 = arith.constant 0 : i32
      %dma_start3A_551 = tpu.memref_slice %arg3[%rem3A_367, %dma_start3A_550] : memref<96x16xf32, #tpu.memory_space<hbm>> -> memref<1x16xf32, #tpu.memory_space<hbm>>
      %dma_start3A_552 = tpu.memref_squeeze %dma_start3A_551 : memref<1x16xf32, #tpu.memory_space<hbm>> -> memref<16xf32, #tpu.memory_space<hbm>>
      %dma_start3A_553 = arith.constant 0 : i32
      %dma_start3A_554 = tpu.memref_slice %arg3[%rem3A_367, %dma_start3A_553] : memref<96x16xf32, #tpu.memory_space<hbm>> -> memref<1x16xf32, #tpu.memory_space<hbm>>
      %dma_start3A_555 = tpu.memref_squeeze %dma_start3A_554 : memref<1x16xf32, #tpu.memory_space<hbm>> -> memref<16xf32, #tpu.memory_space<hbm>>
      tpu.enqueue_dma source(%dma_start3A_555 : memref<16xf32, #tpu.memory_space<hbm>>) target(%arg9 : memref<16xf32, #tpu.memory_space<vmem>>) target_semaphore(%run_scoped3A : memref<!tpu.dma_semaphore, #tpu.memory_space<semaphore_mem>>)
      %dma_wait3A_556 = arith.constant 0 : i32
      %dma_wait3A_557 = tpu.memref_slice %arg3[%rem3A_367, %dma_wait3A_556] : memref<96x16xf32, #tpu.memory_space<hbm>> -> memref<1x16xf32, #tpu.memory_space<hbm>>
      %dma_wait3A_558 = tpu.memref_squeeze %dma_wait3A_557 : memref<1x16xf32, #tpu.memory_space<hbm>> -> memref<16xf32, #tpu.memory_space<hbm>>
      %dma_wait3A_559 = arith.constant 0 : i32
      %dma_wait3A_560 = tpu.memref_slice %arg3[%rem3A_367, %dma_wait3A_559] : memref<96x16xf32, #tpu.memory_space<hbm>> -> memref<1x16xf32, #tpu.memory_space<hbm>>
      %dma_wait3A_561 = tpu.memref_squeeze %dma_wait3A_560 : memref<1x16xf32, #tpu.memory_space<hbm>> -> memref<16xf32, #tpu.memory_space<hbm>>
      tpu.wait_dma2 semaphore(%run_scoped3A : memref<!tpu.dma_semaphore, #tpu.memory_space<semaphore_mem>>) src(%dma_wait3A_561 : memref<16xf32, #tpu.memory_space<hbm>>) dst(%arg9 : memref<16xf32, #tpu.memory_space<vmem>>)
      tpu.yield
    }) : () -> ()
    %broadcast_in_dim3A_368 = arith.constant 0 : i32
    %broadcast_in_dim3A_369 = vector.broadcast %broadcast_in_dim3A_368 : i32 to vector<16xi32>
    %gather3A_370 = tpu.vector_load_idx %arg9[%broadcast_in_dim3A_369] : memref<16xf32, #tpu.memory_space<vmem>>[vector<16xi32>], vector<16xf32>,
    %broadcast_in_dim3A_371 = arith.constant 1 : i32
    %broadcast_in_dim3A_372 = vector.broadcast %broadcast_in_dim3A_371 : i32 to vector<16xi32>
    %gather3A_373 = tpu.vector_load_idx %arg9[%broadcast_in_dim3A_372] : memref<16xf32, #tpu.memory_space<vmem>>[vector<16xi32>], vector<16xf32>,
    %broadcast_in_dim3A_374 = arith.constant 2 : i32
    %broadcast_in_dim3A_375 = vector.broadcast %broadcast_in_dim3A_374 : i32 to vector<16xi32>
    %gather3A_376 = tpu.vector_load_idx %arg9[%broadcast_in_dim3A_375] : memref<16xf32, #tpu.memory_space<vmem>>[vector<16xi32>], vector<16xf32>,
    %broadcast_in_dim3A_377 = arith.constant 3 : i32
    %broadcast_in_dim3A_378 = vector.broadcast %broadcast_in_dim3A_377 : i32 to vector<16xi32>
    %gather3A_379 = tpu.vector_load_idx %arg9[%broadcast_in_dim3A_378] : memref<16xf32, #tpu.memory_space<vmem>>[vector<16xi32>], vector<16xf32>,
    %sub3A_380 = arith.constant 1 : i32
    %sub3A_381 = vector.broadcast %sub3A_380 : i32 to vector<16xi32>
    %sub3A_382 = arith.subi %iota3A, %sub3A_381 : vector<16xi32>
    %jit3A_383 = arith.constant 0 : i32
    %jit3A_384 = arith.constant 6 : i32
    %max3A_385 = vector.broadcast %jit3A_383 : i32 to vector<16xi32>
    %max3A_386 = arith.maxsi %max3A_385, %sub3A_382 : vector<16xi32>
    %min3A_387 = vector.broadcast %jit3A_384 : i32 to vector<16xi32>
    %min3A_388 = arith.minsi %min3A_387, %max3A_386 : vector<16xi32>
    %add3A_389 = arith.constant 4 : i32
    %add3A_390 = vector.broadcast %add3A_389 : i32 to vector<16xi32>
    %add3A_391 = arith.addi %min3A_388, %add3A_390 : vector<16xi32>
    %gather3A_392 = tpu.vector_load_idx %arg9[%add3A_391] : memref<16xf32, #tpu.memory_space<vmem>>[vector<16xi32>], vector<16xf32>,
    %jit3A_393 = arith.constant 0 : i32
    %jit3A_394 = arith.constant 6 : i32
    %max3A_395 = vector.broadcast %jit3A_393 : i32 to vector<16xi32>
    %max3A_396 = arith.maxsi %max3A_395, %iota3A : vector<16xi32>
    %min3A_397 = vector.broadcast %jit3A_394 : i32 to vector<16xi32>
    %min3A_398 = arith.minsi %min3A_397, %max3A_396 : vector<16xi32>
    %add3A_399 = arith.constant 4 : i32
    %add3A_400 = vector.broadcast %add3A_399 : i32 to vector<16xi32>
    %add3A_401 = arith.addi %min3A_398, %add3A_400 : vector<16xi32>
    %gather3A_402 = tpu.vector_load_idx %arg9[%add3A_401] : memref<16xf32, #tpu.memory_space<vmem>>[vector<16xi32>], vector<16xf32>,
    %sub3A_403 = arith.subf %gather3A_373, %gather3A_370 : vector<16xf32>
    %sub3A_404 = arith.subf %gather3A_402, %gather3A_392 : vector<16xf32>
    %div3A_405 = arith.divf %sub3A_404, %sub3A_403 : vector<16xf32>
    %eq3A_406 = arith.constant 0 : i32
    %eq3A_407 = vector.broadcast %eq3A_406 : i32 to vector<16xi32>
    %eq3A_408 = arith.cmpi eq, %iota3A, %eq3A_407 : vector<16xi32>
    %ge3A_409 = arith.constant 7 : i32
    %ge3A_410 = vector.broadcast %ge3A_409 : i32 to vector<16xi32>
    %ge3A_411 = arith.cmpi sge, %iota3A, %ge3A_410 : vector<16xi32>
    %select_n3A_412 = arith.select %ge3A_411, %gather3A_379, %div3A_405 : vector<16xi1>, vector<16xf32>
    %select_n3A_413 = arith.select %eq3A_408, %gather3A_376, %select_n3A_412 : vector<16xi1>, vector<16xf32>
    %eq3A_414 = arith.constant 0 : i32
    %eq3A_415 = vector.broadcast %eq3A_414 : i32 to vector<16xi32>
    %eq3A_416 = arith.cmpi eq, %iota3A, %eq3A_415 : vector<16xi32>
    %mul3A_417 = arith.mulf %gather3A_376, %sub3A_403 : vector<16xf32>
    %sub3A_418 = arith.subf %gather3A_392, %mul3A_417 : vector<16xf32>
    %select_n3A_419 = arith.select %eq3A_416, %sub3A_418, %gather3A_392 : vector<16xi1>, vector<16xf32>
    %swap3A_420 = arith.constant 0 : index
    %swap3A_421 = tpu.vector_load %arg11[%swap3A_420] {strides = array<i32>} : memref<16xf32, #tpu.memory_space<vmem>>, vector<16xf32>,
    tpu.vector_store %arg11[%swap3A_420], %select_n3A_413 {strides = array<i32>} : memref<16xf32, #tpu.memory_space<vmem>>, vector<16xf32>,
    %swap3A_422 = arith.constant 0 : index
    %swap3A_423 = tpu.vector_load %arg10[%swap3A_422] {strides = array<i32>} : memref<16xf32, #tpu.memory_space<vmem>>, vector<16xf32>,
    tpu.vector_store %arg10[%swap3A_422], %select_n3A_419 {strides = array<i32>} : memref<16xf32, #tpu.memory_space<vmem>>, vector<16xf32>,
    %sub3A_424 = arith.subf %gather3A_370, %sub3A_403 : vector<16xf32>
    %mul3A_425 = arith.constant 7.000000e+00 : f32
    %mul3A_426 = vector.broadcast %mul3A_425 : f32 to vector<16xf32>
    %mul3A_427 = arith.mulf %mul3A_426, %sub3A_403 : vector<16xf32>
    %div3A_428 = arith.constant 1.000000e+00 : f32
    %div3A_429 = vector.broadcast %div3A_428 : f32 to vector<16xf32>
    %div3A_430 = arith.divf %div3A_429, %mul3A_427 : vector<16xf32>
    %dma_start3A_431 = arith.constant 0 : i32
    %dma_start3A_432 = tpu.memref_slice %arg2[%add3A_365, %dma_start3A_431] : memref<192x147456xf32, #tpu.memory_space<hbm>> -> memref<1x18432xf32, #tpu.memory_space<hbm>>
    %dma_start3A_433 = tpu.memref_squeeze %dma_start3A_432 : memref<1x18432xf32, #tpu.memory_space<hbm>> -> memref<18432xf32, #tpu.memory_space<hbm>>
    %dma_start3A_434 = arith.constant 0 : i32
    %dma_start3A_435 = tpu.memref_slice %arg2[%add3A_365, %dma_start3A_434] : memref<192x147456xf32, #tpu.memory_space<hbm>> -> memref<1x18432xf32, #tpu.memory_space<hbm>>
    %dma_start3A_436 = tpu.memref_squeeze %dma_start3A_435 : memref<1x18432xf32, #tpu.memory_space<hbm>> -> memref<18432xf32, #tpu.memory_space<hbm>>
    tpu.enqueue_dma source(%dma_start3A_436 : memref<18432xf32, #tpu.memory_space<hbm>>) target(%arg5 : memref<18432xf32, #tpu.memory_space<vmem>>) target_semaphore(%arg12 : memref<!tpu.dma_semaphore, #tpu.memory_space<semaphore_mem>>)
    %scan3A_437 = arith.constant 0 : i32
    %scan3A_438 = arith.constant 0 : i32
    %scan3A_439 = arith.constant 4 : i32
    %scan3A_440 = arith.addi %scan3A_438, %scan3A_439 : i32
    %scan3A_441 = arith.constant 1 : i32
    %scan3A_442 = scf.for %scan3A_550 = %scan3A_438 to %scan3A_440 step %scan3A_441 iter_args(%scan3A_551 = %scan3A_437) -> (i32)  : i32 {
      %mul3A_552 = arith.constant 2 : i32
      %mul3A_553 = arith.muli %mul3A_552, %scan3A_550 : i32
      %add3A_554 = arith.constant 0 : i32
      %add3A_555 = arith.addi %mul3A_553, %add3A_554 : i32
      %add3A_556 = arith.constant 1 : i32
      %add3A_557 = arith.addi %add3A_555, %add3A_556 : i32
      %lt3A = arith.constant 8 : i32
      %lt3A_558 = arith.cmpi slt, %add3A_557, %lt3A : i32
      %convert_element_type3A = arith.extui %lt3A_558 : i1 to i32
      %cond3A = arith.constant 0 : i32
      %cond3A_559 = arith.cmpi ne, %convert_element_type3A, %cond3A : i32
      scf.if %cond3A_559 {
        %add3A_611 = arith.constant 1 : i32
        %add3A_612 = arith.addi %add3A_555, %add3A_611 : i32
        %mul3A_613 = arith.constant 18432 : i32
        %mul3A_614 = arith.muli %add3A_612, %mul3A_613 : i32
        %dma_start3A_615 = tpu.memref_slice %arg2[%add3A_365, %mul3A_614] : memref<192x147456xf32, #tpu.memory_space<hbm>> -> memref<1x18432xf32, #tpu.memory_space<hbm>>
        %dma_start3A_616 = tpu.memref_squeeze %dma_start3A_615 : memref<1x18432xf32, #tpu.memory_space<hbm>> -> memref<18432xf32, #tpu.memory_space<hbm>>
        %dma_start3A_617 = tpu.memref_slice %arg2[%add3A_365, %mul3A_614] : memref<192x147456xf32, #tpu.memory_space<hbm>> -> memref<1x18432xf32, #tpu.memory_space<hbm>>
        %dma_start3A_618 = tpu.memref_squeeze %dma_start3A_617 : memref<1x18432xf32, #tpu.memory_space<hbm>> -> memref<18432xf32, #tpu.memory_space<hbm>>
        tpu.enqueue_dma source(%dma_start3A_618 : memref<18432xf32, #tpu.memory_space<hbm>>) target(%arg6 : memref<18432xf32, #tpu.memory_space<vmem>>) target_semaphore(%arg13 : memref<!tpu.dma_semaphore, #tpu.memory_space<semaphore_mem>>)
      } else {
      }
      %mul3A_560 = arith.constant 18432 : i32
      %mul3A_561 = arith.muli %add3A_555, %mul3A_560 : i32
      %dma_wait3A_562 = tpu.memref_slice %arg2[%add3A_365, %mul3A_561] : memref<192x147456xf32, #tpu.memory_space<hbm>> -> memref<1x18432xf32, #tpu.memory_space<hbm>>
      %dma_wait3A_563 = tpu.memref_squeeze %dma_wait3A_562 : memref<1x18432xf32, #tpu.memory_space<hbm>> -> memref<18432xf32, #tpu.memory_space<hbm>>
      %dma_wait3A_564 = tpu.memref_slice %arg2[%add3A_365, %mul3A_561] : memref<192x147456xf32, #tpu.memory_space<hbm>> -> memref<1x18432xf32, #tpu.memory_space<hbm>>
      %dma_wait3A_565 = tpu.memref_squeeze %dma_wait3A_564 : memref<1x18432xf32, #tpu.memory_space<hbm>> -> memref<18432xf32, #tpu.memory_space<hbm>>
      tpu.wait_dma2 semaphore(%arg12 : memref<!tpu.dma_semaphore, #tpu.memory_space<semaphore_mem>>) src(%dma_wait3A_565 : memref<18432xf32, #tpu.memory_space<hbm>>) dst(%arg5 : memref<18432xf32, #tpu.memory_space<vmem>>)
      %ge3A_566 = arith.constant 2 : i32
      %ge3A_567 = arith.cmpi sge, %add3A_555, %ge3A_566 : i32
      %convert_element_type3A_568 = arith.extui %ge3A_567 : i1 to i32
      %cond3A_569 = arith.constant 0 : i32
      %cond3A_570 = arith.cmpi ne, %convert_element_type3A_568, %cond3A_569 : i32
      scf.if %cond3A_570 {
        %sub3A_611 = arith.constant 2 : i32
        %sub3A_612 = arith.subi %add3A_555, %sub3A_611 : i32
        %mul3A_613 = arith.constant 18432 : i32
        %mul3A_614 = arith.muli %sub3A_612, %mul3A_613 : i32
        %dma_wait3A_615 = tpu.memref_slice %arg4[%add3A_365, %mul3A_614] : memref<192x147456xf32, #tpu.memory_space<hbm>> -> memref<1x18432xf32, #tpu.memory_space<hbm>>
        %dma_wait3A_616 = tpu.memref_squeeze %dma_wait3A_615 : memref<1x18432xf32, #tpu.memory_space<hbm>> -> memref<18432xf32, #tpu.memory_space<hbm>>
        %dma_wait3A_617 = tpu.memref_slice %arg4[%add3A_365, %mul3A_614] : memref<192x147456xf32, #tpu.memory_space<hbm>> -> memref<1x18432xf32, #tpu.memory_space<hbm>>
        %dma_wait3A_618 = tpu.memref_squeeze %dma_wait3A_617 : memref<1x18432xf32, #tpu.memory_space<hbm>> -> memref<18432xf32, #tpu.memory_space<hbm>>
        tpu.wait_dma2 semaphore(%arg14 : memref<!tpu.dma_semaphore, #tpu.memory_space<semaphore_mem>>) src(%arg7 : memref<18432xf32, #tpu.memory_space<vmem>>) dst(%dma_wait3A_618 : memref<18432xf32, #tpu.memory_space<hbm>>)
      } else {
      }
      %parallel_loop3A = arith.constant 0 : i32
      %parallel_loop3A_571 = arith.constant 1152 : i32
      %parallel_loop3A_572 = arith.constant 1 : i32
      scf.for %parallel_loop3A_611 = %parallel_loop3A to %parallel_loop3A_571 step %parallel_loop3A_572  : i32 {
        %parallel_loop3A_612 = arith.constant 16 : i32
        %parallel_loop3A_613 = arith.muli %parallel_loop3A_611, %parallel_loop3A_612 : i32
        %parallel_loop3A_614 = arith.index_cast %parallel_loop3A_613 : i32 to index
        %parallel_loop3A_615 = tpu.vector_load %arg5[%parallel_loop3A_614] {strides = array<i32>} : memref<18432xf32, #tpu.memory_space<vmem>>, vector<16xf32>,
        %parallel_loop3A_616 = arith.subf %parallel_loop3A_615, %sub3A_424 : vector<16xf32>
        %parallel_loop3A_617 = arith.mulf %parallel_loop3A_616, %div3A_430 : vector<16xf32>
        %parallel_loop3A_618 = arith.constant 7.000000e+00 : f32
        %parallel_loop3A_619 = vector.broadcast %parallel_loop3A_618 : f32 to vector<16xf32>
        %parallel_loop3A_620 = arith.mulf %parallel_loop3A_617, %parallel_loop3A_619 : vector<16xf32>
        %parallel_loop3A_621 = arith.constant 0.000000e+00 : f32
        %parallel_loop3A_622 = vector.broadcast %parallel_loop3A_621 : f32 to vector<16xf32>
        %parallel_loop3A_623 = arith.maximumf %parallel_loop3A_617, %parallel_loop3A_622 : vector<16xf32>
        %parallel_loop3A_624 = arith.constant 1.001000e+00 : f32
        %parallel_loop3A_625 = vector.broadcast %parallel_loop3A_624 : f32 to vector<16xf32>
        %parallel_loop3A_626 = arith.minimumf %parallel_loop3A_623, %parallel_loop3A_625 : vector<16xf32>
        %parallel_loop3A_627 = arith.constant 7.000000e+00 : f32
        %parallel_loop3A_628 = vector.broadcast %parallel_loop3A_627 : f32 to vector<16xf32>
        %parallel_loop3A_629 = arith.mulf %parallel_loop3A_626, %parallel_loop3A_628 : vector<16xf32>
        %parallel_loop3A_630 = arith.fptosi %parallel_loop3A_629 : vector<16xf32> to vector<16xi32>
        %parallel_loop3A_631 = arith.sitofp %parallel_loop3A_630 : vector<16xi32> to vector<16xf32>
        %parallel_loop3A_632 = tpu.vector_load_idx %arg10[%parallel_loop3A_630] : memref<16xf32, #tpu.memory_space<vmem>>[vector<16xi32>], vector<16xf32>,
        %parallel_loop3A_633 = tpu.vector_load_idx %arg11[%parallel_loop3A_630] : memref<16xf32, #tpu.memory_space<vmem>>[vector<16xi32>], vector<16xf32>,
        %parallel_loop3A_634 = arith.subf %parallel_loop3A_620, %parallel_loop3A_631 : vector<16xf32>
        %parallel_loop3A_635 = arith.mulf %parallel_loop3A_634, %parallel_loop3A_633 : vector<16xf32>
        %parallel_loop3A_636 = arith.addf %parallel_loop3A_632, %parallel_loop3A_635 : vector<16xf32>
        %parallel_loop3A_637 = arith.index_cast %parallel_loop3A_613 : i32 to index
        %parallel_loop3A_638 = tpu.vector_load %arg7[%parallel_loop3A_637] {strides = array<i32>} : memref<18432xf32, #tpu.memory_space<vmem>>, vector<16xf32>,
        tpu.vector_store %arg7[%parallel_loop3A_637], %parallel_loop3A_636 {strides = array<i32>} : memref<18432xf32, #tpu.memory_space<vmem>>, vector<16xf32>,
      } {sc.loop_unroll_factor = 8 : i64, sc.parallel_access}
      %mul3A_573 = arith.constant 18432 : i32
      %mul3A_574 = arith.muli %add3A_555, %mul3A_573 : i32
      %dma_start3A_575 = tpu.memref_slice %arg4[%add3A_365, %mul3A_574] : memref<192x147456xf32, #tpu.memory_space<hbm>> -> memref<1x18432xf32, #tpu.memory_space<hbm>>
      %dma_start3A_576 = tpu.memref_squeeze %dma_start3A_575 : memref<1x18432xf32, #tpu.memory_space<hbm>> -> memref<18432xf32, #tpu.memory_space<hbm>>
      %dma_start3A_577 = tpu.memref_slice %arg4[%add3A_365, %mul3A_574] : memref<192x147456xf32, #tpu.memory_space<hbm>> -> memref<1x18432xf32, #tpu.memory_space<hbm>>
      %dma_start3A_578 = tpu.memref_squeeze %dma_start3A_577 : memref<1x18432xf32, #tpu.memory_space<hbm>> -> memref<18432xf32, #tpu.memory_space<hbm>>
      tpu.enqueue_dma source(%arg7 : memref<18432xf32, #tpu.memory_space<vmem>>) target(%dma_start3A_578 : memref<18432xf32, #tpu.memory_space<hbm>>) target_semaphore(%arg14 : memref<!tpu.dma_semaphore, #tpu.memory_space<semaphore_mem>>)
      %mul3A_579 = arith.constant 2 : i32
      %mul3A_580 = arith.muli %mul3A_579, %scan3A_550 : i32
      %add3A_581 = arith.constant 1 : i32
      %add3A_582 = arith.addi %mul3A_580, %add3A_581 : i32
      %add3A_583 = arith.constant 1 : i32
      %add3A_584 = arith.addi %add3A_582, %add3A_583 : i32
      %lt3A_585 = arith.constant 8 : i32
      %lt3A_586 = arith.cmpi slt, %add3A_584, %lt3A_585 : i32
      %convert_element_type3A_587 = arith.extui %lt3A_586 : i1 to i32
      %cond3A_588 = arith.constant 0 : i32
      %cond3A_589 = arith.cmpi ne, %convert_element_type3A_587, %cond3A_588 : i32
      scf.if %cond3A_589 {
        %add3A_611 = arith.constant 1 : i32
        %add3A_612 = arith.addi %add3A_582, %add3A_611 : i32
        %mul3A_613 = arith.constant 18432 : i32
        %mul3A_614 = arith.muli %add3A_612, %mul3A_613 : i32
        %dma_start3A_615 = tpu.memref_slice %arg2[%add3A_365, %mul3A_614] : memref<192x147456xf32, #tpu.memory_space<hbm>> -> memref<1x18432xf32, #tpu.memory_space<hbm>>
        %dma_start3A_616 = tpu.memref_squeeze %dma_start3A_615 : memref<1x18432xf32, #tpu.memory_space<hbm>> -> memref<18432xf32, #tpu.memory_space<hbm>>
        %dma_start3A_617 = tpu.memref_slice %arg2[%add3A_365, %mul3A_614] : memref<192x147456xf32, #tpu.memory_space<hbm>> -> memref<1x18432xf32, #tpu.memory_space<hbm>>
        %dma_start3A_618 = tpu.memref_squeeze %dma_start3A_617 : memref<1x18432xf32, #tpu.memory_space<hbm>> -> memref<18432xf32, #tpu.memory_space<hbm>>
        tpu.enqueue_dma source(%dma_start3A_618 : memref<18432xf32, #tpu.memory_space<hbm>>) target(%arg5 : memref<18432xf32, #tpu.memory_space<vmem>>) target_semaphore(%arg12 : memref<!tpu.dma_semaphore, #tpu.memory_space<semaphore_mem>>)
      } else {
      }
      %mul3A_590 = arith.constant 18432 : i32
      %mul3A_591 = arith.muli %add3A_582, %mul3A_590 : i32
      %dma_wait3A_592 = tpu.memref_slice %arg2[%add3A_365, %mul3A_591] : memref<192x147456xf32, #tpu.memory_space<hbm>> -> memref<1x18432xf32, #tpu.memory_space<hbm>>
      %dma_wait3A_593 = tpu.memref_squeeze %dma_wait3A_592 : memref<1x18432xf32, #tpu.memory_space<hbm>> -> memref<18432xf32, #tpu.memory_space<hbm>>
      %dma_wait3A_594 = tpu.memref_slice %arg2[%add3A_365, %mul3A_591] : memref<192x147456xf32, #tpu.memory_space<hbm>> -> memref<1x18432xf32, #tpu.memory_space<hbm>>
      %dma_wait3A_595 = tpu.memref_squeeze %dma_wait3A_594 : memref<1x18432xf32, #tpu.memory_space<hbm>> -> memref<18432xf32, #tpu.memory_space<hbm>>
      tpu.wait_dma2 semaphore(%arg13 : memref<!tpu.dma_semaphore, #tpu.memory_space<semaphore_mem>>) src(%dma_wait3A_595 : memref<18432xf32, #tpu.memory_space<hbm>>) dst(%arg6 : memref<18432xf32, #tpu.memory_space<vmem>>)
      %ge3A_596 = arith.constant 2 : i32
      %ge3A_597 = arith.cmpi sge, %add3A_582, %ge3A_596 : i32
      %convert_element_type3A_598 = arith.extui %ge3A_597 : i1 to i32
      %cond3A_599 = arith.constant 0 : i32
      %cond3A_600 = arith.cmpi ne, %convert_element_type3A_598, %cond3A_599 : i32
      scf.if %cond3A_600 {
        %sub3A_611 = arith.constant 2 : i32
        %sub3A_612 = arith.subi %add3A_582, %sub3A_611 : i32
        %mul3A_613 = arith.constant 18432 : i32
        %mul3A_614 = arith.muli %sub3A_612, %mul3A_613 : i32
        %dma_wait3A_615 = tpu.memref_slice %arg4[%add3A_365, %mul3A_614] : memref<192x147456xf32, #tpu.memory_space<hbm>> -> memref<1x18432xf32, #tpu.memory_space<hbm>>
        %dma_wait3A_616 = tpu.memref_squeeze %dma_wait3A_615 : memref<1x18432xf32, #tpu.memory_space<hbm>> -> memref<18432xf32, #tpu.memory_space<hbm>>
        %dma_wait3A_617 = tpu.memref_slice %arg4[%add3A_365, %mul3A_614] : memref<192x147456xf32, #tpu.memory_space<hbm>> -> memref<1x18432xf32, #tpu.memory_space<hbm>>
        %dma_wait3A_618 = tpu.memref_squeeze %dma_wait3A_617 : memref<1x18432xf32, #tpu.memory_space<hbm>> -> memref<18432xf32, #tpu.memory_space<hbm>>
        tpu.wait_dma2 semaphore(%arg15 : memref<!tpu.dma_semaphore, #tpu.memory_space<semaphore_mem>>) src(%arg8 : memref<18432xf32, #tpu.memory_space<vmem>>) dst(%dma_wait3A_618 : memref<18432xf32, #tpu.memory_space<hbm>>)
      } else {
      }
      %parallel_loop3A_601 = arith.constant 0 : i32
      %parallel_loop3A_602 = arith.constant 1152 : i32
      %parallel_loop3A_603 = arith.constant 1 : i32
      scf.for %parallel_loop3A_611 = %parallel_loop3A_601 to %parallel_loop3A_602 step %parallel_loop3A_603  : i32 {
        %parallel_loop3A_612 = arith.constant 16 : i32
        %parallel_loop3A_613 = arith.muli %parallel_loop3A_611, %parallel_loop3A_612 : i32
        %parallel_loop3A_614 = arith.index_cast %parallel_loop3A_613 : i32 to index
        %parallel_loop3A_615 = tpu.vector_load %arg6[%parallel_loop3A_614] {strides = array<i32>} : memref<18432xf32, #tpu.memory_space<vmem>>, vector<16xf32>,
        %parallel_loop3A_616 = arith.subf %parallel_loop3A_615, %sub3A_424 : vector<16xf32>
        %parallel_loop3A_617 = arith.mulf %parallel_loop3A_616, %div3A_430 : vector<16xf32>
        %parallel_loop3A_618 = arith.constant 7.000000e+00 : f32
        %parallel_loop3A_619 = vector.broadcast %parallel_loop3A_618 : f32 to vector<16xf32>
        %parallel_loop3A_620 = arith.mulf %parallel_loop3A_617, %parallel_loop3A_619 : vector<16xf32>
        %parallel_loop3A_621 = arith.constant 0.000000e+00 : f32
        %parallel_loop3A_622 = vector.broadcast %parallel_loop3A_621 : f32 to vector<16xf32>
        %parallel_loop3A_623 = arith.maximumf %parallel_loop3A_617, %parallel_loop3A_622 : vector<16xf32>
        %parallel_loop3A_624 = arith.constant 1.001000e+00 : f32
        %parallel_loop3A_625 = vector.broadcast %parallel_loop3A_624 : f32 to vector<16xf32>
        %parallel_loop3A_626 = arith.minimumf %parallel_loop3A_623, %parallel_loop3A_625 : vector<16xf32>
        %parallel_loop3A_627 = arith.constant 7.000000e+00 : f32
        %parallel_loop3A_628 = vector.broadcast %parallel_loop3A_627 : f32 to vector<16xf32>
        %parallel_loop3A_629 = arith.mulf %parallel_loop3A_626, %parallel_loop3A_628 : vector<16xf32>
        %parallel_loop3A_630 = arith.fptosi %parallel_loop3A_629 : vector<16xf32> to vector<16xi32>
        %parallel_loop3A_631 = arith.sitofp %parallel_loop3A_630 : vector<16xi32> to vector<16xf32>
        %parallel_loop3A_632 = tpu.vector_load_idx %arg10[%parallel_loop3A_630] : memref<16xf32, #tpu.memory_space<vmem>>[vector<16xi32>], vector<16xf32>,
        %parallel_loop3A_633 = tpu.vector_load_idx %arg11[%parallel_loop3A_630] : memref<16xf32, #tpu.memory_space<vmem>>[vector<16xi32>], vector<16xf32>,
        %parallel_loop3A_634 = arith.subf %parallel_loop3A_620, %parallel_loop3A_631 : vector<16xf32>
        %parallel_loop3A_635 = arith.mulf %parallel_loop3A_634, %parallel_loop3A_633 : vector<16xf32>
        %parallel_loop3A_636 = arith.addf %parallel_loop3A_632, %parallel_loop3A_635 : vector<16xf32>
        %parallel_loop3A_637 = arith.index_cast %parallel_loop3A_613 : i32 to index
        %parallel_loop3A_638 = tpu.vector_load %arg8[%parallel_loop3A_637] {strides = array<i32>} : memref<18432xf32, #tpu.memory_space<vmem>>, vector<16xf32>,
        tpu.vector_store %arg8[%parallel_loop3A_637], %parallel_loop3A_636 {strides = array<i32>} : memref<18432xf32, #tpu.memory_space<vmem>>, vector<16xf32>,
      } {sc.loop_unroll_factor = 8 : i64, sc.parallel_access}
      %mul3A_604 = arith.constant 18432 : i32
      %mul3A_605 = arith.muli %add3A_582, %mul3A_604 : i32
      %dma_start3A_606 = tpu.memref_slice %arg4[%add3A_365, %mul3A_605] : memref<192x147456xf32, #tpu.memory_space<hbm>> -> memref<1x18432xf32, #tpu.memory_space<hbm>>
      %dma_start3A_607 = tpu.memref_squeeze %dma_start3A_606 : memref<1x18432xf32, #tpu.memory_space<hbm>> -> memref<18432xf32, #tpu.memory_space<hbm>>
      %dma_start3A_608 = tpu.memref_slice %arg4[%add3A_365, %mul3A_605] : memref<192x147456xf32, #tpu.memory_space<hbm>> -> memref<1x18432xf32, #tpu.memory_space<hbm>>
      %dma_start3A_609 = tpu.memref_squeeze %dma_start3A_608 : memref<1x18432xf32, #tpu.memory_space<hbm>> -> memref<18432xf32, #tpu.memory_space<hbm>>
      tpu.enqueue_dma source(%arg8 : memref<18432xf32, #tpu.memory_space<vmem>>) target(%dma_start3A_609 : memref<18432xf32, #tpu.memory_space<hbm>>) target_semaphore(%arg15 : memref<!tpu.dma_semaphore, #tpu.memory_space<semaphore_mem>>)
      %scan3A_610 = arith.constant 0 : i32
      scf.yield %scan3A_610 : i32
    }
    %scan3A_443 = arith.constant 4 : i32
    %dma_wait3A_444 = arith.constant 110592 : i32
    %dma_wait3A_445 = tpu.memref_slice %arg4[%add3A_365, %dma_wait3A_444] : memref<192x147456xf32, #tpu.memory_space<hbm>> -> memref<1x18432xf32, #tpu.memory_space<hbm>>
    %dma_wait3A_446 = tpu.memref_squeeze %dma_wait3A_445 : memref<1x18432xf32, #tpu.memory_space<hbm>> -> memref<18432xf32, #tpu.memory_space<hbm>>
    %dma_wait3A_447 = arith.constant 110592 : i32
    %dma_wait3A_448 = tpu.memref_slice %arg4[%add3A_365, %dma_wait3A_447] : memref<192x147456xf32, #tpu.memory_space<hbm>> -> memref<1x18432xf32, #tpu.memory_space<hbm>>
    %dma_wait3A_449 = tpu.memref_squeeze %dma_wait3A_448 : memref<1x18432xf32, #tpu.memory_space<hbm>> -> memref<18432xf32, #tpu.memory_space<hbm>>
    tpu.wait_dma2 semaphore(%arg14 : memref<!tpu.dma_semaphore, #tpu.memory_space<semaphore_mem>>) src(%arg7 : memref<18432xf32, #tpu.memory_space<vmem>>) dst(%dma_wait3A_449 : memref<18432xf32, #tpu.memory_space<hbm>>)
    %dma_wait3A_450 = arith.constant 129024 : i32
    %dma_wait3A_451 = tpu.memref_slice %arg4[%add3A_365, %dma_wait3A_450] : memref<192x147456xf32, #tpu.memory_space<hbm>> -> memref<1x18432xf32, #tpu.memory_space<hbm>>
    %dma_wait3A_452 = tpu.memref_squeeze %dma_wait3A_451 : memref<1x18432xf32, #tpu.memory_space<hbm>> -> memref<18432xf32, #tpu.memory_space<hbm>>
    %dma_wait3A_453 = arith.constant 129024 : i32
    %dma_wait3A_454 = tpu.memref_slice %arg4[%add3A_365, %dma_wait3A_453] : memref<192x147456xf32, #tpu.memory_space<hbm>> -> memref<1x18432xf32, #tpu.memory_space<hbm>>
    %dma_wait3A_455 = tpu.memref_squeeze %dma_wait3A_454 : memref<1x18432xf32, #tpu.memory_space<hbm>> -> memref<18432xf32, #tpu.memory_space<hbm>>
    tpu.wait_dma2 semaphore(%arg15 : memref<!tpu.dma_semaphore, #tpu.memory_space<semaphore_mem>>) src(%arg8 : memref<18432xf32, #tpu.memory_space<vmem>>) dst(%dma_wait3A_455 : memref<18432xf32, #tpu.memory_space<hbm>>)
    %mul3A_456 = arith.constant 6 : i32
    %mul3A_457 = arith.muli %add3A, %mul3A_456 : i32
    %add3A_458 = arith.constant 5 : i32
    %add3A_459 = arith.addi %mul3A_457, %add3A_458 : i32
    %rem3A_460 = arith.constant 96 : i32
    %rem3A_461 = arith.remsi %add3A_459, %rem3A_460 : i32
    "tpu.region"() ({
      %run_scoped3A = tpu.sem_alloc : memref<!tpu.dma_semaphore, #tpu.memory_space<semaphore_mem>>
      %dma_start3A_550 = arith.constant 0 : i32
      %dma_start3A_551 = tpu.memref_slice %arg3[%rem3A_461, %dma_start3A_550] : memref<96x16xf32, #tpu.memory_space<hbm>> -> memref<1x16xf32, #tpu.memory_space<hbm>>
      %dma_start3A_552 = tpu.memref_squeeze %dma_start3A_551 : memref<1x16xf32, #tpu.memory_space<hbm>> -> memref<16xf32, #tpu.memory_space<hbm>>
      %dma_start3A_553 = arith.constant 0 : i32
      %dma_start3A_554 = tpu.memref_slice %arg3[%rem3A_461, %dma_start3A_553] : memref<96x16xf32, #tpu.memory_space<hbm>> -> memref<1x16xf32, #tpu.memory_space<hbm>>
      %dma_start3A_555 = tpu.memref_squeeze %dma_start3A_554 : memref<1x16xf32, #tpu.memory_space<hbm>> -> memref<16xf32, #tpu.memory_space<hbm>>
      tpu.enqueue_dma source(%dma_start3A_555 : memref<16xf32, #tpu.memory_space<hbm>>) target(%arg9 : memref<16xf32, #tpu.memory_space<vmem>>) target_semaphore(%run_scoped3A : memref<!tpu.dma_semaphore, #tpu.memory_space<semaphore_mem>>)
      %dma_wait3A_556 = arith.constant 0 : i32
      %dma_wait3A_557 = tpu.memref_slice %arg3[%rem3A_461, %dma_wait3A_556] : memref<96x16xf32, #tpu.memory_space<hbm>> -> memref<1x16xf32, #tpu.memory_space<hbm>>
      %dma_wait3A_558 = tpu.memref_squeeze %dma_wait3A_557 : memref<1x16xf32, #tpu.memory_space<hbm>> -> memref<16xf32, #tpu.memory_space<hbm>>
      %dma_wait3A_559 = arith.constant 0 : i32
      %dma_wait3A_560 = tpu.memref_slice %arg3[%rem3A_461, %dma_wait3A_559] : memref<96x16xf32, #tpu.memory_space<hbm>> -> memref<1x16xf32, #tpu.memory_space<hbm>>
      %dma_wait3A_561 = tpu.memref_squeeze %dma_wait3A_560 : memref<1x16xf32, #tpu.memory_space<hbm>> -> memref<16xf32, #tpu.memory_space<hbm>>
      tpu.wait_dma2 semaphore(%run_scoped3A : memref<!tpu.dma_semaphore, #tpu.memory_space<semaphore_mem>>) src(%dma_wait3A_561 : memref<16xf32, #tpu.memory_space<hbm>>) dst(%arg9 : memref<16xf32, #tpu.memory_space<vmem>>)
      tpu.yield
    }) : () -> ()
    %broadcast_in_dim3A_462 = arith.constant 0 : i32
    %broadcast_in_dim3A_463 = vector.broadcast %broadcast_in_dim3A_462 : i32 to vector<16xi32>
    %gather3A_464 = tpu.vector_load_idx %arg9[%broadcast_in_dim3A_463] : memref<16xf32, #tpu.memory_space<vmem>>[vector<16xi32>], vector<16xf32>,
    %broadcast_in_dim3A_465 = arith.constant 1 : i32
    %broadcast_in_dim3A_466 = vector.broadcast %broadcast_in_dim3A_465 : i32 to vector<16xi32>
    %gather3A_467 = tpu.vector_load_idx %arg9[%broadcast_in_dim3A_466] : memref<16xf32, #tpu.memory_space<vmem>>[vector<16xi32>], vector<16xf32>,
    %broadcast_in_dim3A_468 = arith.constant 2 : i32
    %broadcast_in_dim3A_469 = vector.broadcast %broadcast_in_dim3A_468 : i32 to vector<16xi32>
    %gather3A_470 = tpu.vector_load_idx %arg9[%broadcast_in_dim3A_469] : memref<16xf32, #tpu.memory_space<vmem>>[vector<16xi32>], vector<16xf32>,
    %broadcast_in_dim3A_471 = arith.constant 3 : i32
    %broadcast_in_dim3A_472 = vector.broadcast %broadcast_in_dim3A_471 : i32 to vector<16xi32>
    %gather3A_473 = tpu.vector_load_idx %arg9[%broadcast_in_dim3A_472] : memref<16xf32, #tpu.memory_space<vmem>>[vector<16xi32>], vector<16xf32>,
    %sub3A_474 = arith.constant 1 : i32
    %sub3A_475 = vector.broadcast %sub3A_474 : i32 to vector<16xi32>
    %sub3A_476 = arith.subi %iota3A, %sub3A_475 : vector<16xi32>
    %jit3A_477 = arith.constant 0 : i32
    %jit3A_478 = arith.constant 6 : i32
    %max3A_479 = vector.broadcast %jit3A_477 : i32 to vector<16xi32>
    %max3A_480 = arith.maxsi %max3A_479, %sub3A_476 : vector<16xi32>
    %min3A_481 = vector.broadcast %jit3A_478 : i32 to vector<16xi32>
    %min3A_482 = arith.minsi %min3A_481, %max3A_480 : vector<16xi32>
    %add3A_483 = arith.constant 4 : i32
    %add3A_484 = vector.broadcast %add3A_483 : i32 to vector<16xi32>
    %add3A_485 = arith.addi %min3A_482, %add3A_484 : vector<16xi32>
    %gather3A_486 = tpu.vector_load_idx %arg9[%add3A_485] : memref<16xf32, #tpu.memory_space<vmem>>[vector<16xi32>], vector<16xf32>,
    %jit3A_487 = arith.constant 0 : i32
    %jit3A_488 = arith.constant 6 : i32
    %max3A_489 = vector.broadcast %jit3A_487 : i32 to vector<16xi32>
    %max3A_490 = arith.maxsi %max3A_489, %iota3A : vector<16xi32>
    %min3A_491 = vector.broadcast %jit3A_488 : i32 to vector<16xi32>
    %min3A_492 = arith.minsi %min3A_491, %max3A_490 : vector<16xi32>
    %add3A_493 = arith.constant 4 : i32
    %add3A_494 = vector.broadcast %add3A_493 : i32 to vector<16xi32>
    %add3A_495 = arith.addi %min3A_492, %add3A_494 : vector<16xi32>
    %gather3A_496 = tpu.vector_load_idx %arg9[%add3A_495] : memref<16xf32, #tpu.memory_space<vmem>>[vector<16xi32>], vector<16xf32>,
    %sub3A_497 = arith.subf %gather3A_467, %gather3A_464 : vector<16xf32>
    %sub3A_498 = arith.subf %gather3A_496, %gather3A_486 : vector<16xf32>
    %div3A_499 = arith.divf %sub3A_498, %sub3A_497 : vector<16xf32>
    %eq3A_500 = arith.constant 0 : i32
    %eq3A_501 = vector.broadcast %eq3A_500 : i32 to vector<16xi32>
    %eq3A_502 = arith.cmpi eq, %iota3A, %eq3A_501 : vector<16xi32>
    %ge3A_503 = arith.constant 7 : i32
    %ge3A_504 = vector.broadcast %ge3A_503 : i32 to vector<16xi32>
    %ge3A_505 = arith.cmpi sge, %iota3A, %ge3A_504 : vector<16xi32>
    %select_n3A_506 = arith.select %ge3A_505, %gather3A_473, %div3A_499 : vector<16xi1>, vector<16xf32>
    %select_n3A_507 = arith.select %eq3A_502, %gather3A_470, %select_n3A_506 : vector<16xi1>, vector<16xf32>
    %eq3A_508 = arith.constant 0 : i32
    %eq3A_509 = vector.broadcast %eq3A_508 : i32 to vector<16xi32>
    %eq3A_510 = arith.cmpi eq, %iota3A, %eq3A_509 : vector<16xi32>
    %mul3A_511 = arith.mulf %gather3A_470, %sub3A_497 : vector<16xf32>
    %sub3A_512 = arith.subf %gather3A_486, %mul3A_511 : vector<16xf32>
    %select_n3A_513 = arith.select %eq3A_510, %sub3A_512, %gather3A_486 : vector<16xi1>, vector<16xf32>
    %swap3A_514 = arith.constant 0 : index
    %swap3A_515 = tpu.vector_load %arg11[%swap3A_514] {strides = array<i32>} : memref<16xf32, #tpu.memory_space<vmem>>, vector<16xf32>,
    tpu.vector_store %arg11[%swap3A_514], %select_n3A_507 {strides = array<i32>} : memref<16xf32, #tpu.memory_space<vmem>>, vector<16xf32>,
    %swap3A_516 = arith.constant 0 : index
    %swap3A_517 = tpu.vector_load %arg10[%swap3A_516] {strides = array<i32>} : memref<16xf32, #tpu.memory_space<vmem>>, vector<16xf32>,
    tpu.vector_store %arg10[%swap3A_516], %select_n3A_513 {strides = array<i32>} : memref<16xf32, #tpu.memory_space<vmem>>, vector<16xf32>,
    %sub3A_518 = arith.subf %gather3A_464, %sub3A_497 : vector<16xf32>
    %mul3A_519 = arith.constant 7.000000e+00 : f32
    %mul3A_520 = vector.broadcast %mul3A_519 : f32 to vector<16xf32>
    %mul3A_521 = arith.mulf %mul3A_520, %sub3A_497 : vector<16xf32>
    %div3A_522 = arith.constant 1.000000e+00 : f32
    %div3A_523 = vector.broadcast %div3A_522 : f32 to vector<16xf32>
    %div3A_524 = arith.divf %div3A_523, %mul3A_521 : vector<16xf32>
    %dma_start3A_525 = arith.constant 0 : i32
    %dma_start3A_526 = tpu.memref_slice %arg2[%add3A_459, %dma_start3A_525] : memref<192x147456xf32, #tpu.memory_space<hbm>> -> memref<1x18432xf32, #tpu.memory_space<hbm>>
    %dma_start3A_527 = tpu.memref_squeeze %dma_start3A_526 : memref<1x18432xf32, #tpu.memory_space<hbm>> -> memref<18432xf32, #tpu.memory_space<hbm>>
    %dma_start3A_528 = arith.constant 0 : i32
    %dma_start3A_529 = tpu.memref_slice %arg2[%add3A_459, %dma_start3A_528] : memref<192x147456xf32, #tpu.memory_space<hbm>> -> memref<1x18432xf32, #tpu.memory_space<hbm>>
    %dma_start3A_530 = tpu.memref_squeeze %dma_start3A_529 : memref<1x18432xf32, #tpu.memory_space<hbm>> -> memref<18432xf32, #tpu.memory_space<hbm>>
    tpu.enqueue_dma source(%dma_start3A_530 : memref<18432xf32, #tpu.memory_space<hbm>>) target(%arg5 : memref<18432xf32, #tpu.memory_space<vmem>>) target_semaphore(%arg12 : memref<!tpu.dma_semaphore, #tpu.memory_space<semaphore_mem>>)
    %scan3A_531 = arith.constant 0 : i32
    %scan3A_532 = arith.constant 0 : i32
    %scan3A_533 = arith.constant 4 : i32
    %scan3A_534 = arith.addi %scan3A_532, %scan3A_533 : i32
    %scan3A_535 = arith.constant 1 : i32
    %scan3A_536 = scf.for %scan3A_550 = %scan3A_532 to %scan3A_534 step %scan3A_535 iter_args(%scan3A_551 = %scan3A_531) -> (i32)  : i32 {
      %mul3A_552 = arith.constant 2 : i32
      %mul3A_553 = arith.muli %mul3A_552, %scan3A_550 : i32
      %add3A_554 = arith.constant 0 : i32
      %add3A_555 = arith.addi %mul3A_553, %add3A_554 : i32
      %add3A_556 = arith.constant 1 : i32
      %add3A_557 = arith.addi %add3A_555, %add3A_556 : i32
      %lt3A = arith.constant 8 : i32
      %lt3A_558 = arith.cmpi slt, %add3A_557, %lt3A : i32
      %convert_element_type3A = arith.extui %lt3A_558 : i1 to i32
      %cond3A = arith.constant 0 : i32
      %cond3A_559 = arith.cmpi ne, %convert_element_type3A, %cond3A : i32
      scf.if %cond3A_559 {
        %add3A_611 = arith.constant 1 : i32
        %add3A_612 = arith.addi %add3A_555, %add3A_611 : i32
        %mul3A_613 = arith.constant 18432 : i32
        %mul3A_614 = arith.muli %add3A_612, %mul3A_613 : i32
        %dma_start3A_615 = tpu.memref_slice %arg2[%add3A_459, %mul3A_614] : memref<192x147456xf32, #tpu.memory_space<hbm>> -> memref<1x18432xf32, #tpu.memory_space<hbm>>
        %dma_start3A_616 = tpu.memref_squeeze %dma_start3A_615 : memref<1x18432xf32, #tpu.memory_space<hbm>> -> memref<18432xf32, #tpu.memory_space<hbm>>
        %dma_start3A_617 = tpu.memref_slice %arg2[%add3A_459, %mul3A_614] : memref<192x147456xf32, #tpu.memory_space<hbm>> -> memref<1x18432xf32, #tpu.memory_space<hbm>>
        %dma_start3A_618 = tpu.memref_squeeze %dma_start3A_617 : memref<1x18432xf32, #tpu.memory_space<hbm>> -> memref<18432xf32, #tpu.memory_space<hbm>>
        tpu.enqueue_dma source(%dma_start3A_618 : memref<18432xf32, #tpu.memory_space<hbm>>) target(%arg6 : memref<18432xf32, #tpu.memory_space<vmem>>) target_semaphore(%arg13 : memref<!tpu.dma_semaphore, #tpu.memory_space<semaphore_mem>>)
      } else {
      }
      %mul3A_560 = arith.constant 18432 : i32
      %mul3A_561 = arith.muli %add3A_555, %mul3A_560 : i32
      %dma_wait3A_562 = tpu.memref_slice %arg2[%add3A_459, %mul3A_561] : memref<192x147456xf32, #tpu.memory_space<hbm>> -> memref<1x18432xf32, #tpu.memory_space<hbm>>
      %dma_wait3A_563 = tpu.memref_squeeze %dma_wait3A_562 : memref<1x18432xf32, #tpu.memory_space<hbm>> -> memref<18432xf32, #tpu.memory_space<hbm>>
      %dma_wait3A_564 = tpu.memref_slice %arg2[%add3A_459, %mul3A_561] : memref<192x147456xf32, #tpu.memory_space<hbm>> -> memref<1x18432xf32, #tpu.memory_space<hbm>>
      %dma_wait3A_565 = tpu.memref_squeeze %dma_wait3A_564 : memref<1x18432xf32, #tpu.memory_space<hbm>> -> memref<18432xf32, #tpu.memory_space<hbm>>
      tpu.wait_dma2 semaphore(%arg12 : memref<!tpu.dma_semaphore, #tpu.memory_space<semaphore_mem>>) src(%dma_wait3A_565 : memref<18432xf32, #tpu.memory_space<hbm>>) dst(%arg5 : memref<18432xf32, #tpu.memory_space<vmem>>)
      %ge3A_566 = arith.constant 2 : i32
      %ge3A_567 = arith.cmpi sge, %add3A_555, %ge3A_566 : i32
      %convert_element_type3A_568 = arith.extui %ge3A_567 : i1 to i32
      %cond3A_569 = arith.constant 0 : i32
      %cond3A_570 = arith.cmpi ne, %convert_element_type3A_568, %cond3A_569 : i32
      scf.if %cond3A_570 {
        %sub3A_611 = arith.constant 2 : i32
        %sub3A_612 = arith.subi %add3A_555, %sub3A_611 : i32
        %mul3A_613 = arith.constant 18432 : i32
        %mul3A_614 = arith.muli %sub3A_612, %mul3A_613 : i32
        %dma_wait3A_615 = tpu.memref_slice %arg4[%add3A_459, %mul3A_614] : memref<192x147456xf32, #tpu.memory_space<hbm>> -> memref<1x18432xf32, #tpu.memory_space<hbm>>
        %dma_wait3A_616 = tpu.memref_squeeze %dma_wait3A_615 : memref<1x18432xf32, #tpu.memory_space<hbm>> -> memref<18432xf32, #tpu.memory_space<hbm>>
        %dma_wait3A_617 = tpu.memref_slice %arg4[%add3A_459, %mul3A_614] : memref<192x147456xf32, #tpu.memory_space<hbm>> -> memref<1x18432xf32, #tpu.memory_space<hbm>>
        %dma_wait3A_618 = tpu.memref_squeeze %dma_wait3A_617 : memref<1x18432xf32, #tpu.memory_space<hbm>> -> memref<18432xf32, #tpu.memory_space<hbm>>
        tpu.wait_dma2 semaphore(%arg14 : memref<!tpu.dma_semaphore, #tpu.memory_space<semaphore_mem>>) src(%arg7 : memref<18432xf32, #tpu.memory_space<vmem>>) dst(%dma_wait3A_618 : memref<18432xf32, #tpu.memory_space<hbm>>)
      } else {
      }
      %parallel_loop3A = arith.constant 0 : i32
      %parallel_loop3A_571 = arith.constant 1152 : i32
      %parallel_loop3A_572 = arith.constant 1 : i32
      scf.for %parallel_loop3A_611 = %parallel_loop3A to %parallel_loop3A_571 step %parallel_loop3A_572  : i32 {
        %parallel_loop3A_612 = arith.constant 16 : i32
        %parallel_loop3A_613 = arith.muli %parallel_loop3A_611, %parallel_loop3A_612 : i32
        %parallel_loop3A_614 = arith.index_cast %parallel_loop3A_613 : i32 to index
        %parallel_loop3A_615 = tpu.vector_load %arg5[%parallel_loop3A_614] {strides = array<i32>} : memref<18432xf32, #tpu.memory_space<vmem>>, vector<16xf32>,
        %parallel_loop3A_616 = arith.subf %parallel_loop3A_615, %sub3A_518 : vector<16xf32>
        %parallel_loop3A_617 = arith.mulf %parallel_loop3A_616, %div3A_524 : vector<16xf32>
        %parallel_loop3A_618 = arith.constant 7.000000e+00 : f32
        %parallel_loop3A_619 = vector.broadcast %parallel_loop3A_618 : f32 to vector<16xf32>
        %parallel_loop3A_620 = arith.mulf %parallel_loop3A_617, %parallel_loop3A_619 : vector<16xf32>
        %parallel_loop3A_621 = arith.constant 0.000000e+00 : f32
        %parallel_loop3A_622 = vector.broadcast %parallel_loop3A_621 : f32 to vector<16xf32>
        %parallel_loop3A_623 = arith.maximumf %parallel_loop3A_617, %parallel_loop3A_622 : vector<16xf32>
        %parallel_loop3A_624 = arith.constant 1.001000e+00 : f32
        %parallel_loop3A_625 = vector.broadcast %parallel_loop3A_624 : f32 to vector<16xf32>
        %parallel_loop3A_626 = arith.minimumf %parallel_loop3A_623, %parallel_loop3A_625 : vector<16xf32>
        %parallel_loop3A_627 = arith.constant 7.000000e+00 : f32
        %parallel_loop3A_628 = vector.broadcast %parallel_loop3A_627 : f32 to vector<16xf32>
        %parallel_loop3A_629 = arith.mulf %parallel_loop3A_626, %parallel_loop3A_628 : vector<16xf32>
        %parallel_loop3A_630 = arith.fptosi %parallel_loop3A_629 : vector<16xf32> to vector<16xi32>
        %parallel_loop3A_631 = arith.sitofp %parallel_loop3A_630 : vector<16xi32> to vector<16xf32>
        %parallel_loop3A_632 = tpu.vector_load_idx %arg10[%parallel_loop3A_630] : memref<16xf32, #tpu.memory_space<vmem>>[vector<16xi32>], vector<16xf32>,
        %parallel_loop3A_633 = tpu.vector_load_idx %arg11[%parallel_loop3A_630] : memref<16xf32, #tpu.memory_space<vmem>>[vector<16xi32>], vector<16xf32>,
        %parallel_loop3A_634 = arith.subf %parallel_loop3A_620, %parallel_loop3A_631 : vector<16xf32>
        %parallel_loop3A_635 = arith.mulf %parallel_loop3A_634, %parallel_loop3A_633 : vector<16xf32>
        %parallel_loop3A_636 = arith.addf %parallel_loop3A_632, %parallel_loop3A_635 : vector<16xf32>
        %parallel_loop3A_637 = arith.index_cast %parallel_loop3A_613 : i32 to index
        %parallel_loop3A_638 = tpu.vector_load %arg7[%parallel_loop3A_637] {strides = array<i32>} : memref<18432xf32, #tpu.memory_space<vmem>>, vector<16xf32>,
        tpu.vector_store %arg7[%parallel_loop3A_637], %parallel_loop3A_636 {strides = array<i32>} : memref<18432xf32, #tpu.memory_space<vmem>>, vector<16xf32>,
      } {sc.loop_unroll_factor = 8 : i64, sc.parallel_access}
      %mul3A_573 = arith.constant 18432 : i32
      %mul3A_574 = arith.muli %add3A_555, %mul3A_573 : i32
      %dma_start3A_575 = tpu.memref_slice %arg4[%add3A_459, %mul3A_574] : memref<192x147456xf32, #tpu.memory_space<hbm>> -> memref<1x18432xf32, #tpu.memory_space<hbm>>
      %dma_start3A_576 = tpu.memref_squeeze %dma_start3A_575 : memref<1x18432xf32, #tpu.memory_space<hbm>> -> memref<18432xf32, #tpu.memory_space<hbm>>
      %dma_start3A_577 = tpu.memref_slice %arg4[%add3A_459, %mul3A_574] : memref<192x147456xf32, #tpu.memory_space<hbm>> -> memref<1x18432xf32, #tpu.memory_space<hbm>>
      %dma_start3A_578 = tpu.memref_squeeze %dma_start3A_577 : memref<1x18432xf32, #tpu.memory_space<hbm>> -> memref<18432xf32, #tpu.memory_space<hbm>>
      tpu.enqueue_dma source(%arg7 : memref<18432xf32, #tpu.memory_space<vmem>>) target(%dma_start3A_578 : memref<18432xf32, #tpu.memory_space<hbm>>) target_semaphore(%arg14 : memref<!tpu.dma_semaphore, #tpu.memory_space<semaphore_mem>>)
      %mul3A_579 = arith.constant 2 : i32
      %mul3A_580 = arith.muli %mul3A_579, %scan3A_550 : i32
      %add3A_581 = arith.constant 1 : i32
      %add3A_582 = arith.addi %mul3A_580, %add3A_581 : i32
      %add3A_583 = arith.constant 1 : i32
      %add3A_584 = arith.addi %add3A_582, %add3A_583 : i32
      %lt3A_585 = arith.constant 8 : i32
      %lt3A_586 = arith.cmpi slt, %add3A_584, %lt3A_585 : i32
      %convert_element_type3A_587 = arith.extui %lt3A_586 : i1 to i32
      %cond3A_588 = arith.constant 0 : i32
      %cond3A_589 = arith.cmpi ne, %convert_element_type3A_587, %cond3A_588 : i32
      scf.if %cond3A_589 {
        %add3A_611 = arith.constant 1 : i32
        %add3A_612 = arith.addi %add3A_582, %add3A_611 : i32
        %mul3A_613 = arith.constant 18432 : i32
        %mul3A_614 = arith.muli %add3A_612, %mul3A_613 : i32
        %dma_start3A_615 = tpu.memref_slice %arg2[%add3A_459, %mul3A_614] : memref<192x147456xf32, #tpu.memory_space<hbm>> -> memref<1x18432xf32, #tpu.memory_space<hbm>>
        %dma_start3A_616 = tpu.memref_squeeze %dma_start3A_615 : memref<1x18432xf32, #tpu.memory_space<hbm>> -> memref<18432xf32, #tpu.memory_space<hbm>>
        %dma_start3A_617 = tpu.memref_slice %arg2[%add3A_459, %mul3A_614] : memref<192x147456xf32, #tpu.memory_space<hbm>> -> memref<1x18432xf32, #tpu.memory_space<hbm>>
        %dma_start3A_618 = tpu.memref_squeeze %dma_start3A_617 : memref<1x18432xf32, #tpu.memory_space<hbm>> -> memref<18432xf32, #tpu.memory_space<hbm>>
        tpu.enqueue_dma source(%dma_start3A_618 : memref<18432xf32, #tpu.memory_space<hbm>>) target(%arg5 : memref<18432xf32, #tpu.memory_space<vmem>>) target_semaphore(%arg12 : memref<!tpu.dma_semaphore, #tpu.memory_space<semaphore_mem>>)
      } else {
      }
      %mul3A_590 = arith.constant 18432 : i32
      %mul3A_591 = arith.muli %add3A_582, %mul3A_590 : i32
      %dma_wait3A_592 = tpu.memref_slice %arg2[%add3A_459, %mul3A_591] : memref<192x147456xf32, #tpu.memory_space<hbm>> -> memref<1x18432xf32, #tpu.memory_space<hbm>>
      %dma_wait3A_593 = tpu.memref_squeeze %dma_wait3A_592 : memref<1x18432xf32, #tpu.memory_space<hbm>> -> memref<18432xf32, #tpu.memory_space<hbm>>
      %dma_wait3A_594 = tpu.memref_slice %arg2[%add3A_459, %mul3A_591] : memref<192x147456xf32, #tpu.memory_space<hbm>> -> memref<1x18432xf32, #tpu.memory_space<hbm>>
      %dma_wait3A_595 = tpu.memref_squeeze %dma_wait3A_594 : memref<1x18432xf32, #tpu.memory_space<hbm>> -> memref<18432xf32, #tpu.memory_space<hbm>>
      tpu.wait_dma2 semaphore(%arg13 : memref<!tpu.dma_semaphore, #tpu.memory_space<semaphore_mem>>) src(%dma_wait3A_595 : memref<18432xf32, #tpu.memory_space<hbm>>) dst(%arg6 : memref<18432xf32, #tpu.memory_space<vmem>>)
      %ge3A_596 = arith.constant 2 : i32
      %ge3A_597 = arith.cmpi sge, %add3A_582, %ge3A_596 : i32
      %convert_element_type3A_598 = arith.extui %ge3A_597 : i1 to i32
      %cond3A_599 = arith.constant 0 : i32
      %cond3A_600 = arith.cmpi ne, %convert_element_type3A_598, %cond3A_599 : i32
      scf.if %cond3A_600 {
        %sub3A_611 = arith.constant 2 : i32
        %sub3A_612 = arith.subi %add3A_582, %sub3A_611 : i32
        %mul3A_613 = arith.constant 18432 : i32
        %mul3A_614 = arith.muli %sub3A_612, %mul3A_613 : i32
        %dma_wait3A_615 = tpu.memref_slice %arg4[%add3A_459, %mul3A_614] : memref<192x147456xf32, #tpu.memory_space<hbm>> -> memref<1x18432xf32, #tpu.memory_space<hbm>>
        %dma_wait3A_616 = tpu.memref_squeeze %dma_wait3A_615 : memref<1x18432xf32, #tpu.memory_space<hbm>> -> memref<18432xf32, #tpu.memory_space<hbm>>
        %dma_wait3A_617 = tpu.memref_slice %arg4[%add3A_459, %mul3A_614] : memref<192x147456xf32, #tpu.memory_space<hbm>> -> memref<1x18432xf32, #tpu.memory_space<hbm>>
        %dma_wait3A_618 = tpu.memref_squeeze %dma_wait3A_617 : memref<1x18432xf32, #tpu.memory_space<hbm>> -> memref<18432xf32, #tpu.memory_space<hbm>>
        tpu.wait_dma2 semaphore(%arg15 : memref<!tpu.dma_semaphore, #tpu.memory_space<semaphore_mem>>) src(%arg8 : memref<18432xf32, #tpu.memory_space<vmem>>) dst(%dma_wait3A_618 : memref<18432xf32, #tpu.memory_space<hbm>>)
      } else {
      }
      %parallel_loop3A_601 = arith.constant 0 : i32
      %parallel_loop3A_602 = arith.constant 1152 : i32
      %parallel_loop3A_603 = arith.constant 1 : i32
      scf.for %parallel_loop3A_611 = %parallel_loop3A_601 to %parallel_loop3A_602 step %parallel_loop3A_603  : i32 {
        %parallel_loop3A_612 = arith.constant 16 : i32
        %parallel_loop3A_613 = arith.muli %parallel_loop3A_611, %parallel_loop3A_612 : i32
        %parallel_loop3A_614 = arith.index_cast %parallel_loop3A_613 : i32 to index
        %parallel_loop3A_615 = tpu.vector_load %arg6[%parallel_loop3A_614] {strides = array<i32>} : memref<18432xf32, #tpu.memory_space<vmem>>, vector<16xf32>,
        %parallel_loop3A_616 = arith.subf %parallel_loop3A_615, %sub3A_518 : vector<16xf32>
        %parallel_loop3A_617 = arith.mulf %parallel_loop3A_616, %div3A_524 : vector<16xf32>
        %parallel_loop3A_618 = arith.constant 7.000000e+00 : f32
        %parallel_loop3A_619 = vector.broadcast %parallel_loop3A_618 : f32 to vector<16xf32>
        %parallel_loop3A_620 = arith.mulf %parallel_loop3A_617, %parallel_loop3A_619 : vector<16xf32>
        %parallel_loop3A_621 = arith.constant 0.000000e+00 : f32
        %parallel_loop3A_622 = vector.broadcast %parallel_loop3A_621 : f32 to vector<16xf32>
        %parallel_loop3A_623 = arith.maximumf %parallel_loop3A_617, %parallel_loop3A_622 : vector<16xf32>
        %parallel_loop3A_624 = arith.constant 1.001000e+00 : f32
        %parallel_loop3A_625 = vector.broadcast %parallel_loop3A_624 : f32 to vector<16xf32>
        %parallel_loop3A_626 = arith.minimumf %parallel_loop3A_623, %parallel_loop3A_625 : vector<16xf32>
        %parallel_loop3A_627 = arith.constant 7.000000e+00 : f32
        %parallel_loop3A_628 = vector.broadcast %parallel_loop3A_627 : f32 to vector<16xf32>
        %parallel_loop3A_629 = arith.mulf %parallel_loop3A_626, %parallel_loop3A_628 : vector<16xf32>
        %parallel_loop3A_630 = arith.fptosi %parallel_loop3A_629 : vector<16xf32> to vector<16xi32>
        %parallel_loop3A_631 = arith.sitofp %parallel_loop3A_630 : vector<16xi32> to vector<16xf32>
        %parallel_loop3A_632 = tpu.vector_load_idx %arg10[%parallel_loop3A_630] : memref<16xf32, #tpu.memory_space<vmem>>[vector<16xi32>], vector<16xf32>,
        %parallel_loop3A_633 = tpu.vector_load_idx %arg11[%parallel_loop3A_630] : memref<16xf32, #tpu.memory_space<vmem>>[vector<16xi32>], vector<16xf32>,
        %parallel_loop3A_634 = arith.subf %parallel_loop3A_620, %parallel_loop3A_631 : vector<16xf32>
        %parallel_loop3A_635 = arith.mulf %parallel_loop3A_634, %parallel_loop3A_633 : vector<16xf32>
        %parallel_loop3A_636 = arith.addf %parallel_loop3A_632, %parallel_loop3A_635 : vector<16xf32>
        %parallel_loop3A_637 = arith.index_cast %parallel_loop3A_613 : i32 to index
        %parallel_loop3A_638 = tpu.vector_load %arg8[%parallel_loop3A_637] {strides = array<i32>} : memref<18432xf32, #tpu.memory_space<vmem>>, vector<16xf32>,
        tpu.vector_store %arg8[%parallel_loop3A_637], %parallel_loop3A_636 {strides = array<i32>} : memref<18432xf32, #tpu.memory_space<vmem>>, vector<16xf32>,
      } {sc.loop_unroll_factor = 8 : i64, sc.parallel_access}
      %mul3A_604 = arith.constant 18432 : i32
      %mul3A_605 = arith.muli %add3A_582, %mul3A_604 : i32
      %dma_start3A_606 = tpu.memref_slice %arg4[%add3A_459, %mul3A_605] : memref<192x147456xf32, #tpu.memory_space<hbm>> -> memref<1x18432xf32, #tpu.memory_space<hbm>>
      %dma_start3A_607 = tpu.memref_squeeze %dma_start3A_606 : memref<1x18432xf32, #tpu.memory_space<hbm>> -> memref<18432xf32, #tpu.memory_space<hbm>>
      %dma_start3A_608 = tpu.memref_slice %arg4[%add3A_459, %mul3A_605] : memref<192x147456xf32, #tpu.memory_space<hbm>> -> memref<1x18432xf32, #tpu.memory_space<hbm>>
      %dma_start3A_609 = tpu.memref_squeeze %dma_start3A_608 : memref<1x18432xf32, #tpu.memory_space<hbm>> -> memref<18432xf32, #tpu.memory_space<hbm>>
      tpu.enqueue_dma source(%arg8 : memref<18432xf32, #tpu.memory_space<vmem>>) target(%dma_start3A_609 : memref<18432xf32, #tpu.memory_space<hbm>>) target_semaphore(%arg15 : memref<!tpu.dma_semaphore, #tpu.memory_space<semaphore_mem>>)
      %scan3A_610 = arith.constant 0 : i32
      scf.yield %scan3A_610 : i32
    }
    %scan3A_537 = arith.constant 4 : i32
    %dma_wait3A_538 = arith.constant 110592 : i32
    %dma_wait3A_539 = tpu.memref_slice %arg4[%add3A_459, %dma_wait3A_538] : memref<192x147456xf32, #tpu.memory_space<hbm>> -> memref<1x18432xf32, #tpu.memory_space<hbm>>
    %dma_wait3A_540 = tpu.memref_squeeze %dma_wait3A_539 : memref<1x18432xf32, #tpu.memory_space<hbm>> -> memref<18432xf32, #tpu.memory_space<hbm>>
    %dma_wait3A_541 = arith.constant 110592 : i32
    %dma_wait3A_542 = tpu.memref_slice %arg4[%add3A_459, %dma_wait3A_541] : memref<192x147456xf32, #tpu.memory_space<hbm>> -> memref<1x18432xf32, #tpu.memory_space<hbm>>
    %dma_wait3A_543 = tpu.memref_squeeze %dma_wait3A_542 : memref<1x18432xf32, #tpu.memory_space<hbm>> -> memref<18432xf32, #tpu.memory_space<hbm>>
    tpu.wait_dma2 semaphore(%arg14 : memref<!tpu.dma_semaphore, #tpu.memory_space<semaphore_mem>>) src(%arg7 : memref<18432xf32, #tpu.memory_space<vmem>>) dst(%dma_wait3A_543 : memref<18432xf32, #tpu.memory_space<hbm>>)
    %dma_wait3A_544 = arith.constant 129024 : i32
    %dma_wait3A_545 = tpu.memref_slice %arg4[%add3A_459, %dma_wait3A_544] : memref<192x147456xf32, #tpu.memory_space<hbm>> -> memref<1x18432xf32, #tpu.memory_space<hbm>>
    %dma_wait3A_546 = tpu.memref_squeeze %dma_wait3A_545 : memref<1x18432xf32, #tpu.memory_space<hbm>> -> memref<18432xf32, #tpu.memory_space<hbm>>
    %dma_wait3A_547 = arith.constant 129024 : i32
    %dma_wait3A_548 = tpu.memref_slice %arg4[%add3A_459, %dma_wait3A_547] : memref<192x147456xf32, #tpu.memory_space<hbm>> -> memref<1x18432xf32, #tpu.memory_space<hbm>>
    %dma_wait3A_549 = tpu.memref_squeeze %dma_wait3A_548 : memref<1x18432xf32, #tpu.memory_space<hbm>> -> memref<18432xf32, #tpu.memory_space<hbm>>
    tpu.wait_dma2 semaphore(%arg15 : memref<!tpu.dma_semaphore, #tpu.memory_space<semaphore_mem>>) src(%arg8 : memref<18432xf32, #tpu.memory_space<vmem>>) dst(%dma_wait3A_549 : memref<18432xf32, #tpu.memory_space<hbm>>)
    return
  }
}

</mosaic_0001>

<sc_bundles>
// kernel: kernel.3.cloned.1.call-start
scs
__scs_entry_jumppad:
0x0: {  	(pc) =	sbr.rel $0x88, $3  }
0x1: {  	(tag) =	ssettag $0x0;
	lr =	simm.s32 $0x1  }
0x2: {  	[smem:$0x3F9C] =	sst lr;
	_ =	strace $0xD0000000  }
0x3: {  	_ = 	snop  }
0x4: {  	_ = 	snop  }
0x5: {  	_ = 	snop  }
0x6: {  	_ = 	snop  }
0x7: {  	_ = 	snop  }
__scs_overlays_trampoline_lowered:
0x8: {  	[smem:$0x3FAB] =	sst s0  }
0x9: {  	[smem:$0x3FAC] =	sst s1  }
0xa: {  	[smem:$0x3FAD] =	sst s2  }
0xb: {  	[smem:$0x3FAE] =	sst s3  }
0xc: {  	[smem:$0x3FAF] =	sst s4  }
0xd: {  	[smem:$0x3FB0] =	sst s5  }
0xe: {  	[smem:$0x3FB1] =	sst s6  }
0xf: {  	[smem:$0x3FB2] =	sst s7  }
0x10: {  	[smem:$0x3FB3] =	sst s8  }
0x11: {  	[smem:$0x3FB4] =	sst s9;
	s0 =	simm.s32 @!p0 $0x0  }
0x12: {  	s1 =	sld [smem:$0x3F9A];
	s0 =	simm.s32 @p0 $0x1  }
0x13: {  	[smem:$0x3FB5] =	sst s0;
	s0 =	simm.s32 @!p1 $0x0  }
0x14: {  	s2 =	sld [smem:$0x3F99];
	s0 =	simm.s32 @p1 $0x1  }
0x15: {  	[smem:$0x3FB6] =	sst s0;
	s0 =	simm.s32 @!p2 $0x0  }
0x16: {  	s3 =	sld [smem:$0x3FDB];
	s0 =	simm.s32 @p2 $0x1  }
0x17: {  	s4 =	simm.s32 $0x1BF5;
	[smem:$0x3FB8] =	sst s0  }
0x18: {  	s0 =	sld [smem:$0x3F9B];
	_ =	swait.ge [sflag:s4], $0x0  }
0x19: {  	s7 =	sld [smem:$0x3F9C]  }
0x1a: {  	s8 =	sadd.s32 $0xFFFFE003, lr  }
0x1b: {  	s9 =	sadd.s32 $0xFFFFFEF7, lr;
	s5 =	simm.s32 $0xFFFFFFFF;
	p2 =	slt.u32 s8, $0xFFFFF086  }
0x1c: {  	p1 =	slt.u32 s9, $0xF7A;
	s5 =	simm.s32 @!p2 $0x0  }
0x1d: {  	s5 =	simm.s32 @p1 $0x1;
	p0 =	seq.s32 s7, s2  }
0x1e: {  	s7 =	smul.u32 @!p0 $0xF7A, s2;
	p2 =	seq.s32 @!p0 s5, $0x0  }
0x1f: {  	s9 =	smul.u32 $0xF7A, s1;
	s8 =	simm.s32 @!p0 $0x1BF5;
	p2 =	por !p2, p0  }
0x20: {  	[sflag:s8] =	ssyncset.s32 @!p0 $0xFFFFF086;
	s6 =	sadd.s32 @!p0 s3, s7;
	s7 =	simm.s32 @!p0 $0x108  }
0x21: {  	s3 =	sadd.s32 s3, s9;
	s6 =	sadd.s32 @!p0 $0x88, s6;
	s7 =	simm.s32 @p2 $0x1082  }
0x22: {  	[simem:s7], [sflag:s8] =	dma.local @!p0 [hbm:s6], $0xF7A  }
0x23: {  	s9 =	sor.u32 $0xD0000000, s2;
	s6 =	simm.s32 $0x108;
	_ =	swait.ge @!p0 [sflag:s8], $0x0  }
0x24: {  	s3 =	sadd.s32 $0x88, s3;
	s6 =	simm.s32 @!p1 $0x1082;
	[sflag:s4] =	ssyncset.s32 $0xFFFFF086  }
0x25: {  	[simem:s6], [sflag:s4] =	dma.local [hbm:s3], $0xF7A  }
0x26: {  	[smem:$0x3F9C] =	sst s1;
	(tag) =	ssettag s2;
	_ =	strace s9  }
0x27: {  	s1 =	sld [smem:$0x3FAC]  }
0x28: {  	s2 =	sld [smem:$0x3FAD]  }
0x29: {  	s4 =	sld [smem:$0x3FAF]  }
0x2a: {  	p0 =	seq.s32 s5, $0x0;
	s5 =	sld [smem:$0x3FB0]  }
0x2b: {  	s6 =	sld [smem:$0x3FB1]  }
0x2c: {  	s7 =	sld [smem:$0x3FB2]  }
0x2d: {  	s3 =	simm.s32 $0x108;
	s8 =	sld [smem:$0x3FB3]  }
0x2e: {  	s3 =	simm.s32 @!p0 $0x1082;
	s9 =	sld [smem:$0x3FB4]  }
0x2f: {  	lr =	sadd.s32 s0, s3;
	s0 =	sld [smem:$0x3FAB]  }
0x30: {  	s3 =	sld [smem:$0x3FAE]  }
0x31: {  	[smem:$0x3FB7] =	sst s10  }
0x32: {  	s10 =	sld [smem:$0x3FB5];
	_ =	sdelay $0x3  }
0x33: {  	p0 =	seq.s32 s10, $0x1;
	s10 =	sld [smem:$0x3FB7];
	_ =	sdelay $0x3  }
0x34: {  	[smem:$0x3FB7] =	sst s10  }
0x35: {  	s10 =	sld [smem:$0x3FB6];
	_ =	sdelay $0x3  }
0x36: {  	p1 =	seq.s32 s10, $0x1;
	s10 =	sld [smem:$0x3FB7];
	_ =	sdelay $0x3  }
0x37: {  	[smem:$0x3FB7] =	sst s10  }
0x38: {  	s10 =	sld [smem:$0x3FB8]  }
0x39: {  	_ = 	snop;
	(pc) =	sbr.ind lr, $3  }
0x3a: {  	_ = 	snop  }
0x3b: {  	_ = 	snop  }
0x3c: {  	p2 =	seq.s32 s10, $0x1;
	s10 =	sld [smem:$0x3FB7]  }
0x3d: {  	_ =	shalt  }
0x3e: {  	_ =	shalt  }
0x3f: {  	_ =	shalt  }
0x40: {  	_ =	shalt  }
0x41: {  	_ =	shalt  }
0x42: {  	_ =	shalt  }
0x43: {  	_ =	shalt  }
0x44: {  	_ =	shalt  }
0x45: {  	_ =	shalt  }
0x46: {  	_ =	shalt  }
0x47: {  	_ =	shalt  }
0x48: {  	_ =	shalt  }
0x49: {  	_ =	shalt  }
0x4a: {  	_ =	shalt  }
0x4b: {  	_ =	shalt  }
0x4c: {  	_ =	shalt  }
0x4d: {  	_ =	shalt  }
0x4e: {  	_ =	shalt  }
0x4f: {  	_ =	shalt  }
0x50: {  	_ =	shalt  }
0x51: {  	_ =	shalt  }
0x52: {  	_ =	shalt  }
0x53: {  	_ =	shalt  }
0x54: {  	_ =	shalt  }
0x55: {  	_ =	shalt  }
0x56: {  	_ =	shalt  }
0x57: {  	_ =	shalt  }
0x58: {  	_ =	shalt  }
0x59: {  	_ =	shalt  }
0x5a: {  	_ =	shalt  }
0x5b: {  	_ =	shalt  }
0x5c: {  	_ =	shalt  }
0x5d: {  	_ =	shalt  }
0x5e: {  	_ =	shalt  }
0x5f: {  	_ =	shalt  }
0x60: {  	_ =	shalt  }
0x61: {  	_ =	shalt  }
0x62: {  	_ =	shalt  }
0x63: {  	_ =	shalt  }
0x64: {  	_ =	shalt  }
0x65: {  	_ =	shalt  }
0x66: {  	_ =	shalt  }
0x67: {  	_ =	shalt  }
0x68: {  	_ =	shalt  }
0x69: {  	_ =	shalt  }
0x6a: {  	_ =	shalt  }
0x6b: {  	_ =	shalt  }
0x6c: {  	_ =	shalt  }
0x6d: {  	_ =	shalt  }
0x6e: {  	_ =	shalt  }
0x6f: {  	_ =	shalt  }
0x70: {  	_ =	shalt  }
0x71: {  	_ =	shalt  }
0x72: {  	_ =	shalt  }
0x73: {  	_ =	shalt  }
0x74: {  	_ =	shalt  }
0x75: {  	_ =	shalt  }
0x76: {  	_ =	shalt  }
0x77: {  	_ =	shalt  }
0x78: {  	_ =	shalt  }
0x79: {  	_ =	shalt  }
0x7a: {  	_ =	shalt  }
0x7b: {  	_ =	shalt  }
0x7c: {  	_ =	shalt  }
0x7d: {  	_ =	shalt  }
0x7e: {  	_ =	shalt  }
0x7f: {  	_ =	shalt  }
0x80: {  	_ =	shalt  }
0x81: {  	_ =	shalt  }
0x82: {  	_ =	shalt  }
0x83: {  	_ =	shalt  }
0x84: {  	_ =	shalt  }
0x85: {  	_ =	shalt  }
0x86: {  	_ =	shalt  }
0x87: {  	_ =	shalt  }
.Lfunc_end0:
.L_simem_size_0:
called_computation.2_lowered:
.L_overlay_start_0:
0x88: {  	s2 =	sld [smem:$0x3FD9]  }
0x89: {  	s3 =	sld [smem:$0x3FFE];
	_ =	sdelay $0x1  }
0x8a: {  	s1 =	srdreg.scid  }
0x8b: {  	s0 =	sand.u32 $0x1, s1  }
0x8c: {  	s17 =	sshll.u32 s0, $0xA;
	s2 =	sadd.s32 s3, s2  }
0x8d: {  	s2 =	sadd.s32 s2, s17  }
0x8e: {  	[smem:$0x3FC3] =	sst s2  }
0x8f: {  	_ = 	snop  }
0x90: {  	s2 =	sld [smem:$0x3FD0];
	(tm) =	ssettm $0x1  }
0x91: {  	s18 =	sld [smem:$0x3FFB];
	_ =	sdelay $0x3  }
0x92: {  	_ =	strace s18  }
0x93: {  	s3 =	sld [smem:$0x3FFC];
	_ =	sdelay $0x3  }
0x94: {  	_ =	strace s3  }
0x95: {  	s3 =	sld [smem:$0x3FFD];
	_ =	sdelay $0x3  }
0x96: {  	_ =	strace s3  }
0x97: {  	_ =	strace $0x8FFFFFFF  }
0x98: {  	s19 =	sld [smem:$0x3FDB];
	_ =	sdelay $0x1  }
0x99: {  	s4 =	simm.s32 $_scs_section_size  }
0x9a: {  	s5 =	simm.s32 $_size__tile_overlayer_lowered;
	s6 =	simm.s32 $_tile_overlayer_lowered  }
0x9b: {  	s22 =	simm.s32 $0x1BFF;
	s21 =	sshll.u32 s6, $0x1;
	s3 =	sadd.s32 s4, s19  }
0x9c: {  	s7 =	simm.s32 $0x0;
	s20 =	sshll.u32 s5, $0x1;
	s5 =	sadd.s32 s21, s3  }
0x9d: {  	[timem:s7], [sflag:s22] =	dma.local [hbm:s5], s20  }
0x9e: {  	_ =	swait.ge [sflag:s22], s20  }
0x9f: {  	s4 =	ssub.s32 $0x0, s20;
	[sflag:s22] =	ssyncset.done $0x0  }
0xa0: {  	[sflag:s22] =	ssyncadd.s32 s4;
	_ =	sdelay $0x1  }
0xa1: {  	s23 =	simm.s32 $0x1B8B  }
0xa2: {  	_ =	swait.ge [sflag:s23], $0x1  }
0xa3: {  	[sflag:s23] =	ssyncset.done $0x0  }
0xa4: {  	s25 =	simm.s32 $0x1B8E;
	s24 =	sld [smem:$0x3FFE];
	[sflag:s23] =	ssyncadd.s32 $0xFFFFFFFF  }
0xa5: {  	s26 =	simm.s32 $execute0_lowered;
	[smem:$0x3FD2] =	sst s25  }
0xa6: {  	s5 =	sshll.u32 s26, $0x1;
	_ =	strace $0x80000049;
	[dreg:$0x1] =	wrdreg $0xFFFFFFFF  }
0xa7: {  	s28 =	simm.s32 $_size_execute0_lowered;
	s3 =	sadd.s32 s3, s5;
	[dreg:$0x0] =	wrdreg $0x0  }
0xa8: {  	s5 =	sshll.u32 s28, $0x1;
	[dreg:$0x2] =	wrdreg s3  }
0xa9: {  	[dreg:$0x3] =	wrdreg s5  }
0xaa: {  	[dreg:$0x4] =	wrdreg $0xC0  }
0xab: {  	_ =	task [dreg:s7], $0x5FFFF  }
0xac: {  	[dreg:$0x1] =	wrdreg $0xFFFFFFFF  }
0xad: {  	[dreg:$0x0] =	wrdreg $0x60  }
0xae: {  	[dreg:$0x2] =	wrdreg s2  }
0xaf: {  	[dreg:$0x3] =	wrdreg s24  }
0xb0: {  	[dreg:$0x4] =	wrdreg $0x9  }
0xb1: {  	_ =	task.clear_ibuf [dreg:s7], $0x5FFFF;
	_ =	strace $0x90000049  }
0xb2: {  	s29 =	simm.s32 $0x9;
	_ =	strace $0x8000004B  }
0xb3: {  	_ =	swait.ge [sflag:s29], $0x1  }
0xb4: {  	[sflag:s29] =	ssyncadd.s32 $0xFFFFFFFF  }
0xb5: {  	_ =	strace $0x9000004B  }
0xb6: {  	_ =	sfence  }
0xb7: {  	s30 =	sld [smem:$0x0];
	_ =	sdelay $0x2  }
0xb8: {  	s31 =	sshll.u32 s1, $0xD;
	s1 =	sshrl.u32 s1, $0x2  }
0xb9: {  	s3 =	sand.u32 $0x4000, s31;
	s1 =	sadd.s32 s1, s30  }
0xba: {  	s0 =	sor.u32 s3, s0;
	s1 =	sshll.u32 s1, $0x11  }
0xbb: {  	s0 =	sor.u32 s1, s0  }
0xbc: {  	s0 =	sadd.s32 $0x8F2B, s0  }
0xbd: {  	[sflag:s0] =	ssyncadd.remote.s32 $0x1  }
0xbe: {  	_ =	sfence.sel $0xFFFF  }
0xbf: {  	[dreg:$0x0] =	wrdreg $0xFFFFFFFF;
	(pc) =	sbr.abs _section_cstart, $3  }
0xc0: {  	[dreg:$0x1] =	wrdreg $0xFFFFFFFF  }
0xc1: {  	_ =	task.clear_ibuf [dreg:s7], $0x2FFFF;
	_ =	strace $0x9FFFFFFF  }
0xc2: {  	(tm) =	ssettm $0x7FFFFFFF  }
0xc3: {  	_ =	shalt  }
tec
execute0_lowered:
.L_overlay_start_1:
0x0: {  	(tag) =	ssettag $0x1  }
0x1: {  	s0 =	srdreg.scid;
	s1 =	stileid.u32  }
0x2: {  	s2 =	rddreg [dreg:$0x0];
	s0 =	sand.u32 $0x1, s0;
	s1 =	sshll.u32 s1, $0x1  }
0x3: {  	s4 =	rddreg [dreg:$0x1];
	s3 =	simm.s32 $0x0;
	s1 =	sor.u32 s0, s1  }
0x4: {  	s28 =	simm.s32 $0x2;
	[smem:$0x7FF] =	sst s3;
	s5 =	smul.u32 $0x6, s1  }
0x5: {  	s11 =	sadd.s32 $0x1400, s4;
	s0 =	ssub.s32 $0x2, s0;
	s6 =	smul.u32 $0x60, s1  }
0x6: {  	s4 =	sadd.s32 $0x1A00, s4;
	s8 =	smul.u32 $0x300, s1;
	s9 =	sshrl.u32 s0, $0x1  }
0x7: {  	_ =	strace $0x8000004A;
	s0 =	ssub.s32 s0, s9;
	s7 =	sshrl.u32 s5, $0x3  }
0x8: {  	s8 =	sand.u32 $0x300, s8;
	p0 =	slt.u32 s5, $0x60;
	s10 =	sadd.s32 $0xFFFFFA00, s6  }
0x9: {  	s9 =	sadd.s32 $0x3, s5;
	s0 =	smax.u32 s0, $0x1;
	s7 =	smul.u32 $0x120000, s7  }
0xa: {  	s10 =	smov.u32 @p0 s6;
	s23 =	sshrl.u32 s9, $0x3;
	[dreg:$0x14] =	wrdreg s0  }
0xb: {  	s15 =	sadd.s32 s11, s10;
	s10 =	sor.u32 $0x1, s5;
	s12 =	sor.u32 s8, s7  }
0xc: {  	[dreg:$0x3] =	wrdreg s15;
	s16 =	sadd.s32 $0x24000, s7;
	s17 =	sadd.s32 $0x48000, s7  }
0xd: {  	[dreg:$0xb] =	wrdreg s12;
	s14 =	sshrl.u32 s12, $0x3;
	s13 =	sor.u32 s8, s16  }
0xe: {  	s12 =	sadd.s32 $0xFFFFFFA1, s5;
	s8 =	sor.u32 s8, s17;
	[dreg:$0x5] =	wrdreg s13  }
0xf: {  	s6 =	sadd.s32 s2, s14;
	[dreg:$0x6] =	wrdreg s8;
	s12 =	smov.u32 @p0 s10  }
0x10: {  	s10 =	sshll.u32 s10, $0x7;
	s13 =	sadd.s32 $0xFFFFFFA2, s5;
	[dreg:$0x4] =	wrdreg s6  }
0x11: {  	s18 =	sshll.u32 s12, $0x4;
	s12 =	sadd.s32 $0x2, s5;
	s10 =	sand.u32 $0x380, s10  }
0x12: {  	p0 =	slt.u32 s12, $0x60;
	s8 =	sadd.s32 s11, s18;
	s7 =	sor.u32 s7, s10  }
0x13: {  	s6 =	sor.u32 s10, s16;
	s20 =	sor.u32 s10, s17;
	s21 =	sshrl.u32 s12, $0x3  }
0x14: {  	s22 =	sshll.u32 s12, $0x7;
	s10 =	sadd.s32 $0xFFFFFFA3, s5;
	[dreg:$0x7] =	wrdreg s8  }
0x15: {  	s13 =	smov.u32 @p0 s12;
	s15 =	smov.u32 s7;
	[dreg:$0x8] =	wrdreg s6  }
0x16: {  	s7 =	sshrl.u32 s7, $0x3;
	[dreg:$0x9] =	wrdreg s20;
	s8 =	sand.u32 $0x300, s22  }
0x17: {  	p0 =	slt.u32 s9, $0x60;
	s12 =	sadd.s32 $0xFFFFFFA4, s5;
	s19 =	sshll.u32 s13, $0x4  }
0x18: {  	s10 =	smov.u32 @p0 s9;
	s9 =	sshll.u32 s9, $0x7;
	s7 =	sadd.s32 s2, s7  }
0x19: {  	s6 =	sadd.s32 s11, s19;
	s24 =	sshll.u32 s10, $0x4;
	[dreg:$0xf] =	wrdreg s7  }
0x1a: {  	s10 =	sadd.s32 $0x4, s5;
	s25 =	sand.u32 $0x380, s9;
	[dreg:$0xa] =	wrdreg s6  }
0x1b: {  	s6 =	smul.u32 $0x120000, s21;
	p0 =	slt.u32 s10, $0x60;
	s30 =	sshrl.u32 s10, $0x3  }
0x1c: {  	s12 =	smov.u32 @p0 s10;
	s9 =	smul.u32 $0x120000, s30;
	s10 =	sshll.u32 s10, $0x7  }
0x1d: {  	s13 =	sor.u32 s8, s6;
	s6 =	smul.u32 $0x120000, s23;
	s8 =	sadd.s32 s11, s24  }
0x1e: {  	s26 =	sshll.u32 s12, $0x4;
	s10 =	sand.u32 $0x300, s10;
	[dreg:$0xc] =	wrdreg s8  }
0x1f: {  	s8 =	sadd.s32 $0x5, s5;
	s5 =	sadd.s32 $0xFFFFFFA5, s5;
	s19 =	sor.u32 s10, s9  }
0x20: {  	s12 =	sshrl.u32 s13, $0x3;
	s29 =	sadd.s32 $0x24000, s13;
	s24 =	sadd.s32 $0x48000, s13  }
0x21: {  	s9 =	simm.s32 $0xD800;
	s17 =	sor.u32 s25, s6;
	p0 =	slt.u32 s8, $0x60  }
0x22: {  	s6 =	sadd.s32 s11, s26;
	s14 =	sshll.u32 s8, $0x7;
	s20 =	sshrl.u32 s19, $0x3  }
0x23: {  	[dreg:$0x15] =	wrdreg s24;
	s0 =	sadd.s32 $0x24000, s19;
	s26 =	sadd.s32 $0x48000, s19  }
0x24: {  	s24 =	simm.s32 $0x12080;
	s5 =	smov.u32 @p0 s8;
	[dreg:$0xd] =	wrdreg s6  }
0x25: {  	s16 =	sand.u32 $0x380, s14;
	s18 =	sshrl.u32 s17, $0x3;
	s21 =	sadd.s32 s2, s20  }
0x26: {  	s31 =	sadd.s32 $0x24000, s17;
	s25 =	sadd.s32 $0x48000, s17;
	[dreg:$0x17] =	wrdreg s26  }
0x27: {  	s20 =	simm.s32 $0x400;
	s26 =	simm.s32 $0x9000;
	[dreg:$0x12] =	wrdreg s21  }
0x28: {  	s5 =	sshll.u32 s5, $0x4;
	[dreg:$0x16] =	wrdreg s25;
	s21 =	simm.s32 $0x4800  }
0x29: {  	v0 =	vimm.s32 $0xA9876544;
	v1 =	vimm.s32 $0xAA987654;
	s25 =	simm.s32 $0x12100;
	s1 =	sadd.s32 s11, s5;
	s11 =	sshrl.u32 s8, $0x3  }
0x2a: {  	v0 =	vunpack.c.l.s4.s8 v0;
	v1 =	vunpack.c.l.s4.s8 v1;
	s5 =	sadd.s32 s2, s12;
	[dreg:$0xe] =	wrdreg s1;
	s1 =	smul.u32 $0x120000, s11  }
0x2b: {  	[dreg:$0x10] =	wrdreg s5;
	s11 =	smov.u32 s13;
	s5 =	simm.s32 $0x0  }
0x2c: {  	vm0 =	vcmask $0x1F00;
	v2 =	vunpack.c.0.s8.s32 v0;
	v4 =	vunpack.c.0.s8.s32 v1;
	s23 =	sor.u32 s16, s1;
	s1 =	sadd.s32 s2, s18;
	s18 =	simm.s32 $0x80  }
0x2d: {  	vm1 =	vmmov $0x1;
	v0 =	vimm.s32 $0x1;
	v1 =	vimm.s32 $0x2;
	[dreg:$0x11] =	wrdreg s1;
	s22 =	sshrl.u32 s23, $0x3;
	s30 =	sadd.s32 $0x48000, s23  }
0x2e: {  	v3 =	vand.u32 $0xF, v2;
	v2 =	vimm.s32 $0x3;
	v4 =	vand.u32 $0xF, v4;
	s16 =	simm.s32 $0x4;
	s1 =	sadd.s32 s2, s22;
	[dreg:$0x18] =	wrdreg s30  }
0x2f: {  	v3 =	vnsel vm0, $0xA, v3;
	v4 =	vnsel vm0, $0xA, v4;
	vm0 =	vcmask $0x1B04;
	s7 =	sadd.s32 $0x24000, s23;
	s22 =	simm.s32 $0x1;
	[dreg:$0x13] =	wrdreg s1  }
.LBB2_1:
0x30: {  	[dreg:$0x19] =	wrdreg s5  }
0x31: {  	s1 =	rddreg [dreg:$0x3];
	s13 =	simm.s32 $0x12000;
	s14 =	simm.s32 $0x5  }
0x32: {  	[tilespmem:s13], [sflag:$0x5] =	stream.linear.gather [hbm4b:s1+s3], $0x80, $0x38;
	[tilespmem:$0x12180] =	vst v63  }
0x33: {  	_ =	swait.ge [sflag:s14], $0x80  }
0x34: {  	[sflag:s14] =	ssyncset.done $0x0  }
0x35: {  	[sflag:s14] =	ssyncadd.s32 $0xFFFFFF80  }
0x36: {  	v5 =	vld.msk [tilespmem:s13+$0x0], $0xffff  }
0x37: {  	v6 =	vld.idx.msk [tilespmem:v0+s13+$0x0], $0xffff;
	_ =	sdelay $0x4  }
0x38: {  	v6 =	vsub.f32 v6, v5;
	_ =	sdelay $0x1  }
0x39: {  	(erf) = vrcp.f32 v6;
	_ =	sdelay $0x3  }
0x3a: {  	v7 =	vld.idx.msk [tilespmem:v3+s13+$0x0], $0xffff  }
0x3b: {  	v8 =	vld.idx.msk [tilespmem:v4+s13+$0x0], $0xffff  }
0x3c: {  	v9 =	vld.idx.msk [tilespmem:v1+s13+$0x0], $0xffff  }
0x3d: {  	v11 =	vmul.f32 $7.000000000e+00, v6;
	_ =	sdelay $0x1  }
0x3e: {  	v12 =	vpop (erf);
	(erf) = vrcp.f32 v11  }
0x3f: {  	v10 =	vld.idx.msk [tilespmem:v2+s13+$0x0], $0xffff  }
0x40: {  	v8 =	vsub.f32 v8, v7;
	v62 =	vmul.f32 v6, v9;
	_ =	sdelay $0x1  }
0x41: {  	v63 =	vsub.f32 v7, v62;
	v8 =	vmul.f32 v8, v12;
	_ =	sdelay $0x1  }
0x42: {  	v7 =	vsel vm1, v63, v7;
	v8 =	vsel vm0, v8, v10  }
0x43: {  	[tilespmem:$0x12080] =	vst v7;
	v8 =	vsel vm1, v9, v8  }
0x44: {  	s30 =	rddreg [dreg:$0x4];
	s13 =	simm.s32 $0x0;
	[tilespmem:$0x12100] =	vst v8  }
0x45: {  	v5 =	vsub.f32 v5, v6;
	[tilespmem:s3], [sflag:$0x1] =	stream.strided.gather [hbm4b:s30+s18], $0x4800, s20, s18, $0x38;
	v6 =	vpop (erf);
	[tilespmem:$0x12180] =	vst v63  }
.LBB2_2:
0x46: {  	s1 =	smul.u32 $0x48000, s13  }
0x47: {  	s5 =	rddreg [dreg:$0x5]  }
0x48: {  	s5 =	sadd.s32 s1, s5  }
0x49: {  	s30 =	sshrl.u32 s5, $0x3  }
0x4a: {  	s5 =	sadd.s32 s2, s30  }
0x4b: {  	[tilespmem:s21], [sflag:$0x2] =	stream.strided.gather [hbm4b:s5+s18], $0x4800, s20, s18, $0x38;
	[tilespmem:$0x12180] =	vst v63  }
0x4c: {  	_ =	swait.ge [sflag:s22], $0x4800  }
0x4d: {  	p0 =	seq.s32 s13, $0x0;
	[sflag:s22] =	ssyncset.done $0x0  }
0x4e: {  	s5 =	simm.s32 @!p0 $0x3;
	[sflag:s22] =	ssyncadd.s32 $0xFFFFB800  }
0x4f: {  	_ =	swait.ge @!p0 [sflag:s5], $0x4800  }
0x50: {  	[sflag:s5] =	ssyncset.done @!p0 $0x0  }
0x51: {  	s10 =	simm.s32 $0x40;
	[sflag:s5] =	ssyncadd.s32 @!p0 $0xFFFFB800  }
0x52: {  	v7 =	vld [tilespmem:s10+$0x20]  }
0x53: {  	v8 =	vld [tilespmem:s10+$0x10]  }
0x54: {  	v9 =	vld [tilespmem:s10+$0xFFFFFFF0]  }
0x55: {  	v10 =	vld [tilespmem:s10+$0x0]  }
0x56: {  	v11 =	vld [tilespmem:s10+$0x30]  }
0x57: {  	s12 =	simm.s32 $0xC0;
	v13 =	vld [tilespmem:s10+$0xFFFFFFE0]  }
0x58: {  	v23 =	vld [tilespmem:s12+$0x20]  }
0x59: {  	v12 =	vld [tilespmem:s10+$0xFFFFFFD0]  }
0x5a: {  	v8 =	vsub.f32 v8, v5;
	v7 =	vsub.f32 v7, v5  }
0x5b: {  	v9 =	vsub.f32 v9, v5;
	v10 =	vsub.f32 v10, v5  }
0x5c: {  	v14 =	vld [tilespmem:s10+$0xFFFFFFC0];
	v11 =	vsub.f32 v11, v5;
	v13 =	vsub.f32 v13, v5;
	v8 =	vmul.f32 v8, v6  }
0x5d: {  	v23 =	vsub.f32 v23, v5;
	v7 =	vmul.f32 v7, v6;
	v17 =	vmul.f32 v9, v6  }
0x5e: {  	v9 =	vsub.f32 v12, v5;
	v10 =	vmul.f32 v10, v6;
	v11 =	vmul.f32 v11, v6  }
0x5f: {  	v13 =	vmul.f32 v13, v6;
	v23 =	vmul.f32 v23, v6;
	v15 =	vmax.f32 v8, $0.0e+00  }
0x60: {  	v16 =	vmax.f32 v7, $0.0e+00;
	v18 =	vmul.f32 $7.000000000e+00, v7;
	v19 =	vmul.f32 v9, v6  }
0x61: {  	v7 =	vsub.f32 v14, v5;
	v24 =	vmul.f32 $7.000000000e+00, v10;
	v10 =	vmax.f32 v10, $0.0e+00  }
0x62: {  	v21 =	vmax.f32 v13, $0.0e+00;
	v8 =	vmul.f32 $7.000000000e+00, v8;
	v13 =	vmul.f32 $7.000000000e+00, v13  }
0x63: {  	v12 =	vmin.f32 v16, $1.001000050e+00;
	v16 =	vmax.f32 v17, $0.0e+00;
	v10 =	vmin.f32 v10, $1.001000050e+00  }
0x64: {  	v21 =	vmin.f32 v21, $1.001000050e+00;
	v17 =	vmul.f32 $7.000000000e+00, v17;
	v12 =	vmul.f32 $7.000000000e+00, v12  }
0x65: {  	v16 =	vmin.f32 v16, $1.001000050e+00;
	v10 =	vmul.f32 $7.000000000e+00, v10;
	v21 =	vmul.f32 $7.000000000e+00, v21  }
0x66: {  	v14 =	vmax.f32 v19, $0.0e+00;
	v19 =	vmul.f32 $7.000000000e+00, v19;
	v9 =	vmul.f32 $7.000000000e+00, v16  }
0x67: {  	v16 =	vmul.f32 v7, v6;
	v7 =	vmin.f32 v15, $1.001000050e+00;
	v14 =	vmin.f32 v14, $1.001000050e+00  }
0x68: {  	v15 =	vmax.f32 v11, $0.0e+00;
	v11 =	vmul.f32 $7.000000000e+00, v11;
	v7 =	vmul.f32 $7.000000000e+00, v7  }
0x69: {  	v14 =	vmul.f32 $7.000000000e+00, v14;
	v12 =	vtrunc.f32 v12  }
0x6a: {  	v22 =	vld [tilespmem:s12+$0x10];
	v21 =	vtrunc.f32 v21;
	v38 =	vtrunc.f32 v10  }
0x6b: {  	v10 =	vmul.f32 $7.000000000e+00, v23;
	v9 =	vtrunc.f32 v9  }
0x6c: {  	v28 =	vcvt.f32.s32 v21;
	v31 =	vcvt.f32.s32 v12  }
0x6d: {  	v58 =	vcvt.f32.s32 v38;
	v25 =	vcvt.f32.s32 v9  }
0x6e: {  	v9 =	vmin.f32 v15, $1.001000050e+00;
	v20 =	vtrunc.f32 v7;
	v7 =	vmul.f32 $7.000000000e+00, v16  }
0x6f: {  	v27 =	vld [tilespmem:s12+$0xFFFFFFE0];
	v12 =	vsub.f32 v22, v5;
	v14 =	vtrunc.f32 v14;
	v9 =	vmul.f32 $7.000000000e+00, v9  }
0x70: {  	v21 =	vld [tilespmem:s12+$0x0];
	v20 =	vcvt.f32.s32 v20;
	v30 =	vcvt.f32.s32 v14  }
0x71: {  	v22 =	vld [tilespmem:s12+$0x30];
	v16 =	vmax.f32 v16, $0.0e+00;
	v32 =	vcvt.s32.f32 v28;
	v12 =	vmul.f32 v12, v6  }
0x72: {  	v34 =	vld [tilespmem:s12+$0xFFFFFFC0];
	v16 =	vmin.f32 v16, $1.001000050e+00;
	v36 =	vcvt.s32.f32 v31;
	v15 =	vcvt.s32.f32 v25  }
0x73: {  	v16 =	vmul.f32 $7.000000000e+00, v16;
	v9 =	vtrunc.f32 v9  }
0x74: {  	v14 =	vld [tilespmem:s12+$0xFFFFFFD0];
	v29 =	vcvt.s32.f32 v20;
	v33 =	vcvt.s32.f32 v30;
	v42 =	vsub.f32 v18, v36  }
0x75: {  	v37 =	vmax.f32 v12, $0.0e+00;
	v32 =	vsub.f32 v13, v32;
	v15 =	vsub.f32 v17, v15  }
0x76: {  	v18 =	vcvt.s32.f32 v58;
	v17 =	vld [tilespmem:s12+$0xFFFFFFF0];
	v35 =	vsub.f32 v21, v5;
	v41 =	vsub.f32 v22, v5  }
0x77: {  	v9 =	vcvt.f32.s32 v9;
	v22 =	vsub.f32 v27, v5;
	v27 =	vsub.f32 v34, v5;
	v59 =	vld.idx.msk [tilespmem:v28+s25+$0x0], $0xffff  }
0x78: {  	v39 =	vtrunc.f32 v16;
	v8 =	vsub.f32 v8, v29;
	v21 =	vsub.f32 v19, v33;
	v62 =	vld.idx.msk [tilespmem:v31+s25+$0x0], $0xffff  }
0x79: {  	v33 =	vcvt.f32.s32 v39;
	v16 =	vsub.f32 v14, v5;
	v14 =	vmax.f32 v23, $0.0e+00;
	v19 =	vld.idx.msk [tilespmem:v25+s25+$0x0], $0xffff  }
0x7a: {  	v26 =	vcvt.s32.f32 v9;
	v27 =	vmul.f32 v27, v6;
	v29 =	vld.idx.msk [tilespmem:v20+s25+$0x0], $0xffff;
	v40 =	vmin.f32 v14, $1.001000050e+00  }
0x7b: {  	v34 =	vcvt.s32.f32 v33;
	v16 =	vmul.f32 v16, v6;
	v17 =	vsub.f32 v17, v5  }
0x7c: {  	v23 =	vmul.f32 $7.000000000e+00, v40;
	v61 =	vsub.f32 v11, v26;
	v26 =	vmin.f32 v37, $1.001000050e+00  }
0x7d: {  	v37 =	vmul.f32 $7.000000000e+00, v26;
	v11 =	vmax.f32 v16, $0.0e+00;
	v17 =	vmul.f32 v17, v6  }
0x7e: {  	v60 =	vld.idx.msk [tilespmem:v9+s25+$0x0], $0xffff;
	v32 =	vmul.f32 v32, v59;
	v39 =	vmul.f32 v42, v62;
	v11 =	vmin.f32 v11, $1.001000050e+00  }
0x7f: {  	v63 =	vld.idx.msk [tilespmem:v25+s24+$0x0], $0xffff;
	v43 =	vmul.f32 v15, v19;
	v14 =	vmul.f32 v8, v29;
	v8 =	vmax.f32 v17, $0.0e+00  }
0x80: {  	v13 =	vld.idx.msk [tilespmem:v20+s24+$0x0], $0xffff;
	v15 =	vmul.f32 v41, v6;
	v29 =	vmul.f32 v35, v6;
	v8 =	vmin.f32 v8, $1.001000050e+00  }
0x81: {  	v20 =	vld.idx.msk [tilespmem:v28+s24+$0x0], $0xffff;
	v28 =	vsub.f32 v24, v18;
	v26 =	vmul.f32 $7.000000000e+00, v11;
	v57 =	vmul.f32 $7.000000000e+00, v8  }
0x82: {  	v36 =	vld.idx.msk [tilespmem:v30+s25+$0x0], $0xffff;
	v35 =	vtrunc.f32 v37;
	v25 =	vmax.f32 v15, $0.0e+00;
	v8 =	vmul.f32 $7.000000000e+00, v29  }
0x83: {  	v31 =	vld.idx.msk [tilespmem:v31+s24+$0x0], $0xffff;
	v44 =	vmin.f32 v25, $1.001000050e+00;
	v24 =	vmul.f32 v61, v60;
	v19 =	vtrunc.f32 v57  }
0x84: {  	s14 =	rddreg [dreg:$0xb];
	v18 =	vld.idx.msk [tilespmem:v30+s24+$0x0], $0xffff;
	v40 =	vmul.f32 $7.000000000e+00, v44;
	v11 =	vcvt.f32.s32 v19;
	v19 =	vmax.f32 v29, $0.0e+00  }
0x85: {  	s8 =	simm.s32 $0x90C0;
	s6 =	sadd.s32 s14, s1;
	s14 =	simm.s32 $0x9040;
	v37 =	vld.idx.msk [tilespmem:v58+s25+$0x0], $0xffff;
	v29 =	vmax.f32 v27, $0.0e+00;
	v38 =	vmin.f32 v19, $1.001000050e+00;
	v19 =	vmul.f32 $7.000000000e+00, v27  }
0x86: {  	s5 =	simm.s32 $0x8;
	s10 =	simm.s32 $0x90C0;
	s12 =	simm.s32 $0x140;
	v25 =	vld.idx.msk [tilespmem:v58+s24+$0x0], $0xffff;
	v27 =	vmin.f32 v29, $1.001000050e+00;
	v29 =	vadd.f32 v43, v63;
	v30 =	vcvt.s32.f32 v11  }
.LBB2_3:
0x87: {  	v41 =	vld [tilespmem:s12+$0x20];
	s5 =	sadd.s32 $0x8, s5;
	v22 =	vmul.f32 v22, v6;
	s8 =	sadd.s32 $0x80, s8;
	v21 =	vmul.f32 v21, v36;
	v20 =	vadd.f32 v32, v20  }
0x88: {  	v32 =	vmul.f32 $7.000000000e+00, v38;
	v31 =	vadd.f32 v39, v31;
	p1 =	slt.u32 s5, $0x478;
	v36 =	vtrunc.f32 v40;
	v38 =	vld.idx.msk [tilespmem:v9+s24+$0x0], $0xffff  }
0x89: {  	v17 =	vmul.f32 $7.000000000e+00, v17;
	v39 =	vld [tilespmem:s12+$0x10];
	v40 =	vmax.f32 v22, $0.0e+00;
	v9 =	vcvt.f32.s32 v36;
	[tilespmem:s14+$0xFFFFFFE0] =	vst v20  }
0x8a: {  	v23 =	vtrunc.f32 v23;
	v28 =	vmul.f32 v28, v37;
	v20 =	vmin.f32 v40, $1.001000050e+00;
	v36 =	vld.idx.msk [tilespmem:v33+s24+$0x0], $0xffff;
	[tilespmem:s14+$0x20] =	vst v31  }
0x8b: {  	v30 =	vsub.f32 v17, v30;
	v20 =	vmul.f32 $7.000000000e+00, v20;
	v31 =	vcvt.s32.f32 v9;
	v17 =	vld.idx.msk [tilespmem:v33+s25+$0x0], $0xffff  }
0x8c: {  	v12 =	vmul.f32 $7.000000000e+00, v12;
	v35 =	vcvt.f32.s32 v35;
	v34 =	vsub.f32 v7, v34;
	v7 =	vmovc v19;
	v33 =	vld [tilespmem:s12+$0xFFFFFFE0]  }
0x8d: {  	v18 =	vadd.f32 v21, v18;
	v21 =	vadd.f32 v28, v25;
	v19 =	vld [tilespmem:s12+$0xFFFFFFF0];
	v20 =	vtrunc.f32 v20  }
0x8e: {  	v28 =	vcvt.s32.f32 v35;
	v24 =	vadd.f32 v24, v38;
	v25 =	vld [tilespmem:s12+$0x0];
	v20 =	vcvt.f32.s32 v20  }
0x8f: {  	v26 =	vtrunc.f32 v26;
	v13 =	vadd.f32 v14, v13;
	v38 =	vcvt.f32.s32 v23;
	v37 =	vld [tilespmem:s12+$0x30];
	[tilespmem:s14+$0xFFFFFFF0] =	vst v29  }
0x90: {  	v16 =	vmul.f32 $7.000000000e+00, v16;
	v14 =	vsub.f32 v12, v28;
	v29 =	vcvt.f32.s32 v26;
	v23 =	vld [tilespmem:s12+$0xFFFFFFC0];
	[tilespmem:s14+$0x30] =	vst v24  }
0x91: {  	v12 =	vsub.f32 v39, v5;
	v26 =	vcvt.s32.f32 v20;
	v17 =	vmul.f32 v34, v17;
	v24 =	vld [tilespmem:s12+$0xFFFFFFD0];
	[tilespmem:s14+$0x10] =	vst v13  }
0x92: {  	v27 =	vmul.f32 $7.000000000e+00, v27;
	v28 =	vsub.f32 v41, v5;
	v34 =	vmul.f32 $7.000000000e+00, v22;
	v39 =	vld.idx.msk [tilespmem:v35+s25+$0x0], $0xffff;
	[tilespmem:s14+$0xFFFFFFD0] =	vst v18  }
0x93: {  	v12 =	vmul.f32 v12, v6;
	v40 =	vcvt.s32.f32 v29;
	v17 =	vadd.f32 v17, v36;
	v13 =	vld.idx.msk [tilespmem:v35+s24+$0x0], $0xffff;
	[tilespmem:s14+$0x0] =	vst v21  }
0x94: {  	v28 =	vmul.f32 v28, v6;
	v36 =	vcvt.s32.f32 v38;
	v25 =	vsub.f32 v25, v5;
	v35 =	vld.idx.msk [tilespmem:v20+s25+$0x0], $0xffff  }
0x95: {  	v27 =	vtrunc.f32 v27;
	v18 =	vsub.f32 v19, v5;
	v19 =	vmax.f32 v12, $0.0e+00;
	[tilespmem:s14+$0xFFFFFFC0] =	vst v17;
	s14 =	smov.u32 s10;
	s10 =	smov.u32 s8  }
0x96: {  	v32 =	vtrunc.f32 v32;
	v21 =	vmax.f32 v28, $0.0e+00;
	v24 =	vsub.f32 v24, v5;
	v20 =	vld.idx.msk [tilespmem:v20+s24+$0x0], $0xffff  }
0x97: {  	v41 =	vmin.f32 v21, $1.001000050e+00;
	v37 =	vsub.f32 v37, v5;
	v17 =	vmul.f32 v18, v6;
	v18 =	vld.idx.msk [tilespmem:v29+s24+$0x0], $0xffff  }
0x98: {  	v15 =	vmul.f32 $7.000000000e+00, v15;
	v22 =	vsub.f32 v33, v5;
	v14 =	vmul.f32 v14, v39  }
0x99: {  	v21 =	vsub.f32 v16, v40;
	v33 =	vsub.f32 v23, v5;
	v23 =	vmax.f32 v17, $0.0e+00;
	v39 =	vld.idx.msk [tilespmem:v11+s25+$0x0], $0xffff  }
0x9a: {  	v25 =	vmul.f32 v25, v6;
	v16 =	vmin.f32 v23, $1.001000050e+00;
	v23 =	vmul.f32 $7.000000000e+00, v28  }
0x9b: {  	v40 =	vcvt.f32.s32 v32;
	v42 =	vsub.f32 v10, v36;
	v28 =	vmul.f32 $7.000000000e+00, v16  }
0x9c: {  	v32 =	vsub.f32 v34, v26;
	v16 =	vmul.f32 v24, v6;
	v24 =	vmul.f32 $7.000000000e+00, v25;
	v10 =	vmovc v23;
	v34 =	vld.idx.msk [tilespmem:v9+s25+$0x0], $0xffff  }
0x9d: {  	v26 =	vcvt.s32.f32 v40;
	v23 =	vmul.f32 $7.000000000e+00, v41;
	v41 =	vsub.f32 v15, v31  }
0x9e: {  	v19 =	vmin.f32 v19, $1.001000050e+00;
	v43 =	vmul.f32 v33, v6;
	v15 =	vmax.f32 v16, $0.0e+00;
	v44 =	vld.idx.msk [tilespmem:v38+s25+$0x0], $0xffff  }
0x9f: {  	v19 =	vmul.f32 $7.000000000e+00, v19;
	v31 =	vmin.f32 v15, $1.001000050e+00;
	v45 =	vmul.f32 v30, v39  }
0xa0: {  	v15 =	vmul.f32 v37, v6;
	v30 =	vtrunc.f32 v28;
	v28 =	vsub.f32 v8, v26;
	v8 =	vmovc v24;
	v46 =	vld.idx.msk [tilespmem:v11+s24+$0x0], $0xffff  }
0xa1: {  	v33 =	vmax.f32 v25, $0.0e+00;
	v26 =	vmul.f32 $7.000000000e+00, v31;
	v11 =	vcvt.f32.s32 v30;
	v36 =	vld.idx.msk [tilespmem:v29+s25+$0x0], $0xffff  }
.Ltmp0:
0xa2: {  	v32 =	vmul.f32 v32, v35;
	v25 =	vmax.f32 v15, $0.0e+00;
	v24 =	vmul.f32 v41, v34;
	v31 =	vld.idx.msk [tilespmem:v38+s24+$0x0], $0xffff;
	(pc) =	sbr.rel @p1 .LBB2_3-.Ltmp0, $4  }
0xa3: {  	v29 =	vmax.f32 v43, $0.0e+00;
	v34 =	vmin.f32 v25, $1.001000050e+00;
	v30 =	vcvt.s32.f32 v11;
	v25 =	vld.idx.msk [tilespmem:v40+s24+$0x0], $0xffff  }
0xa4: {  	v35 =	vtrunc.f32 v19;
	v38 =	vmin.f32 v33, $1.001000050e+00;
	v33 =	vcvt.f32.s32 v27;
	v37 =	vld.idx.msk [tilespmem:v40+s25+$0x0], $0xffff  }
0xa5: {  	v19 =	vmul.f32 $7.000000000e+00, v43;
	v27 =	vmin.f32 v29, $1.001000050e+00;
	v39 =	vmul.f32 v42, v44  }
0xa6: {  	s12 =	sadd.s32 $0x80, s12;
	v40 =	vmul.f32 $7.000000000e+00, v34;
	v34 =	vcvt.s32.f32 v33;
	v29 =	vadd.f32 v45, v46  }
0xa7: {  	_ =	sdelay $0x1  }
0xa8: {  	v22 =	vmul.f32 v22, v6;
	v35 =	vcvt.f32.s32 v35  }
0xa9: {  	v26 =	vtrunc.f32 v26;
	v21 =	vmul.f32 v21, v36  }
0xaa: {  	v9 =	vld.idx.msk [tilespmem:v9+s24+$0x0], $0xffff;
	v23 =	vtrunc.f32 v23;
	v17 =	vmul.f32 $7.000000000e+00, v17  }
0xab: {  	v42 =	vld.idx.msk [tilespmem:v33+s24+$0x0], $0xffff;
	v38 =	vmul.f32 $7.000000000e+00, v38;
	v26 =	vcvt.f32.s32 v26  }
0xac: {  	v58 =	vld.idx.msk [tilespmem:v33+s25+$0x0], $0xffff;
	v12 =	vmul.f32 $7.000000000e+00, v12;
	v23 =	vcvt.f32.s32 v23;
	v41 =	vmax.f32 v22, $0.0e+00  }
0xad: {  	v27 =	vmul.f32 $7.000000000e+00, v27;
	v44 =	vld.idx.msk [tilespmem:v11+s25+$0x0], $0xffff;
	v16 =	vmul.f32 $7.000000000e+00, v16;
	v41 =	vmin.f32 v41, $1.001000050e+00  }
0xae: {  	v50 =	vld.idx.msk [tilespmem:v11+s24+$0x0], $0xffff;
	v57 =	vtrunc.f32 v40;
	v41 =	vmul.f32 $7.000000000e+00, v41  }
0xaf: {  	v20 =	vadd.f32 v32, v20;
	v15 =	vmul.f32 $7.000000000e+00, v15;
	v36 =	vcvt.f32.s32 v57;
	v59 =	vld.idx.msk [tilespmem:v35+s25+$0x0], $0xffff  }
0xb0: {  	v31 =	vadd.f32 v39, v31;
	v28 =	vmul.f32 v28, v37;
	v41 =	vtrunc.f32 v41;
	v32 =	vld.idx.msk [tilespmem:v35+s24+$0x0], $0xffff  }
0xb1: {  	v13 =	vadd.f32 v14, v13;
	v63 =	vcvt.s32.f32 v35;
	v41 =	vcvt.f32.s32 v41;
	v35 =	vld.idx.msk [tilespmem:v26+s24+$0x0], $0xffff  }
0xb2: {  	v7 =	vsub.f32 v7, v34;
	[tilespmem:s14+$0xFFFFFFF0] =	vst v29;
	v43 =	vtrunc.f32 v38;
	v45 =	vtrunc.f32 v27;
	v48 =	vld.idx.msk [tilespmem:v23+s25+$0x0], $0xffff  }
0xb3: {  	[tilespmem:s14+$0xFFFFFFE0] =	vst v20;
	v18 =	vadd.f32 v21, v18;
	v47 =	vmul.f32 $7.000000000e+00, v22;
	v21 =	vcvt.f32.s32 v43;
	v52 =	vld.idx.msk [tilespmem:v23+s24+$0x0], $0xffff  }
0xb4: {  	[tilespmem:s14+$0x20] =	vst v31;
	v49 =	vcvt.s32.f32 v23;
	v9 =	vadd.f32 v24, v9;
	v24 =	vcvt.f32.s32 v45;
	v54 =	vld.idx.msk [tilespmem:v26+s25+$0x0], $0xffff  }
0xb5: {  	v17 =	vsub.f32 v17, v30;
	[tilespmem:s14+$0x10] =	vst v13;
	v53 =	vcvt.s32.f32 v26;
	v61 =	vcvt.s32.f32 v36;
	v46 =	vld.idx.msk [tilespmem:v36+s25+$0x0], $0xffff  }
0xb6: {  	v25 =	vadd.f32 v28, v25;
	v12 =	vsub.f32 v12, v63;
	v7 =	vmul.f32 v7, v58;
	v55 =	vld.idx.msk [tilespmem:v36+s24+$0x0], $0xffff  }
0xb7: {  	[tilespmem:s14+$0xFFFFFFD0] =	vst v18;
	v16 =	vsub.f32 v16, v53;
	v57 =	vcvt.s32.f32 v21;
	v17 =	vmul.f32 v17, v44;
	v60 =	vld.idx.msk [tilespmem:v41+s25+$0x0], $0xffff  }
0xb8: {  	v15 =	vsub.f32 v15, v61;
	[tilespmem:s14+$0x30] =	vst v9;
	v9 =	vsub.f32 v10, v49;
	v62 =	vld.idx.msk [tilespmem:v41+s24+$0x0], $0xffff;
	v41 =	vcvt.s32.f32 v41  }
0xb9: {  	[tilespmem:s14+$0x0] =	vst v25;
	v7 =	vadd.f32 v7, v42;
	v8 =	vsub.f32 v8, v57;
	v56 =	vld.idx.msk [tilespmem:v21+s25+$0x0], $0xffff  }
0xba: {  	v11 =	vadd.f32 v17, v50;
	v12 =	vmul.f32 v12, v59;
	v58 =	vld.idx.msk [tilespmem:v24+s25+$0x0], $0xffff;
	v51 =	vsub.f32 v47, v41  }
0xbb: {  	[tilespmem:s14+$0xFFFFFFC0] =	vst v7;
	v59 =	vld.idx.msk [tilespmem:v21+s24+$0x0], $0xffff;
	v9 =	vmul.f32 v9, v48;
	v7 =	vmul.f32 v15, v46  }
0xbc: {  	[tilespmem:s10+$0xFFFFFFF0] =	vst v11;
	v63 =	vadd.f32 v12, v32;
	v13 =	vmul.f32 v51, v60;
	v60 =	vcvt.s32.f32 v24  }
0xbd: {  	v61 =	vld.idx.msk [tilespmem:v24+s24+$0x0], $0xffff;
	v10 =	vmul.f32 v16, v54;
	v9 =	vadd.f32 v9, v52;
	v7 =	vadd.f32 v7, v55  }
0xbe: {  	v8 =	vmul.f32 v8, v56;
	[tilespmem:s10+$0x10] =	vst v63;
	v13 =	vadd.f32 v13, v62;
	v62 =	vsub.f32 v19, v60  }
0xbf: {  	v10 =	vadd.f32 v10, v35;
	[tilespmem:s10+$0x20] =	vst v9  }
0xc0: {  	p1 =	sne.s32 s13, $0x3;
	v8 =	vadd.f32 v8, v59;
	[tilespmem:s10+$0x30] =	vst v7;
	v7 =	vmul.f32 v62, v58  }
.Ltmp1:
0xc1: {  	[tilespmem:s10+$0xFFFFFFD0] =	vst v10;
	(pc) =	sbr.rel @p1 .LBB2_6-.Ltmp1, $4  }
0xc2: {  	[tilespmem:s10+$0x0] =	vst v8;
	v7 =	vadd.f32 v7, v61  }
0xc3: {  	s5 =	sshrl.u32 s6, $0x3;
	[tilespmem:s10+$0xFFFFFFE0] =	vst v13  }
0xc4: {  	s5 =	sadd.s32 s4, s5;
	[tilespmem:s10+$0xFFFFFFC0] =	vst v7  }
0xc5: {  	[hbm4b:s5+s18] =	stream.strided.scatter [tilespmem:s26], [sflag:$0x3], $0x4800, s20, s18, $0x38;
	[tilespmem:$0x12180] =	vst v63  }
.Ltmp2:
0xc6: {  	(pc) =	sbr.rel .LBB2_7-.Ltmp2, $4  }
0xc7: {  	_ = 	snop  }
0xc8: {  	_ =	swait.ge [sflag:s28], $0x4800  }
0xc9: {  	[sflag:s28] =	ssyncset.done $0x0  }
0xca: {  	[sflag:s28] =	ssyncadd.s32 $0xFFFFB800  }
.LBB2_6:
0xcb: {  	s5 =	rddreg [dreg:$0x6]  }
0xcc: {  	s1 =	sadd.s32 s1, s5  }
0xcd: {  	s1 =	sshrl.u32 s1, $0x3  }
.Ltmp3:
0xce: {  	s1 =	sadd.s32 s2, s1;
	(pc) =	sbr.rel @p0 .LBB2_8-.Ltmp3, $4  }
0xcf: {  	[tilespmem:s3], [sflag:$0x1] =	stream.strided.gather [hbm4b:s1+s18], $0x4800, s20, s18, $0x38;
	[tilespmem:$0x12180] =	vst v63  }
0xd0: {  	_ =	swait.ge [sflag:s28], $0x4800  }
0xd1: {  	[sflag:s28] =	ssyncset.done $0x0  }
0xd2: {  	[sflag:s28] =	ssyncadd.s32 $0xFFFFB800  }
.LBB2_7:
0xd3: {  	_ =	swait.ge [sflag:s16], $0x4800  }
0xd4: {  	[sflag:s16] =	ssyncset.done $0x0  }
0xd5: {  	[sflag:s16] =	ssyncadd.s32 $0xFFFFB800  }
.LBB2_8:
0xd6: {  	s1 =	simm.s32 $0x4840  }
0xd7: {  	v7 =	vld [tilespmem:s1+$0x20]  }
0xd8: {  	v8 =	vld [tilespmem:s1+$0x10]  }
0xd9: {  	v9 =	vld [tilespmem:s1+$0xFFFFFFF0]  }
0xda: {  	v10 =	vld [tilespmem:s1+$0x0]  }
0xdb: {  	v11 =	vld [tilespmem:s1+$0x30]  }
0xdc: {  	s14 =	simm.s32 $0x48C0;
	v13 =	vld [tilespmem:s1+$0xFFFFFFE0]  }
0xdd: {  	v23 =	vld [tilespmem:s14+$0x20]  }
0xde: {  	v12 =	vld [tilespmem:s1+$0xFFFFFFD0]  }
0xdf: {  	v8 =	vsub.f32 v8, v5;
	v7 =	vsub.f32 v7, v5  }
0xe0: {  	v9 =	vsub.f32 v9, v5;
	v10 =	vsub.f32 v10, v5  }
0xe1: {  	v14 =	vld [tilespmem:s1+$0xFFFFFFC0];
	v11 =	vsub.f32 v11, v5;
	v13 =	vsub.f32 v13, v5;
	v8 =	vmul.f32 v8, v6  }
0xe2: {  	v23 =	vsub.f32 v23, v5;
	v7 =	vmul.f32 v7, v6;
	v17 =	vmul.f32 v9, v6  }
0xe3: {  	v9 =	vsub.f32 v12, v5;
	v10 =	vmul.f32 v10, v6;
	v11 =	vmul.f32 v11, v6  }
0xe4: {  	v13 =	vmul.f32 v13, v6;
	v23 =	vmul.f32 v23, v6;
	v15 =	vmax.f32 v8, $0.0e+00  }
0xe5: {  	v16 =	vmax.f32 v7, $0.0e+00;
	v18 =	vmul.f32 $7.000000000e+00, v7;
	v19 =	vmul.f32 v9, v6  }
0xe6: {  	v7 =	vsub.f32 v14, v5;
	v24 =	vmul.f32 $7.000000000e+00, v10;
	v10 =	vmax.f32 v10, $0.0e+00  }
0xe7: {  	v21 =	vmax.f32 v13, $0.0e+00;
	v8 =	vmul.f32 $7.000000000e+00, v8;
	v13 =	vmul.f32 $7.000000000e+00, v13  }
0xe8: {  	v12 =	vmin.f32 v16, $1.001000050e+00;
	v16 =	vmax.f32 v17, $0.0e+00;
	v10 =	vmin.f32 v10, $1.001000050e+00  }
0xe9: {  	v21 =	vmin.f32 v21, $1.001000050e+00;
	v17 =	vmul.f32 $7.000000000e+00, v17;
	v12 =	vmul.f32 $7.000000000e+00, v12  }
0xea: {  	v16 =	vmin.f32 v16, $1.001000050e+00;
	v10 =	vmul.f32 $7.000000000e+00, v10;
	v21 =	vmul.f32 $7.000000000e+00, v21  }
0xeb: {  	v14 =	vmax.f32 v19, $0.0e+00;
	v19 =	vmul.f32 $7.000000000e+00, v19;
	v9 =	vmul.f32 $7.000000000e+00, v16  }
0xec: {  	v16 =	vmul.f32 v7, v6;
	v7 =	vmin.f32 v15, $1.001000050e+00;
	v14 =	vmin.f32 v14, $1.001000050e+00  }
0xed: {  	v15 =	vmax.f32 v11, $0.0e+00;
	v11 =	vmul.f32 $7.000000000e+00, v11;
	v7 =	vmul.f32 $7.000000000e+00, v7  }
0xee: {  	v14 =	vmul.f32 $7.000000000e+00, v14;
	v12 =	vtrunc.f32 v12  }
0xef: {  	v22 =	vld [tilespmem:s14+$0x10];
	v21 =	vtrunc.f32 v21;
	v38 =	vtrunc.f32 v10  }
0xf0: {  	v10 =	vmul.f32 $7.000000000e+00, v23;
	v9 =	vtrunc.f32 v9  }
0xf1: {  	v28 =	vcvt.f32.s32 v21;
	v31 =	vcvt.f32.s32 v12  }
0xf2: {  	v42 =	vcvt.f32.s32 v38;
	v25 =	vcvt.f32.s32 v9  }
0xf3: {  	v9 =	vmin.f32 v15, $1.001000050e+00;
	v20 =	vtrunc.f32 v7;
	v7 =	vmul.f32 $7.000000000e+00, v16  }
0xf4: {  	v27 =	vld [tilespmem:s14+$0xFFFFFFE0];
	v12 =	vsub.f32 v22, v5;
	v14 =	vtrunc.f32 v14;
	v9 =	vmul.f32 $7.000000000e+00, v9  }
0xf5: {  	v21 =	vld [tilespmem:s14+$0x0];
	v20 =	vcvt.f32.s32 v20;
	v30 =	vcvt.f32.s32 v14  }
0xf6: {  	v22 =	vld [tilespmem:s14+$0x30];
	v16 =	vmax.f32 v16, $0.0e+00;
	v32 =	vcvt.s32.f32 v28;
	v12 =	vmul.f32 v12, v6  }
0xf7: {  	v34 =	vld [tilespmem:s14+$0xFFFFFFC0];
	v16 =	vmin.f32 v16, $1.001000050e+00;
	v36 =	vcvt.s32.f32 v31;
	v15 =	vcvt.s32.f32 v25  }
0xf8: {  	v16 =	vmul.f32 $7.000000000e+00, v16;
	v9 =	vtrunc.f32 v9  }
0xf9: {  	v14 =	vld [tilespmem:s14+$0xFFFFFFD0];
	v29 =	vcvt.s32.f32 v20;
	v33 =	vcvt.s32.f32 v30;
	v37 =	vmax.f32 v12, $0.0e+00  }
0xfa: {  	v43 =	vsub.f32 v18, v36;
	v18 =	vcvt.s32.f32 v42;
	v15 =	vsub.f32 v17, v15  }
0xfb: {  	v9 =	vcvt.f32.s32 v9;
	v17 =	vld [tilespmem:s14+$0xFFFFFFF0];
	v35 =	vsub.f32 v21, v5;
	v41 =	vsub.f32 v22, v5  }
0xfc: {  	v39 =	vtrunc.f32 v16;
	v22 =	vsub.f32 v27, v5;
	v27 =	vsub.f32 v34, v5;
	v60 =	vld.idx.msk [tilespmem:v28+s25+$0x0], $0xffff  }
0xfd: {  	v8 =	vsub.f32 v8, v29;
	v21 =	vsub.f32 v19, v33;
	v45 =	vld.idx.msk [tilespmem:v31+s25+$0x0], $0xffff;
	v34 =	vcvt.f32.s32 v39  }
0xfe: {  	v26 =	vcvt.s32.f32 v9;
	v16 =	vsub.f32 v14, v5;
	v14 =	vmax.f32 v23, $0.0e+00;
	v19 =	vld.idx.msk [tilespmem:v25+s25+$0x0], $0xffff  }
0xff: {  	v62 =	vmul.f32 v27, v6;
	v27 =	vmin.f32 v37, $1.001000050e+00;
	v29 =	vld.idx.msk [tilespmem:v20+s25+$0x0], $0xffff;
	v40 =	vmin.f32 v14, $1.001000050e+00  }
0x100: {  	v37 =	vmul.f32 $7.000000000e+00, v27;
	v16 =	vmul.f32 v16, v6;
	v17 =	vsub.f32 v17, v5  }
0x101: {  	v32 =	vsub.f32 v13, v32;
	v33 =	vcvt.s32.f32 v34;
	v23 =	vmul.f32 $7.000000000e+00, v40  }
0x102: {  	v26 =	vsub.f32 v11, v26;
	v11 =	vmax.f32 v16, $0.0e+00;
	v17 =	vmul.f32 v17, v6  }
0x103: {  	v61 =	vld.idx.msk [tilespmem:v9+s25+$0x0], $0xffff;
	v32 =	vmul.f32 v32, v60;
	v39 =	vmul.f32 v43, v45;
	v11 =	vmin.f32 v11, $1.001000050e+00  }
0x104: {  	v63 =	vld.idx.msk [tilespmem:v25+s24+$0x0], $0xffff;
	v44 =	vmul.f32 v15, v19;
	v14 =	vmul.f32 v8, v29;
	v8 =	vmax.f32 v17, $0.0e+00  }
0x105: {  	v13 =	vld.idx.msk [tilespmem:v20+s24+$0x0], $0xffff;
	v15 =	vmul.f32 v41, v6;
	v29 =	vmul.f32 v35, v6;
	v8 =	vmin.f32 v8, $1.001000050e+00  }
0x106: {  	v20 =	vld.idx.msk [tilespmem:v28+s24+$0x0], $0xffff;
	v28 =	vsub.f32 v24, v18;
	v27 =	vmul.f32 $7.000000000e+00, v11;
	v59 =	vmul.f32 $7.000000000e+00, v8  }
0x107: {  	v36 =	vld.idx.msk [tilespmem:v30+s25+$0x0], $0xffff;
	v35 =	vtrunc.f32 v37;
	v25 =	vmax.f32 v15, $0.0e+00;
	v8 =	vmul.f32 $7.000000000e+00, v29  }
0x108: {  	v31 =	vld.idx.msk [tilespmem:v31+s24+$0x0], $0xffff;
	v24 =	vmul.f32 v26, v61;
	v26 =	vmax.f32 v62, $0.0e+00;
	v19 =	vtrunc.f32 v59  }
0x109: {  	v18 =	vld.idx.msk [tilespmem:v30+s24+$0x0], $0xffff;
	v26 =	vmin.f32 v26, $1.001000050e+00;
	v11 =	vcvt.f32.s32 v19;
	v19 =	vmax.f32 v29, $0.0e+00  }
0x10a: {  	s6 =	simm.s32 $0xD840;
	s5 =	simm.s32 $0x8;
	v37 =	vld.idx.msk [tilespmem:v42+s25+$0x0], $0xffff;
	v29 =	vmin.f32 v25, $1.001000050e+00;
	v38 =	vmin.f32 v19, $1.001000050e+00;
	v19 =	vmul.f32 $7.000000000e+00, v62  }
0x10b: {  	s8 =	simm.s32 $0xD8C0;
	s10 =	simm.s32 $0x4940;
	s1 =	simm.s32 $0xD8C0;
	v25 =	vld.idx.msk [tilespmem:v42+s24+$0x0], $0xffff;
	v40 =	vmul.f32 $7.000000000e+00, v29;
	v29 =	vadd.f32 v44, v63;
	v30 =	vcvt.s32.f32 v11  }
.LBB2_9:
0x10c: {  	v41 =	vld [tilespmem:s10+$0x20];
	s5 =	sadd.s32 $0x8, s5;
	v22 =	vmul.f32 v22, v6;
	s8 =	sadd.s32 $0x80, s8;
	v21 =	vmul.f32 v21, v36;
	v20 =	vadd.f32 v32, v20  }
0x10d: {  	v32 =	vmul.f32 $7.000000000e+00, v38;
	v31 =	vadd.f32 v39, v31;
	p0 =	slt.u32 s5, $0x478;
	v36 =	vtrunc.f32 v40;
	v38 =	vld.idx.msk [tilespmem:v9+s24+$0x0], $0xffff  }
0x10e: {  	v17 =	vmul.f32 $7.000000000e+00, v17;
	v39 =	vld [tilespmem:s10+$0x10];
	v40 =	vmax.f32 v22, $0.0e+00;
	v9 =	vcvt.f32.s32 v36;
	[tilespmem:s6+$0xFFFFFFE0] =	vst v20  }
0x10f: {  	v23 =	vtrunc.f32 v23;
	v28 =	vmul.f32 v28, v37;
	v20 =	vmin.f32 v40, $1.001000050e+00;
	v36 =	vld.idx.msk [tilespmem:v34+s24+$0x0], $0xffff;
	[tilespmem:s6+$0x20] =	vst v31  }
0x110: {  	v30 =	vsub.f32 v17, v30;
	v20 =	vmul.f32 $7.000000000e+00, v20;
	v31 =	vcvt.s32.f32 v9;
	v17 =	vld.idx.msk [tilespmem:v34+s25+$0x0], $0xffff  }
0x111: {  	v12 =	vmul.f32 $7.000000000e+00, v12;
	v35 =	vcvt.f32.s32 v35;
	v33 =	vsub.f32 v7, v33;
	v7 =	vmovc v19;
	v34 =	vld [tilespmem:s10+$0xFFFFFFE0]  }
0x112: {  	v18 =	vadd.f32 v21, v18;
	v21 =	vadd.f32 v28, v25;
	v19 =	vld [tilespmem:s10+$0xFFFFFFF0];
	v20 =	vtrunc.f32 v20  }
0x113: {  	v28 =	vcvt.s32.f32 v35;
	v24 =	vadd.f32 v24, v38;
	v25 =	vld [tilespmem:s10+$0x0];
	v20 =	vcvt.f32.s32 v20  }
0x114: {  	v27 =	vtrunc.f32 v27;
	v13 =	vadd.f32 v14, v13;
	v38 =	vcvt.f32.s32 v23;
	v37 =	vld [tilespmem:s10+$0x30];
	[tilespmem:s6+$0xFFFFFFF0] =	vst v29  }
0x115: {  	v16 =	vmul.f32 $7.000000000e+00, v16;
	v14 =	vsub.f32 v12, v28;
	v29 =	vcvt.f32.s32 v27;
	v23 =	vld [tilespmem:s10+$0xFFFFFFC0];
	[tilespmem:s6+$0x30] =	vst v24  }
0x116: {  	v12 =	vsub.f32 v39, v5;
	v27 =	vcvt.s32.f32 v20;
	v17 =	vmul.f32 v33, v17;
	v24 =	vld [tilespmem:s10+$0xFFFFFFD0];
	[tilespmem:s6+$0x10] =	vst v13  }
0x117: {  	v26 =	vmul.f32 $7.000000000e+00, v26;
	v28 =	vsub.f32 v41, v5;
	v33 =	vmul.f32 $7.000000000e+00, v22;
	v39 =	vld.idx.msk [tilespmem:v35+s25+$0x0], $0xffff;
	[tilespmem:s6+$0xFFFFFFD0] =	vst v18  }
0x118: {  	v12 =	vmul.f32 v12, v6;
	v40 =	vcvt.s32.f32 v29;
	v17 =	vadd.f32 v17, v36;
	v13 =	vld.idx.msk [tilespmem:v35+s24+$0x0], $0xffff;
	[tilespmem:s6+$0x0] =	vst v21  }
0x119: {  	v28 =	vmul.f32 v28, v6;
	v36 =	vcvt.s32.f32 v38;
	v25 =	vsub.f32 v25, v5;
	v35 =	vld.idx.msk [tilespmem:v20+s25+$0x0], $0xffff  }
0x11a: {  	v26 =	vtrunc.f32 v26;
	v18 =	vsub.f32 v19, v5;
	v19 =	vmax.f32 v12, $0.0e+00;
	[tilespmem:s6+$0xFFFFFFC0] =	vst v17;
	s6 =	smov.u32 s1;
	s1 =	smov.u32 s8  }
0x11b: {  	v32 =	vtrunc.f32 v32;
	v21 =	vmax.f32 v28, $0.0e+00;
	v24 =	vsub.f32 v24, v5;
	v20 =	vld.idx.msk [tilespmem:v20+s24+$0x0], $0xffff  }
0x11c: {  	v41 =	vmin.f32 v21, $1.001000050e+00;
	v37 =	vsub.f32 v37, v5;
	v17 =	vmul.f32 v18, v6;
	v18 =	vld.idx.msk [tilespmem:v29+s24+$0x0], $0xffff  }
0x11d: {  	v15 =	vmul.f32 $7.000000000e+00, v15;
	v22 =	vsub.f32 v34, v5;
	v14 =	vmul.f32 v14, v39  }
0x11e: {  	v21 =	vsub.f32 v16, v40;
	v34 =	vsub.f32 v23, v5;
	v23 =	vmax.f32 v17, $0.0e+00;
	v39 =	vld.idx.msk [tilespmem:v11+s25+$0x0], $0xffff  }
0x11f: {  	v25 =	vmul.f32 v25, v6;
	v16 =	vmin.f32 v23, $1.001000050e+00;
	v23 =	vmul.f32 $7.000000000e+00, v28  }
0x120: {  	v40 =	vcvt.f32.s32 v32;
	v42 =	vsub.f32 v10, v36;
	v28 =	vmul.f32 $7.000000000e+00, v16  }
0x121: {  	v32 =	vsub.f32 v33, v27;
	v16 =	vmul.f32 v24, v6;
	v24 =	vmul.f32 $7.000000000e+00, v25;
	v10 =	vmovc v23;
	v33 =	vld.idx.msk [tilespmem:v9+s25+$0x0], $0xffff  }
0x122: {  	v27 =	vcvt.s32.f32 v40;
	v23 =	vmul.f32 $7.000000000e+00, v41;
	v41 =	vsub.f32 v15, v31  }
0x123: {  	v19 =	vmin.f32 v19, $1.001000050e+00;
	v43 =	vmul.f32 v34, v6;
	v15 =	vmax.f32 v16, $0.0e+00;
	v44 =	vld.idx.msk [tilespmem:v38+s25+$0x0], $0xffff  }
0x124: {  	v19 =	vmul.f32 $7.000000000e+00, v19;
	v31 =	vmin.f32 v15, $1.001000050e+00;
	v45 =	vmul.f32 v30, v39  }
0x125: {  	v15 =	vmul.f32 v37, v6;
	v30 =	vtrunc.f32 v28;
	v28 =	vsub.f32 v8, v27;
	v8 =	vmovc v24;
	v46 =	vld.idx.msk [tilespmem:v11+s24+$0x0], $0xffff  }
0x126: {  	v34 =	vmax.f32 v25, $0.0e+00;
	v27 =	vmul.f32 $7.000000000e+00, v31;
	v11 =	vcvt.f32.s32 v30;
	v36 =	vld.idx.msk [tilespmem:v29+s25+$0x0], $0xffff  }
.Ltmp4:
0x127: {  	v32 =	vmul.f32 v32, v35;
	v25 =	vmax.f32 v15, $0.0e+00;
	v24 =	vmul.f32 v41, v33;
	v31 =	vld.idx.msk [tilespmem:v38+s24+$0x0], $0xffff;
	(pc) =	sbr.rel @p0 .LBB2_9-.Ltmp4, $4  }
0x128: {  	v29 =	vmax.f32 v43, $0.0e+00;
	v33 =	vmin.f32 v25, $1.001000050e+00;
	v30 =	vcvt.s32.f32 v11;
	v25 =	vld.idx.msk [tilespmem:v40+s24+$0x0], $0xffff  }
0x129: {  	v35 =	vtrunc.f32 v19;
	v38 =	vmin.f32 v34, $1.001000050e+00;
	v34 =	vcvt.f32.s32 v26;
	v37 =	vld.idx.msk [tilespmem:v40+s25+$0x0], $0xffff  }
0x12a: {  	v19 =	vmul.f32 $7.000000000e+00, v43;
	v26 =	vmin.f32 v29, $1.001000050e+00;
	v39 =	vmul.f32 v42, v44  }
0x12b: {  	s10 =	sadd.s32 $0x80, s10;
	v40 =	vmul.f32 $7.000000000e+00, v33;
	v33 =	vcvt.s32.f32 v34;
	v29 =	vadd.f32 v45, v46  }
0x12c: {  	_ =	sdelay $0x1  }
0x12d: {  	v22 =	vmul.f32 v22, v6;
	v35 =	vcvt.f32.s32 v35  }
0x12e: {  	v27 =	vtrunc.f32 v27;
	v21 =	vmul.f32 v21, v36  }
0x12f: {  	v9 =	vld.idx.msk [tilespmem:v9+s24+$0x0], $0xffff;
	v23 =	vtrunc.f32 v23;
	v17 =	vmul.f32 $7.000000000e+00, v17  }
0x130: {  	v42 =	vld.idx.msk [tilespmem:v34+s24+$0x0], $0xffff;
	v38 =	vmul.f32 $7.000000000e+00, v38;
	v27 =	vcvt.f32.s32 v27  }
0x131: {  	v58 =	vld.idx.msk [tilespmem:v34+s25+$0x0], $0xffff;
	v12 =	vmul.f32 $7.000000000e+00, v12;
	v23 =	vcvt.f32.s32 v23;
	v41 =	vmax.f32 v22, $0.0e+00  }
0x132: {  	v26 =	vmul.f32 $7.000000000e+00, v26;
	v44 =	vld.idx.msk [tilespmem:v11+s25+$0x0], $0xffff;
	v16 =	vmul.f32 $7.000000000e+00, v16;
	v41 =	vmin.f32 v41, $1.001000050e+00  }
0x133: {  	v50 =	vld.idx.msk [tilespmem:v11+s24+$0x0], $0xffff;
	v57 =	vtrunc.f32 v40;
	v41 =	vmul.f32 $7.000000000e+00, v41  }
0x134: {  	v20 =	vadd.f32 v32, v20;
	v15 =	vmul.f32 $7.000000000e+00, v15;
	v36 =	vcvt.f32.s32 v57;
	v59 =	vld.idx.msk [tilespmem:v35+s25+$0x0], $0xffff  }
0x135: {  	v31 =	vadd.f32 v39, v31;
	v28 =	vmul.f32 v28, v37;
	v41 =	vtrunc.f32 v41;
	v32 =	vld.idx.msk [tilespmem:v35+s24+$0x0], $0xffff  }
0x136: {  	v13 =	vadd.f32 v14, v13;
	v63 =	vcvt.s32.f32 v35;
	v41 =	vcvt.f32.s32 v41;
	v35 =	vld.idx.msk [tilespmem:v27+s24+$0x0], $0xffff  }
0x137: {  	v7 =	vsub.f32 v7, v33;
	[tilespmem:s6+$0xFFFFFFF0] =	vst v29;
	v43 =	vtrunc.f32 v38;
	v45 =	vtrunc.f32 v26;
	v48 =	vld.idx.msk [tilespmem:v23+s25+$0x0], $0xffff  }
0x138: {  	[tilespmem:s6+$0xFFFFFFE0] =	vst v20;
	v18 =	vadd.f32 v21, v18;
	v47 =	vmul.f32 $7.000000000e+00, v22;
	v21 =	vcvt.f32.s32 v43;
	v52 =	vld.idx.msk [tilespmem:v23+s24+$0x0], $0xffff  }
0x139: {  	[tilespmem:s6+$0x20] =	vst v31;
	v49 =	vcvt.s32.f32 v23;
	v9 =	vadd.f32 v24, v9;
	v24 =	vcvt.f32.s32 v45;
	v54 =	vld.idx.msk [tilespmem:v27+s25+$0x0], $0xffff  }
0x13a: {  	v17 =	vsub.f32 v17, v30;
	[tilespmem:s6+$0x10] =	vst v13;
	v53 =	vcvt.s32.f32 v27;
	v61 =	vcvt.s32.f32 v36;
	v46 =	vld.idx.msk [tilespmem:v36+s25+$0x0], $0xffff  }
0x13b: {  	v25 =	vadd.f32 v28, v25;
	v12 =	vsub.f32 v12, v63;
	v7 =	vmul.f32 v7, v58;
	v55 =	vld.idx.msk [tilespmem:v36+s24+$0x0], $0xffff  }
0x13c: {  	[tilespmem:s6+$0xFFFFFFD0] =	vst v18;
	v16 =	vsub.f32 v16, v53;
	v57 =	vcvt.s32.f32 v21;
	v17 =	vmul.f32 v17, v44;
	v60 =	vld.idx.msk [tilespmem:v41+s25+$0x0], $0xffff  }
0x13d: {  	v15 =	vsub.f32 v15, v61;
	[tilespmem:s6+$0x30] =	vst v9;
	v9 =	vsub.f32 v10, v49;
	v62 =	vld.idx.msk [tilespmem:v41+s24+$0x0], $0xffff;
	v41 =	vcvt.s32.f32 v41  }
0x13e: {  	[tilespmem:s6+$0x0] =	vst v25;
	v7 =	vadd.f32 v7, v42;
	v8 =	vsub.f32 v8, v57;
	v56 =	vld.idx.msk [tilespmem:v21+s25+$0x0], $0xffff  }
0x13f: {  	v11 =	vadd.f32 v17, v50;
	v12 =	vmul.f32 v12, v59;
	v58 =	vld.idx.msk [tilespmem:v24+s25+$0x0], $0xffff;
	v51 =	vsub.f32 v47, v41  }
0x140: {  	[tilespmem:s6+$0xFFFFFFC0] =	vst v7;
	v59 =	vld.idx.msk [tilespmem:v21+s24+$0x0], $0xffff;
	v9 =	vmul.f32 v9, v48;
	v7 =	vmul.f32 v15, v46  }
0x141: {  	[tilespmem:s1+$0xFFFFFFF0] =	vst v11;
	v63 =	vadd.f32 v12, v32;
	v13 =	vmul.f32 v51, v60;
	v60 =	vcvt.s32.f32 v24  }
0x142: {  	v61 =	vld.idx.msk [tilespmem:v24+s24+$0x0], $0xffff;
	v10 =	vmul.f32 v16, v54;
	v9 =	vadd.f32 v9, v52;
	v7 =	vadd.f32 v7, v55  }
0x143: {  	v8 =	vmul.f32 v8, v56;
	[tilespmem:s1+$0x10] =	vst v63;
	v13 =	vadd.f32 v13, v62;
	v62 =	vsub.f32 v19, v60  }
0x144: {  	s13 =	sadd.s32 $0x1, s13;
	v10 =	vadd.f32 v10, v35;
	[tilespmem:s1+$0x20] =	vst v9  }
0x145: {  	p0 =	sne.s32 s13, $0x4;
	v8 =	vadd.f32 v8, v59;
	[tilespmem:s1+$0x30] =	vst v7;
	v7 =	vmul.f32 v62, v58  }
.Ltmp5:
0x146: {  	[tilespmem:s1+$0xFFFFFFD0] =	vst v10;
	(pc) =	sbr.rel @p0 .LBB2_2-.Ltmp5, $4  }
0x147: {  	[tilespmem:s1+$0x0] =	vst v8;
	v7 =	vadd.f32 v7, v61  }
0x148: {  	[tilespmem:s1+$0xFFFFFFE0] =	vst v13  }
0x149: {  	s30 =	sadd.s32 s4, s30;
	[tilespmem:s1+$0xFFFFFFC0] =	vst v7  }
0x14a: {  	[hbm4b:s30+s18] =	stream.strided.scatter [tilespmem:s9], [sflag:$0x4], $0x4800, s20, s18, $0x38;
	[tilespmem:$0x12180] =	vst v63  }
0x14b: {  	s1 =	simm.s32 $0x3  }
0x14c: {  	_ =	swait.ge [sflag:s1], $0x4800  }
0x14d: {  	[sflag:s1] =	ssyncset.done $0x0  }
0x14e: {  	[sflag:s1] =	ssyncadd.s32 $0xFFFFB800  }
0x14f: {  	_ =	swait.ge [sflag:s16], $0x4800  }
0x150: {  	s13 =	simm.s32 $0x0;
	s5 =	simm.s32 $0x12000;
	[sflag:s16] =	ssyncset.done $0x0  }
0x151: {  	s14 =	simm.s32 $0x5;
	s12 =	rddreg [dreg:$0x7];
	[sflag:s16] =	ssyncadd.s32 $0xFFFFB800  }
0x152: {  	[tilespmem:s5], [sflag:$0x5] =	stream.linear.gather [hbm4b:s12+s13], $0x80, $0x38;
	[tilespmem:$0x12180] =	vst v63  }
0x153: {  	_ =	swait.ge [sflag:s14], $0x80  }
0x154: {  	[sflag:s14] =	ssyncset.done $0x0  }
0x155: {  	[sflag:s14] =	ssyncadd.s32 $0xFFFFFF80  }
0x156: {  	v5 =	vld.msk [tilespmem:s5+$0x0], $0xffff  }
0x157: {  	v6 =	vld.idx.msk [tilespmem:v0+s5+$0x0], $0xffff;
	_ =	sdelay $0x4  }
0x158: {  	v6 =	vsub.f32 v6, v5;
	_ =	sdelay $0x1  }
0x159: {  	(erf) = vrcp.f32 v6;
	_ =	sdelay $0x3  }
0x15a: {  	v7 =	vld.idx.msk [tilespmem:v3+s5+$0x0], $0xffff  }
0x15b: {  	v8 =	vld.idx.msk [tilespmem:v4+s5+$0x0], $0xffff  }
0x15c: {  	v9 =	vld.idx.msk [tilespmem:v1+s5+$0x0], $0xffff  }
0x15d: {  	v11 =	vmul.f32 $7.000000000e+00, v6;
	_ =	sdelay $0x1  }
0x15e: {  	v12 =	vpop (erf);
	(erf) = vrcp.f32 v11  }
0x15f: {  	v10 =	vld.idx.msk [tilespmem:v2+s5+$0x0], $0xffff  }
0x160: {  	v8 =	vsub.f32 v8, v7;
	v62 =	vmul.f32 v6, v9;
	_ =	sdelay $0x1  }
0x161: {  	v63 =	vsub.f32 v7, v62;
	v8 =	vmul.f32 v8, v12;
	_ =	sdelay $0x1  }
0x162: {  	v7 =	vsel vm1, v63, v7;
	v8 =	vsel vm0, v8, v10  }
0x163: {  	[tilespmem:$0x12080] =	vst v7;
	v8 =	vsel vm1, v9, v8  }
0x164: {  	s30 =	rddreg [dreg:$0xf];
	[tilespmem:$0x12100] =	vst v8  }
0x165: {  	v5 =	vsub.f32 v5, v6;
	[tilespmem:s13], [sflag:$0x1] =	stream.strided.gather [hbm4b:s30+s18], $0x4800, s20, s18, $0x38;
	v6 =	vpop (erf);
	[tilespmem:$0x12180] =	vst v63  }
.LBB2_12:
0x166: {  	s1 =	smul.u32 $0x48000, s13  }
0x167: {  	s5 =	rddreg [dreg:$0x8]  }
0x168: {  	s5 =	sadd.s32 s1, s5  }
0x169: {  	s30 =	sshrl.u32 s5, $0x3  }
0x16a: {  	s5 =	sadd.s32 s2, s30  }
0x16b: {  	[tilespmem:s21], [sflag:$0x2] =	stream.strided.gather [hbm4b:s5+s18], $0x4800, s20, s18, $0x38;
	[tilespmem:$0x12180] =	vst v63  }
0x16c: {  	_ =	swait.ge [sflag:s22], $0x4800  }
0x16d: {  	p0 =	seq.s32 s13, $0x0;
	[sflag:s22] =	ssyncset.done $0x0  }
0x16e: {  	s5 =	simm.s32 @!p0 $0x3;
	[sflag:s22] =	ssyncadd.s32 $0xFFFFB800  }
0x16f: {  	_ =	swait.ge @!p0 [sflag:s5], $0x4800  }
0x170: {  	[sflag:s5] =	ssyncset.done @!p0 $0x0  }
0x171: {  	s12 =	simm.s32 $0x40;
	[sflag:s5] =	ssyncadd.s32 @!p0 $0xFFFFB800  }
0x172: {  	v7 =	vld [tilespmem:s12+$0x20]  }
0x173: {  	v8 =	vld [tilespmem:s12+$0x10]  }
0x174: {  	v9 =	vld [tilespmem:s12+$0xFFFFFFF0]  }
0x175: {  	v10 =	vld [tilespmem:s12+$0x0]  }
0x176: {  	v11 =	vld [tilespmem:s12+$0x30]  }
0x177: {  	s14 =	simm.s32 $0xC0;
	v13 =	vld [tilespmem:s12+$0xFFFFFFE0]  }
0x178: {  	v23 =	vld [tilespmem:s14+$0x20]  }
0x179: {  	v12 =	vld [tilespmem:s12+$0xFFFFFFD0]  }
0x17a: {  	v8 =	vsub.f32 v8, v5;
	v7 =	vsub.f32 v7, v5  }
0x17b: {  	v9 =	vsub.f32 v9, v5;
	v10 =	vsub.f32 v10, v5  }
0x17c: {  	v14 =	vld [tilespmem:s12+$0xFFFFFFC0];
	v11 =	vsub.f32 v11, v5;
	v13 =	vsub.f32 v13, v5;
	v8 =	vmul.f32 v8, v6  }
0x17d: {  	v23 =	vsub.f32 v23, v5;
	v7 =	vmul.f32 v7, v6;
	v17 =	vmul.f32 v9, v6  }
0x17e: {  	v9 =	vsub.f32 v12, v5;
	v10 =	vmul.f32 v10, v6;
	v11 =	vmul.f32 v11, v6  }
0x17f: {  	v13 =	vmul.f32 v13, v6;
	v23 =	vmul.f32 v23, v6;
	v15 =	vmax.f32 v8, $0.0e+00  }
0x180: {  	v16 =	vmax.f32 v7, $0.0e+00;
	v18 =	vmul.f32 $7.000000000e+00, v7;
	v19 =	vmul.f32 v9, v6  }
0x181: {  	v7 =	vsub.f32 v14, v5;
	v24 =	vmul.f32 $7.000000000e+00, v10;
	v10 =	vmax.f32 v10, $0.0e+00  }
0x182: {  	v21 =	vmax.f32 v13, $0.0e+00;
	v8 =	vmul.f32 $7.000000000e+00, v8;
	v13 =	vmul.f32 $7.000000000e+00, v13  }
0x183: {  	v12 =	vmin.f32 v16, $1.001000050e+00;
	v16 =	vmax.f32 v17, $0.0e+00;
	v10 =	vmin.f32 v10, $1.001000050e+00  }
0x184: {  	v21 =	vmin.f32 v21, $1.001000050e+00;
	v17 =	vmul.f32 $7.000000000e+00, v17;
	v12 =	vmul.f32 $7.000000000e+00, v12  }
0x185: {  	v16 =	vmin.f32 v16, $1.001000050e+00;
	v10 =	vmul.f32 $7.000000000e+00, v10;
	v21 =	vmul.f32 $7.000000000e+00, v21  }
0x186: {  	v14 =	vmax.f32 v19, $0.0e+00;
	v19 =	vmul.f32 $7.000000000e+00, v19;
	v9 =	vmul.f32 $7.000000000e+00, v16  }
0x187: {  	v16 =	vmul.f32 v7, v6;
	v7 =	vmin.f32 v15, $1.001000050e+00;
	v14 =	vmin.f32 v14, $1.001000050e+00  }
0x188: {  	v15 =	vmax.f32 v11, $0.0e+00;
	v11 =	vmul.f32 $7.000000000e+00, v11;
	v7 =	vmul.f32 $7.000000000e+00, v7  }
0x189: {  	v14 =	vmul.f32 $7.000000000e+00, v14;
	v12 =	vtrunc.f32 v12  }
0x18a: {  	v22 =	vld [tilespmem:s14+$0x10];
	v21 =	vtrunc.f32 v21;
	v38 =	vtrunc.f32 v10  }
0x18b: {  	v10 =	vmul.f32 $7.000000000e+00, v23;
	v9 =	vtrunc.f32 v9  }
0x18c: {  	v28 =	vcvt.f32.s32 v21;
	v31 =	vcvt.f32.s32 v12  }
0x18d: {  	v58 =	vcvt.f32.s32 v38;
	v25 =	vcvt.f32.s32 v9  }
0x18e: {  	v9 =	vmin.f32 v15, $1.001000050e+00;
	v20 =	vtrunc.f32 v7;
	v7 =	vmul.f32 $7.000000000e+00, v16  }
0x18f: {  	v27 =	vld [tilespmem:s14+$0xFFFFFFE0];
	v12 =	vsub.f32 v22, v5;
	v14 =	vtrunc.f32 v14;
	v9 =	vmul.f32 $7.000000000e+00, v9  }
0x190: {  	v21 =	vld [tilespmem:s14+$0x0];
	v20 =	vcvt.f32.s32 v20;
	v30 =	vcvt.f32.s32 v14  }
0x191: {  	v22 =	vld [tilespmem:s14+$0x30];
	v16 =	vmax.f32 v16, $0.0e+00;
	v32 =	vcvt.s32.f32 v28;
	v12 =	vmul.f32 v12, v6  }
0x192: {  	v34 =	vld [tilespmem:s14+$0xFFFFFFC0];
	v16 =	vmin.f32 v16, $1.001000050e+00;
	v36 =	vcvt.s32.f32 v31;
	v15 =	vcvt.s32.f32 v25  }
0x193: {  	v16 =	vmul.f32 $7.000000000e+00, v16;
	v9 =	vtrunc.f32 v9  }
0x194: {  	v14 =	vld [tilespmem:s14+$0xFFFFFFD0];
	v29 =	vcvt.s32.f32 v20;
	v33 =	vcvt.s32.f32 v30;
	v42 =	vsub.f32 v18, v36  }
0x195: {  	v37 =	vmax.f32 v12, $0.0e+00;
	v32 =	vsub.f32 v13, v32;
	v15 =	vsub.f32 v17, v15  }
0x196: {  	v18 =	vcvt.s32.f32 v58;
	v17 =	vld [tilespmem:s14+$0xFFFFFFF0];
	v35 =	vsub.f32 v21, v5;
	v41 =	vsub.f32 v22, v5  }
0x197: {  	v9 =	vcvt.f32.s32 v9;
	v22 =	vsub.f32 v27, v5;
	v27 =	vsub.f32 v34, v5;
	v59 =	vld.idx.msk [tilespmem:v28+s25+$0x0], $0xffff  }
0x198: {  	v39 =	vtrunc.f32 v16;
	v8 =	vsub.f32 v8, v29;
	v21 =	vsub.f32 v19, v33;
	v62 =	vld.idx.msk [tilespmem:v31+s25+$0x0], $0xffff  }
0x199: {  	v33 =	vcvt.f32.s32 v39;
	v16 =	vsub.f32 v14, v5;
	v14 =	vmax.f32 v23, $0.0e+00;
	v19 =	vld.idx.msk [tilespmem:v25+s25+$0x0], $0xffff  }
0x19a: {  	v26 =	vcvt.s32.f32 v9;
	v27 =	vmul.f32 v27, v6;
	v29 =	vld.idx.msk [tilespmem:v20+s25+$0x0], $0xffff;
	v40 =	vmin.f32 v14, $1.001000050e+00  }
0x19b: {  	v34 =	vcvt.s32.f32 v33;
	v16 =	vmul.f32 v16, v6;
	v17 =	vsub.f32 v17, v5  }
0x19c: {  	v23 =	vmul.f32 $7.000000000e+00, v40;
	v61 =	vsub.f32 v11, v26;
	v26 =	vmin.f32 v37, $1.001000050e+00  }
0x19d: {  	v37 =	vmul.f32 $7.000000000e+00, v26;
	v11 =	vmax.f32 v16, $0.0e+00;
	v17 =	vmul.f32 v17, v6  }
0x19e: {  	v60 =	vld.idx.msk [tilespmem:v9+s25+$0x0], $0xffff;
	v32 =	vmul.f32 v32, v59;
	v39 =	vmul.f32 v42, v62;
	v11 =	vmin.f32 v11, $1.001000050e+00  }
0x19f: {  	v63 =	vld.idx.msk [tilespmem:v25+s24+$0x0], $0xffff;
	v43 =	vmul.f32 v15, v19;
	v14 =	vmul.f32 v8, v29;
	v8 =	vmax.f32 v17, $0.0e+00  }
0x1a0: {  	v13 =	vld.idx.msk [tilespmem:v20+s24+$0x0], $0xffff;
	v15 =	vmul.f32 v41, v6;
	v29 =	vmul.f32 v35, v6;
	v8 =	vmin.f32 v8, $1.001000050e+00  }
0x1a1: {  	v20 =	vld.idx.msk [tilespmem:v28+s24+$0x0], $0xffff;
	v28 =	vsub.f32 v24, v18;
	v26 =	vmul.f32 $7.000000000e+00, v11;
	v57 =	vmul.f32 $7.000000000e+00, v8  }
0x1a2: {  	v36 =	vld.idx.msk [tilespmem:v30+s25+$0x0], $0xffff;
	v35 =	vtrunc.f32 v37;
	v25 =	vmax.f32 v15, $0.0e+00;
	v8 =	vmul.f32 $7.000000000e+00, v29  }
0x1a3: {  	v31 =	vld.idx.msk [tilespmem:v31+s24+$0x0], $0xffff;
	v44 =	vmin.f32 v25, $1.001000050e+00;
	v24 =	vmul.f32 v61, v60;
	v19 =	vtrunc.f32 v57  }
0x1a4: {  	v18 =	vld.idx.msk [tilespmem:v30+s24+$0x0], $0xffff;
	v40 =	vmul.f32 $7.000000000e+00, v44;
	v11 =	vcvt.f32.s32 v19;
	v19 =	vmax.f32 v29, $0.0e+00  }
0x1a5: {  	s8 =	simm.s32 $0x90C0;
	s10 =	simm.s32 $0x90C0;
	s6 =	sadd.s32 s15, s1;
	v37 =	vld.idx.msk [tilespmem:v58+s25+$0x0], $0xffff;
	v29 =	vmax.f32 v27, $0.0e+00;
	v38 =	vmin.f32 v19, $1.001000050e+00;
	v19 =	vmul.f32 $7.000000000e+00, v27  }
0x1a6: {  	s5 =	simm.s32 $0x8;
	s12 =	simm.s32 $0x140;
	s14 =	simm.s32 $0x9040;
	v25 =	vld.idx.msk [tilespmem:v58+s24+$0x0], $0xffff;
	v27 =	vmin.f32 v29, $1.001000050e+00;
	v29 =	vadd.f32 v43, v63;
	v30 =	vcvt.s32.f32 v11  }
.LBB2_13:
0x1a7: {  	v41 =	vld [tilespmem:s12+$0x20];
	s5 =	sadd.s32 $0x8, s5;
	v22 =	vmul.f32 v22, v6;
	s8 =	sadd.s32 $0x80, s8;
	v21 =	vmul.f32 v21, v36;
	v20 =	vadd.f32 v32, v20  }
0x1a8: {  	v32 =	vmul.f32 $7.000000000e+00, v38;
	v31 =	vadd.f32 v39, v31;
	p1 =	slt.u32 s5, $0x478;
	v36 =	vtrunc.f32 v40;
	v38 =	vld.idx.msk [tilespmem:v9+s24+$0x0], $0xffff  }
0x1a9: {  	v17 =	vmul.f32 $7.000000000e+00, v17;
	v39 =	vld [tilespmem:s12+$0x10];
	v40 =	vmax.f32 v22, $0.0e+00;
	v9 =	vcvt.f32.s32 v36;
	[tilespmem:s14+$0xFFFFFFE0] =	vst v20  }
0x1aa: {  	v23 =	vtrunc.f32 v23;
	v28 =	vmul.f32 v28, v37;
	v20 =	vmin.f32 v40, $1.001000050e+00;
	v36 =	vld.idx.msk [tilespmem:v33+s24+$0x0], $0xffff;
	[tilespmem:s14+$0x20] =	vst v31  }
0x1ab: {  	v30 =	vsub.f32 v17, v30;
	v20 =	vmul.f32 $7.000000000e+00, v20;
	v31 =	vcvt.s32.f32 v9;
	v17 =	vld.idx.msk [tilespmem:v33+s25+$0x0], $0xffff  }
0x1ac: {  	v12 =	vmul.f32 $7.000000000e+00, v12;
	v35 =	vcvt.f32.s32 v35;
	v34 =	vsub.f32 v7, v34;
	v7 =	vmovc v19;
	v33 =	vld [tilespmem:s12+$0xFFFFFFE0]  }
0x1ad: {  	v18 =	vadd.f32 v21, v18;
	v21 =	vadd.f32 v28, v25;
	v19 =	vld [tilespmem:s12+$0xFFFFFFF0];
	v20 =	vtrunc.f32 v20  }
0x1ae: {  	v28 =	vcvt.s32.f32 v35;
	v24 =	vadd.f32 v24, v38;
	v25 =	vld [tilespmem:s12+$0x0];
	v20 =	vcvt.f32.s32 v20  }
0x1af: {  	v26 =	vtrunc.f32 v26;
	v13 =	vadd.f32 v14, v13;
	v38 =	vcvt.f32.s32 v23;
	v37 =	vld [tilespmem:s12+$0x30];
	[tilespmem:s14+$0xFFFFFFF0] =	vst v29  }
0x1b0: {  	v16 =	vmul.f32 $7.000000000e+00, v16;
	v14 =	vsub.f32 v12, v28;
	v29 =	vcvt.f32.s32 v26;
	v23 =	vld [tilespmem:s12+$0xFFFFFFC0];
	[tilespmem:s14+$0x30] =	vst v24  }
0x1b1: {  	v12 =	vsub.f32 v39, v5;
	v26 =	vcvt.s32.f32 v20;
	v17 =	vmul.f32 v34, v17;
	v24 =	vld [tilespmem:s12+$0xFFFFFFD0];
	[tilespmem:s14+$0x10] =	vst v13  }
0x1b2: {  	v27 =	vmul.f32 $7.000000000e+00, v27;
	v28 =	vsub.f32 v41, v5;
	v34 =	vmul.f32 $7.000000000e+00, v22;
	v39 =	vld.idx.msk [tilespmem:v35+s25+$0x0], $0xffff;
	[tilespmem:s14+$0xFFFFFFD0] =	vst v18  }
0x1b3: {  	v12 =	vmul.f32 v12, v6;
	v40 =	vcvt.s32.f32 v29;
	v17 =	vadd.f32 v17, v36;
	v13 =	vld.idx.msk [tilespmem:v35+s24+$0x0], $0xffff;
	[tilespmem:s14+$0x0] =	vst v21  }
0x1b4: {  	v28 =	vmul.f32 v28, v6;
	v36 =	vcvt.s32.f32 v38;
	v25 =	vsub.f32 v25, v5;
	v35 =	vld.idx.msk [tilespmem:v20+s25+$0x0], $0xffff  }
0x1b5: {  	v27 =	vtrunc.f32 v27;
	v18 =	vsub.f32 v19, v5;
	v19 =	vmax.f32 v12, $0.0e+00;
	[tilespmem:s14+$0xFFFFFFC0] =	vst v17;
	s14 =	smov.u32 s10;
	s10 =	smov.u32 s8  }
0x1b6: {  	v32 =	vtrunc.f32 v32;
	v21 =	vmax.f32 v28, $0.0e+00;
	v24 =	vsub.f32 v24, v5;
	v20 =	vld.idx.msk [tilespmem:v20+s24+$0x0], $0xffff  }
0x1b7: {  	v41 =	vmin.f32 v21, $1.001000050e+00;
	v37 =	vsub.f32 v37, v5;
	v17 =	vmul.f32 v18, v6;
	v18 =	vld.idx.msk [tilespmem:v29+s24+$0x0], $0xffff  }
0x1b8: {  	v15 =	vmul.f32 $7.000000000e+00, v15;
	v22 =	vsub.f32 v33, v5;
	v14 =	vmul.f32 v14, v39  }
0x1b9: {  	v21 =	vsub.f32 v16, v40;
	v33 =	vsub.f32 v23, v5;
	v23 =	vmax.f32 v17, $0.0e+00;
	v39 =	vld.idx.msk [tilespmem:v11+s25+$0x0], $0xffff  }
0x1ba: {  	v25 =	vmul.f32 v25, v6;
	v16 =	vmin.f32 v23, $1.001000050e+00;
	v23 =	vmul.f32 $7.000000000e+00, v28  }
0x1bb: {  	v40 =	vcvt.f32.s32 v32;
	v42 =	vsub.f32 v10, v36;
	v28 =	vmul.f32 $7.000000000e+00, v16  }
0x1bc: {  	v32 =	vsub.f32 v34, v26;
	v16 =	vmul.f32 v24, v6;
	v24 =	vmul.f32 $7.000000000e+00, v25;
	v10 =	vmovc v23;
	v34 =	vld.idx.msk [tilespmem:v9+s25+$0x0], $0xffff  }
0x1bd: {  	v26 =	vcvt.s32.f32 v40;
	v23 =	vmul.f32 $7.000000000e+00, v41;
	v41 =	vsub.f32 v15, v31  }
0x1be: {  	v19 =	vmin.f32 v19, $1.001000050e+00;
	v43 =	vmul.f32 v33, v6;
	v15 =	vmax.f32 v16, $0.0e+00;
	v44 =	vld.idx.msk [tilespmem:v38+s25+$0x0], $0xffff  }
0x1bf: {  	v19 =	vmul.f32 $7.000000000e+00, v19;
	v31 =	vmin.f32 v15, $1.001000050e+00;
	v45 =	vmul.f32 v30, v39  }
0x1c0: {  	v15 =	vmul.f32 v37, v6;
	v30 =	vtrunc.f32 v28;
	v28 =	vsub.f32 v8, v26;
	v8 =	vmovc v24;
	v46 =	vld.idx.msk [tilespmem:v11+s24+$0x0], $0xffff  }
0x1c1: {  	v33 =	vmax.f32 v25, $0.0e+00;
	v26 =	vmul.f32 $7.000000000e+00, v31;
	v11 =	vcvt.f32.s32 v30;
	v36 =	vld.idx.msk [tilespmem:v29+s25+$0x0], $0xffff  }
.Ltmp6:
0x1c2: {  	v32 =	vmul.f32 v32, v35;
	v25 =	vmax.f32 v15, $0.0e+00;
	v24 =	vmul.f32 v41, v34;
	v31 =	vld.idx.msk [tilespmem:v38+s24+$0x0], $0xffff;
	(pc) =	sbr.rel @p1 .LBB2_13-.Ltmp6, $4  }
0x1c3: {  	v29 =	vmax.f32 v43, $0.0e+00;
	v34 =	vmin.f32 v25, $1.001000050e+00;
	v30 =	vcvt.s32.f32 v11;
	v25 =	vld.idx.msk [tilespmem:v40+s24+$0x0], $0xffff  }
0x1c4: {  	v35 =	vtrunc.f32 v19;
	v38 =	vmin.f32 v33, $1.001000050e+00;
	v33 =	vcvt.f32.s32 v27;
	v37 =	vld.idx.msk [tilespmem:v40+s25+$0x0], $0xffff  }
0x1c5: {  	v19 =	vmul.f32 $7.000000000e+00, v43;
	v27 =	vmin.f32 v29, $1.001000050e+00;
	v39 =	vmul.f32 v42, v44  }
0x1c6: {  	s12 =	sadd.s32 $0x80, s12;
	v40 =	vmul.f32 $7.000000000e+00, v34;
	v34 =	vcvt.s32.f32 v33;
	v29 =	vadd.f32 v45, v46  }
0x1c7: {  	_ =	sdelay $0x1  }
0x1c8: {  	v22 =	vmul.f32 v22, v6;
	v35 =	vcvt.f32.s32 v35  }
0x1c9: {  	v26 =	vtrunc.f32 v26;
	v21 =	vmul.f32 v21, v36  }
0x1ca: {  	v9 =	vld.idx.msk [tilespmem:v9+s24+$0x0], $0xffff;
	v23 =	vtrunc.f32 v23;
	v17 =	vmul.f32 $7.000000000e+00, v17  }
0x1cb: {  	v42 =	vld.idx.msk [tilespmem:v33+s24+$0x0], $0xffff;
	v38 =	vmul.f32 $7.000000000e+00, v38;
	v26 =	vcvt.f32.s32 v26  }
0x1cc: {  	v58 =	vld.idx.msk [tilespmem:v33+s25+$0x0], $0xffff;
	v12 =	vmul.f32 $7.000000000e+00, v12;
	v23 =	vcvt.f32.s32 v23;
	v41 =	vmax.f32 v22, $0.0e+00  }
0x1cd: {  	v27 =	vmul.f32 $7.000000000e+00, v27;
	v44 =	vld.idx.msk [tilespmem:v11+s25+$0x0], $0xffff;
	v16 =	vmul.f32 $7.000000000e+00, v16;
	v41 =	vmin.f32 v41, $1.001000050e+00  }
0x1ce: {  	v50 =	vld.idx.msk [tilespmem:v11+s24+$0x0], $0xffff;
	v57 =	vtrunc.f32 v40;
	v41 =	vmul.f32 $7.000000000e+00, v41  }
0x1cf: {  	v20 =	vadd.f32 v32, v20;
	v15 =	vmul.f32 $7.000000000e+00, v15;
	v36 =	vcvt.f32.s32 v57;
	v59 =	vld.idx.msk [tilespmem:v35+s25+$0x0], $0xffff  }
0x1d0: {  	v31 =	vadd.f32 v39, v31;
	v28 =	vmul.f32 v28, v37;
	v41 =	vtrunc.f32 v41;
	v32 =	vld.idx.msk [tilespmem:v35+s24+$0x0], $0xffff  }
0x1d1: {  	v13 =	vadd.f32 v14, v13;
	v63 =	vcvt.s32.f32 v35;
	v41 =	vcvt.f32.s32 v41;
	v35 =	vld.idx.msk [tilespmem:v26+s24+$0x0], $0xffff  }
0x1d2: {  	v7 =	vsub.f32 v7, v34;
	[tilespmem:s14+$0xFFFFFFF0] =	vst v29;
	v43 =	vtrunc.f32 v38;
	v45 =	vtrunc.f32 v27;
	v48 =	vld.idx.msk [tilespmem:v23+s25+$0x0], $0xffff  }
0x1d3: {  	[tilespmem:s14+$0xFFFFFFE0] =	vst v20;
	v18 =	vadd.f32 v21, v18;
	v47 =	vmul.f32 $7.000000000e+00, v22;
	v21 =	vcvt.f32.s32 v43;
	v52 =	vld.idx.msk [tilespmem:v23+s24+$0x0], $0xffff  }
0x1d4: {  	[tilespmem:s14+$0x20] =	vst v31;
	v49 =	vcvt.s32.f32 v23;
	v9 =	vadd.f32 v24, v9;
	v24 =	vcvt.f32.s32 v45;
	v54 =	vld.idx.msk [tilespmem:v26+s25+$0x0], $0xffff  }
0x1d5: {  	v17 =	vsub.f32 v17, v30;
	[tilespmem:s14+$0x10] =	vst v13;
	v53 =	vcvt.s32.f32 v26;
	v61 =	vcvt.s32.f32 v36;
	v46 =	vld.idx.msk [tilespmem:v36+s25+$0x0], $0xffff  }
0x1d6: {  	v25 =	vadd.f32 v28, v25;
	v12 =	vsub.f32 v12, v63;
	v7 =	vmul.f32 v7, v58;
	v55 =	vld.idx.msk [tilespmem:v36+s24+$0x0], $0xffff  }
0x1d7: {  	[tilespmem:s14+$0xFFFFFFD0] =	vst v18;
	v16 =	vsub.f32 v16, v53;
	v57 =	vcvt.s32.f32 v21;
	v17 =	vmul.f32 v17, v44;
	v60 =	vld.idx.msk [tilespmem:v41+s25+$0x0], $0xffff  }
0x1d8: {  	v15 =	vsub.f32 v15, v61;
	[tilespmem:s14+$0x30] =	vst v9;
	v9 =	vsub.f32 v10, v49;
	v62 =	vld.idx.msk [tilespmem:v41+s24+$0x0], $0xffff;
	v41 =	vcvt.s32.f32 v41  }
0x1d9: {  	[tilespmem:s14+$0x0] =	vst v25;
	v7 =	vadd.f32 v7, v42;
	v8 =	vsub.f32 v8, v57;
	v56 =	vld.idx.msk [tilespmem:v21+s25+$0x0], $0xffff  }
0x1da: {  	v11 =	vadd.f32 v17, v50;
	v12 =	vmul.f32 v12, v59;
	v58 =	vld.idx.msk [tilespmem:v24+s25+$0x0], $0xffff;
	v51 =	vsub.f32 v47, v41  }
0x1db: {  	[tilespmem:s14+$0xFFFFFFC0] =	vst v7;
	v59 =	vld.idx.msk [tilespmem:v21+s24+$0x0], $0xffff;
	v9 =	vmul.f32 v9, v48;
	v7 =	vmul.f32 v15, v46  }
0x1dc: {  	[tilespmem:s10+$0xFFFFFFF0] =	vst v11;
	v63 =	vadd.f32 v12, v32;
	v13 =	vmul.f32 v51, v60;
	v60 =	vcvt.s32.f32 v24  }
0x1dd: {  	v61 =	vld.idx.msk [tilespmem:v24+s24+$0x0], $0xffff;
	v10 =	vmul.f32 v16, v54;
	v9 =	vadd.f32 v9, v52;
	v7 =	vadd.f32 v7, v55  }
0x1de: {  	v8 =	vmul.f32 v8, v56;
	[tilespmem:s10+$0x10] =	vst v63;
	v13 =	vadd.f32 v13, v62;
	v62 =	vsub.f32 v19, v60  }
0x1df: {  	v10 =	vadd.f32 v10, v35;
	[tilespmem:s10+$0x20] =	vst v9  }
0x1e0: {  	p1 =	sne.s32 s13, $0x3;
	v8 =	vadd.f32 v8, v59;
	[tilespmem:s10+$0x30] =	vst v7;
	v7 =	vmul.f32 v62, v58  }
.Ltmp7:
0x1e1: {  	[tilespmem:s10+$0xFFFFFFD0] =	vst v10;
	(pc) =	sbr.rel @p1 .LBB2_16-.Ltmp7, $4  }
0x1e2: {  	[tilespmem:s10+$0x0] =	vst v8;
	v7 =	vadd.f32 v7, v61  }
0x1e3: {  	s5 =	sshrl.u32 s6, $0x3;
	[tilespmem:s10+$0xFFFFFFE0] =	vst v13  }
0x1e4: {  	s5 =	sadd.s32 s4, s5;
	[tilespmem:s10+$0xFFFFFFC0] =	vst v7  }
0x1e5: {  	[hbm4b:s5+s18] =	stream.strided.scatter [tilespmem:s26], [sflag:$0x3], $0x4800, s20, s18, $0x38;
	[tilespmem:$0x12180] =	vst v63  }
.Ltmp8:
0x1e6: {  	(pc) =	sbr.rel .LBB2_17-.Ltmp8, $4  }
0x1e7: {  	_ = 	snop  }
0x1e8: {  	_ =	swait.ge [sflag:s28], $0x4800  }
0x1e9: {  	[sflag:s28] =	ssyncset.done $0x0  }
0x1ea: {  	[sflag:s28] =	ssyncadd.s32 $0xFFFFB800  }
.LBB2_16:
0x1eb: {  	s5 =	rddreg [dreg:$0x9]  }
0x1ec: {  	s1 =	sadd.s32 s1, s5  }
0x1ed: {  	s1 =	sshrl.u32 s1, $0x3  }
.Ltmp9:
0x1ee: {  	s1 =	sadd.s32 s2, s1;
	(pc) =	sbr.rel @p0 .LBB2_18-.Ltmp9, $4  }
0x1ef: {  	[tilespmem:s3], [sflag:$0x1] =	stream.strided.gather [hbm4b:s1+s18], $0x4800, s20, s18, $0x38;
	[tilespmem:$0x12180] =	vst v63  }
0x1f0: {  	_ =	swait.ge [sflag:s28], $0x4800  }
0x1f1: {  	[sflag:s28] =	ssyncset.done $0x0  }
0x1f2: {  	[sflag:s28] =	ssyncadd.s32 $0xFFFFB800  }
.LBB2_17:
0x1f3: {  	_ =	swait.ge [sflag:s16], $0x4800  }
0x1f4: {  	[sflag:s16] =	ssyncset.done $0x0  }
0x1f5: {  	[sflag:s16] =	ssyncadd.s32 $0xFFFFB800  }
.LBB2_18:
0x1f6: {  	s1 =	simm.s32 $0x4840  }
0x1f7: {  	v7 =	vld [tilespmem:s1+$0x20]  }
0x1f8: {  	v8 =	vld [tilespmem:s1+$0x10]  }
0x1f9: {  	v9 =	vld [tilespmem:s1+$0xFFFFFFF0]  }
0x1fa: {  	v10 =	vld [tilespmem:s1+$0x0]  }
0x1fb: {  	v11 =	vld [tilespmem:s1+$0x30]  }
0x1fc: {  	s14 =	simm.s32 $0x48C0;
	v13 =	vld [tilespmem:s1+$0xFFFFFFE0]  }
0x1fd: {  	v23 =	vld [tilespmem:s14+$0x20]  }
0x1fe: {  	v12 =	vld [tilespmem:s1+$0xFFFFFFD0]  }
0x1ff: {  	v8 =	vsub.f32 v8, v5;
	v7 =	vsub.f32 v7, v5  }
0x200: {  	v9 =	vsub.f32 v9, v5;
	v10 =	vsub.f32 v10, v5  }
0x201: {  	v14 =	vld [tilespmem:s1+$0xFFFFFFC0];
	v11 =	vsub.f32 v11, v5;
	v13 =	vsub.f32 v13, v5;
	v8 =	vmul.f32 v8, v6  }
0x202: {  	v23 =	vsub.f32 v23, v5;
	v7 =	vmul.f32 v7, v6;
	v17 =	vmul.f32 v9, v6  }
0x203: {  	v9 =	vsub.f32 v12, v5;
	v10 =	vmul.f32 v10, v6;
	v11 =	vmul.f32 v11, v6  }
0x204: {  	v13 =	vmul.f32 v13, v6;
	v23 =	vmul.f32 v23, v6;
	v15 =	vmax.f32 v8, $0.0e+00  }
0x205: {  	v16 =	vmax.f32 v7, $0.0e+00;
	v18 =	vmul.f32 $7.000000000e+00, v7;
	v19 =	vmul.f32 v9, v6  }
0x206: {  	v7 =	vsub.f32 v14, v5;
	v24 =	vmul.f32 $7.000000000e+00, v10;
	v10 =	vmax.f32 v10, $0.0e+00  }
0x207: {  	v21 =	vmax.f32 v13, $0.0e+00;
	v8 =	vmul.f32 $7.000000000e+00, v8;
	v13 =	vmul.f32 $7.000000000e+00, v13  }
0x208: {  	v12 =	vmin.f32 v16, $1.001000050e+00;
	v16 =	vmax.f32 v17, $0.0e+00;
	v10 =	vmin.f32 v10, $1.001000050e+00  }
0x209: {  	v21 =	vmin.f32 v21, $1.001000050e+00;
	v17 =	vmul.f32 $7.000000000e+00, v17;
	v12 =	vmul.f32 $7.000000000e+00, v12  }
0x20a: {  	v16 =	vmin.f32 v16, $1.001000050e+00;
	v10 =	vmul.f32 $7.000000000e+00, v10;
	v21 =	vmul.f32 $7.000000000e+00, v21  }
0x20b: {  	v14 =	vmax.f32 v19, $0.0e+00;
	v19 =	vmul.f32 $7.000000000e+00, v19;
	v9 =	vmul.f32 $7.000000000e+00, v16  }
0x20c: {  	v16 =	vmul.f32 v7, v6;
	v7 =	vmin.f32 v15, $1.001000050e+00;
	v14 =	vmin.f32 v14, $1.001000050e+00  }
0x20d: {  	v15 =	vmax.f32 v11, $0.0e+00;
	v11 =	vmul.f32 $7.000000000e+00, v11;
	v7 =	vmul.f32 $7.000000000e+00, v7  }
0x20e: {  	v14 =	vmul.f32 $7.000000000e+00, v14;
	v12 =	vtrunc.f32 v12  }
0x20f: {  	v22 =	vld [tilespmem:s14+$0x10];
	v21 =	vtrunc.f32 v21;
	v38 =	vtrunc.f32 v10  }
0x210: {  	v10 =	vmul.f32 $7.000000000e+00, v23;
	v9 =	vtrunc.f32 v9  }
0x211: {  	v28 =	vcvt.f32.s32 v21;
	v31 =	vcvt.f32.s32 v12  }
0x212: {  	v42 =	vcvt.f32.s32 v38;
	v25 =	vcvt.f32.s32 v9  }
0x213: {  	v9 =	vmin.f32 v15, $1.001000050e+00;
	v20 =	vtrunc.f32 v7;
	v7 =	vmul.f32 $7.000000000e+00, v16  }
0x214: {  	v27 =	vld [tilespmem:s14+$0xFFFFFFE0];
	v12 =	vsub.f32 v22, v5;
	v14 =	vtrunc.f32 v14;
	v9 =	vmul.f32 $7.000000000e+00, v9  }
0x215: {  	v21 =	vld [tilespmem:s14+$0x0];
	v20 =	vcvt.f32.s32 v20;
	v30 =	vcvt.f32.s32 v14  }
0x216: {  	v22 =	vld [tilespmem:s14+$0x30];
	v16 =	vmax.f32 v16, $0.0e+00;
	v32 =	vcvt.s32.f32 v28;
	v12 =	vmul.f32 v12, v6  }
0x217: {  	v34 =	vld [tilespmem:s14+$0xFFFFFFC0];
	v16 =	vmin.f32 v16, $1.001000050e+00;
	v36 =	vcvt.s32.f32 v31;
	v15 =	vcvt.s32.f32 v25  }
0x218: {  	v16 =	vmul.f32 $7.000000000e+00, v16;
	v9 =	vtrunc.f32 v9  }
0x219: {  	v14 =	vld [tilespmem:s14+$0xFFFFFFD0];
	v29 =	vcvt.s32.f32 v20;
	v33 =	vcvt.s32.f32 v30;
	v37 =	vmax.f32 v12, $0.0e+00  }
0x21a: {  	v43 =	vsub.f32 v18, v36;
	v18 =	vcvt.s32.f32 v42;
	v15 =	vsub.f32 v17, v15  }
0x21b: {  	v9 =	vcvt.f32.s32 v9;
	v17 =	vld [tilespmem:s14+$0xFFFFFFF0];
	v35 =	vsub.f32 v21, v5;
	v41 =	vsub.f32 v22, v5  }
0x21c: {  	v39 =	vtrunc.f32 v16;
	v22 =	vsub.f32 v27, v5;
	v27 =	vsub.f32 v34, v5;
	v60 =	vld.idx.msk [tilespmem:v28+s25+$0x0], $0xffff  }
0x21d: {  	v8 =	vsub.f32 v8, v29;
	v21 =	vsub.f32 v19, v33;
	v45 =	vld.idx.msk [tilespmem:v31+s25+$0x0], $0xffff;
	v34 =	vcvt.f32.s32 v39  }
0x21e: {  	v26 =	vcvt.s32.f32 v9;
	v16 =	vsub.f32 v14, v5;
	v14 =	vmax.f32 v23, $0.0e+00;
	v19 =	vld.idx.msk [tilespmem:v25+s25+$0x0], $0xffff  }
0x21f: {  	v62 =	vmul.f32 v27, v6;
	v27 =	vmin.f32 v37, $1.001000050e+00;
	v29 =	vld.idx.msk [tilespmem:v20+s25+$0x0], $0xffff;
	v40 =	vmin.f32 v14, $1.001000050e+00  }
0x220: {  	v37 =	vmul.f32 $7.000000000e+00, v27;
	v16 =	vmul.f32 v16, v6;
	v17 =	vsub.f32 v17, v5  }
0x221: {  	v32 =	vsub.f32 v13, v32;
	v33 =	vcvt.s32.f32 v34;
	v23 =	vmul.f32 $7.000000000e+00, v40  }
0x222: {  	v26 =	vsub.f32 v11, v26;
	v11 =	vmax.f32 v16, $0.0e+00;
	v17 =	vmul.f32 v17, v6  }
0x223: {  	v61 =	vld.idx.msk [tilespmem:v9+s25+$0x0], $0xffff;
	v32 =	vmul.f32 v32, v60;
	v39 =	vmul.f32 v43, v45;
	v11 =	vmin.f32 v11, $1.001000050e+00  }
0x224: {  	v63 =	vld.idx.msk [tilespmem:v25+s24+$0x0], $0xffff;
	v44 =	vmul.f32 v15, v19;
	v14 =	vmul.f32 v8, v29;
	v8 =	vmax.f32 v17, $0.0e+00  }
0x225: {  	v13 =	vld.idx.msk [tilespmem:v20+s24+$0x0], $0xffff;
	v15 =	vmul.f32 v41, v6;
	v29 =	vmul.f32 v35, v6;
	v8 =	vmin.f32 v8, $1.001000050e+00  }
0x226: {  	v20 =	vld.idx.msk [tilespmem:v28+s24+$0x0], $0xffff;
	v28 =	vsub.f32 v24, v18;
	v27 =	vmul.f32 $7.000000000e+00, v11;
	v59 =	vmul.f32 $7.000000000e+00, v8  }
0x227: {  	v36 =	vld.idx.msk [tilespmem:v30+s25+$0x0], $0xffff;
	v35 =	vtrunc.f32 v37;
	v25 =	vmax.f32 v15, $0.0e+00;
	v8 =	vmul.f32 $7.000000000e+00, v29  }
0x228: {  	v31 =	vld.idx.msk [tilespmem:v31+s24+$0x0], $0xffff;
	v24 =	vmul.f32 v26, v61;
	v26 =	vmax.f32 v62, $0.0e+00;
	v19 =	vtrunc.f32 v59  }
0x229: {  	v18 =	vld.idx.msk [tilespmem:v30+s24+$0x0], $0xffff;
	v26 =	vmin.f32 v26, $1.001000050e+00;
	v11 =	vcvt.f32.s32 v19;
	v19 =	vmax.f32 v29, $0.0e+00  }
0x22a: {  	s6 =	simm.s32 $0xD840;
	s5 =	simm.s32 $0x8;
	v37 =	vld.idx.msk [tilespmem:v42+s25+$0x0], $0xffff;
	v29 =	vmin.f32 v25, $1.001000050e+00;
	v38 =	vmin.f32 v19, $1.001000050e+00;
	v19 =	vmul.f32 $7.000000000e+00, v62  }
0x22b: {  	s8 =	simm.s32 $0xD8C0;
	s10 =	simm.s32 $0x4940;
	s1 =	simm.s32 $0xD8C0;
	v25 =	vld.idx.msk [tilespmem:v42+s24+$0x0], $0xffff;
	v40 =	vmul.f32 $7.000000000e+00, v29;
	v29 =	vadd.f32 v44, v63;
	v30 =	vcvt.s32.f32 v11  }
.LBB2_19:
0x22c: {  	v41 =	vld [tilespmem:s10+$0x20];
	s5 =	sadd.s32 $0x8, s5;
	v22 =	vmul.f32 v22, v6;
	s8 =	sadd.s32 $0x80, s8;
	v21 =	vmul.f32 v21, v36;
	v20 =	vadd.f32 v32, v20  }
0x22d: {  	v32 =	vmul.f32 $7.000000000e+00, v38;
	v31 =	vadd.f32 v39, v31;
	p0 =	slt.u32 s5, $0x478;
	v36 =	vtrunc.f32 v40;
	v38 =	vld.idx.msk [tilespmem:v9+s24+$0x0], $0xffff  }
0x22e: {  	v17 =	vmul.f32 $7.000000000e+00, v17;
	v39 =	vld [tilespmem:s10+$0x10];
	v40 =	vmax.f32 v22, $0.0e+00;
	v9 =	vcvt.f32.s32 v36;
	[tilespmem:s6+$0xFFFFFFE0] =	vst v20  }
0x22f: {  	v23 =	vtrunc.f32 v23;
	v28 =	vmul.f32 v28, v37;
	v20 =	vmin.f32 v40, $1.001000050e+00;
	v36 =	vld.idx.msk [tilespmem:v34+s24+$0x0], $0xffff;
	[tilespmem:s6+$0x20] =	vst v31  }
0x230: {  	v30 =	vsub.f32 v17, v30;
	v20 =	vmul.f32 $7.000000000e+00, v20;
	v31 =	vcvt.s32.f32 v9;
	v17 =	vld.idx.msk [tilespmem:v34+s25+$0x0], $0xffff  }
0x231: {  	v12 =	vmul.f32 $7.000000000e+00, v12;
	v35 =	vcvt.f32.s32 v35;
	v33 =	vsub.f32 v7, v33;
	v7 =	vmovc v19;
	v34 =	vld [tilespmem:s10+$0xFFFFFFE0]  }
0x232: {  	v18 =	vadd.f32 v21, v18;
	v21 =	vadd.f32 v28, v25;
	v19 =	vld [tilespmem:s10+$0xFFFFFFF0];
	v20 =	vtrunc.f32 v20  }
0x233: {  	v28 =	vcvt.s32.f32 v35;
	v24 =	vadd.f32 v24, v38;
	v25 =	vld [tilespmem:s10+$0x0];
	v20 =	vcvt.f32.s32 v20  }
0x234: {  	v27 =	vtrunc.f32 v27;
	v13 =	vadd.f32 v14, v13;
	v38 =	vcvt.f32.s32 v23;
	v37 =	vld [tilespmem:s10+$0x30];
	[tilespmem:s6+$0xFFFFFFF0] =	vst v29  }
0x235: {  	v16 =	vmul.f32 $7.000000000e+00, v16;
	v14 =	vsub.f32 v12, v28;
	v29 =	vcvt.f32.s32 v27;
	v23 =	vld [tilespmem:s10+$0xFFFFFFC0];
	[tilespmem:s6+$0x30] =	vst v24  }
0x236: {  	v12 =	vsub.f32 v39, v5;
	v27 =	vcvt.s32.f32 v20;
	v17 =	vmul.f32 v33, v17;
	v24 =	vld [tilespmem:s10+$0xFFFFFFD0];
	[tilespmem:s6+$0x10] =	vst v13  }
0x237: {  	v26 =	vmul.f32 $7.000000000e+00, v26;
	v28 =	vsub.f32 v41, v5;
	v33 =	vmul.f32 $7.000000000e+00, v22;
	v39 =	vld.idx.msk [tilespmem:v35+s25+$0x0], $0xffff;
	[tilespmem:s6+$0xFFFFFFD0] =	vst v18  }
0x238: {  	v12 =	vmul.f32 v12, v6;
	v40 =	vcvt.s32.f32 v29;
	v17 =	vadd.f32 v17, v36;
	v13 =	vld.idx.msk [tilespmem:v35+s24+$0x0], $0xffff;
	[tilespmem:s6+$0x0] =	vst v21  }
0x239: {  	v28 =	vmul.f32 v28, v6;
	v36 =	vcvt.s32.f32 v38;
	v25 =	vsub.f32 v25, v5;
	v35 =	vld.idx.msk [tilespmem:v20+s25+$0x0], $0xffff  }
0x23a: {  	v26 =	vtrunc.f32 v26;
	v18 =	vsub.f32 v19, v5;
	v19 =	vmax.f32 v12, $0.0e+00;
	[tilespmem:s6+$0xFFFFFFC0] =	vst v17;
	s6 =	smov.u32 s1;
	s1 =	smov.u32 s8  }
0x23b: {  	v32 =	vtrunc.f32 v32;
	v21 =	vmax.f32 v28, $0.0e+00;
	v24 =	vsub.f32 v24, v5;
	v20 =	vld.idx.msk [tilespmem:v20+s24+$0x0], $0xffff  }
0x23c: {  	v41 =	vmin.f32 v21, $1.001000050e+00;
	v37 =	vsub.f32 v37, v5;
	v17 =	vmul.f32 v18, v6;
	v18 =	vld.idx.msk [tilespmem:v29+s24+$0x0], $0xffff  }
0x23d: {  	v15 =	vmul.f32 $7.000000000e+00, v15;
	v22 =	vsub.f32 v34, v5;
	v14 =	vmul.f32 v14, v39  }
0x23e: {  	v21 =	vsub.f32 v16, v40;
	v34 =	vsub.f32 v23, v5;
	v23 =	vmax.f32 v17, $0.0e+00;
	v39 =	vld.idx.msk [tilespmem:v11+s25+$0x0], $0xffff  }
0x23f: {  	v25 =	vmul.f32 v25, v6;
	v16 =	vmin.f32 v23, $1.001000050e+00;
	v23 =	vmul.f32 $7.000000000e+00, v28  }
0x240: {  	v40 =	vcvt.f32.s32 v32;
	v42 =	vsub.f32 v10, v36;
	v28 =	vmul.f32 $7.000000000e+00, v16  }
0x241: {  	v32 =	vsub.f32 v33, v27;
	v16 =	vmul.f32 v24, v6;
	v24 =	vmul.f32 $7.000000000e+00, v25;
	v10 =	vmovc v23;
	v33 =	vld.idx.msk [tilespmem:v9+s25+$0x0], $0xffff  }
0x242: {  	v27 =	vcvt.s32.f32 v40;
	v23 =	vmul.f32 $7.000000000e+00, v41;
	v41 =	vsub.f32 v15, v31  }
0x243: {  	v19 =	vmin.f32 v19, $1.001000050e+00;
	v43 =	vmul.f32 v34, v6;
	v15 =	vmax.f32 v16, $0.0e+00;
	v44 =	vld.idx.msk [tilespmem:v38+s25+$0x0], $0xffff  }
0x244: {  	v19 =	vmul.f32 $7.000000000e+00, v19;
	v31 =	vmin.f32 v15, $1.001000050e+00;
	v45 =	vmul.f32 v30, v39  }
0x245: {  	v15 =	vmul.f32 v37, v6;
	v30 =	vtrunc.f32 v28;
	v28 =	vsub.f32 v8, v27;
	v8 =	vmovc v24;
	v46 =	vld.idx.msk [tilespmem:v11+s24+$0x0], $0xffff  }
0x246: {  	v34 =	vmax.f32 v25, $0.0e+00;
	v27 =	vmul.f32 $7.000000000e+00, v31;
	v11 =	vcvt.f32.s32 v30;
	v36 =	vld.idx.msk [tilespmem:v29+s25+$0x0], $0xffff  }
.Ltmp10:
0x247: {  	v32 =	vmul.f32 v32, v35;
	v25 =	vmax.f32 v15, $0.0e+00;
	v24 =	vmul.f32 v41, v33;
	v31 =	vld.idx.msk [tilespmem:v38+s24+$0x0], $0xffff;
	(pc) =	sbr.rel @p0 .LBB2_19-.Ltmp10, $4  }
0x248: {  	v29 =	vmax.f32 v43, $0.0e+00;
	v33 =	vmin.f32 v25, $1.001000050e+00;
	v30 =	vcvt.s32.f32 v11;
	v25 =	vld.idx.msk [tilespmem:v40+s24+$0x0], $0xffff  }
0x249: {  	v35 =	vtrunc.f32 v19;
	v38 =	vmin.f32 v34, $1.001000050e+00;
	v34 =	vcvt.f32.s32 v26;
	v37 =	vld.idx.msk [tilespmem:v40+s25+$0x0], $0xffff  }
0x24a: {  	v19 =	vmul.f32 $7.000000000e+00, v43;
	v26 =	vmin.f32 v29, $1.001000050e+00;
	v39 =	vmul.f32 v42, v44  }
0x24b: {  	s10 =	sadd.s32 $0x80, s10;
	v40 =	vmul.f32 $7.000000000e+00, v33;
	v33 =	vcvt.s32.f32 v34;
	v29 =	vadd.f32 v45, v46  }
0x24c: {  	_ =	sdelay $0x1  }
0x24d: {  	v22 =	vmul.f32 v22, v6;
	v35 =	vcvt.f32.s32 v35  }
0x24e: {  	v27 =	vtrunc.f32 v27;
	v21 =	vmul.f32 v21, v36  }
0x24f: {  	v9 =	vld.idx.msk [tilespmem:v9+s24+$0x0], $0xffff;
	v23 =	vtrunc.f32 v23;
	v17 =	vmul.f32 $7.000000000e+00, v17  }
0x250: {  	v42 =	vld.idx.msk [tilespmem:v34+s24+$0x0], $0xffff;
	v38 =	vmul.f32 $7.000000000e+00, v38;
	v27 =	vcvt.f32.s32 v27  }
0x251: {  	v58 =	vld.idx.msk [tilespmem:v34+s25+$0x0], $0xffff;
	v12 =	vmul.f32 $7.000000000e+00, v12;
	v23 =	vcvt.f32.s32 v23;
	v41 =	vmax.f32 v22, $0.0e+00  }
0x252: {  	v26 =	vmul.f32 $7.000000000e+00, v26;
	v44 =	vld.idx.msk [tilespmem:v11+s25+$0x0], $0xffff;
	v16 =	vmul.f32 $7.000000000e+00, v16;
	v41 =	vmin.f32 v41, $1.001000050e+00  }
0x253: {  	v50 =	vld.idx.msk [tilespmem:v11+s24+$0x0], $0xffff;
	v57 =	vtrunc.f32 v40;
	v41 =	vmul.f32 $7.000000000e+00, v41  }
0x254: {  	v20 =	vadd.f32 v32, v20;
	v15 =	vmul.f32 $7.000000000e+00, v15;
	v36 =	vcvt.f32.s32 v57;
	v59 =	vld.idx.msk [tilespmem:v35+s25+$0x0], $0xffff  }
0x255: {  	v31 =	vadd.f32 v39, v31;
	v28 =	vmul.f32 v28, v37;
	v41 =	vtrunc.f32 v41;
	v32 =	vld.idx.msk [tilespmem:v35+s24+$0x0], $0xffff  }
0x256: {  	v13 =	vadd.f32 v14, v13;
	v63 =	vcvt.s32.f32 v35;
	v41 =	vcvt.f32.s32 v41;
	v35 =	vld.idx.msk [tilespmem:v27+s24+$0x0], $0xffff  }
0x257: {  	v7 =	vsub.f32 v7, v33;
	[tilespmem:s6+$0xFFFFFFF0] =	vst v29;
	v43 =	vtrunc.f32 v38;
	v45 =	vtrunc.f32 v26;
	v48 =	vld.idx.msk [tilespmem:v23+s25+$0x0], $0xffff  }
0x258: {  	[tilespmem:s6+$0xFFFFFFE0] =	vst v20;
	v18 =	vadd.f32 v21, v18;
	v47 =	vmul.f32 $7.000000000e+00, v22;
	v21 =	vcvt.f32.s32 v43;
	v52 =	vld.idx.msk [tilespmem:v23+s24+$0x0], $0xffff  }
0x259: {  	[tilespmem:s6+$0x20] =	vst v31;
	v49 =	vcvt.s32.f32 v23;
	v9 =	vadd.f32 v24, v9;
	v24 =	vcvt.f32.s32 v45;
	v54 =	vld.idx.msk [tilespmem:v27+s25+$0x0], $0xffff  }
0x25a: {  	v17 =	vsub.f32 v17, v30;
	[tilespmem:s6+$0x10] =	vst v13;
	v53 =	vcvt.s32.f32 v27;
	v61 =	vcvt.s32.f32 v36;
	v46 =	vld.idx.msk [tilespmem:v36+s25+$0x0], $0xffff  }
0x25b: {  	v25 =	vadd.f32 v28, v25;
	v12 =	vsub.f32 v12, v63;
	v7 =	vmul.f32 v7, v58;
	v55 =	vld.idx.msk [tilespmem:v36+s24+$0x0], $0xffff  }
0x25c: {  	[tilespmem:s6+$0xFFFFFFD0] =	vst v18;
	v16 =	vsub.f32 v16, v53;
	v57 =	vcvt.s32.f32 v21;
	v17 =	vmul.f32 v17, v44;
	v60 =	vld.idx.msk [tilespmem:v41+s25+$0x0], $0xffff  }
0x25d: {  	v15 =	vsub.f32 v15, v61;
	[tilespmem:s6+$0x30] =	vst v9;
	v9 =	vsub.f32 v10, v49;
	v62 =	vld.idx.msk [tilespmem:v41+s24+$0x0], $0xffff;
	v41 =	vcvt.s32.f32 v41  }
0x25e: {  	[tilespmem:s6+$0x0] =	vst v25;
	v7 =	vadd.f32 v7, v42;
	v8 =	vsub.f32 v8, v57;
	v56 =	vld.idx.msk [tilespmem:v21+s25+$0x0], $0xffff  }
0x25f: {  	v11 =	vadd.f32 v17, v50;
	v12 =	vmul.f32 v12, v59;
	v58 =	vld.idx.msk [tilespmem:v24+s25+$0x0], $0xffff;
	v51 =	vsub.f32 v47, v41  }
0x260: {  	[tilespmem:s6+$0xFFFFFFC0] =	vst v7;
	v59 =	vld.idx.msk [tilespmem:v21+s24+$0x0], $0xffff;
	v9 =	vmul.f32 v9, v48;
	v7 =	vmul.f32 v15, v46  }
0x261: {  	[tilespmem:s1+$0xFFFFFFF0] =	vst v11;
	v63 =	vadd.f32 v12, v32;
	v13 =	vmul.f32 v51, v60;
	v60 =	vcvt.s32.f32 v24  }
0x262: {  	v61 =	vld.idx.msk [tilespmem:v24+s24+$0x0], $0xffff;
	v10 =	vmul.f32 v16, v54;
	v9 =	vadd.f32 v9, v52;
	v7 =	vadd.f32 v7, v55  }
0x263: {  	v8 =	vmul.f32 v8, v56;
	[tilespmem:s1+$0x10] =	vst v63;
	v13 =	vadd.f32 v13, v62;
	v62 =	vsub.f32 v19, v60  }
0x264: {  	s13 =	sadd.s32 $0x1, s13;
	v10 =	vadd.f32 v10, v35;
	[tilespmem:s1+$0x20] =	vst v9  }
0x265: {  	p0 =	sne.s32 s13, $0x4;
	v8 =	vadd.f32 v8, v59;
	[tilespmem:s1+$0x30] =	vst v7;
	v7 =	vmul.f32 v62, v58  }
.Ltmp11:
0x266: {  	[tilespmem:s1+$0xFFFFFFD0] =	vst v10;
	(pc) =	sbr.rel @p0 .LBB2_12-.Ltmp11, $4  }
0x267: {  	[tilespmem:s1+$0x0] =	vst v8;
	v7 =	vadd.f32 v7, v61  }
0x268: {  	[tilespmem:s1+$0xFFFFFFE0] =	vst v13  }
0x269: {  	s30 =	sadd.s32 s4, s30;
	[tilespmem:s1+$0xFFFFFFC0] =	vst v7  }
0x26a: {  	[hbm4b:s30+s18] =	stream.strided.scatter [tilespmem:s9], [sflag:$0x4], $0x4800, s20, s18, $0x38;
	[tilespmem:$0x12180] =	vst v63  }
0x26b: {  	s1 =	simm.s32 $0x3  }
0x26c: {  	_ =	swait.ge [sflag:s1], $0x4800  }
0x26d: {  	[sflag:s1] =	ssyncset.done $0x0  }
0x26e: {  	[sflag:s1] =	ssyncadd.s32 $0xFFFFB800  }
0x26f: {  	_ =	swait.ge [sflag:s16], $0x4800  }
0x270: {  	s13 =	simm.s32 $0x0;
	s5 =	simm.s32 $0x12000;
	[sflag:s16] =	ssyncset.done $0x0  }
0x271: {  	s14 =	simm.s32 $0x5;
	s12 =	rddreg [dreg:$0xa];
	[sflag:s16] =	ssyncadd.s32 $0xFFFFB800  }
0x272: {  	[tilespmem:s5], [sflag:$0x5] =	stream.linear.gather [hbm4b:s12+s13], $0x80, $0x38;
	[tilespmem:$0x12180] =	vst v63  }
0x273: {  	_ =	swait.ge [sflag:s14], $0x80  }
0x274: {  	[sflag:s14] =	ssyncset.done $0x0  }
0x275: {  	[sflag:s14] =	ssyncadd.s32 $0xFFFFFF80  }
0x276: {  	v5 =	vld.msk [tilespmem:s5+$0x0], $0xffff  }
0x277: {  	v6 =	vld.idx.msk [tilespmem:v0+s5+$0x0], $0xffff;
	_ =	sdelay $0x4  }
0x278: {  	v6 =	vsub.f32 v6, v5;
	_ =	sdelay $0x1  }
0x279: {  	(erf) = vrcp.f32 v6;
	_ =	sdelay $0x3  }
0x27a: {  	v7 =	vld.idx.msk [tilespmem:v3+s5+$0x0], $0xffff  }
0x27b: {  	v8 =	vld.idx.msk [tilespmem:v4+s5+$0x0], $0xffff  }
0x27c: {  	v9 =	vld.idx.msk [tilespmem:v1+s5+$0x0], $0xffff  }
0x27d: {  	v11 =	vmul.f32 $7.000000000e+00, v6;
	_ =	sdelay $0x1  }
0x27e: {  	v12 =	vpop (erf);
	(erf) = vrcp.f32 v11  }
0x27f: {  	v10 =	vld.idx.msk [tilespmem:v2+s5+$0x0], $0xffff  }
0x280: {  	v8 =	vsub.f32 v8, v7;
	v62 =	vmul.f32 v6, v9;
	_ =	sdelay $0x1  }
0x281: {  	v63 =	vsub.f32 v7, v62;
	v8 =	vmul.f32 v8, v12;
	_ =	sdelay $0x1  }
0x282: {  	v7 =	vsel vm1, v63, v7;
	v8 =	vsel vm0, v8, v10  }
0x283: {  	[tilespmem:$0x12080] =	vst v7;
	v8 =	vsel vm1, v9, v8  }
0x284: {  	s30 =	rddreg [dreg:$0x10];
	[tilespmem:$0x12100] =	vst v8  }
0x285: {  	v5 =	vsub.f32 v5, v6;
	[tilespmem:s13], [sflag:$0x1] =	stream.strided.gather [hbm4b:s30+s18], $0x4800, s20, s18, $0x38;
	v6 =	vpop (erf);
	[tilespmem:$0x12180] =	vst v63  }
.LBB2_22:
0x286: {  	s1 =	smul.u32 $0x48000, s13;
	_ =	sdelay $0x1  }
0x287: {  	s5 =	sadd.s32 s1, s29  }
0x288: {  	s30 =	sshrl.u32 s5, $0x3  }
0x289: {  	s5 =	sadd.s32 s2, s30  }
0x28a: {  	[tilespmem:s21], [sflag:$0x2] =	stream.strided.gather [hbm4b:s5+s18], $0x4800, s20, s18, $0x38;
	[tilespmem:$0x12180] =	vst v63  }
0x28b: {  	_ =	swait.ge [sflag:s22], $0x4800  }
0x28c: {  	p0 =	seq.s32 s13, $0x0;
	[sflag:s22] =	ssyncset.done $0x0  }
0x28d: {  	s5 =	simm.s32 @!p0 $0x3;
	[sflag:s22] =	ssyncadd.s32 $0xFFFFB800  }
0x28e: {  	_ =	swait.ge @!p0 [sflag:s5], $0x4800  }
0x28f: {  	[sflag:s5] =	ssyncset.done @!p0 $0x0  }
0x290: {  	s12 =	simm.s32 $0x40;
	[sflag:s5] =	ssyncadd.s32 @!p0 $0xFFFFB800  }
0x291: {  	v7 =	vld [tilespmem:s12+$0x20]  }
0x292: {  	v8 =	vld [tilespmem:s12+$0x10]  }
0x293: {  	v9 =	vld [tilespmem:s12+$0xFFFFFFF0]  }
0x294: {  	v10 =	vld [tilespmem:s12+$0x0]  }
0x295: {  	v11 =	vld [tilespmem:s12+$0x30]  }
0x296: {  	s14 =	simm.s32 $0xC0;
	v13 =	vld [tilespmem:s12+$0xFFFFFFE0]  }
0x297: {  	v23 =	vld [tilespmem:s14+$0x20]  }
0x298: {  	v12 =	vld [tilespmem:s12+$0xFFFFFFD0]  }
0x299: {  	v8 =	vsub.f32 v8, v5;
	v7 =	vsub.f32 v7, v5  }
0x29a: {  	v9 =	vsub.f32 v9, v5;
	v10 =	vsub.f32 v10, v5  }
0x29b: {  	v14 =	vld [tilespmem:s12+$0xFFFFFFC0];
	v11 =	vsub.f32 v11, v5;
	v13 =	vsub.f32 v13, v5;
	v8 =	vmul.f32 v8, v6  }
0x29c: {  	v23 =	vsub.f32 v23, v5;
	v7 =	vmul.f32 v7, v6;
	v17 =	vmul.f32 v9, v6  }
0x29d: {  	v9 =	vsub.f32 v12, v5;
	v10 =	vmul.f32 v10, v6;
	v11 =	vmul.f32 v11, v6  }
0x29e: {  	v13 =	vmul.f32 v13, v6;
	v23 =	vmul.f32 v23, v6;
	v15 =	vmax.f32 v8, $0.0e+00  }
0x29f: {  	v16 =	vmax.f32 v7, $0.0e+00;
	v18 =	vmul.f32 $7.000000000e+00, v7;
	v19 =	vmul.f32 v9, v6  }
0x2a0: {  	v7 =	vsub.f32 v14, v5;
	v24 =	vmul.f32 $7.000000000e+00, v10;
	v10 =	vmax.f32 v10, $0.0e+00  }
0x2a1: {  	v21 =	vmax.f32 v13, $0.0e+00;
	v8 =	vmul.f32 $7.000000000e+00, v8;
	v13 =	vmul.f32 $7.000000000e+00, v13  }
0x2a2: {  	v12 =	vmin.f32 v16, $1.001000050e+00;
	v16 =	vmax.f32 v17, $0.0e+00;
	v10 =	vmin.f32 v10, $1.001000050e+00  }
0x2a3: {  	v21 =	vmin.f32 v21, $1.001000050e+00;
	v17 =	vmul.f32 $7.000000000e+00, v17;
	v12 =	vmul.f32 $7.000000000e+00, v12  }
0x2a4: {  	v16 =	vmin.f32 v16, $1.001000050e+00;
	v10 =	vmul.f32 $7.000000000e+00, v10;
	v21 =	vmul.f32 $7.000000000e+00, v21  }
0x2a5: {  	v14 =	vmax.f32 v19, $0.0e+00;
	v19 =	vmul.f32 $7.000000000e+00, v19;
	v9 =	vmul.f32 $7.000000000e+00, v16  }
0x2a6: {  	v16 =	vmul.f32 v7, v6;
	v7 =	vmin.f32 v15, $1.001000050e+00;
	v14 =	vmin.f32 v14, $1.001000050e+00  }
0x2a7: {  	v15 =	vmax.f32 v11, $0.0e+00;
	v11 =	vmul.f32 $7.000000000e+00, v11;
	v7 =	vmul.f32 $7.000000000e+00, v7  }
0x2a8: {  	v14 =	vmul.f32 $7.000000000e+00, v14;
	v12 =	vtrunc.f32 v12  }
0x2a9: {  	v22 =	vld [tilespmem:s14+$0x10];
	v21 =	vtrunc.f32 v21;
	v38 =	vtrunc.f32 v10  }
0x2aa: {  	v10 =	vmul.f32 $7.000000000e+00, v23;
	v9 =	vtrunc.f32 v9  }
0x2ab: {  	v28 =	vcvt.f32.s32 v21;
	v31 =	vcvt.f32.s32 v12  }
0x2ac: {  	v58 =	vcvt.f32.s32 v38;
	v25 =	vcvt.f32.s32 v9  }
0x2ad: {  	v9 =	vmin.f32 v15, $1.001000050e+00;
	v20 =	vtrunc.f32 v7;
	v7 =	vmul.f32 $7.000000000e+00, v16  }
0x2ae: {  	v27 =	vld [tilespmem:s14+$0xFFFFFFE0];
	v12 =	vsub.f32 v22, v5;
	v14 =	vtrunc.f32 v14;
	v9 =	vmul.f32 $7.000000000e+00, v9  }
0x2af: {  	v21 =	vld [tilespmem:s14+$0x0];
	v20 =	vcvt.f32.s32 v20;
	v30 =	vcvt.f32.s32 v14  }
0x2b0: {  	v22 =	vld [tilespmem:s14+$0x30];
	v16 =	vmax.f32 v16, $0.0e+00;
	v32 =	vcvt.s32.f32 v28;
	v12 =	vmul.f32 v12, v6  }
0x2b1: {  	v34 =	vld [tilespmem:s14+$0xFFFFFFC0];
	v16 =	vmin.f32 v16, $1.001000050e+00;
	v36 =	vcvt.s32.f32 v31;
	v15 =	vcvt.s32.f32 v25  }
0x2b2: {  	v16 =	vmul.f32 $7.000000000e+00, v16;
	v9 =	vtrunc.f32 v9  }
0x2b3: {  	v14 =	vld [tilespmem:s14+$0xFFFFFFD0];
	v29 =	vcvt.s32.f32 v20;
	v33 =	vcvt.s32.f32 v30;
	v42 =	vsub.f32 v18, v36  }
0x2b4: {  	v37 =	vmax.f32 v12, $0.0e+00;
	v32 =	vsub.f32 v13, v32;
	v15 =	vsub.f32 v17, v15  }
0x2b5: {  	v18 =	vcvt.s32.f32 v58;
	v17 =	vld [tilespmem:s14+$0xFFFFFFF0];
	v35 =	vsub.f32 v21, v5;
	v41 =	vsub.f32 v22, v5  }
0x2b6: {  	v9 =	vcvt.f32.s32 v9;
	v22 =	vsub.f32 v27, v5;
	v27 =	vsub.f32 v34, v5;
	v59 =	vld.idx.msk [tilespmem:v28+s25+$0x0], $0xffff  }
0x2b7: {  	v39 =	vtrunc.f32 v16;
	v8 =	vsub.f32 v8, v29;
	v21 =	vsub.f32 v19, v33;
	v62 =	vld.idx.msk [tilespmem:v31+s25+$0x0], $0xffff  }
0x2b8: {  	v33 =	vcvt.f32.s32 v39;
	v16 =	vsub.f32 v14, v5;
	v14 =	vmax.f32 v23, $0.0e+00;
	v19 =	vld.idx.msk [tilespmem:v25+s25+$0x0], $0xffff  }
0x2b9: {  	v26 =	vcvt.s32.f32 v9;
	v27 =	vmul.f32 v27, v6;
	v29 =	vld.idx.msk [tilespmem:v20+s25+$0x0], $0xffff;
	v40 =	vmin.f32 v14, $1.001000050e+00  }
0x2ba: {  	v34 =	vcvt.s32.f32 v33;
	v16 =	vmul.f32 v16, v6;
	v17 =	vsub.f32 v17, v5  }
0x2bb: {  	v23 =	vmul.f32 $7.000000000e+00, v40;
	v61 =	vsub.f32 v11, v26;
	v26 =	vmin.f32 v37, $1.001000050e+00  }
0x2bc: {  	v37 =	vmul.f32 $7.000000000e+00, v26;
	v11 =	vmax.f32 v16, $0.0e+00;
	v17 =	vmul.f32 v17, v6  }
0x2bd: {  	v60 =	vld.idx.msk [tilespmem:v9+s25+$0x0], $0xffff;
	v32 =	vmul.f32 v32, v59;
	v39 =	vmul.f32 v42, v62;
	v11 =	vmin.f32 v11, $1.001000050e+00  }
0x2be: {  	v63 =	vld.idx.msk [tilespmem:v25+s24+$0x0], $0xffff;
	v43 =	vmul.f32 v15, v19;
	v14 =	vmul.f32 v8, v29;
	v8 =	vmax.f32 v17, $0.0e+00  }
0x2bf: {  	v13 =	vld.idx.msk [tilespmem:v20+s24+$0x0], $0xffff;
	v15 =	vmul.f32 v41, v6;
	v29 =	vmul.f32 v35, v6;
	v8 =	vmin.f32 v8, $1.001000050e+00  }
0x2c0: {  	v20 =	vld.idx.msk [tilespmem:v28+s24+$0x0], $0xffff;
	v28 =	vsub.f32 v24, v18;
	v26 =	vmul.f32 $7.000000000e+00, v11;
	v57 =	vmul.f32 $7.000000000e+00, v8  }
0x2c1: {  	v36 =	vld.idx.msk [tilespmem:v30+s25+$0x0], $0xffff;
	v35 =	vtrunc.f32 v37;
	v25 =	vmax.f32 v15, $0.0e+00;
	v8 =	vmul.f32 $7.000000000e+00, v29  }
0x2c2: {  	v31 =	vld.idx.msk [tilespmem:v31+s24+$0x0], $0xffff;
	v44 =	vmin.f32 v25, $1.001000050e+00;
	v24 =	vmul.f32 v61, v60;
	v19 =	vtrunc.f32 v57  }
0x2c3: {  	v18 =	vld.idx.msk [tilespmem:v30+s24+$0x0], $0xffff;
	v40 =	vmul.f32 $7.000000000e+00, v44;
	v11 =	vcvt.f32.s32 v19;
	v19 =	vmax.f32 v29, $0.0e+00  }
0x2c4: {  	s8 =	simm.s32 $0x90C0;
	s10 =	simm.s32 $0x90C0;
	s6 =	sadd.s32 s11, s1;
	v37 =	vld.idx.msk [tilespmem:v58+s25+$0x0], $0xffff;
	v29 =	vmax.f32 v27, $0.0e+00;
	v38 =	vmin.f32 v19, $1.001000050e+00;
	v19 =	vmul.f32 $7.000000000e+00, v27  }
0x2c5: {  	s5 =	simm.s32 $0x8;
	s12 =	simm.s32 $0x140;
	s14 =	simm.s32 $0x9040;
	v25 =	vld.idx.msk [tilespmem:v58+s24+$0x0], $0xffff;
	v27 =	vmin.f32 v29, $1.001000050e+00;
	v29 =	vadd.f32 v43, v63;
	v30 =	vcvt.s32.f32 v11  }
.LBB2_23:
0x2c6: {  	v41 =	vld [tilespmem:s12+$0x20];
	s5 =	sadd.s32 $0x8, s5;
	v22 =	vmul.f32 v22, v6;
	s8 =	sadd.s32 $0x80, s8;
	v21 =	vmul.f32 v21, v36;
	v20 =	vadd.f32 v32, v20  }
0x2c7: {  	v32 =	vmul.f32 $7.000000000e+00, v38;
	v31 =	vadd.f32 v39, v31;
	p1 =	slt.u32 s5, $0x478;
	v36 =	vtrunc.f32 v40;
	v38 =	vld.idx.msk [tilespmem:v9+s24+$0x0], $0xffff  }
0x2c8: {  	v17 =	vmul.f32 $7.000000000e+00, v17;
	v39 =	vld [tilespmem:s12+$0x10];
	v40 =	vmax.f32 v22, $0.0e+00;
	v9 =	vcvt.f32.s32 v36;
	[tilespmem:s14+$0xFFFFFFE0] =	vst v20  }
0x2c9: {  	v23 =	vtrunc.f32 v23;
	v28 =	vmul.f32 v28, v37;
	v20 =	vmin.f32 v40, $1.001000050e+00;
	v36 =	vld.idx.msk [tilespmem:v33+s24+$0x0], $0xffff;
	[tilespmem:s14+$0x20] =	vst v31  }
0x2ca: {  	v30 =	vsub.f32 v17, v30;
	v20 =	vmul.f32 $7.000000000e+00, v20;
	v31 =	vcvt.s32.f32 v9;
	v17 =	vld.idx.msk [tilespmem:v33+s25+$0x0], $0xffff  }
0x2cb: {  	v12 =	vmul.f32 $7.000000000e+00, v12;
	v35 =	vcvt.f32.s32 v35;
	v34 =	vsub.f32 v7, v34;
	v7 =	vmovc v19;
	v33 =	vld [tilespmem:s12+$0xFFFFFFE0]  }
0x2cc: {  	v18 =	vadd.f32 v21, v18;
	v21 =	vadd.f32 v28, v25;
	v19 =	vld [tilespmem:s12+$0xFFFFFFF0];
	v20 =	vtrunc.f32 v20  }
0x2cd: {  	v28 =	vcvt.s32.f32 v35;
	v24 =	vadd.f32 v24, v38;
	v25 =	vld [tilespmem:s12+$0x0];
	v20 =	vcvt.f32.s32 v20  }
0x2ce: {  	v26 =	vtrunc.f32 v26;
	v13 =	vadd.f32 v14, v13;
	v38 =	vcvt.f32.s32 v23;
	v37 =	vld [tilespmem:s12+$0x30];
	[tilespmem:s14+$0xFFFFFFF0] =	vst v29  }
0x2cf: {  	v16 =	vmul.f32 $7.000000000e+00, v16;
	v14 =	vsub.f32 v12, v28;
	v29 =	vcvt.f32.s32 v26;
	v23 =	vld [tilespmem:s12+$0xFFFFFFC0];
	[tilespmem:s14+$0x30] =	vst v24  }
0x2d0: {  	v12 =	vsub.f32 v39, v5;
	v26 =	vcvt.s32.f32 v20;
	v17 =	vmul.f32 v34, v17;
	v24 =	vld [tilespmem:s12+$0xFFFFFFD0];
	[tilespmem:s14+$0x10] =	vst v13  }
0x2d1: {  	v27 =	vmul.f32 $7.000000000e+00, v27;
	v28 =	vsub.f32 v41, v5;
	v34 =	vmul.f32 $7.000000000e+00, v22;
	v39 =	vld.idx.msk [tilespmem:v35+s25+$0x0], $0xffff;
	[tilespmem:s14+$0xFFFFFFD0] =	vst v18  }
0x2d2: {  	v12 =	vmul.f32 v12, v6;
	v40 =	vcvt.s32.f32 v29;
	v17 =	vadd.f32 v17, v36;
	v13 =	vld.idx.msk [tilespmem:v35+s24+$0x0], $0xffff;
	[tilespmem:s14+$0x0] =	vst v21  }
0x2d3: {  	v28 =	vmul.f32 v28, v6;
	v36 =	vcvt.s32.f32 v38;
	v25 =	vsub.f32 v25, v5;
	v35 =	vld.idx.msk [tilespmem:v20+s25+$0x0], $0xffff  }
0x2d4: {  	v27 =	vtrunc.f32 v27;
	v18 =	vsub.f32 v19, v5;
	v19 =	vmax.f32 v12, $0.0e+00;
	[tilespmem:s14+$0xFFFFFFC0] =	vst v17;
	s14 =	smov.u32 s10;
	s10 =	smov.u32 s8  }
0x2d5: {  	v32 =	vtrunc.f32 v32;
	v21 =	vmax.f32 v28, $0.0e+00;
	v24 =	vsub.f32 v24, v5;
	v20 =	vld.idx.msk [tilespmem:v20+s24+$0x0], $0xffff  }
0x2d6: {  	v41 =	vmin.f32 v21, $1.001000050e+00;
	v37 =	vsub.f32 v37, v5;
	v17 =	vmul.f32 v18, v6;
	v18 =	vld.idx.msk [tilespmem:v29+s24+$0x0], $0xffff  }
0x2d7: {  	v15 =	vmul.f32 $7.000000000e+00, v15;
	v22 =	vsub.f32 v33, v5;
	v14 =	vmul.f32 v14, v39  }
0x2d8: {  	v21 =	vsub.f32 v16, v40;
	v33 =	vsub.f32 v23, v5;
	v23 =	vmax.f32 v17, $0.0e+00;
	v39 =	vld.idx.msk [tilespmem:v11+s25+$0x0], $0xffff  }
0x2d9: {  	v25 =	vmul.f32 v25, v6;
	v16 =	vmin.f32 v23, $1.001000050e+00;
	v23 =	vmul.f32 $7.000000000e+00, v28  }
0x2da: {  	v40 =	vcvt.f32.s32 v32;
	v42 =	vsub.f32 v10, v36;
	v28 =	vmul.f32 $7.000000000e+00, v16  }
0x2db: {  	v32 =	vsub.f32 v34, v26;
	v16 =	vmul.f32 v24, v6;
	v24 =	vmul.f32 $7.000000000e+00, v25;
	v10 =	vmovc v23;
	v34 =	vld.idx.msk [tilespmem:v9+s25+$0x0], $0xffff  }
0x2dc: {  	v26 =	vcvt.s32.f32 v40;
	v23 =	vmul.f32 $7.000000000e+00, v41;
	v41 =	vsub.f32 v15, v31  }
0x2dd: {  	v19 =	vmin.f32 v19, $1.001000050e+00;
	v43 =	vmul.f32 v33, v6;
	v15 =	vmax.f32 v16, $0.0e+00;
	v44 =	vld.idx.msk [tilespmem:v38+s25+$0x0], $0xffff  }
0x2de: {  	v19 =	vmul.f32 $7.000000000e+00, v19;
	v31 =	vmin.f32 v15, $1.001000050e+00;
	v45 =	vmul.f32 v30, v39  }
0x2df: {  	v15 =	vmul.f32 v37, v6;
	v30 =	vtrunc.f32 v28;
	v28 =	vsub.f32 v8, v26;
	v8 =	vmovc v24;
	v46 =	vld.idx.msk [tilespmem:v11+s24+$0x0], $0xffff  }
0x2e0: {  	v33 =	vmax.f32 v25, $0.0e+00;
	v26 =	vmul.f32 $7.000000000e+00, v31;
	v11 =	vcvt.f32.s32 v30;
	v36 =	vld.idx.msk [tilespmem:v29+s25+$0x0], $0xffff  }
.Ltmp12:
0x2e1: {  	v32 =	vmul.f32 v32, v35;
	v25 =	vmax.f32 v15, $0.0e+00;
	v24 =	vmul.f32 v41, v34;
	v31 =	vld.idx.msk [tilespmem:v38+s24+$0x0], $0xffff;
	(pc) =	sbr.rel @p1 .LBB2_23-.Ltmp12, $4  }
0x2e2: {  	v29 =	vmax.f32 v43, $0.0e+00;
	v34 =	vmin.f32 v25, $1.001000050e+00;
	v30 =	vcvt.s32.f32 v11;
	v25 =	vld.idx.msk [tilespmem:v40+s24+$0x0], $0xffff  }
0x2e3: {  	v35 =	vtrunc.f32 v19;
	v38 =	vmin.f32 v33, $1.001000050e+00;
	v33 =	vcvt.f32.s32 v27;
	v37 =	vld.idx.msk [tilespmem:v40+s25+$0x0], $0xffff  }
0x2e4: {  	v19 =	vmul.f32 $7.000000000e+00, v43;
	v27 =	vmin.f32 v29, $1.001000050e+00;
	v39 =	vmul.f32 v42, v44  }
0x2e5: {  	s12 =	sadd.s32 $0x80, s12;
	v40 =	vmul.f32 $7.000000000e+00, v34;
	v34 =	vcvt.s32.f32 v33;
	v29 =	vadd.f32 v45, v46  }
0x2e6: {  	_ =	sdelay $0x1  }
0x2e7: {  	v22 =	vmul.f32 v22, v6;
	v35 =	vcvt.f32.s32 v35  }
0x2e8: {  	v26 =	vtrunc.f32 v26;
	v21 =	vmul.f32 v21, v36  }
0x2e9: {  	v9 =	vld.idx.msk [tilespmem:v9+s24+$0x0], $0xffff;
	v23 =	vtrunc.f32 v23;
	v17 =	vmul.f32 $7.000000000e+00, v17  }
0x2ea: {  	v42 =	vld.idx.msk [tilespmem:v33+s24+$0x0], $0xffff;
	v38 =	vmul.f32 $7.000000000e+00, v38;
	v26 =	vcvt.f32.s32 v26  }
0x2eb: {  	v58 =	vld.idx.msk [tilespmem:v33+s25+$0x0], $0xffff;
	v12 =	vmul.f32 $7.000000000e+00, v12;
	v23 =	vcvt.f32.s32 v23;
	v41 =	vmax.f32 v22, $0.0e+00  }
0x2ec: {  	v27 =	vmul.f32 $7.000000000e+00, v27;
	v44 =	vld.idx.msk [tilespmem:v11+s25+$0x0], $0xffff;
	v16 =	vmul.f32 $7.000000000e+00, v16;
	v41 =	vmin.f32 v41, $1.001000050e+00  }
0x2ed: {  	v50 =	vld.idx.msk [tilespmem:v11+s24+$0x0], $0xffff;
	v57 =	vtrunc.f32 v40;
	v41 =	vmul.f32 $7.000000000e+00, v41  }
0x2ee: {  	v20 =	vadd.f32 v32, v20;
	v15 =	vmul.f32 $7.000000000e+00, v15;
	v36 =	vcvt.f32.s32 v57;
	v59 =	vld.idx.msk [tilespmem:v35+s25+$0x0], $0xffff  }
0x2ef: {  	v31 =	vadd.f32 v39, v31;
	v28 =	vmul.f32 v28, v37;
	v41 =	vtrunc.f32 v41;
	v32 =	vld.idx.msk [tilespmem:v35+s24+$0x0], $0xffff  }
0x2f0: {  	v13 =	vadd.f32 v14, v13;
	v63 =	vcvt.s32.f32 v35;
	v41 =	vcvt.f32.s32 v41;
	v35 =	vld.idx.msk [tilespmem:v26+s24+$0x0], $0xffff  }
0x2f1: {  	v7 =	vsub.f32 v7, v34;
	[tilespmem:s14+$0xFFFFFFF0] =	vst v29;
	v43 =	vtrunc.f32 v38;
	v45 =	vtrunc.f32 v27;
	v48 =	vld.idx.msk [tilespmem:v23+s25+$0x0], $0xffff  }
0x2f2: {  	[tilespmem:s14+$0xFFFFFFE0] =	vst v20;
	v18 =	vadd.f32 v21, v18;
	v47 =	vmul.f32 $7.000000000e+00, v22;
	v21 =	vcvt.f32.s32 v43;
	v52 =	vld.idx.msk [tilespmem:v23+s24+$0x0], $0xffff  }
0x2f3: {  	[tilespmem:s14+$0x20] =	vst v31;
	v49 =	vcvt.s32.f32 v23;
	v9 =	vadd.f32 v24, v9;
	v24 =	vcvt.f32.s32 v45;
	v54 =	vld.idx.msk [tilespmem:v26+s25+$0x0], $0xffff  }
0x2f4: {  	v17 =	vsub.f32 v17, v30;
	[tilespmem:s14+$0x10] =	vst v13;
	v53 =	vcvt.s32.f32 v26;
	v61 =	vcvt.s32.f32 v36;
	v46 =	vld.idx.msk [tilespmem:v36+s25+$0x0], $0xffff  }
0x2f5: {  	v25 =	vadd.f32 v28, v25;
	v12 =	vsub.f32 v12, v63;
	v7 =	vmul.f32 v7, v58;
	v55 =	vld.idx.msk [tilespmem:v36+s24+$0x0], $0xffff  }
0x2f6: {  	[tilespmem:s14+$0xFFFFFFD0] =	vst v18;
	v16 =	vsub.f32 v16, v53;
	v57 =	vcvt.s32.f32 v21;
	v17 =	vmul.f32 v17, v44;
	v60 =	vld.idx.msk [tilespmem:v41+s25+$0x0], $0xffff  }
0x2f7: {  	v15 =	vsub.f32 v15, v61;
	[tilespmem:s14+$0x30] =	vst v9;
	v9 =	vsub.f32 v10, v49;
	v62 =	vld.idx.msk [tilespmem:v41+s24+$0x0], $0xffff;
	v41 =	vcvt.s32.f32 v41  }
0x2f8: {  	[tilespmem:s14+$0x0] =	vst v25;
	v7 =	vadd.f32 v7, v42;
	v8 =	vsub.f32 v8, v57;
	v56 =	vld.idx.msk [tilespmem:v21+s25+$0x0], $0xffff  }
0x2f9: {  	v11 =	vadd.f32 v17, v50;
	v12 =	vmul.f32 v12, v59;
	v58 =	vld.idx.msk [tilespmem:v24+s25+$0x0], $0xffff;
	v51 =	vsub.f32 v47, v41  }
0x2fa: {  	[tilespmem:s14+$0xFFFFFFC0] =	vst v7;
	v59 =	vld.idx.msk [tilespmem:v21+s24+$0x0], $0xffff;
	v9 =	vmul.f32 v9, v48;
	v7 =	vmul.f32 v15, v46  }
0x2fb: {  	[tilespmem:s10+$0xFFFFFFF0] =	vst v11;
	v63 =	vadd.f32 v12, v32;
	v13 =	vmul.f32 v51, v60;
	v60 =	vcvt.s32.f32 v24  }
0x2fc: {  	v61 =	vld.idx.msk [tilespmem:v24+s24+$0x0], $0xffff;
	v10 =	vmul.f32 v16, v54;
	v9 =	vadd.f32 v9, v52;
	v7 =	vadd.f32 v7, v55  }
0x2fd: {  	v8 =	vmul.f32 v8, v56;
	[tilespmem:s10+$0x10] =	vst v63;
	v13 =	vadd.f32 v13, v62;
	v62 =	vsub.f32 v19, v60  }
0x2fe: {  	v10 =	vadd.f32 v10, v35;
	[tilespmem:s10+$0x20] =	vst v9  }
0x2ff: {  	p1 =	sne.s32 s13, $0x3;
	v8 =	vadd.f32 v8, v59;
	[tilespmem:s10+$0x30] =	vst v7;
	v7 =	vmul.f32 v62, v58  }
.Ltmp13:
0x300: {  	[tilespmem:s10+$0xFFFFFFD0] =	vst v10;
	(pc) =	sbr.rel @p1 .LBB2_26-.Ltmp13, $4  }
0x301: {  	[tilespmem:s10+$0x0] =	vst v8;
	v7 =	vadd.f32 v7, v61  }
0x302: {  	s5 =	sshrl.u32 s6, $0x3;
	[tilespmem:s10+$0xFFFFFFE0] =	vst v13  }
0x303: {  	s5 =	sadd.s32 s4, s5;
	[tilespmem:s10+$0xFFFFFFC0] =	vst v7  }
0x304: {  	[hbm4b:s5+s18] =	stream.strided.scatter [tilespmem:s26], [sflag:$0x3], $0x4800, s20, s18, $0x38;
	[tilespmem:$0x12180] =	vst v63  }
.Ltmp14:
0x305: {  	(pc) =	sbr.rel .LBB2_27-.Ltmp14, $4  }
0x306: {  	_ = 	snop  }
0x307: {  	_ =	swait.ge [sflag:s28], $0x4800  }
0x308: {  	[sflag:s28] =	ssyncset.done $0x0  }
0x309: {  	[sflag:s28] =	ssyncadd.s32 $0xFFFFB800  }
.LBB2_26:
0x30a: {  	s5 =	rddreg [dreg:$0x15]  }
0x30b: {  	s1 =	sadd.s32 s1, s5  }
0x30c: {  	s1 =	sshrl.u32 s1, $0x3  }
.Ltmp15:
0x30d: {  	s1 =	sadd.s32 s2, s1;
	(pc) =	sbr.rel @p0 .LBB2_28-.Ltmp15, $4  }
0x30e: {  	[tilespmem:s3], [sflag:$0x1] =	stream.strided.gather [hbm4b:s1+s18], $0x4800, s20, s18, $0x38;
	[tilespmem:$0x12180] =	vst v63  }
0x30f: {  	_ =	swait.ge [sflag:s28], $0x4800  }
0x310: {  	[sflag:s28] =	ssyncset.done $0x0  }
0x311: {  	[sflag:s28] =	ssyncadd.s32 $0xFFFFB800  }
.LBB2_27:
0x312: {  	_ =	swait.ge [sflag:s16], $0x4800  }
0x313: {  	[sflag:s16] =	ssyncset.done $0x0  }
0x314: {  	[sflag:s16] =	ssyncadd.s32 $0xFFFFB800  }
.LBB2_28:
0x315: {  	s1 =	simm.s32 $0x4840  }
0x316: {  	v7 =	vld [tilespmem:s1+$0x20]  }
0x317: {  	v8 =	vld [tilespmem:s1+$0x10]  }
0x318: {  	v9 =	vld [tilespmem:s1+$0xFFFFFFF0]  }
0x319: {  	v10 =	vld [tilespmem:s1+$0x0]  }
0x31a: {  	v11 =	vld [tilespmem:s1+$0x30]  }
0x31b: {  	s14 =	simm.s32 $0x48C0;
	v13 =	vld [tilespmem:s1+$0xFFFFFFE0]  }
0x31c: {  	v23 =	vld [tilespmem:s14+$0x20]  }
0x31d: {  	v12 =	vld [tilespmem:s1+$0xFFFFFFD0]  }
0x31e: {  	v8 =	vsub.f32 v8, v5;
	v7 =	vsub.f32 v7, v5  }
0x31f: {  	v9 =	vsub.f32 v9, v5;
	v10 =	vsub.f32 v10, v5  }
0x320: {  	v14 =	vld [tilespmem:s1+$0xFFFFFFC0];
	v11 =	vsub.f32 v11, v5;
	v13 =	vsub.f32 v13, v5;
	v8 =	vmul.f32 v8, v6  }
0x321: {  	v23 =	vsub.f32 v23, v5;
	v7 =	vmul.f32 v7, v6;
	v17 =	vmul.f32 v9, v6  }
0x322: {  	v9 =	vsub.f32 v12, v5;
	v10 =	vmul.f32 v10, v6;
	v11 =	vmul.f32 v11, v6  }
0x323: {  	v13 =	vmul.f32 v13, v6;
	v23 =	vmul.f32 v23, v6;
	v15 =	vmax.f32 v8, $0.0e+00  }
0x324: {  	v16 =	vmax.f32 v7, $0.0e+00;
	v18 =	vmul.f32 $7.000000000e+00, v7;
	v19 =	vmul.f32 v9, v6  }
0x325: {  	v7 =	vsub.f32 v14, v5;
	v24 =	vmul.f32 $7.000000000e+00, v10;
	v10 =	vmax.f32 v10, $0.0e+00  }
0x326: {  	v21 =	vmax.f32 v13, $0.0e+00;
	v8 =	vmul.f32 $7.000000000e+00, v8;
	v13 =	vmul.f32 $7.000000000e+00, v13  }
0x327: {  	v12 =	vmin.f32 v16, $1.001000050e+00;
	v16 =	vmax.f32 v17, $0.0e+00;
	v10 =	vmin.f32 v10, $1.001000050e+00  }
0x328: {  	v21 =	vmin.f32 v21, $1.001000050e+00;
	v17 =	vmul.f32 $7.000000000e+00, v17;
	v12 =	vmul.f32 $7.000000000e+00, v12  }
0x329: {  	v16 =	vmin.f32 v16, $1.001000050e+00;
	v10 =	vmul.f32 $7.000000000e+00, v10;
	v21 =	vmul.f32 $7.000000000e+00, v21  }
0x32a: {  	v14 =	vmax.f32 v19, $0.0e+00;
	v19 =	vmul.f32 $7.000000000e+00, v19;
	v9 =	vmul.f32 $7.000000000e+00, v16  }
0x32b: {  	v16 =	vmul.f32 v7, v6;
	v7 =	vmin.f32 v15, $1.001000050e+00;
	v14 =	vmin.f32 v14, $1.001000050e+00  }
0x32c: {  	v15 =	vmax.f32 v11, $0.0e+00;
	v11 =	vmul.f32 $7.000000000e+00, v11;
	v7 =	vmul.f32 $7.000000000e+00, v7  }
0x32d: {  	v14 =	vmul.f32 $7.000000000e+00, v14;
	v12 =	vtrunc.f32 v12  }
0x32e: {  	v22 =	vld [tilespmem:s14+$0x10];
	v21 =	vtrunc.f32 v21;
	v38 =	vtrunc.f32 v10  }
0x32f: {  	v10 =	vmul.f32 $7.000000000e+00, v23;
	v9 =	vtrunc.f32 v9  }
0x330: {  	v28 =	vcvt.f32.s32 v21;
	v31 =	vcvt.f32.s32 v12  }
0x331: {  	v42 =	vcvt.f32.s32 v38;
	v25 =	vcvt.f32.s32 v9  }
0x332: {  	v9 =	vmin.f32 v15, $1.001000050e+00;
	v20 =	vtrunc.f32 v7;
	v7 =	vmul.f32 $7.000000000e+00, v16  }
0x333: {  	v27 =	vld [tilespmem:s14+$0xFFFFFFE0];
	v12 =	vsub.f32 v22, v5;
	v14 =	vtrunc.f32 v14;
	v9 =	vmul.f32 $7.000000000e+00, v9  }
0x334: {  	v21 =	vld [tilespmem:s14+$0x0];
	v20 =	vcvt.f32.s32 v20;
	v30 =	vcvt.f32.s32 v14  }
0x335: {  	v22 =	vld [tilespmem:s14+$0x30];
	v16 =	vmax.f32 v16, $0.0e+00;
	v32 =	vcvt.s32.f32 v28;
	v12 =	vmul.f32 v12, v6  }
0x336: {  	v34 =	vld [tilespmem:s14+$0xFFFFFFC0];
	v16 =	vmin.f32 v16, $1.001000050e+00;
	v36 =	vcvt.s32.f32 v31;
	v15 =	vcvt.s32.f32 v25  }
0x337: {  	v16 =	vmul.f32 $7.000000000e+00, v16;
	v9 =	vtrunc.f32 v9  }
0x338: {  	v14 =	vld [tilespmem:s14+$0xFFFFFFD0];
	v29 =	vcvt.s32.f32 v20;
	v33 =	vcvt.s32.f32 v30;
	v37 =	vmax.f32 v12, $0.0e+00  }
0x339: {  	v43 =	vsub.f32 v18, v36;
	v18 =	vcvt.s32.f32 v42;
	v15 =	vsub.f32 v17, v15  }
0x33a: {  	v9 =	vcvt.f32.s32 v9;
	v17 =	vld [tilespmem:s14+$0xFFFFFFF0];
	v35 =	vsub.f32 v21, v5;
	v41 =	vsub.f32 v22, v5  }
0x33b: {  	v39 =	vtrunc.f32 v16;
	v22 =	vsub.f32 v27, v5;
	v27 =	vsub.f32 v34, v5;
	v60 =	vld.idx.msk [tilespmem:v28+s25+$0x0], $0xffff  }
0x33c: {  	v8 =	vsub.f32 v8, v29;
	v21 =	vsub.f32 v19, v33;
	v45 =	vld.idx.msk [tilespmem:v31+s25+$0x0], $0xffff;
	v34 =	vcvt.f32.s32 v39  }
0x33d: {  	v26 =	vcvt.s32.f32 v9;
	v16 =	vsub.f32 v14, v5;
	v14 =	vmax.f32 v23, $0.0e+00;
	v19 =	vld.idx.msk [tilespmem:v25+s25+$0x0], $0xffff  }
0x33e: {  	v62 =	vmul.f32 v27, v6;
	v27 =	vmin.f32 v37, $1.001000050e+00;
	v29 =	vld.idx.msk [tilespmem:v20+s25+$0x0], $0xffff;
	v40 =	vmin.f32 v14, $1.001000050e+00  }
0x33f: {  	v37 =	vmul.f32 $7.000000000e+00, v27;
	v16 =	vmul.f32 v16, v6;
	v17 =	vsub.f32 v17, v5  }
0x340: {  	v32 =	vsub.f32 v13, v32;
	v33 =	vcvt.s32.f32 v34;
	v23 =	vmul.f32 $7.000000000e+00, v40  }
0x341: {  	v26 =	vsub.f32 v11, v26;
	v11 =	vmax.f32 v16, $0.0e+00;
	v17 =	vmul.f32 v17, v6  }
0x342: {  	v61 =	vld.idx.msk [tilespmem:v9+s25+$0x0], $0xffff;
	v32 =	vmul.f32 v32, v60;
	v39 =	vmul.f32 v43, v45;
	v11 =	vmin.f32 v11, $1.001000050e+00  }
0x343: {  	v63 =	vld.idx.msk [tilespmem:v25+s24+$0x0], $0xffff;
	v44 =	vmul.f32 v15, v19;
	v14 =	vmul.f32 v8, v29;
	v8 =	vmax.f32 v17, $0.0e+00  }
0x344: {  	v13 =	vld.idx.msk [tilespmem:v20+s24+$0x0], $0xffff;
	v15 =	vmul.f32 v41, v6;
	v29 =	vmul.f32 v35, v6;
	v8 =	vmin.f32 v8, $1.001000050e+00  }
0x345: {  	v20 =	vld.idx.msk [tilespmem:v28+s24+$0x0], $0xffff;
	v28 =	vsub.f32 v24, v18;
	v27 =	vmul.f32 $7.000000000e+00, v11;
	v59 =	vmul.f32 $7.000000000e+00, v8  }
0x346: {  	v36 =	vld.idx.msk [tilespmem:v30+s25+$0x0], $0xffff;
	v35 =	vtrunc.f32 v37;
	v25 =	vmax.f32 v15, $0.0e+00;
	v8 =	vmul.f32 $7.000000000e+00, v29  }
0x347: {  	v31 =	vld.idx.msk [tilespmem:v31+s24+$0x0], $0xffff;
	v24 =	vmul.f32 v26, v61;
	v26 =	vmax.f32 v62, $0.0e+00;
	v19 =	vtrunc.f32 v59  }
0x348: {  	v18 =	vld.idx.msk [tilespmem:v30+s24+$0x0], $0xffff;
	v26 =	vmin.f32 v26, $1.001000050e+00;
	v11 =	vcvt.f32.s32 v19;
	v19 =	vmax.f32 v29, $0.0e+00  }
0x349: {  	s6 =	simm.s32 $0xD840;
	s5 =	simm.s32 $0x8;
	v37 =	vld.idx.msk [tilespmem:v42+s25+$0x0], $0xffff;
	v29 =	vmin.f32 v25, $1.001000050e+00;
	v38 =	vmin.f32 v19, $1.001000050e+00;
	v19 =	vmul.f32 $7.000000000e+00, v62  }
0x34a: {  	s8 =	simm.s32 $0xD8C0;
	s10 =	simm.s32 $0x4940;
	s1 =	simm.s32 $0xD8C0;
	v25 =	vld.idx.msk [tilespmem:v42+s24+$0x0], $0xffff;
	v40 =	vmul.f32 $7.000000000e+00, v29;
	v29 =	vadd.f32 v44, v63;
	v30 =	vcvt.s32.f32 v11  }
.LBB2_29:
0x34b: {  	v41 =	vld [tilespmem:s10+$0x20];
	s5 =	sadd.s32 $0x8, s5;
	v22 =	vmul.f32 v22, v6;
	s8 =	sadd.s32 $0x80, s8;
	v21 =	vmul.f32 v21, v36;
	v20 =	vadd.f32 v32, v20  }
0x34c: {  	v32 =	vmul.f32 $7.000000000e+00, v38;
	v31 =	vadd.f32 v39, v31;
	p0 =	slt.u32 s5, $0x478;
	v36 =	vtrunc.f32 v40;
	v38 =	vld.idx.msk [tilespmem:v9+s24+$0x0], $0xffff  }
0x34d: {  	v17 =	vmul.f32 $7.000000000e+00, v17;
	v39 =	vld [tilespmem:s10+$0x10];
	v40 =	vmax.f32 v22, $0.0e+00;
	v9 =	vcvt.f32.s32 v36;
	[tilespmem:s6+$0xFFFFFFE0] =	vst v20  }
0x34e: {  	v23 =	vtrunc.f32 v23;
	v28 =	vmul.f32 v28, v37;
	v20 =	vmin.f32 v40, $1.001000050e+00;
	v36 =	vld.idx.msk [tilespmem:v34+s24+$0x0], $0xffff;
	[tilespmem:s6+$0x20] =	vst v31  }
0x34f: {  	v30 =	vsub.f32 v17, v30;
	v20 =	vmul.f32 $7.000000000e+00, v20;
	v31 =	vcvt.s32.f32 v9;
	v17 =	vld.idx.msk [tilespmem:v34+s25+$0x0], $0xffff  }
0x350: {  	v12 =	vmul.f32 $7.000000000e+00, v12;
	v35 =	vcvt.f32.s32 v35;
	v33 =	vsub.f32 v7, v33;
	v7 =	vmovc v19;
	v34 =	vld [tilespmem:s10+$0xFFFFFFE0]  }
0x351: {  	v18 =	vadd.f32 v21, v18;
	v21 =	vadd.f32 v28, v25;
	v19 =	vld [tilespmem:s10+$0xFFFFFFF0];
	v20 =	vtrunc.f32 v20  }
0x352: {  	v28 =	vcvt.s32.f32 v35;
	v24 =	vadd.f32 v24, v38;
	v25 =	vld [tilespmem:s10+$0x0];
	v20 =	vcvt.f32.s32 v20  }
0x353: {  	v27 =	vtrunc.f32 v27;
	v13 =	vadd.f32 v14, v13;
	v38 =	vcvt.f32.s32 v23;
	v37 =	vld [tilespmem:s10+$0x30];
	[tilespmem:s6+$0xFFFFFFF0] =	vst v29  }
0x354: {  	v16 =	vmul.f32 $7.000000000e+00, v16;
	v14 =	vsub.f32 v12, v28;
	v29 =	vcvt.f32.s32 v27;
	v23 =	vld [tilespmem:s10+$0xFFFFFFC0];
	[tilespmem:s6+$0x30] =	vst v24  }
0x355: {  	v12 =	vsub.f32 v39, v5;
	v27 =	vcvt.s32.f32 v20;
	v17 =	vmul.f32 v33, v17;
	v24 =	vld [tilespmem:s10+$0xFFFFFFD0];
	[tilespmem:s6+$0x10] =	vst v13  }
0x356: {  	v26 =	vmul.f32 $7.000000000e+00, v26;
	v28 =	vsub.f32 v41, v5;
	v33 =	vmul.f32 $7.000000000e+00, v22;
	v39 =	vld.idx.msk [tilespmem:v35+s25+$0x0], $0xffff;
	[tilespmem:s6+$0xFFFFFFD0] =	vst v18  }
0x357: {  	v12 =	vmul.f32 v12, v6;
	v40 =	vcvt.s32.f32 v29;
	v17 =	vadd.f32 v17, v36;
	v13 =	vld.idx.msk [tilespmem:v35+s24+$0x0], $0xffff;
	[tilespmem:s6+$0x0] =	vst v21  }
0x358: {  	v28 =	vmul.f32 v28, v6;
	v36 =	vcvt.s32.f32 v38;
	v25 =	vsub.f32 v25, v5;
	v35 =	vld.idx.msk [tilespmem:v20+s25+$0x0], $0xffff  }
0x359: {  	v26 =	vtrunc.f32 v26;
	v18 =	vsub.f32 v19, v5;
	v19 =	vmax.f32 v12, $0.0e+00;
	[tilespmem:s6+$0xFFFFFFC0] =	vst v17;
	s6 =	smov.u32 s1;
	s1 =	smov.u32 s8  }
0x35a: {  	v32 =	vtrunc.f32 v32;
	v21 =	vmax.f32 v28, $0.0e+00;
	v24 =	vsub.f32 v24, v5;
	v20 =	vld.idx.msk [tilespmem:v20+s24+$0x0], $0xffff  }
0x35b: {  	v41 =	vmin.f32 v21, $1.001000050e+00;
	v37 =	vsub.f32 v37, v5;
	v17 =	vmul.f32 v18, v6;
	v18 =	vld.idx.msk [tilespmem:v29+s24+$0x0], $0xffff  }
0x35c: {  	v15 =	vmul.f32 $7.000000000e+00, v15;
	v22 =	vsub.f32 v34, v5;
	v14 =	vmul.f32 v14, v39  }
0x35d: {  	v21 =	vsub.f32 v16, v40;
	v34 =	vsub.f32 v23, v5;
	v23 =	vmax.f32 v17, $0.0e+00;
	v39 =	vld.idx.msk [tilespmem:v11+s25+$0x0], $0xffff  }
0x35e: {  	v25 =	vmul.f32 v25, v6;
	v16 =	vmin.f32 v23, $1.001000050e+00;
	v23 =	vmul.f32 $7.000000000e+00, v28  }
0x35f: {  	v40 =	vcvt.f32.s32 v32;
	v42 =	vsub.f32 v10, v36;
	v28 =	vmul.f32 $7.000000000e+00, v16  }
0x360: {  	v32 =	vsub.f32 v33, v27;
	v16 =	vmul.f32 v24, v6;
	v24 =	vmul.f32 $7.000000000e+00, v25;
	v10 =	vmovc v23;
	v33 =	vld.idx.msk [tilespmem:v9+s25+$0x0], $0xffff  }
0x361: {  	v27 =	vcvt.s32.f32 v40;
	v23 =	vmul.f32 $7.000000000e+00, v41;
	v41 =	vsub.f32 v15, v31  }
0x362: {  	v19 =	vmin.f32 v19, $1.001000050e+00;
	v43 =	vmul.f32 v34, v6;
	v15 =	vmax.f32 v16, $0.0e+00;
	v44 =	vld.idx.msk [tilespmem:v38+s25+$0x0], $0xffff  }
0x363: {  	v19 =	vmul.f32 $7.000000000e+00, v19;
	v31 =	vmin.f32 v15, $1.001000050e+00;
	v45 =	vmul.f32 v30, v39  }
0x364: {  	v15 =	vmul.f32 v37, v6;
	v30 =	vtrunc.f32 v28;
	v28 =	vsub.f32 v8, v27;
	v8 =	vmovc v24;
	v46 =	vld.idx.msk [tilespmem:v11+s24+$0x0], $0xffff  }
0x365: {  	v34 =	vmax.f32 v25, $0.0e+00;
	v27 =	vmul.f32 $7.000000000e+00, v31;
	v11 =	vcvt.f32.s32 v30;
	v36 =	vld.idx.msk [tilespmem:v29+s25+$0x0], $0xffff  }
.Ltmp16:
0x366: {  	v32 =	vmul.f32 v32, v35;
	v25 =	vmax.f32 v15, $0.0e+00;
	v24 =	vmul.f32 v41, v33;
	v31 =	vld.idx.msk [tilespmem:v38+s24+$0x0], $0xffff;
	(pc) =	sbr.rel @p0 .LBB2_29-.Ltmp16, $4  }
0x367: {  	v29 =	vmax.f32 v43, $0.0e+00;
	v33 =	vmin.f32 v25, $1.001000050e+00;
	v30 =	vcvt.s32.f32 v11;
	v25 =	vld.idx.msk [tilespmem:v40+s24+$0x0], $0xffff  }
0x368: {  	v35 =	vtrunc.f32 v19;
	v38 =	vmin.f32 v34, $1.001000050e+00;
	v34 =	vcvt.f32.s32 v26;
	v37 =	vld.idx.msk [tilespmem:v40+s25+$0x0], $0xffff  }
0x369: {  	v19 =	vmul.f32 $7.000000000e+00, v43;
	v26 =	vmin.f32 v29, $1.001000050e+00;
	v39 =	vmul.f32 v42, v44  }
0x36a: {  	s10 =	sadd.s32 $0x80, s10;
	v40 =	vmul.f32 $7.000000000e+00, v33;
	v33 =	vcvt.s32.f32 v34;
	v29 =	vadd.f32 v45, v46  }
0x36b: {  	_ =	sdelay $0x1  }
0x36c: {  	v22 =	vmul.f32 v22, v6;
	v35 =	vcvt.f32.s32 v35  }
0x36d: {  	v27 =	vtrunc.f32 v27;
	v21 =	vmul.f32 v21, v36  }
0x36e: {  	v9 =	vld.idx.msk [tilespmem:v9+s24+$0x0], $0xffff;
	v23 =	vtrunc.f32 v23;
	v17 =	vmul.f32 $7.000000000e+00, v17  }
0x36f: {  	v42 =	vld.idx.msk [tilespmem:v34+s24+$0x0], $0xffff;
	v38 =	vmul.f32 $7.000000000e+00, v38;
	v27 =	vcvt.f32.s32 v27  }
0x370: {  	v58 =	vld.idx.msk [tilespmem:v34+s25+$0x0], $0xffff;
	v12 =	vmul.f32 $7.000000000e+00, v12;
	v23 =	vcvt.f32.s32 v23;
	v41 =	vmax.f32 v22, $0.0e+00  }
0x371: {  	v26 =	vmul.f32 $7.000000000e+00, v26;
	v44 =	vld.idx.msk [tilespmem:v11+s25+$0x0], $0xffff;
	v16 =	vmul.f32 $7.000000000e+00, v16;
	v41 =	vmin.f32 v41, $1.001000050e+00  }
0x372: {  	v50 =	vld.idx.msk [tilespmem:v11+s24+$0x0], $0xffff;
	v57 =	vtrunc.f32 v40;
	v41 =	vmul.f32 $7.000000000e+00, v41  }
0x373: {  	v20 =	vadd.f32 v32, v20;
	v15 =	vmul.f32 $7.000000000e+00, v15;
	v36 =	vcvt.f32.s32 v57;
	v59 =	vld.idx.msk [tilespmem:v35+s25+$0x0], $0xffff  }
0x374: {  	v31 =	vadd.f32 v39, v31;
	v28 =	vmul.f32 v28, v37;
	v41 =	vtrunc.f32 v41;
	v32 =	vld.idx.msk [tilespmem:v35+s24+$0x0], $0xffff  }
0x375: {  	v13 =	vadd.f32 v14, v13;
	v63 =	vcvt.s32.f32 v35;
	v41 =	vcvt.f32.s32 v41;
	v35 =	vld.idx.msk [tilespmem:v27+s24+$0x0], $0xffff  }
0x376: {  	v7 =	vsub.f32 v7, v33;
	[tilespmem:s6+$0xFFFFFFF0] =	vst v29;
	v43 =	vtrunc.f32 v38;
	v45 =	vtrunc.f32 v26;
	v48 =	vld.idx.msk [tilespmem:v23+s25+$0x0], $0xffff  }
0x377: {  	[tilespmem:s6+$0xFFFFFFE0] =	vst v20;
	v18 =	vadd.f32 v21, v18;
	v47 =	vmul.f32 $7.000000000e+00, v22;
	v21 =	vcvt.f32.s32 v43;
	v52 =	vld.idx.msk [tilespmem:v23+s24+$0x0], $0xffff  }
0x378: {  	[tilespmem:s6+$0x20] =	vst v31;
	v49 =	vcvt.s32.f32 v23;
	v9 =	vadd.f32 v24, v9;
	v24 =	vcvt.f32.s32 v45;
	v54 =	vld.idx.msk [tilespmem:v27+s25+$0x0], $0xffff  }
0x379: {  	v17 =	vsub.f32 v17, v30;
	[tilespmem:s6+$0x10] =	vst v13;
	v53 =	vcvt.s32.f32 v27;
	v61 =	vcvt.s32.f32 v36;
	v46 =	vld.idx.msk [tilespmem:v36+s25+$0x0], $0xffff  }
0x37a: {  	v25 =	vadd.f32 v28, v25;
	v12 =	vsub.f32 v12, v63;
	v7 =	vmul.f32 v7, v58;
	v55 =	vld.idx.msk [tilespmem:v36+s24+$0x0], $0xffff  }
0x37b: {  	[tilespmem:s6+$0xFFFFFFD0] =	vst v18;
	v16 =	vsub.f32 v16, v53;
	v57 =	vcvt.s32.f32 v21;
	v17 =	vmul.f32 v17, v44;
	v60 =	vld.idx.msk [tilespmem:v41+s25+$0x0], $0xffff  }
0x37c: {  	v15 =	vsub.f32 v15, v61;
	[tilespmem:s6+$0x30] =	vst v9;
	v9 =	vsub.f32 v10, v49;
	v62 =	vld.idx.msk [tilespmem:v41+s24+$0x0], $0xffff;
	v41 =	vcvt.s32.f32 v41  }
0x37d: {  	[tilespmem:s6+$0x0] =	vst v25;
	v7 =	vadd.f32 v7, v42;
	v8 =	vsub.f32 v8, v57;
	v56 =	vld.idx.msk [tilespmem:v21+s25+$0x0], $0xffff  }
0x37e: {  	v11 =	vadd.f32 v17, v50;
	v12 =	vmul.f32 v12, v59;
	v58 =	vld.idx.msk [tilespmem:v24+s25+$0x0], $0xffff;
	v51 =	vsub.f32 v47, v41  }
0x37f: {  	[tilespmem:s6+$0xFFFFFFC0] =	vst v7;
	v59 =	vld.idx.msk [tilespmem:v21+s24+$0x0], $0xffff;
	v9 =	vmul.f32 v9, v48;
	v7 =	vmul.f32 v15, v46  }
0x380: {  	[tilespmem:s1+$0xFFFFFFF0] =	vst v11;
	v63 =	vadd.f32 v12, v32;
	v13 =	vmul.f32 v51, v60;
	v60 =	vcvt.s32.f32 v24  }
0x381: {  	v61 =	vld.idx.msk [tilespmem:v24+s24+$0x0], $0xffff;
	v10 =	vmul.f32 v16, v54;
	v9 =	vadd.f32 v9, v52;
	v7 =	vadd.f32 v7, v55  }
0x382: {  	v8 =	vmul.f32 v8, v56;
	[tilespmem:s1+$0x10] =	vst v63;
	v13 =	vadd.f32 v13, v62;
	v62 =	vsub.f32 v19, v60  }
0x383: {  	s13 =	sadd.s32 $0x1, s13;
	v10 =	vadd.f32 v10, v35;
	[tilespmem:s1+$0x20] =	vst v9  }
0x384: {  	p0 =	sne.s32 s13, $0x4;
	v8 =	vadd.f32 v8, v59;
	[tilespmem:s1+$0x30] =	vst v7;
	v7 =	vmul.f32 v62, v58  }
.Ltmp17:
0x385: {  	[tilespmem:s1+$0xFFFFFFD0] =	vst v10;
	(pc) =	sbr.rel @p0 .LBB2_22-.Ltmp17, $4  }
0x386: {  	[tilespmem:s1+$0x0] =	vst v8;
	v7 =	vadd.f32 v7, v61  }
0x387: {  	[tilespmem:s1+$0xFFFFFFE0] =	vst v13  }
0x388: {  	s30 =	sadd.s32 s4, s30;
	[tilespmem:s1+$0xFFFFFFC0] =	vst v7  }
0x389: {  	[hbm4b:s30+s18] =	stream.strided.scatter [tilespmem:s9], [sflag:$0x4], $0x4800, s20, s18, $0x38;
	[tilespmem:$0x12180] =	vst v63  }
0x38a: {  	s1 =	simm.s32 $0x3  }
0x38b: {  	_ =	swait.ge [sflag:s1], $0x4800  }
0x38c: {  	[sflag:s1] =	ssyncset.done $0x0  }
0x38d: {  	[sflag:s1] =	ssyncadd.s32 $0xFFFFB800  }
0x38e: {  	_ =	swait.ge [sflag:s16], $0x4800  }
0x38f: {  	s13 =	simm.s32 $0x0;
	s5 =	simm.s32 $0x12000;
	[sflag:s16] =	ssyncset.done $0x0  }
0x390: {  	s14 =	simm.s32 $0x5;
	s12 =	rddreg [dreg:$0xc];
	[sflag:s16] =	ssyncadd.s32 $0xFFFFB800  }
0x391: {  	[tilespmem:s5], [sflag:$0x5] =	stream.linear.gather [hbm4b:s12+s13], $0x80, $0x38;
	[tilespmem:$0x12180] =	vst v63  }
0x392: {  	_ =	swait.ge [sflag:s14], $0x80  }
0x393: {  	[sflag:s14] =	ssyncset.done $0x0  }
0x394: {  	[sflag:s14] =	ssyncadd.s32 $0xFFFFFF80  }
0x395: {  	v5 =	vld.msk [tilespmem:s5+$0x0], $0xffff  }
0x396: {  	v6 =	vld.idx.msk [tilespmem:v0+s5+$0x0], $0xffff;
	_ =	sdelay $0x4  }
0x397: {  	v6 =	vsub.f32 v6, v5;
	_ =	sdelay $0x1  }
0x398: {  	(erf) = vrcp.f32 v6;
	_ =	sdelay $0x3  }
0x399: {  	v7 =	vld.idx.msk [tilespmem:v3+s5+$0x0], $0xffff  }
0x39a: {  	v8 =	vld.idx.msk [tilespmem:v4+s5+$0x0], $0xffff  }
0x39b: {  	v9 =	vld.idx.msk [tilespmem:v1+s5+$0x0], $0xffff  }
0x39c: {  	v11 =	vmul.f32 $7.000000000e+00, v6;
	_ =	sdelay $0x1  }
0x39d: {  	v12 =	vpop (erf);
	(erf) = vrcp.f32 v11  }
0x39e: {  	v10 =	vld.idx.msk [tilespmem:v2+s5+$0x0], $0xffff  }
0x39f: {  	v8 =	vsub.f32 v8, v7;
	v62 =	vmul.f32 v6, v9;
	_ =	sdelay $0x1  }
0x3a0: {  	v63 =	vsub.f32 v7, v62;
	v8 =	vmul.f32 v8, v12;
	_ =	sdelay $0x1  }
0x3a1: {  	v7 =	vsel vm1, v63, v7;
	v8 =	vsel vm0, v8, v10  }
0x3a2: {  	[tilespmem:$0x12080] =	vst v7;
	v8 =	vsel vm1, v9, v8  }
0x3a3: {  	s30 =	rddreg [dreg:$0x11];
	[tilespmem:$0x12100] =	vst v8  }
0x3a4: {  	v5 =	vsub.f32 v5, v6;
	[tilespmem:s13], [sflag:$0x1] =	stream.strided.gather [hbm4b:s30+s18], $0x4800, s20, s18, $0x38;
	v6 =	vpop (erf);
	[tilespmem:$0x12180] =	vst v63  }
.LBB2_32:
0x3a5: {  	s1 =	smul.u32 $0x48000, s13;
	_ =	sdelay $0x1  }
0x3a6: {  	s5 =	sadd.s32 s1, s31  }
0x3a7: {  	s30 =	sshrl.u32 s5, $0x3  }
0x3a8: {  	s5 =	sadd.s32 s2, s30  }
0x3a9: {  	[tilespmem:s21], [sflag:$0x2] =	stream.strided.gather [hbm4b:s5+s18], $0x4800, s20, s18, $0x38;
	[tilespmem:$0x12180] =	vst v63  }
0x3aa: {  	_ =	swait.ge [sflag:s22], $0x4800  }
0x3ab: {  	p0 =	seq.s32 s13, $0x0;
	[sflag:s22] =	ssyncset.done $0x0  }
0x3ac: {  	s5 =	simm.s32 @!p0 $0x3;
	[sflag:s22] =	ssyncadd.s32 $0xFFFFB800  }
0x3ad: {  	_ =	swait.ge @!p0 [sflag:s5], $0x4800  }
0x3ae: {  	[sflag:s5] =	ssyncset.done @!p0 $0x0  }
0x3af: {  	s12 =	simm.s32 $0x40;
	[sflag:s5] =	ssyncadd.s32 @!p0 $0xFFFFB800  }
0x3b0: {  	v7 =	vld [tilespmem:s12+$0x20]  }
0x3b1: {  	v8 =	vld [tilespmem:s12+$0x10]  }
0x3b2: {  	v9 =	vld [tilespmem:s12+$0xFFFFFFF0]  }
0x3b3: {  	v10 =	vld [tilespmem:s12+$0x0]  }
0x3b4: {  	v11 =	vld [tilespmem:s12+$0x30]  }
0x3b5: {  	s14 =	simm.s32 $0xC0;
	v13 =	vld [tilespmem:s12+$0xFFFFFFE0]  }
0x3b6: {  	v23 =	vld [tilespmem:s14+$0x20]  }
0x3b7: {  	v12 =	vld [tilespmem:s12+$0xFFFFFFD0]  }
0x3b8: {  	v8 =	vsub.f32 v8, v5;
	v7 =	vsub.f32 v7, v5  }
0x3b9: {  	v9 =	vsub.f32 v9, v5;
	v10 =	vsub.f32 v10, v5  }
0x3ba: {  	v14 =	vld [tilespmem:s12+$0xFFFFFFC0];
	v11 =	vsub.f32 v11, v5;
	v13 =	vsub.f32 v13, v5;
	v8 =	vmul.f32 v8, v6  }
0x3bb: {  	v23 =	vsub.f32 v23, v5;
	v7 =	vmul.f32 v7, v6;
	v17 =	vmul.f32 v9, v6  }
0x3bc: {  	v9 =	vsub.f32 v12, v5;
	v10 =	vmul.f32 v10, v6;
	v11 =	vmul.f32 v11, v6  }
0x3bd: {  	v13 =	vmul.f32 v13, v6;
	v23 =	vmul.f32 v23, v6;
	v15 =	vmax.f32 v8, $0.0e+00  }
0x3be: {  	v16 =	vmax.f32 v7, $0.0e+00;
	v18 =	vmul.f32 $7.000000000e+00, v7;
	v19 =	vmul.f32 v9, v6  }
0x3bf: {  	v7 =	vsub.f32 v14, v5;
	v24 =	vmul.f32 $7.000000000e+00, v10;
	v10 =	vmax.f32 v10, $0.0e+00  }
0x3c0: {  	v21 =	vmax.f32 v13, $0.0e+00;
	v8 =	vmul.f32 $7.000000000e+00, v8;
	v13 =	vmul.f32 $7.000000000e+00, v13  }
0x3c1: {  	v12 =	vmin.f32 v16, $1.001000050e+00;
	v16 =	vmax.f32 v17, $0.0e+00;
	v10 =	vmin.f32 v10, $1.001000050e+00  }
0x3c2: {  	v21 =	vmin.f32 v21, $1.001000050e+00;
	v17 =	vmul.f32 $7.000000000e+00, v17;
	v12 =	vmul.f32 $7.000000000e+00, v12  }
0x3c3: {  	v16 =	vmin.f32 v16, $1.001000050e+00;
	v10 =	vmul.f32 $7.000000000e+00, v10;
	v21 =	vmul.f32 $7.000000000e+00, v21  }
0x3c4: {  	v14 =	vmax.f32 v19, $0.0e+00;
	v19 =	vmul.f32 $7.000000000e+00, v19;
	v9 =	vmul.f32 $7.000000000e+00, v16  }
0x3c5: {  	v16 =	vmul.f32 v7, v6;
	v7 =	vmin.f32 v15, $1.001000050e+00;
	v14 =	vmin.f32 v14, $1.001000050e+00  }
0x3c6: {  	v15 =	vmax.f32 v11, $0.0e+00;
	v11 =	vmul.f32 $7.000000000e+00, v11;
	v7 =	vmul.f32 $7.000000000e+00, v7  }
0x3c7: {  	v14 =	vmul.f32 $7.000000000e+00, v14;
	v12 =	vtrunc.f32 v12  }
0x3c8: {  	v22 =	vld [tilespmem:s14+$0x10];
	v21 =	vtrunc.f32 v21;
	v38 =	vtrunc.f32 v10  }
0x3c9: {  	v10 =	vmul.f32 $7.000000000e+00, v23;
	v9 =	vtrunc.f32 v9  }
0x3ca: {  	v28 =	vcvt.f32.s32 v21;
	v31 =	vcvt.f32.s32 v12  }
0x3cb: {  	v58 =	vcvt.f32.s32 v38;
	v25 =	vcvt.f32.s32 v9  }
0x3cc: {  	v9 =	vmin.f32 v15, $1.001000050e+00;
	v20 =	vtrunc.f32 v7;
	v7 =	vmul.f32 $7.000000000e+00, v16  }
0x3cd: {  	v27 =	vld [tilespmem:s14+$0xFFFFFFE0];
	v12 =	vsub.f32 v22, v5;
	v14 =	vtrunc.f32 v14;
	v9 =	vmul.f32 $7.000000000e+00, v9  }
0x3ce: {  	v21 =	vld [tilespmem:s14+$0x0];
	v20 =	vcvt.f32.s32 v20;
	v30 =	vcvt.f32.s32 v14  }
0x3cf: {  	v22 =	vld [tilespmem:s14+$0x30];
	v16 =	vmax.f32 v16, $0.0e+00;
	v32 =	vcvt.s32.f32 v28;
	v12 =	vmul.f32 v12, v6  }
0x3d0: {  	v34 =	vld [tilespmem:s14+$0xFFFFFFC0];
	v16 =	vmin.f32 v16, $1.001000050e+00;
	v36 =	vcvt.s32.f32 v31;
	v15 =	vcvt.s32.f32 v25  }
0x3d1: {  	v16 =	vmul.f32 $7.000000000e+00, v16;
	v9 =	vtrunc.f32 v9  }
0x3d2: {  	v14 =	vld [tilespmem:s14+$0xFFFFFFD0];
	v29 =	vcvt.s32.f32 v20;
	v33 =	vcvt.s32.f32 v30;
	v42 =	vsub.f32 v18, v36  }
0x3d3: {  	v37 =	vmax.f32 v12, $0.0e+00;
	v32 =	vsub.f32 v13, v32;
	v15 =	vsub.f32 v17, v15  }
0x3d4: {  	v18 =	vcvt.s32.f32 v58;
	v17 =	vld [tilespmem:s14+$0xFFFFFFF0];
	v35 =	vsub.f32 v21, v5;
	v41 =	vsub.f32 v22, v5  }
0x3d5: {  	v9 =	vcvt.f32.s32 v9;
	v22 =	vsub.f32 v27, v5;
	v27 =	vsub.f32 v34, v5;
	v59 =	vld.idx.msk [tilespmem:v28+s25+$0x0], $0xffff  }
0x3d6: {  	v39 =	vtrunc.f32 v16;
	v8 =	vsub.f32 v8, v29;
	v21 =	vsub.f32 v19, v33;
	v62 =	vld.idx.msk [tilespmem:v31+s25+$0x0], $0xffff  }
0x3d7: {  	v33 =	vcvt.f32.s32 v39;
	v16 =	vsub.f32 v14, v5;
	v14 =	vmax.f32 v23, $0.0e+00;
	v19 =	vld.idx.msk [tilespmem:v25+s25+$0x0], $0xffff  }
0x3d8: {  	v26 =	vcvt.s32.f32 v9;
	v27 =	vmul.f32 v27, v6;
	v29 =	vld.idx.msk [tilespmem:v20+s25+$0x0], $0xffff;
	v40 =	vmin.f32 v14, $1.001000050e+00  }
0x3d9: {  	v34 =	vcvt.s32.f32 v33;
	v16 =	vmul.f32 v16, v6;
	v17 =	vsub.f32 v17, v5  }
0x3da: {  	v23 =	vmul.f32 $7.000000000e+00, v40;
	v61 =	vsub.f32 v11, v26;
	v26 =	vmin.f32 v37, $1.001000050e+00  }
0x3db: {  	v37 =	vmul.f32 $7.000000000e+00, v26;
	v11 =	vmax.f32 v16, $0.0e+00;
	v17 =	vmul.f32 v17, v6  }
0x3dc: {  	v60 =	vld.idx.msk [tilespmem:v9+s25+$0x0], $0xffff;
	v32 =	vmul.f32 v32, v59;
	v39 =	vmul.f32 v42, v62;
	v11 =	vmin.f32 v11, $1.001000050e+00  }
0x3dd: {  	v63 =	vld.idx.msk [tilespmem:v25+s24+$0x0], $0xffff;
	v43 =	vmul.f32 v15, v19;
	v14 =	vmul.f32 v8, v29;
	v8 =	vmax.f32 v17, $0.0e+00  }
0x3de: {  	v13 =	vld.idx.msk [tilespmem:v20+s24+$0x0], $0xffff;
	v15 =	vmul.f32 v41, v6;
	v29 =	vmul.f32 v35, v6;
	v8 =	vmin.f32 v8, $1.001000050e+00  }
0x3df: {  	v20 =	vld.idx.msk [tilespmem:v28+s24+$0x0], $0xffff;
	v28 =	vsub.f32 v24, v18;
	v26 =	vmul.f32 $7.000000000e+00, v11;
	v57 =	vmul.f32 $7.000000000e+00, v8  }
0x3e0: {  	v36 =	vld.idx.msk [tilespmem:v30+s25+$0x0], $0xffff;
	v35 =	vtrunc.f32 v37;
	v25 =	vmax.f32 v15, $0.0e+00;
	v8 =	vmul.f32 $7.000000000e+00, v29  }
0x3e1: {  	v31 =	vld.idx.msk [tilespmem:v31+s24+$0x0], $0xffff;
	v44 =	vmin.f32 v25, $1.001000050e+00;
	v24 =	vmul.f32 v61, v60;
	v19 =	vtrunc.f32 v57  }
0x3e2: {  	v18 =	vld.idx.msk [tilespmem:v30+s24+$0x0], $0xffff;
	v40 =	vmul.f32 $7.000000000e+00, v44;
	v11 =	vcvt.f32.s32 v19;
	v19 =	vmax.f32 v29, $0.0e+00  }
0x3e3: {  	s8 =	simm.s32 $0x90C0;
	s10 =	simm.s32 $0x90C0;
	s6 =	sadd.s32 s17, s1;
	v37 =	vld.idx.msk [tilespmem:v58+s25+$0x0], $0xffff;
	v29 =	vmax.f32 v27, $0.0e+00;
	v38 =	vmin.f32 v19, $1.001000050e+00;
	v19 =	vmul.f32 $7.000000000e+00, v27  }
0x3e4: {  	s5 =	simm.s32 $0x8;
	s12 =	simm.s32 $0x140;
	s14 =	simm.s32 $0x9040;
	v25 =	vld.idx.msk [tilespmem:v58+s24+$0x0], $0xffff;
	v27 =	vmin.f32 v29, $1.001000050e+00;
	v29 =	vadd.f32 v43, v63;
	v30 =	vcvt.s32.f32 v11  }
.LBB2_33:
0x3e5: {  	v41 =	vld [tilespmem:s12+$0x20];
	s5 =	sadd.s32 $0x8, s5;
	v22 =	vmul.f32 v22, v6;
	s8 =	sadd.s32 $0x80, s8;
	v21 =	vmul.f32 v21, v36;
	v20 =	vadd.f32 v32, v20  }
0x3e6: {  	v32 =	vmul.f32 $7.000000000e+00, v38;
	v31 =	vadd.f32 v39, v31;
	p1 =	slt.u32 s5, $0x478;
	v36 =	vtrunc.f32 v40;
	v38 =	vld.idx.msk [tilespmem:v9+s24+$0x0], $0xffff  }
0x3e7: {  	v17 =	vmul.f32 $7.000000000e+00, v17;
	v39 =	vld [tilespmem:s12+$0x10];
	v40 =	vmax.f32 v22, $0.0e+00;
	v9 =	vcvt.f32.s32 v36;
	[tilespmem:s14+$0xFFFFFFE0] =	vst v20  }
0x3e8: {  	v23 =	vtrunc.f32 v23;
	v28 =	vmul.f32 v28, v37;
	v20 =	vmin.f32 v40, $1.001000050e+00;
	v36 =	vld.idx.msk [tilespmem:v33+s24+$0x0], $0xffff;
	[tilespmem:s14+$0x20] =	vst v31  }
0x3e9: {  	v30 =	vsub.f32 v17, v30;
	v20 =	vmul.f32 $7.000000000e+00, v20;
	v31 =	vcvt.s32.f32 v9;
	v17 =	vld.idx.msk [tilespmem:v33+s25+$0x0], $0xffff  }
0x3ea: {  	v12 =	vmul.f32 $7.000000000e+00, v12;
	v35 =	vcvt.f32.s32 v35;
	v34 =	vsub.f32 v7, v34;
	v7 =	vmovc v19;
	v33 =	vld [tilespmem:s12+$0xFFFFFFE0]  }
0x3eb: {  	v18 =	vadd.f32 v21, v18;
	v21 =	vadd.f32 v28, v25;
	v19 =	vld [tilespmem:s12+$0xFFFFFFF0];
	v20 =	vtrunc.f32 v20  }
0x3ec: {  	v28 =	vcvt.s32.f32 v35;
	v24 =	vadd.f32 v24, v38;
	v25 =	vld [tilespmem:s12+$0x0];
	v20 =	vcvt.f32.s32 v20  }
0x3ed: {  	v26 =	vtrunc.f32 v26;
	v13 =	vadd.f32 v14, v13;
	v38 =	vcvt.f32.s32 v23;
	v37 =	vld [tilespmem:s12+$0x30];
	[tilespmem:s14+$0xFFFFFFF0] =	vst v29  }
0x3ee: {  	v16 =	vmul.f32 $7.000000000e+00, v16;
	v14 =	vsub.f32 v12, v28;
	v29 =	vcvt.f32.s32 v26;
	v23 =	vld [tilespmem:s12+$0xFFFFFFC0];
	[tilespmem:s14+$0x30] =	vst v24  }
0x3ef: {  	v12 =	vsub.f32 v39, v5;
	v26 =	vcvt.s32.f32 v20;
	v17 =	vmul.f32 v34, v17;
	v24 =	vld [tilespmem:s12+$0xFFFFFFD0];
	[tilespmem:s14+$0x10] =	vst v13  }
0x3f0: {  	v27 =	vmul.f32 $7.000000000e+00, v27;
	v28 =	vsub.f32 v41, v5;
	v34 =	vmul.f32 $7.000000000e+00, v22;
	v39 =	vld.idx.msk [tilespmem:v35+s25+$0x0], $0xffff;
	[tilespmem:s14+$0xFFFFFFD0] =	vst v18  }
0x3f1: {  	v12 =	vmul.f32 v12, v6;
	v40 =	vcvt.s32.f32 v29;
	v17 =	vadd.f32 v17, v36;
	v13 =	vld.idx.msk [tilespmem:v35+s24+$0x0], $0xffff;
	[tilespmem:s14+$0x0] =	vst v21  }
0x3f2: {  	v28 =	vmul.f32 v28, v6;
	v36 =	vcvt.s32.f32 v38;
	v25 =	vsub.f32 v25, v5;
	v35 =	vld.idx.msk [tilespmem:v20+s25+$0x0], $0xffff  }
0x3f3: {  	v27 =	vtrunc.f32 v27;
	v18 =	vsub.f32 v19, v5;
	v19 =	vmax.f32 v12, $0.0e+00;
	[tilespmem:s14+$0xFFFFFFC0] =	vst v17;
	s14 =	smov.u32 s10;
	s10 =	smov.u32 s8  }
0x3f4: {  	v32 =	vtrunc.f32 v32;
	v21 =	vmax.f32 v28, $0.0e+00;
	v24 =	vsub.f32 v24, v5;
	v20 =	vld.idx.msk [tilespmem:v20+s24+$0x0], $0xffff  }
0x3f5: {  	v41 =	vmin.f32 v21, $1.001000050e+00;
	v37 =	vsub.f32 v37, v5;
	v17 =	vmul.f32 v18, v6;
	v18 =	vld.idx.msk [tilespmem:v29+s24+$0x0], $0xffff  }
0x3f6: {  	v15 =	vmul.f32 $7.000000000e+00, v15;
	v22 =	vsub.f32 v33, v5;
	v14 =	vmul.f32 v14, v39  }
0x3f7: {  	v21 =	vsub.f32 v16, v40;
	v33 =	vsub.f32 v23, v5;
	v23 =	vmax.f32 v17, $0.0e+00;
	v39 =	vld.idx.msk [tilespmem:v11+s25+$0x0], $0xffff  }
0x3f8: {  	v25 =	vmul.f32 v25, v6;
	v16 =	vmin.f32 v23, $1.001000050e+00;
	v23 =	vmul.f32 $7.000000000e+00, v28  }
0x3f9: {  	v40 =	vcvt.f32.s32 v32;
	v42 =	vsub.f32 v10, v36;
	v28 =	vmul.f32 $7.000000000e+00, v16  }
0x3fa: {  	v32 =	vsub.f32 v34, v26;
	v16 =	vmul.f32 v24, v6;
	v24 =	vmul.f32 $7.000000000e+00, v25;
	v10 =	vmovc v23;
	v34 =	vld.idx.msk [tilespmem:v9+s25+$0x0], $0xffff  }
0x3fb: {  	v26 =	vcvt.s32.f32 v40;
	v23 =	vmul.f32 $7.000000000e+00, v41;
	v41 =	vsub.f32 v15, v31  }
0x3fc: {  	v19 =	vmin.f32 v19, $1.001000050e+00;
	v43 =	vmul.f32 v33, v6;
	v15 =	vmax.f32 v16, $0.0e+00;
	v44 =	vld.idx.msk [tilespmem:v38+s25+$0x0], $0xffff  }
0x3fd: {  	v19 =	vmul.f32 $7.000000000e+00, v19;
	v31 =	vmin.f32 v15, $1.001000050e+00;
	v45 =	vmul.f32 v30, v39  }
0x3fe: {  	v15 =	vmul.f32 v37, v6;
	v30 =	vtrunc.f32 v28;
	v28 =	vsub.f32 v8, v26;
	v8 =	vmovc v24;
	v46 =	vld.idx.msk [tilespmem:v11+s24+$0x0], $0xffff  }
0x3ff: {  	v33 =	vmax.f32 v25, $0.0e+00;
	v26 =	vmul.f32 $7.000000000e+00, v31;
	v11 =	vcvt.f32.s32 v30;
	v36 =	vld.idx.msk [tilespmem:v29+s25+$0x0], $0xffff  }
.Ltmp18:
0x400: {  	v32 =	vmul.f32 v32, v35;
	v25 =	vmax.f32 v15, $0.0e+00;
	v24 =	vmul.f32 v41, v34;
	v31 =	vld.idx.msk [tilespmem:v38+s24+$0x0], $0xffff;
	(pc) =	sbr.rel @p1 .LBB2_33-.Ltmp18, $4  }
0x401: {  	v29 =	vmax.f32 v43, $0.0e+00;
	v34 =	vmin.f32 v25, $1.001000050e+00;
	v30 =	vcvt.s32.f32 v11;
	v25 =	vld.idx.msk [tilespmem:v40+s24+$0x0], $0xffff  }
0x402: {  	v35 =	vtrunc.f32 v19;
	v38 =	vmin.f32 v33, $1.001000050e+00;
	v33 =	vcvt.f32.s32 v27;
	v37 =	vld.idx.msk [tilespmem:v40+s25+$0x0], $0xffff  }
0x403: {  	v19 =	vmul.f32 $7.000000000e+00, v43;
	v27 =	vmin.f32 v29, $1.001000050e+00;
	v39 =	vmul.f32 v42, v44  }
0x404: {  	s12 =	sadd.s32 $0x80, s12;
	v40 =	vmul.f32 $7.000000000e+00, v34;
	v34 =	vcvt.s32.f32 v33;
	v29 =	vadd.f32 v45, v46  }
0x405: {  	_ =	sdelay $0x1  }
0x406: {  	v22 =	vmul.f32 v22, v6;
	v35 =	vcvt.f32.s32 v35  }
0x407: {  	v26 =	vtrunc.f32 v26;
	v21 =	vmul.f32 v21, v36  }
0x408: {  	v9 =	vld.idx.msk [tilespmem:v9+s24+$0x0], $0xffff;
	v23 =	vtrunc.f32 v23;
	v17 =	vmul.f32 $7.000000000e+00, v17  }
0x409: {  	v42 =	vld.idx.msk [tilespmem:v33+s24+$0x0], $0xffff;
	v38 =	vmul.f32 $7.000000000e+00, v38;
	v26 =	vcvt.f32.s32 v26  }
0x40a: {  	v58 =	vld.idx.msk [tilespmem:v33+s25+$0x0], $0xffff;
	v12 =	vmul.f32 $7.000000000e+00, v12;
	v23 =	vcvt.f32.s32 v23;
	v41 =	vmax.f32 v22, $0.0e+00  }
0x40b: {  	v27 =	vmul.f32 $7.000000000e+00, v27;
	v44 =	vld.idx.msk [tilespmem:v11+s25+$0x0], $0xffff;
	v16 =	vmul.f32 $7.000000000e+00, v16;
	v41 =	vmin.f32 v41, $1.001000050e+00  }
0x40c: {  	v50 =	vld.idx.msk [tilespmem:v11+s24+$0x0], $0xffff;
	v57 =	vtrunc.f32 v40;
	v41 =	vmul.f32 $7.000000000e+00, v41  }
0x40d: {  	v20 =	vadd.f32 v32, v20;
	v15 =	vmul.f32 $7.000000000e+00, v15;
	v36 =	vcvt.f32.s32 v57;
	v59 =	vld.idx.msk [tilespmem:v35+s25+$0x0], $0xffff  }
0x40e: {  	v31 =	vadd.f32 v39, v31;
	v28 =	vmul.f32 v28, v37;
	v41 =	vtrunc.f32 v41;
	v32 =	vld.idx.msk [tilespmem:v35+s24+$0x0], $0xffff  }
0x40f: {  	v13 =	vadd.f32 v14, v13;
	v63 =	vcvt.s32.f32 v35;
	v41 =	vcvt.f32.s32 v41;
	v35 =	vld.idx.msk [tilespmem:v26+s24+$0x0], $0xffff  }
0x410: {  	v7 =	vsub.f32 v7, v34;
	[tilespmem:s14+$0xFFFFFFF0] =	vst v29;
	v43 =	vtrunc.f32 v38;
	v45 =	vtrunc.f32 v27;
	v48 =	vld.idx.msk [tilespmem:v23+s25+$0x0], $0xffff  }
0x411: {  	[tilespmem:s14+$0xFFFFFFE0] =	vst v20;
	v18 =	vadd.f32 v21, v18;
	v47 =	vmul.f32 $7.000000000e+00, v22;
	v21 =	vcvt.f32.s32 v43;
	v52 =	vld.idx.msk [tilespmem:v23+s24+$0x0], $0xffff  }
0x412: {  	[tilespmem:s14+$0x20] =	vst v31;
	v49 =	vcvt.s32.f32 v23;
	v9 =	vadd.f32 v24, v9;
	v24 =	vcvt.f32.s32 v45;
	v54 =	vld.idx.msk [tilespmem:v26+s25+$0x0], $0xffff  }
0x413: {  	v17 =	vsub.f32 v17, v30;
	[tilespmem:s14+$0x10] =	vst v13;
	v53 =	vcvt.s32.f32 v26;
	v61 =	vcvt.s32.f32 v36;
	v46 =	vld.idx.msk [tilespmem:v36+s25+$0x0], $0xffff  }
0x414: {  	v25 =	vadd.f32 v28, v25;
	v12 =	vsub.f32 v12, v63;
	v7 =	vmul.f32 v7, v58;
	v55 =	vld.idx.msk [tilespmem:v36+s24+$0x0], $0xffff  }
0x415: {  	[tilespmem:s14+$0xFFFFFFD0] =	vst v18;
	v16 =	vsub.f32 v16, v53;
	v57 =	vcvt.s32.f32 v21;
	v17 =	vmul.f32 v17, v44;
	v60 =	vld.idx.msk [tilespmem:v41+s25+$0x0], $0xffff  }
0x416: {  	v15 =	vsub.f32 v15, v61;
	[tilespmem:s14+$0x30] =	vst v9;
	v9 =	vsub.f32 v10, v49;
	v62 =	vld.idx.msk [tilespmem:v41+s24+$0x0], $0xffff;
	v41 =	vcvt.s32.f32 v41  }
0x417: {  	[tilespmem:s14+$0x0] =	vst v25;
	v7 =	vadd.f32 v7, v42;
	v8 =	vsub.f32 v8, v57;
	v56 =	vld.idx.msk [tilespmem:v21+s25+$0x0], $0xffff  }
0x418: {  	v11 =	vadd.f32 v17, v50;
	v12 =	vmul.f32 v12, v59;
	v58 =	vld.idx.msk [tilespmem:v24+s25+$0x0], $0xffff;
	v51 =	vsub.f32 v47, v41  }
0x419: {  	[tilespmem:s14+$0xFFFFFFC0] =	vst v7;
	v59 =	vld.idx.msk [tilespmem:v21+s24+$0x0], $0xffff;
	v9 =	vmul.f32 v9, v48;
	v7 =	vmul.f32 v15, v46  }
0x41a: {  	[tilespmem:s10+$0xFFFFFFF0] =	vst v11;
	v63 =	vadd.f32 v12, v32;
	v13 =	vmul.f32 v51, v60;
	v60 =	vcvt.s32.f32 v24  }
0x41b: {  	v61 =	vld.idx.msk [tilespmem:v24+s24+$0x0], $0xffff;
	v10 =	vmul.f32 v16, v54;
	v9 =	vadd.f32 v9, v52;
	v7 =	vadd.f32 v7, v55  }
0x41c: {  	v8 =	vmul.f32 v8, v56;
	[tilespmem:s10+$0x10] =	vst v63;
	v13 =	vadd.f32 v13, v62;
	v62 =	vsub.f32 v19, v60  }
0x41d: {  	v10 =	vadd.f32 v10, v35;
	[tilespmem:s10+$0x20] =	vst v9  }
0x41e: {  	p1 =	sne.s32 s13, $0x3;
	v8 =	vadd.f32 v8, v59;
	[tilespmem:s10+$0x30] =	vst v7;
	v7 =	vmul.f32 v62, v58  }
.Ltmp19:
0x41f: {  	[tilespmem:s10+$0xFFFFFFD0] =	vst v10;
	(pc) =	sbr.rel @p1 .LBB2_36-.Ltmp19, $4  }
0x420: {  	[tilespmem:s10+$0x0] =	vst v8;
	v7 =	vadd.f32 v7, v61  }
0x421: {  	s5 =	sshrl.u32 s6, $0x3;
	[tilespmem:s10+$0xFFFFFFE0] =	vst v13  }
0x422: {  	s5 =	sadd.s32 s4, s5;
	[tilespmem:s10+$0xFFFFFFC0] =	vst v7  }
0x423: {  	[hbm4b:s5+s18] =	stream.strided.scatter [tilespmem:s26], [sflag:$0x3], $0x4800, s20, s18, $0x38;
	[tilespmem:$0x12180] =	vst v63  }
.Ltmp20:
0x424: {  	(pc) =	sbr.rel .LBB2_37-.Ltmp20, $4  }
0x425: {  	_ = 	snop  }
0x426: {  	_ =	swait.ge [sflag:s28], $0x4800  }
0x427: {  	[sflag:s28] =	ssyncset.done $0x0  }
0x428: {  	[sflag:s28] =	ssyncadd.s32 $0xFFFFB800  }
.LBB2_36:
0x429: {  	s5 =	rddreg [dreg:$0x16]  }
0x42a: {  	s1 =	sadd.s32 s1, s5  }
0x42b: {  	s1 =	sshrl.u32 s1, $0x3  }
.Ltmp21:
0x42c: {  	s1 =	sadd.s32 s2, s1;
	(pc) =	sbr.rel @p0 .LBB2_38-.Ltmp21, $4  }
0x42d: {  	[tilespmem:s3], [sflag:$0x1] =	stream.strided.gather [hbm4b:s1+s18], $0x4800, s20, s18, $0x38;
	[tilespmem:$0x12180] =	vst v63  }
0x42e: {  	_ =	swait.ge [sflag:s28], $0x4800  }
0x42f: {  	[sflag:s28] =	ssyncset.done $0x0  }
0x430: {  	[sflag:s28] =	ssyncadd.s32 $0xFFFFB800  }
.LBB2_37:
0x431: {  	_ =	swait.ge [sflag:s16], $0x4800  }
0x432: {  	[sflag:s16] =	ssyncset.done $0x0  }
0x433: {  	[sflag:s16] =	ssyncadd.s32 $0xFFFFB800  }
.LBB2_38:
0x434: {  	s1 =	simm.s32 $0x4840  }
0x435: {  	v7 =	vld [tilespmem:s1+$0x20]  }
0x436: {  	v8 =	vld [tilespmem:s1+$0x10]  }
0x437: {  	v9 =	vld [tilespmem:s1+$0xFFFFFFF0]  }
0x438: {  	v10 =	vld [tilespmem:s1+$0x0]  }
0x439: {  	v11 =	vld [tilespmem:s1+$0x30]  }
0x43a: {  	s14 =	simm.s32 $0x48C0;
	v13 =	vld [tilespmem:s1+$0xFFFFFFE0]  }
0x43b: {  	v23 =	vld [tilespmem:s14+$0x20]  }
0x43c: {  	v12 =	vld [tilespmem:s1+$0xFFFFFFD0]  }
0x43d: {  	v8 =	vsub.f32 v8, v5;
	v7 =	vsub.f32 v7, v5  }
0x43e: {  	v9 =	vsub.f32 v9, v5;
	v10 =	vsub.f32 v10, v5  }
0x43f: {  	v14 =	vld [tilespmem:s1+$0xFFFFFFC0];
	v11 =	vsub.f32 v11, v5;
	v13 =	vsub.f32 v13, v5;
	v8 =	vmul.f32 v8, v6  }
0x440: {  	v23 =	vsub.f32 v23, v5;
	v7 =	vmul.f32 v7, v6;
	v17 =	vmul.f32 v9, v6  }
0x441: {  	v9 =	vsub.f32 v12, v5;
	v10 =	vmul.f32 v10, v6;
	v11 =	vmul.f32 v11, v6  }
0x442: {  	v13 =	vmul.f32 v13, v6;
	v23 =	vmul.f32 v23, v6;
	v15 =	vmax.f32 v8, $0.0e+00  }
0x443: {  	v16 =	vmax.f32 v7, $0.0e+00;
	v18 =	vmul.f32 $7.000000000e+00, v7;
	v19 =	vmul.f32 v9, v6  }
0x444: {  	v7 =	vsub.f32 v14, v5;
	v24 =	vmul.f32 $7.000000000e+00, v10;
	v10 =	vmax.f32 v10, $0.0e+00  }
0x445: {  	v21 =	vmax.f32 v13, $0.0e+00;
	v8 =	vmul.f32 $7.000000000e+00, v8;
	v13 =	vmul.f32 $7.000000000e+00, v13  }
0x446: {  	v12 =	vmin.f32 v16, $1.001000050e+00;
	v16 =	vmax.f32 v17, $0.0e+00;
	v10 =	vmin.f32 v10, $1.001000050e+00  }
0x447: {  	v21 =	vmin.f32 v21, $1.001000050e+00;
	v17 =	vmul.f32 $7.000000000e+00, v17;
	v12 =	vmul.f32 $7.000000000e+00, v12  }
0x448: {  	v16 =	vmin.f32 v16, $1.001000050e+00;
	v10 =	vmul.f32 $7.000000000e+00, v10;
	v21 =	vmul.f32 $7.000000000e+00, v21  }
0x449: {  	v14 =	vmax.f32 v19, $0.0e+00;
	v19 =	vmul.f32 $7.000000000e+00, v19;
	v9 =	vmul.f32 $7.000000000e+00, v16  }
0x44a: {  	v16 =	vmul.f32 v7, v6;
	v7 =	vmin.f32 v15, $1.001000050e+00;
	v14 =	vmin.f32 v14, $1.001000050e+00  }
0x44b: {  	v15 =	vmax.f32 v11, $0.0e+00;
	v11 =	vmul.f32 $7.000000000e+00, v11;
	v7 =	vmul.f32 $7.000000000e+00, v7  }
0x44c: {  	v14 =	vmul.f32 $7.000000000e+00, v14;
	v12 =	vtrunc.f32 v12  }
0x44d: {  	v22 =	vld [tilespmem:s14+$0x10];
	v21 =	vtrunc.f32 v21;
	v38 =	vtrunc.f32 v10  }
0x44e: {  	v10 =	vmul.f32 $7.000000000e+00, v23;
	v9 =	vtrunc.f32 v9  }
0x44f: {  	v28 =	vcvt.f32.s32 v21;
	v31 =	vcvt.f32.s32 v12  }
0x450: {  	v42 =	vcvt.f32.s32 v38;
	v25 =	vcvt.f32.s32 v9  }
0x451: {  	v9 =	vmin.f32 v15, $1.001000050e+00;
	v20 =	vtrunc.f32 v7;
	v7 =	vmul.f32 $7.000000000e+00, v16  }
0x452: {  	v27 =	vld [tilespmem:s14+$0xFFFFFFE0];
	v12 =	vsub.f32 v22, v5;
	v14 =	vtrunc.f32 v14;
	v9 =	vmul.f32 $7.000000000e+00, v9  }
0x453: {  	v21 =	vld [tilespmem:s14+$0x0];
	v20 =	vcvt.f32.s32 v20;
	v30 =	vcvt.f32.s32 v14  }
0x454: {  	v22 =	vld [tilespmem:s14+$0x30];
	v16 =	vmax.f32 v16, $0.0e+00;
	v32 =	vcvt.s32.f32 v28;
	v12 =	vmul.f32 v12, v6  }
0x455: {  	v34 =	vld [tilespmem:s14+$0xFFFFFFC0];
	v16 =	vmin.f32 v16, $1.001000050e+00;
	v36 =	vcvt.s32.f32 v31;
	v15 =	vcvt.s32.f32 v25  }
0x456: {  	v16 =	vmul.f32 $7.000000000e+00, v16;
	v9 =	vtrunc.f32 v9  }
0x457: {  	v14 =	vld [tilespmem:s14+$0xFFFFFFD0];
	v29 =	vcvt.s32.f32 v20;
	v33 =	vcvt.s32.f32 v30;
	v37 =	vmax.f32 v12, $0.0e+00  }
0x458: {  	v43 =	vsub.f32 v18, v36;
	v18 =	vcvt.s32.f32 v42;
	v15 =	vsub.f32 v17, v15  }
0x459: {  	v9 =	vcvt.f32.s32 v9;
	v17 =	vld [tilespmem:s14+$0xFFFFFFF0];
	v35 =	vsub.f32 v21, v5;
	v41 =	vsub.f32 v22, v5  }
0x45a: {  	v39 =	vtrunc.f32 v16;
	v22 =	vsub.f32 v27, v5;
	v27 =	vsub.f32 v34, v5;
	v60 =	vld.idx.msk [tilespmem:v28+s25+$0x0], $0xffff  }
0x45b: {  	v8 =	vsub.f32 v8, v29;
	v21 =	vsub.f32 v19, v33;
	v45 =	vld.idx.msk [tilespmem:v31+s25+$0x0], $0xffff;
	v34 =	vcvt.f32.s32 v39  }
0x45c: {  	v26 =	vcvt.s32.f32 v9;
	v16 =	vsub.f32 v14, v5;
	v14 =	vmax.f32 v23, $0.0e+00;
	v19 =	vld.idx.msk [tilespmem:v25+s25+$0x0], $0xffff  }
0x45d: {  	v62 =	vmul.f32 v27, v6;
	v27 =	vmin.f32 v37, $1.001000050e+00;
	v29 =	vld.idx.msk [tilespmem:v20+s25+$0x0], $0xffff;
	v40 =	vmin.f32 v14, $1.001000050e+00  }
0x45e: {  	v37 =	vmul.f32 $7.000000000e+00, v27;
	v16 =	vmul.f32 v16, v6;
	v17 =	vsub.f32 v17, v5  }
0x45f: {  	v32 =	vsub.f32 v13, v32;
	v33 =	vcvt.s32.f32 v34;
	v23 =	vmul.f32 $7.000000000e+00, v40  }
0x460: {  	v26 =	vsub.f32 v11, v26;
	v11 =	vmax.f32 v16, $0.0e+00;
	v17 =	vmul.f32 v17, v6  }
0x461: {  	v61 =	vld.idx.msk [tilespmem:v9+s25+$0x0], $0xffff;
	v32 =	vmul.f32 v32, v60;
	v39 =	vmul.f32 v43, v45;
	v11 =	vmin.f32 v11, $1.001000050e+00  }
0x462: {  	v63 =	vld.idx.msk [tilespmem:v25+s24+$0x0], $0xffff;
	v44 =	vmul.f32 v15, v19;
	v14 =	vmul.f32 v8, v29;
	v8 =	vmax.f32 v17, $0.0e+00  }
0x463: {  	v13 =	vld.idx.msk [tilespmem:v20+s24+$0x0], $0xffff;
	v15 =	vmul.f32 v41, v6;
	v29 =	vmul.f32 v35, v6;
	v8 =	vmin.f32 v8, $1.001000050e+00  }
0x464: {  	v20 =	vld.idx.msk [tilespmem:v28+s24+$0x0], $0xffff;
	v28 =	vsub.f32 v24, v18;
	v27 =	vmul.f32 $7.000000000e+00, v11;
	v59 =	vmul.f32 $7.000000000e+00, v8  }
0x465: {  	v36 =	vld.idx.msk [tilespmem:v30+s25+$0x0], $0xffff;
	v35 =	vtrunc.f32 v37;
	v25 =	vmax.f32 v15, $0.0e+00;
	v8 =	vmul.f32 $7.000000000e+00, v29  }
0x466: {  	v31 =	vld.idx.msk [tilespmem:v31+s24+$0x0], $0xffff;
	v24 =	vmul.f32 v26, v61;
	v26 =	vmax.f32 v62, $0.0e+00;
	v19 =	vtrunc.f32 v59  }
0x467: {  	v18 =	vld.idx.msk [tilespmem:v30+s24+$0x0], $0xffff;
	v26 =	vmin.f32 v26, $1.001000050e+00;
	v11 =	vcvt.f32.s32 v19;
	v19 =	vmax.f32 v29, $0.0e+00  }
0x468: {  	s6 =	simm.s32 $0xD840;
	s5 =	simm.s32 $0x8;
	v37 =	vld.idx.msk [tilespmem:v42+s25+$0x0], $0xffff;
	v29 =	vmin.f32 v25, $1.001000050e+00;
	v38 =	vmin.f32 v19, $1.001000050e+00;
	v19 =	vmul.f32 $7.000000000e+00, v62  }
0x469: {  	s8 =	simm.s32 $0xD8C0;
	s10 =	simm.s32 $0x4940;
	s1 =	simm.s32 $0xD8C0;
	v25 =	vld.idx.msk [tilespmem:v42+s24+$0x0], $0xffff;
	v40 =	vmul.f32 $7.000000000e+00, v29;
	v29 =	vadd.f32 v44, v63;
	v30 =	vcvt.s32.f32 v11  }
.LBB2_39:
0x46a: {  	v41 =	vld [tilespmem:s10+$0x20];
	s5 =	sadd.s32 $0x8, s5;
	v22 =	vmul.f32 v22, v6;
	s8 =	sadd.s32 $0x80, s8;
	v21 =	vmul.f32 v21, v36;
	v20 =	vadd.f32 v32, v20  }
0x46b: {  	v32 =	vmul.f32 $7.000000000e+00, v38;
	v31 =	vadd.f32 v39, v31;
	p0 =	slt.u32 s5, $0x478;
	v36 =	vtrunc.f32 v40;
	v38 =	vld.idx.msk [tilespmem:v9+s24+$0x0], $0xffff  }
0x46c: {  	v17 =	vmul.f32 $7.000000000e+00, v17;
	v39 =	vld [tilespmem:s10+$0x10];
	v40 =	vmax.f32 v22, $0.0e+00;
	v9 =	vcvt.f32.s32 v36;
	[tilespmem:s6+$0xFFFFFFE0] =	vst v20  }
0x46d: {  	v23 =	vtrunc.f32 v23;
	v28 =	vmul.f32 v28, v37;
	v20 =	vmin.f32 v40, $1.001000050e+00;
	v36 =	vld.idx.msk [tilespmem:v34+s24+$0x0], $0xffff;
	[tilespmem:s6+$0x20] =	vst v31  }
0x46e: {  	v30 =	vsub.f32 v17, v30;
	v20 =	vmul.f32 $7.000000000e+00, v20;
	v31 =	vcvt.s32.f32 v9;
	v17 =	vld.idx.msk [tilespmem:v34+s25+$0x0], $0xffff  }
0x46f: {  	v12 =	vmul.f32 $7.000000000e+00, v12;
	v35 =	vcvt.f32.s32 v35;
	v33 =	vsub.f32 v7, v33;
	v7 =	vmovc v19;
	v34 =	vld [tilespmem:s10+$0xFFFFFFE0]  }
0x470: {  	v18 =	vadd.f32 v21, v18;
	v21 =	vadd.f32 v28, v25;
	v19 =	vld [tilespmem:s10+$0xFFFFFFF0];
	v20 =	vtrunc.f32 v20  }
0x471: {  	v28 =	vcvt.s32.f32 v35;
	v24 =	vadd.f32 v24, v38;
	v25 =	vld [tilespmem:s10+$0x0];
	v20 =	vcvt.f32.s32 v20  }
0x472: {  	v27 =	vtrunc.f32 v27;
	v13 =	vadd.f32 v14, v13;
	v38 =	vcvt.f32.s32 v23;
	v37 =	vld [tilespmem:s10+$0x30];
	[tilespmem:s6+$0xFFFFFFF0] =	vst v29  }
0x473: {  	v16 =	vmul.f32 $7.000000000e+00, v16;
	v14 =	vsub.f32 v12, v28;
	v29 =	vcvt.f32.s32 v27;
	v23 =	vld [tilespmem:s10+$0xFFFFFFC0];
	[tilespmem:s6+$0x30] =	vst v24  }
0x474: {  	v12 =	vsub.f32 v39, v5;
	v27 =	vcvt.s32.f32 v20;
	v17 =	vmul.f32 v33, v17;
	v24 =	vld [tilespmem:s10+$0xFFFFFFD0];
	[tilespmem:s6+$0x10] =	vst v13  }
0x475: {  	v26 =	vmul.f32 $7.000000000e+00, v26;
	v28 =	vsub.f32 v41, v5;
	v33 =	vmul.f32 $7.000000000e+00, v22;
	v39 =	vld.idx.msk [tilespmem:v35+s25+$0x0], $0xffff;
	[tilespmem:s6+$0xFFFFFFD0] =	vst v18  }
0x476: {  	v12 =	vmul.f32 v12, v6;
	v40 =	vcvt.s32.f32 v29;
	v17 =	vadd.f32 v17, v36;
	v13 =	vld.idx.msk [tilespmem:v35+s24+$0x0], $0xffff;
	[tilespmem:s6+$0x0] =	vst v21  }
0x477: {  	v28 =	vmul.f32 v28, v6;
	v36 =	vcvt.s32.f32 v38;
	v25 =	vsub.f32 v25, v5;
	v35 =	vld.idx.msk [tilespmem:v20+s25+$0x0], $0xffff  }
0x478: {  	v26 =	vtrunc.f32 v26;
	v18 =	vsub.f32 v19, v5;
	v19 =	vmax.f32 v12, $0.0e+00;
	[tilespmem:s6+$0xFFFFFFC0] =	vst v17;
	s6 =	smov.u32 s1;
	s1 =	smov.u32 s8  }
0x479: {  	v32 =	vtrunc.f32 v32;
	v21 =	vmax.f32 v28, $0.0e+00;
	v24 =	vsub.f32 v24, v5;
	v20 =	vld.idx.msk [tilespmem:v20+s24+$0x0], $0xffff  }
0x47a: {  	v41 =	vmin.f32 v21, $1.001000050e+00;
	v37 =	vsub.f32 v37, v5;
	v17 =	vmul.f32 v18, v6;
	v18 =	vld.idx.msk [tilespmem:v29+s24+$0x0], $0xffff  }
0x47b: {  	v15 =	vmul.f32 $7.000000000e+00, v15;
	v22 =	vsub.f32 v34, v5;
	v14 =	vmul.f32 v14, v39  }
0x47c: {  	v21 =	vsub.f32 v16, v40;
	v34 =	vsub.f32 v23, v5;
	v23 =	vmax.f32 v17, $0.0e+00;
	v39 =	vld.idx.msk [tilespmem:v11+s25+$0x0], $0xffff  }
0x47d: {  	v25 =	vmul.f32 v25, v6;
	v16 =	vmin.f32 v23, $1.001000050e+00;
	v23 =	vmul.f32 $7.000000000e+00, v28  }
0x47e: {  	v40 =	vcvt.f32.s32 v32;
	v42 =	vsub.f32 v10, v36;
	v28 =	vmul.f32 $7.000000000e+00, v16  }
0x47f: {  	v32 =	vsub.f32 v33, v27;
	v16 =	vmul.f32 v24, v6;
	v24 =	vmul.f32 $7.000000000e+00, v25;
	v10 =	vmovc v23;
	v33 =	vld.idx.msk [tilespmem:v9+s25+$0x0], $0xffff  }
0x480: {  	v27 =	vcvt.s32.f32 v40;
	v23 =	vmul.f32 $7.000000000e+00, v41;
	v41 =	vsub.f32 v15, v31  }
0x481: {  	v19 =	vmin.f32 v19, $1.001000050e+00;
	v43 =	vmul.f32 v34, v6;
	v15 =	vmax.f32 v16, $0.0e+00;
	v44 =	vld.idx.msk [tilespmem:v38+s25+$0x0], $0xffff  }
0x482: {  	v19 =	vmul.f32 $7.000000000e+00, v19;
	v31 =	vmin.f32 v15, $1.001000050e+00;
	v45 =	vmul.f32 v30, v39  }
0x483: {  	v15 =	vmul.f32 v37, v6;
	v30 =	vtrunc.f32 v28;
	v28 =	vsub.f32 v8, v27;
	v8 =	vmovc v24;
	v46 =	vld.idx.msk [tilespmem:v11+s24+$0x0], $0xffff  }
0x484: {  	v34 =	vmax.f32 v25, $0.0e+00;
	v27 =	vmul.f32 $7.000000000e+00, v31;
	v11 =	vcvt.f32.s32 v30;
	v36 =	vld.idx.msk [tilespmem:v29+s25+$0x0], $0xffff  }
.Ltmp22:
0x485: {  	v32 =	vmul.f32 v32, v35;
	v25 =	vmax.f32 v15, $0.0e+00;
	v24 =	vmul.f32 v41, v33;
	v31 =	vld.idx.msk [tilespmem:v38+s24+$0x0], $0xffff;
	(pc) =	sbr.rel @p0 .LBB2_39-.Ltmp22, $4  }
0x486: {  	v29 =	vmax.f32 v43, $0.0e+00;
	v33 =	vmin.f32 v25, $1.001000050e+00;
	v30 =	vcvt.s32.f32 v11;
	v25 =	vld.idx.msk [tilespmem:v40+s24+$0x0], $0xffff  }
0x487: {  	v35 =	vtrunc.f32 v19;
	v38 =	vmin.f32 v34, $1.001000050e+00;
	v34 =	vcvt.f32.s32 v26;
	v37 =	vld.idx.msk [tilespmem:v40+s25+$0x0], $0xffff  }
0x488: {  	v19 =	vmul.f32 $7.000000000e+00, v43;
	v26 =	vmin.f32 v29, $1.001000050e+00;
	v39 =	vmul.f32 v42, v44  }
0x489: {  	s10 =	sadd.s32 $0x80, s10;
	v40 =	vmul.f32 $7.000000000e+00, v33;
	v33 =	vcvt.s32.f32 v34;
	v29 =	vadd.f32 v45, v46  }
0x48a: {  	_ =	sdelay $0x1  }
0x48b: {  	v22 =	vmul.f32 v22, v6;
	v35 =	vcvt.f32.s32 v35  }
0x48c: {  	v27 =	vtrunc.f32 v27;
	v21 =	vmul.f32 v21, v36  }
0x48d: {  	v9 =	vld.idx.msk [tilespmem:v9+s24+$0x0], $0xffff;
	v23 =	vtrunc.f32 v23;
	v17 =	vmul.f32 $7.000000000e+00, v17  }
0x48e: {  	v42 =	vld.idx.msk [tilespmem:v34+s24+$0x0], $0xffff;
	v38 =	vmul.f32 $7.000000000e+00, v38;
	v27 =	vcvt.f32.s32 v27  }
0x48f: {  	v58 =	vld.idx.msk [tilespmem:v34+s25+$0x0], $0xffff;
	v12 =	vmul.f32 $7.000000000e+00, v12;
	v23 =	vcvt.f32.s32 v23;
	v41 =	vmax.f32 v22, $0.0e+00  }
0x490: {  	v26 =	vmul.f32 $7.000000000e+00, v26;
	v44 =	vld.idx.msk [tilespmem:v11+s25+$0x0], $0xffff;
	v16 =	vmul.f32 $7.000000000e+00, v16;
	v41 =	vmin.f32 v41, $1.001000050e+00  }
0x491: {  	v50 =	vld.idx.msk [tilespmem:v11+s24+$0x0], $0xffff;
	v57 =	vtrunc.f32 v40;
	v41 =	vmul.f32 $7.000000000e+00, v41  }
0x492: {  	v20 =	vadd.f32 v32, v20;
	v15 =	vmul.f32 $7.000000000e+00, v15;
	v36 =	vcvt.f32.s32 v57;
	v59 =	vld.idx.msk [tilespmem:v35+s25+$0x0], $0xffff  }
0x493: {  	v31 =	vadd.f32 v39, v31;
	v28 =	vmul.f32 v28, v37;
	v41 =	vtrunc.f32 v41;
	v32 =	vld.idx.msk [tilespmem:v35+s24+$0x0], $0xffff  }
0x494: {  	v13 =	vadd.f32 v14, v13;
	v63 =	vcvt.s32.f32 v35;
	v41 =	vcvt.f32.s32 v41;
	v35 =	vld.idx.msk [tilespmem:v27+s24+$0x0], $0xffff  }
0x495: {  	v7 =	vsub.f32 v7, v33;
	[tilespmem:s6+$0xFFFFFFF0] =	vst v29;
	v43 =	vtrunc.f32 v38;
	v45 =	vtrunc.f32 v26;
	v48 =	vld.idx.msk [tilespmem:v23+s25+$0x0], $0xffff  }
0x496: {  	[tilespmem:s6+$0xFFFFFFE0] =	vst v20;
	v18 =	vadd.f32 v21, v18;
	v47 =	vmul.f32 $7.000000000e+00, v22;
	v21 =	vcvt.f32.s32 v43;
	v52 =	vld.idx.msk [tilespmem:v23+s24+$0x0], $0xffff  }
0x497: {  	[tilespmem:s6+$0x20] =	vst v31;
	v49 =	vcvt.s32.f32 v23;
	v9 =	vadd.f32 v24, v9;
	v24 =	vcvt.f32.s32 v45;
	v54 =	vld.idx.msk [tilespmem:v27+s25+$0x0], $0xffff  }
0x498: {  	v17 =	vsub.f32 v17, v30;
	[tilespmem:s6+$0x10] =	vst v13;
	v53 =	vcvt.s32.f32 v27;
	v61 =	vcvt.s32.f32 v36;
	v46 =	vld.idx.msk [tilespmem:v36+s25+$0x0], $0xffff  }
0x499: {  	v25 =	vadd.f32 v28, v25;
	v12 =	vsub.f32 v12, v63;
	v7 =	vmul.f32 v7, v58;
	v55 =	vld.idx.msk [tilespmem:v36+s24+$0x0], $0xffff  }
0x49a: {  	[tilespmem:s6+$0xFFFFFFD0] =	vst v18;
	v16 =	vsub.f32 v16, v53;
	v57 =	vcvt.s32.f32 v21;
	v17 =	vmul.f32 v17, v44;
	v60 =	vld.idx.msk [tilespmem:v41+s25+$0x0], $0xffff  }
0x49b: {  	v15 =	vsub.f32 v15, v61;
	[tilespmem:s6+$0x30] =	vst v9;
	v9 =	vsub.f32 v10, v49;
	v62 =	vld.idx.msk [tilespmem:v41+s24+$0x0], $0xffff;
	v41 =	vcvt.s32.f32 v41  }
0x49c: {  	[tilespmem:s6+$0x0] =	vst v25;
	v7 =	vadd.f32 v7, v42;
	v8 =	vsub.f32 v8, v57;
	v56 =	vld.idx.msk [tilespmem:v21+s25+$0x0], $0xffff  }
0x49d: {  	v11 =	vadd.f32 v17, v50;
	v12 =	vmul.f32 v12, v59;
	v58 =	vld.idx.msk [tilespmem:v24+s25+$0x0], $0xffff;
	v51 =	vsub.f32 v47, v41  }
0x49e: {  	[tilespmem:s6+$0xFFFFFFC0] =	vst v7;
	v59 =	vld.idx.msk [tilespmem:v21+s24+$0x0], $0xffff;
	v9 =	vmul.f32 v9, v48;
	v7 =	vmul.f32 v15, v46  }
0x49f: {  	[tilespmem:s1+$0xFFFFFFF0] =	vst v11;
	v63 =	vadd.f32 v12, v32;
	v13 =	vmul.f32 v51, v60;
	v60 =	vcvt.s32.f32 v24  }
0x4a0: {  	v61 =	vld.idx.msk [tilespmem:v24+s24+$0x0], $0xffff;
	v10 =	vmul.f32 v16, v54;
	v9 =	vadd.f32 v9, v52;
	v7 =	vadd.f32 v7, v55  }
0x4a1: {  	v8 =	vmul.f32 v8, v56;
	[tilespmem:s1+$0x10] =	vst v63;
	v13 =	vadd.f32 v13, v62;
	v62 =	vsub.f32 v19, v60  }
0x4a2: {  	s13 =	sadd.s32 $0x1, s13;
	v10 =	vadd.f32 v10, v35;
	[tilespmem:s1+$0x20] =	vst v9  }
0x4a3: {  	p0 =	sne.s32 s13, $0x4;
	v8 =	vadd.f32 v8, v59;
	[tilespmem:s1+$0x30] =	vst v7;
	v7 =	vmul.f32 v62, v58  }
.Ltmp23:
0x4a4: {  	[tilespmem:s1+$0xFFFFFFD0] =	vst v10;
	(pc) =	sbr.rel @p0 .LBB2_32-.Ltmp23, $4  }
0x4a5: {  	[tilespmem:s1+$0x0] =	vst v8;
	v7 =	vadd.f32 v7, v61  }
0x4a6: {  	[tilespmem:s1+$0xFFFFFFE0] =	vst v13  }
0x4a7: {  	s30 =	sadd.s32 s4, s30;
	[tilespmem:s1+$0xFFFFFFC0] =	vst v7  }
0x4a8: {  	[hbm4b:s30+s18] =	stream.strided.scatter [tilespmem:s9], [sflag:$0x4], $0x4800, s20, s18, $0x38;
	[tilespmem:$0x12180] =	vst v63  }
0x4a9: {  	s1 =	simm.s32 $0x3  }
0x4aa: {  	_ =	swait.ge [sflag:s1], $0x4800  }
0x4ab: {  	[sflag:s1] =	ssyncset.done $0x0  }
0x4ac: {  	[sflag:s1] =	ssyncadd.s32 $0xFFFFB800  }
0x4ad: {  	_ =	swait.ge [sflag:s16], $0x4800  }
0x4ae: {  	s13 =	simm.s32 $0x0;
	s5 =	simm.s32 $0x12000;
	[sflag:s16] =	ssyncset.done $0x0  }
0x4af: {  	s14 =	simm.s32 $0x5;
	s12 =	rddreg [dreg:$0xd];
	[sflag:s16] =	ssyncadd.s32 $0xFFFFB800  }
0x4b0: {  	[tilespmem:s5], [sflag:$0x5] =	stream.linear.gather [hbm4b:s12+s13], $0x80, $0x38;
	[tilespmem:$0x12180] =	vst v63  }
0x4b1: {  	_ =	swait.ge [sflag:s14], $0x80  }
0x4b2: {  	[sflag:s14] =	ssyncset.done $0x0  }
0x4b3: {  	[sflag:s14] =	ssyncadd.s32 $0xFFFFFF80  }
0x4b4: {  	v5 =	vld.msk [tilespmem:s5+$0x0], $0xffff  }
0x4b5: {  	v6 =	vld.idx.msk [tilespmem:v0+s5+$0x0], $0xffff;
	_ =	sdelay $0x4  }
0x4b6: {  	v6 =	vsub.f32 v6, v5;
	_ =	sdelay $0x1  }
0x4b7: {  	(erf) = vrcp.f32 v6;
	_ =	sdelay $0x3  }
0x4b8: {  	v7 =	vld.idx.msk [tilespmem:v3+s5+$0x0], $0xffff  }
0x4b9: {  	v8 =	vld.idx.msk [tilespmem:v4+s5+$0x0], $0xffff  }
0x4ba: {  	v9 =	vld.idx.msk [tilespmem:v1+s5+$0x0], $0xffff  }
0x4bb: {  	v11 =	vmul.f32 $7.000000000e+00, v6;
	_ =	sdelay $0x1  }
0x4bc: {  	v12 =	vpop (erf);
	(erf) = vrcp.f32 v11  }
0x4bd: {  	v10 =	vld.idx.msk [tilespmem:v2+s5+$0x0], $0xffff  }
0x4be: {  	v8 =	vsub.f32 v8, v7;
	v62 =	vmul.f32 v6, v9;
	_ =	sdelay $0x1  }
0x4bf: {  	v63 =	vsub.f32 v7, v62;
	v8 =	vmul.f32 v8, v12;
	_ =	sdelay $0x1  }
0x4c0: {  	v7 =	vsel vm1, v63, v7;
	v8 =	vsel vm0, v8, v10  }
0x4c1: {  	[tilespmem:$0x12080] =	vst v7;
	v8 =	vsel vm1, v9, v8  }
0x4c2: {  	s30 =	rddreg [dreg:$0x12];
	[tilespmem:$0x12100] =	vst v8  }
0x4c3: {  	v5 =	vsub.f32 v5, v6;
	[tilespmem:s13], [sflag:$0x1] =	stream.strided.gather [hbm4b:s30+s18], $0x4800, s20, s18, $0x38;
	v6 =	vpop (erf);
	[tilespmem:$0x12180] =	vst v63  }
.LBB2_42:
0x4c4: {  	s1 =	smul.u32 $0x48000, s13;
	_ =	sdelay $0x1  }
0x4c5: {  	s5 =	sadd.s32 s1, s0  }
0x4c6: {  	s30 =	sshrl.u32 s5, $0x3  }
0x4c7: {  	s5 =	sadd.s32 s2, s30  }
0x4c8: {  	[tilespmem:s21], [sflag:$0x2] =	stream.strided.gather [hbm4b:s5+s18], $0x4800, s20, s18, $0x38;
	[tilespmem:$0x12180] =	vst v63  }
0x4c9: {  	_ =	swait.ge [sflag:s22], $0x4800  }
0x4ca: {  	p0 =	seq.s32 s13, $0x0;
	[sflag:s22] =	ssyncset.done $0x0  }
0x4cb: {  	s5 =	simm.s32 @!p0 $0x3;
	[sflag:s22] =	ssyncadd.s32 $0xFFFFB800  }
0x4cc: {  	_ =	swait.ge @!p0 [sflag:s5], $0x4800  }
0x4cd: {  	[sflag:s5] =	ssyncset.done @!p0 $0x0  }
0x4ce: {  	s12 =	simm.s32 $0x40;
	[sflag:s5] =	ssyncadd.s32 @!p0 $0xFFFFB800  }
0x4cf: {  	v7 =	vld [tilespmem:s12+$0x20]  }
0x4d0: {  	v8 =	vld [tilespmem:s12+$0x10]  }
0x4d1: {  	v9 =	vld [tilespmem:s12+$0xFFFFFFF0]  }
0x4d2: {  	v10 =	vld [tilespmem:s12+$0x0]  }
0x4d3: {  	v11 =	vld [tilespmem:s12+$0x30]  }
0x4d4: {  	s14 =	simm.s32 $0xC0;
	v13 =	vld [tilespmem:s12+$0xFFFFFFE0]  }
0x4d5: {  	v23 =	vld [tilespmem:s14+$0x20]  }
0x4d6: {  	v12 =	vld [tilespmem:s12+$0xFFFFFFD0]  }
0x4d7: {  	v8 =	vsub.f32 v8, v5;
	v7 =	vsub.f32 v7, v5  }
0x4d8: {  	v9 =	vsub.f32 v9, v5;
	v10 =	vsub.f32 v10, v5  }
0x4d9: {  	v14 =	vld [tilespmem:s12+$0xFFFFFFC0];
	v11 =	vsub.f32 v11, v5;
	v13 =	vsub.f32 v13, v5;
	v8 =	vmul.f32 v8, v6  }
0x4da: {  	v23 =	vsub.f32 v23, v5;
	v7 =	vmul.f32 v7, v6;
	v17 =	vmul.f32 v9, v6  }
0x4db: {  	v9 =	vsub.f32 v12, v5;
	v10 =	vmul.f32 v10, v6;
	v11 =	vmul.f32 v11, v6  }
0x4dc: {  	v13 =	vmul.f32 v13, v6;
	v23 =	vmul.f32 v23, v6;
	v15 =	vmax.f32 v8, $0.0e+00  }
0x4dd: {  	v16 =	vmax.f32 v7, $0.0e+00;
	v18 =	vmul.f32 $7.000000000e+00, v7;
	v19 =	vmul.f32 v9, v6  }
0x4de: {  	v7 =	vsub.f32 v14, v5;
	v24 =	vmul.f32 $7.000000000e+00, v10;
	v10 =	vmax.f32 v10, $0.0e+00  }
0x4df: {  	v21 =	vmax.f32 v13, $0.0e+00;
	v8 =	vmul.f32 $7.000000000e+00, v8;
	v13 =	vmul.f32 $7.000000000e+00, v13  }
0x4e0: {  	v12 =	vmin.f32 v16, $1.001000050e+00;
	v16 =	vmax.f32 v17, $0.0e+00;
	v10 =	vmin.f32 v10, $1.001000050e+00  }
0x4e1: {  	v21 =	vmin.f32 v21, $1.001000050e+00;
	v17 =	vmul.f32 $7.000000000e+00, v17;
	v12 =	vmul.f32 $7.000000000e+00, v12  }
0x4e2: {  	v16 =	vmin.f32 v16, $1.001000050e+00;
	v10 =	vmul.f32 $7.000000000e+00, v10;
	v21 =	vmul.f32 $7.000000000e+00, v21  }
0x4e3: {  	v14 =	vmax.f32 v19, $0.0e+00;
	v19 =	vmul.f32 $7.000000000e+00, v19;
	v9 =	vmul.f32 $7.000000000e+00, v16  }
0x4e4: {  	v16 =	vmul.f32 v7, v6;
	v7 =	vmin.f32 v15, $1.001000050e+00;
	v14 =	vmin.f32 v14, $1.001000050e+00  }
0x4e5: {  	v15 =	vmax.f32 v11, $0.0e+00;
	v11 =	vmul.f32 $7.000000000e+00, v11;
	v7 =	vmul.f32 $7.000000000e+00, v7  }
0x4e6: {  	v14 =	vmul.f32 $7.000000000e+00, v14;
	v12 =	vtrunc.f32 v12  }
0x4e7: {  	v22 =	vld [tilespmem:s14+$0x10];
	v21 =	vtrunc.f32 v21;
	v38 =	vtrunc.f32 v10  }
0x4e8: {  	v10 =	vmul.f32 $7.000000000e+00, v23;
	v9 =	vtrunc.f32 v9  }
0x4e9: {  	v28 =	vcvt.f32.s32 v21;
	v31 =	vcvt.f32.s32 v12  }
0x4ea: {  	v58 =	vcvt.f32.s32 v38;
	v25 =	vcvt.f32.s32 v9  }
0x4eb: {  	v9 =	vmin.f32 v15, $1.001000050e+00;
	v20 =	vtrunc.f32 v7;
	v7 =	vmul.f32 $7.000000000e+00, v16  }
0x4ec: {  	v27 =	vld [tilespmem:s14+$0xFFFFFFE0];
	v12 =	vsub.f32 v22, v5;
	v14 =	vtrunc.f32 v14;
	v9 =	vmul.f32 $7.000000000e+00, v9  }
0x4ed: {  	v21 =	vld [tilespmem:s14+$0x0];
	v20 =	vcvt.f32.s32 v20;
	v30 =	vcvt.f32.s32 v14  }
0x4ee: {  	v22 =	vld [tilespmem:s14+$0x30];
	v16 =	vmax.f32 v16, $0.0e+00;
	v32 =	vcvt.s32.f32 v28;
	v12 =	vmul.f32 v12, v6  }
0x4ef: {  	v34 =	vld [tilespmem:s14+$0xFFFFFFC0];
	v16 =	vmin.f32 v16, $1.001000050e+00;
	v36 =	vcvt.s32.f32 v31;
	v15 =	vcvt.s32.f32 v25  }
0x4f0: {  	v16 =	vmul.f32 $7.000000000e+00, v16;
	v9 =	vtrunc.f32 v9  }
0x4f1: {  	v14 =	vld [tilespmem:s14+$0xFFFFFFD0];
	v29 =	vcvt.s32.f32 v20;
	v33 =	vcvt.s32.f32 v30;
	v42 =	vsub.f32 v18, v36  }
0x4f2: {  	v37 =	vmax.f32 v12, $0.0e+00;
	v32 =	vsub.f32 v13, v32;
	v15 =	vsub.f32 v17, v15  }
0x4f3: {  	v18 =	vcvt.s32.f32 v58;
	v17 =	vld [tilespmem:s14+$0xFFFFFFF0];
	v35 =	vsub.f32 v21, v5;
	v41 =	vsub.f32 v22, v5  }
0x4f4: {  	v9 =	vcvt.f32.s32 v9;
	v22 =	vsub.f32 v27, v5;
	v27 =	vsub.f32 v34, v5;
	v59 =	vld.idx.msk [tilespmem:v28+s25+$0x0], $0xffff  }
0x4f5: {  	v39 =	vtrunc.f32 v16;
	v8 =	vsub.f32 v8, v29;
	v21 =	vsub.f32 v19, v33;
	v62 =	vld.idx.msk [tilespmem:v31+s25+$0x0], $0xffff  }
0x4f6: {  	v33 =	vcvt.f32.s32 v39;
	v16 =	vsub.f32 v14, v5;
	v14 =	vmax.f32 v23, $0.0e+00;
	v19 =	vld.idx.msk [tilespmem:v25+s25+$0x0], $0xffff  }
0x4f7: {  	v26 =	vcvt.s32.f32 v9;
	v27 =	vmul.f32 v27, v6;
	v29 =	vld.idx.msk [tilespmem:v20+s25+$0x0], $0xffff;
	v40 =	vmin.f32 v14, $1.001000050e+00  }
0x4f8: {  	v34 =	vcvt.s32.f32 v33;
	v16 =	vmul.f32 v16, v6;
	v17 =	vsub.f32 v17, v5  }
0x4f9: {  	v23 =	vmul.f32 $7.000000000e+00, v40;
	v61 =	vsub.f32 v11, v26;
	v26 =	vmin.f32 v37, $1.001000050e+00  }
0x4fa: {  	v37 =	vmul.f32 $7.000000000e+00, v26;
	v11 =	vmax.f32 v16, $0.0e+00;
	v17 =	vmul.f32 v17, v6  }
0x4fb: {  	v60 =	vld.idx.msk [tilespmem:v9+s25+$0x0], $0xffff;
	v32 =	vmul.f32 v32, v59;
	v39 =	vmul.f32 v42, v62;
	v11 =	vmin.f32 v11, $1.001000050e+00  }
0x4fc: {  	v63 =	vld.idx.msk [tilespmem:v25+s24+$0x0], $0xffff;
	v43 =	vmul.f32 v15, v19;
	v14 =	vmul.f32 v8, v29;
	v8 =	vmax.f32 v17, $0.0e+00  }
0x4fd: {  	v13 =	vld.idx.msk [tilespmem:v20+s24+$0x0], $0xffff;
	v15 =	vmul.f32 v41, v6;
	v29 =	vmul.f32 v35, v6;
	v8 =	vmin.f32 v8, $1.001000050e+00  }
0x4fe: {  	v20 =	vld.idx.msk [tilespmem:v28+s24+$0x0], $0xffff;
	v28 =	vsub.f32 v24, v18;
	v26 =	vmul.f32 $7.000000000e+00, v11;
	v57 =	vmul.f32 $7.000000000e+00, v8  }
0x4ff: {  	v36 =	vld.idx.msk [tilespmem:v30+s25+$0x0], $0xffff;
	v35 =	vtrunc.f32 v37;
	v25 =	vmax.f32 v15, $0.0e+00;
	v8 =	vmul.f32 $7.000000000e+00, v29  }
0x500: {  	v31 =	vld.idx.msk [tilespmem:v31+s24+$0x0], $0xffff;
	v44 =	vmin.f32 v25, $1.001000050e+00;
	v24 =	vmul.f32 v61, v60;
	v19 =	vtrunc.f32 v57  }
0x501: {  	v18 =	vld.idx.msk [tilespmem:v30+s24+$0x0], $0xffff;
	v40 =	vmul.f32 $7.000000000e+00, v44;
	v11 =	vcvt.f32.s32 v19;
	v19 =	vmax.f32 v29, $0.0e+00  }
0x502: {  	s8 =	simm.s32 $0x90C0;
	s10 =	simm.s32 $0x90C0;
	s6 =	sadd.s32 s19, s1;
	v37 =	vld.idx.msk [tilespmem:v58+s25+$0x0], $0xffff;
	v29 =	vmax.f32 v27, $0.0e+00;
	v38 =	vmin.f32 v19, $1.001000050e+00;
	v19 =	vmul.f32 $7.000000000e+00, v27  }
0x503: {  	s5 =	simm.s32 $0x8;
	s12 =	simm.s32 $0x140;
	s14 =	simm.s32 $0x9040;
	v25 =	vld.idx.msk [tilespmem:v58+s24+$0x0], $0xffff;
	v27 =	vmin.f32 v29, $1.001000050e+00;
	v29 =	vadd.f32 v43, v63;
	v30 =	vcvt.s32.f32 v11  }
.LBB2_43:
0x504: {  	v41 =	vld [tilespmem:s12+$0x20];
	s5 =	sadd.s32 $0x8, s5;
	v22 =	vmul.f32 v22, v6;
	s8 =	sadd.s32 $0x80, s8;
	v21 =	vmul.f32 v21, v36;
	v20 =	vadd.f32 v32, v20  }
0x505: {  	v32 =	vmul.f32 $7.000000000e+00, v38;
	v31 =	vadd.f32 v39, v31;
	p1 =	slt.u32 s5, $0x478;
	v36 =	vtrunc.f32 v40;
	v38 =	vld.idx.msk [tilespmem:v9+s24+$0x0], $0xffff  }
0x506: {  	v17 =	vmul.f32 $7.000000000e+00, v17;
	v39 =	vld [tilespmem:s12+$0x10];
	v40 =	vmax.f32 v22, $0.0e+00;
	v9 =	vcvt.f32.s32 v36;
	[tilespmem:s14+$0xFFFFFFE0] =	vst v20  }
0x507: {  	v23 =	vtrunc.f32 v23;
	v28 =	vmul.f32 v28, v37;
	v20 =	vmin.f32 v40, $1.001000050e+00;
	v36 =	vld.idx.msk [tilespmem:v33+s24+$0x0], $0xffff;
	[tilespmem:s14+$0x20] =	vst v31  }
0x508: {  	v30 =	vsub.f32 v17, v30;
	v20 =	vmul.f32 $7.000000000e+00, v20;
	v31 =	vcvt.s32.f32 v9;
	v17 =	vld.idx.msk [tilespmem:v33+s25+$0x0], $0xffff  }
0x509: {  	v12 =	vmul.f32 $7.000000000e+00, v12;
	v35 =	vcvt.f32.s32 v35;
	v34 =	vsub.f32 v7, v34;
	v7 =	vmovc v19;
	v33 =	vld [tilespmem:s12+$0xFFFFFFE0]  }
0x50a: {  	v18 =	vadd.f32 v21, v18;
	v21 =	vadd.f32 v28, v25;
	v19 =	vld [tilespmem:s12+$0xFFFFFFF0];
	v20 =	vtrunc.f32 v20  }
0x50b: {  	v28 =	vcvt.s32.f32 v35;
	v24 =	vadd.f32 v24, v38;
	v25 =	vld [tilespmem:s12+$0x0];
	v20 =	vcvt.f32.s32 v20  }
0x50c: {  	v26 =	vtrunc.f32 v26;
	v13 =	vadd.f32 v14, v13;
	v38 =	vcvt.f32.s32 v23;
	v37 =	vld [tilespmem:s12+$0x30];
	[tilespmem:s14+$0xFFFFFFF0] =	vst v29  }
0x50d: {  	v16 =	vmul.f32 $7.000000000e+00, v16;
	v14 =	vsub.f32 v12, v28;
	v29 =	vcvt.f32.s32 v26;
	v23 =	vld [tilespmem:s12+$0xFFFFFFC0];
	[tilespmem:s14+$0x30] =	vst v24  }
0x50e: {  	v12 =	vsub.f32 v39, v5;
	v26 =	vcvt.s32.f32 v20;
	v17 =	vmul.f32 v34, v17;
	v24 =	vld [tilespmem:s12+$0xFFFFFFD0];
	[tilespmem:s14+$0x10] =	vst v13  }
0x50f: {  	v27 =	vmul.f32 $7.000000000e+00, v27;
	v28 =	vsub.f32 v41, v5;
	v34 =	vmul.f32 $7.000000000e+00, v22;
	v39 =	vld.idx.msk [tilespmem:v35+s25+$0x0], $0xffff;
	[tilespmem:s14+$0xFFFFFFD0] =	vst v18  }
0x510: {  	v12 =	vmul.f32 v12, v6;
	v40 =	vcvt.s32.f32 v29;
	v17 =	vadd.f32 v17, v36;
	v13 =	vld.idx.msk [tilespmem:v35+s24+$0x0], $0xffff;
	[tilespmem:s14+$0x0] =	vst v21  }
0x511: {  	v28 =	vmul.f32 v28, v6;
	v36 =	vcvt.s32.f32 v38;
	v25 =	vsub.f32 v25, v5;
	v35 =	vld.idx.msk [tilespmem:v20+s25+$0x0], $0xffff  }
0x512: {  	v27 =	vtrunc.f32 v27;
	v18 =	vsub.f32 v19, v5;
	v19 =	vmax.f32 v12, $0.0e+00;
	[tilespmem:s14+$0xFFFFFFC0] =	vst v17;
	s14 =	smov.u32 s10;
	s10 =	smov.u32 s8  }
0x513: {  	v32 =	vtrunc.f32 v32;
	v21 =	vmax.f32 v28, $0.0e+00;
	v24 =	vsub.f32 v24, v5;
	v20 =	vld.idx.msk [tilespmem:v20+s24+$0x0], $0xffff  }
0x514: {  	v41 =	vmin.f32 v21, $1.001000050e+00;
	v37 =	vsub.f32 v37, v5;
	v17 =	vmul.f32 v18, v6;
	v18 =	vld.idx.msk [tilespmem:v29+s24+$0x0], $0xffff  }
0x515: {  	v15 =	vmul.f32 $7.000000000e+00, v15;
	v22 =	vsub.f32 v33, v5;
	v14 =	vmul.f32 v14, v39  }
0x516: {  	v21 =	vsub.f32 v16, v40;
	v33 =	vsub.f32 v23, v5;
	v23 =	vmax.f32 v17, $0.0e+00;
	v39 =	vld.idx.msk [tilespmem:v11+s25+$0x0], $0xffff  }
0x517: {  	v25 =	vmul.f32 v25, v6;
	v16 =	vmin.f32 v23, $1.001000050e+00;
	v23 =	vmul.f32 $7.000000000e+00, v28  }
0x518: {  	v40 =	vcvt.f32.s32 v32;
	v42 =	vsub.f32 v10, v36;
	v28 =	vmul.f32 $7.000000000e+00, v16  }
0x519: {  	v32 =	vsub.f32 v34, v26;
	v16 =	vmul.f32 v24, v6;
	v24 =	vmul.f32 $7.000000000e+00, v25;
	v10 =	vmovc v23;
	v34 =	vld.idx.msk [tilespmem:v9+s25+$0x0], $0xffff  }
0x51a: {  	v26 =	vcvt.s32.f32 v40;
	v23 =	vmul.f32 $7.000000000e+00, v41;
	v41 =	vsub.f32 v15, v31  }
0x51b: {  	v19 =	vmin.f32 v19, $1.001000050e+00;
	v43 =	vmul.f32 v33, v6;
	v15 =	vmax.f32 v16, $0.0e+00;
	v44 =	vld.idx.msk [tilespmem:v38+s25+$0x0], $0xffff  }
0x51c: {  	v19 =	vmul.f32 $7.000000000e+00, v19;
	v31 =	vmin.f32 v15, $1.001000050e+00;
	v45 =	vmul.f32 v30, v39  }
0x51d: {  	v15 =	vmul.f32 v37, v6;
	v30 =	vtrunc.f32 v28;
	v28 =	vsub.f32 v8, v26;
	v8 =	vmovc v24;
	v46 =	vld.idx.msk [tilespmem:v11+s24+$0x0], $0xffff  }
0x51e: {  	v33 =	vmax.f32 v25, $0.0e+00;
	v26 =	vmul.f32 $7.000000000e+00, v31;
	v11 =	vcvt.f32.s32 v30;
	v36 =	vld.idx.msk [tilespmem:v29+s25+$0x0], $0xffff  }
.Ltmp24:
0x51f: {  	v32 =	vmul.f32 v32, v35;
	v25 =	vmax.f32 v15, $0.0e+00;
	v24 =	vmul.f32 v41, v34;
	v31 =	vld.idx.msk [tilespmem:v38+s24+$0x0], $0xffff;
	(pc) =	sbr.rel @p1 .LBB2_43-.Ltmp24, $4  }
0x520: {  	v29 =	vmax.f32 v43, $0.0e+00;
	v34 =	vmin.f32 v25, $1.001000050e+00;
	v30 =	vcvt.s32.f32 v11;
	v25 =	vld.idx.msk [tilespmem:v40+s24+$0x0], $0xffff  }
0x521: {  	v35 =	vtrunc.f32 v19;
	v38 =	vmin.f32 v33, $1.001000050e+00;
	v33 =	vcvt.f32.s32 v27;
	v37 =	vld.idx.msk [tilespmem:v40+s25+$0x0], $0xffff  }
0x522: {  	v19 =	vmul.f32 $7.000000000e+00, v43;
	v27 =	vmin.f32 v29, $1.001000050e+00;
	v39 =	vmul.f32 v42, v44  }
0x523: {  	s12 =	sadd.s32 $0x80, s12;
	v40 =	vmul.f32 $7.000000000e+00, v34;
	v34 =	vcvt.s32.f32 v33;
	v29 =	vadd.f32 v45, v46  }
0x524: {  	_ =	sdelay $0x1  }
0x525: {  	v22 =	vmul.f32 v22, v6;
	v35 =	vcvt.f32.s32 v35  }
0x526: {  	v26 =	vtrunc.f32 v26;
	v21 =	vmul.f32 v21, v36  }
0x527: {  	v9 =	vld.idx.msk [tilespmem:v9+s24+$0x0], $0xffff;
	v23 =	vtrunc.f32 v23;
	v17 =	vmul.f32 $7.000000000e+00, v17  }
0x528: {  	v42 =	vld.idx.msk [tilespmem:v33+s24+$0x0], $0xffff;
	v38 =	vmul.f32 $7.000000000e+00, v38;
	v26 =	vcvt.f32.s32 v26  }
0x529: {  	v58 =	vld.idx.msk [tilespmem:v33+s25+$0x0], $0xffff;
	v12 =	vmul.f32 $7.000000000e+00, v12;
	v23 =	vcvt.f32.s32 v23;
	v41 =	vmax.f32 v22, $0.0e+00  }
0x52a: {  	v27 =	vmul.f32 $7.000000000e+00, v27;
	v44 =	vld.idx.msk [tilespmem:v11+s25+$0x0], $0xffff;
	v16 =	vmul.f32 $7.000000000e+00, v16;
	v41 =	vmin.f32 v41, $1.001000050e+00  }
0x52b: {  	v50 =	vld.idx.msk [tilespmem:v11+s24+$0x0], $0xffff;
	v57 =	vtrunc.f32 v40;
	v41 =	vmul.f32 $7.000000000e+00, v41  }
0x52c: {  	v20 =	vadd.f32 v32, v20;
	v15 =	vmul.f32 $7.000000000e+00, v15;
	v36 =	vcvt.f32.s32 v57;
	v59 =	vld.idx.msk [tilespmem:v35+s25+$0x0], $0xffff  }
0x52d: {  	v31 =	vadd.f32 v39, v31;
	v28 =	vmul.f32 v28, v37;
	v41 =	vtrunc.f32 v41;
	v32 =	vld.idx.msk [tilespmem:v35+s24+$0x0], $0xffff  }
0x52e: {  	v13 =	vadd.f32 v14, v13;
	v63 =	vcvt.s32.f32 v35;
	v41 =	vcvt.f32.s32 v41;
	v35 =	vld.idx.msk [tilespmem:v26+s24+$0x0], $0xffff  }
0x52f: {  	v7 =	vsub.f32 v7, v34;
	[tilespmem:s14+$0xFFFFFFF0] =	vst v29;
	v43 =	vtrunc.f32 v38;
	v45 =	vtrunc.f32 v27;
	v48 =	vld.idx.msk [tilespmem:v23+s25+$0x0], $0xffff  }
0x530: {  	[tilespmem:s14+$0xFFFFFFE0] =	vst v20;
	v18 =	vadd.f32 v21, v18;
	v47 =	vmul.f32 $7.000000000e+00, v22;
	v21 =	vcvt.f32.s32 v43;
	v52 =	vld.idx.msk [tilespmem:v23+s24+$0x0], $0xffff  }
0x531: {  	[tilespmem:s14+$0x20] =	vst v31;
	v49 =	vcvt.s32.f32 v23;
	v9 =	vadd.f32 v24, v9;
	v24 =	vcvt.f32.s32 v45;
	v54 =	vld.idx.msk [tilespmem:v26+s25+$0x0], $0xffff  }
0x532: {  	v17 =	vsub.f32 v17, v30;
	[tilespmem:s14+$0x10] =	vst v13;
	v53 =	vcvt.s32.f32 v26;
	v61 =	vcvt.s32.f32 v36;
	v46 =	vld.idx.msk [tilespmem:v36+s25+$0x0], $0xffff  }
0x533: {  	v25 =	vadd.f32 v28, v25;
	v12 =	vsub.f32 v12, v63;
	v7 =	vmul.f32 v7, v58;
	v55 =	vld.idx.msk [tilespmem:v36+s24+$0x0], $0xffff  }
0x534: {  	[tilespmem:s14+$0xFFFFFFD0] =	vst v18;
	v16 =	vsub.f32 v16, v53;
	v57 =	vcvt.s32.f32 v21;
	v17 =	vmul.f32 v17, v44;
	v60 =	vld.idx.msk [tilespmem:v41+s25+$0x0], $0xffff  }
0x535: {  	v15 =	vsub.f32 v15, v61;
	[tilespmem:s14+$0x30] =	vst v9;
	v9 =	vsub.f32 v10, v49;
	v62 =	vld.idx.msk [tilespmem:v41+s24+$0x0], $0xffff;
	v41 =	vcvt.s32.f32 v41  }
0x536: {  	[tilespmem:s14+$0x0] =	vst v25;
	v7 =	vadd.f32 v7, v42;
	v8 =	vsub.f32 v8, v57;
	v56 =	vld.idx.msk [tilespmem:v21+s25+$0x0], $0xffff  }
0x537: {  	v11 =	vadd.f32 v17, v50;
	v12 =	vmul.f32 v12, v59;
	v58 =	vld.idx.msk [tilespmem:v24+s25+$0x0], $0xffff;
	v51 =	vsub.f32 v47, v41  }
0x538: {  	[tilespmem:s14+$0xFFFFFFC0] =	vst v7;
	v59 =	vld.idx.msk [tilespmem:v21+s24+$0x0], $0xffff;
	v9 =	vmul.f32 v9, v48;
	v7 =	vmul.f32 v15, v46  }
0x539: {  	[tilespmem:s10+$0xFFFFFFF0] =	vst v11;
	v63 =	vadd.f32 v12, v32;
	v13 =	vmul.f32 v51, v60;
	v60 =	vcvt.s32.f32 v24  }
0x53a: {  	v61 =	vld.idx.msk [tilespmem:v24+s24+$0x0], $0xffff;
	v10 =	vmul.f32 v16, v54;
	v9 =	vadd.f32 v9, v52;
	v7 =	vadd.f32 v7, v55  }
0x53b: {  	v8 =	vmul.f32 v8, v56;
	[tilespmem:s10+$0x10] =	vst v63;
	v13 =	vadd.f32 v13, v62;
	v62 =	vsub.f32 v19, v60  }
0x53c: {  	v10 =	vadd.f32 v10, v35;
	[tilespmem:s10+$0x20] =	vst v9  }
0x53d: {  	p1 =	sne.s32 s13, $0x3;
	v8 =	vadd.f32 v8, v59;
	[tilespmem:s10+$0x30] =	vst v7;
	v7 =	vmul.f32 v62, v58  }
.Ltmp25:
0x53e: {  	[tilespmem:s10+$0xFFFFFFD0] =	vst v10;
	(pc) =	sbr.rel @p1 .LBB2_46-.Ltmp25, $4  }
0x53f: {  	[tilespmem:s10+$0x0] =	vst v8;
	v7 =	vadd.f32 v7, v61  }
0x540: {  	s5 =	sshrl.u32 s6, $0x3;
	[tilespmem:s10+$0xFFFFFFE0] =	vst v13  }
0x541: {  	s5 =	sadd.s32 s4, s5;
	[tilespmem:s10+$0xFFFFFFC0] =	vst v7  }
0x542: {  	[hbm4b:s5+s18] =	stream.strided.scatter [tilespmem:s26], [sflag:$0x3], $0x4800, s20, s18, $0x38;
	[tilespmem:$0x12180] =	vst v63  }
.Ltmp26:
0x543: {  	(pc) =	sbr.rel .LBB2_47-.Ltmp26, $4  }
0x544: {  	_ = 	snop  }
0x545: {  	_ =	swait.ge [sflag:s28], $0x4800  }
0x546: {  	[sflag:s28] =	ssyncset.done $0x0  }
0x547: {  	[sflag:s28] =	ssyncadd.s32 $0xFFFFB800  }
.LBB2_46:
0x548: {  	s5 =	rddreg [dreg:$0x17]  }
0x549: {  	s1 =	sadd.s32 s1, s5  }
0x54a: {  	s1 =	sshrl.u32 s1, $0x3  }
.Ltmp27:
0x54b: {  	s1 =	sadd.s32 s2, s1;
	(pc) =	sbr.rel @p0 .LBB2_48-.Ltmp27, $4  }
0x54c: {  	[tilespmem:s3], [sflag:$0x1] =	stream.strided.gather [hbm4b:s1+s18], $0x4800, s20, s18, $0x38;
	[tilespmem:$0x12180] =	vst v63  }
0x54d: {  	_ =	swait.ge [sflag:s28], $0x4800  }
0x54e: {  	[sflag:s28] =	ssyncset.done $0x0  }
0x54f: {  	[sflag:s28] =	ssyncadd.s32 $0xFFFFB800  }
.LBB2_47:
0x550: {  	_ =	swait.ge [sflag:s16], $0x4800  }
0x551: {  	[sflag:s16] =	ssyncset.done $0x0  }
0x552: {  	[sflag:s16] =	ssyncadd.s32 $0xFFFFB800  }
.LBB2_48:
0x553: {  	s1 =	simm.s32 $0x4840  }
0x554: {  	v7 =	vld [tilespmem:s1+$0x20]  }
0x555: {  	v8 =	vld [tilespmem:s1+$0x10]  }
0x556: {  	v9 =	vld [tilespmem:s1+$0xFFFFFFF0]  }
0x557: {  	v10 =	vld [tilespmem:s1+$0x0]  }
0x558: {  	v11 =	vld [tilespmem:s1+$0x30]  }
0x559: {  	s14 =	simm.s32 $0x48C0;
	v13 =	vld [tilespmem:s1+$0xFFFFFFE0]  }
0x55a: {  	v23 =	vld [tilespmem:s14+$0x20]  }
0x55b: {  	v12 =	vld [tilespmem:s1+$0xFFFFFFD0]  }
0x55c: {  	v8 =	vsub.f32 v8, v5;
	v7 =	vsub.f32 v7, v5  }
0x55d: {  	v9 =	vsub.f32 v9, v5;
	v10 =	vsub.f32 v10, v5  }
0x55e: {  	v14 =	vld [tilespmem:s1+$0xFFFFFFC0];
	v11 =	vsub.f32 v11, v5;
	v13 =	vsub.f32 v13, v5;
	v8 =	vmul.f32 v8, v6  }
0x55f: {  	v23 =	vsub.f32 v23, v5;
	v7 =	vmul.f32 v7, v6;
	v17 =	vmul.f32 v9, v6  }
0x560: {  	v9 =	vsub.f32 v12, v5;
	v10 =	vmul.f32 v10, v6;
	v11 =	vmul.f32 v11, v6  }
0x561: {  	v13 =	vmul.f32 v13, v6;
	v23 =	vmul.f32 v23, v6;
	v15 =	vmax.f32 v8, $0.0e+00  }
0x562: {  	v16 =	vmax.f32 v7, $0.0e+00;
	v18 =	vmul.f32 $7.000000000e+00, v7;
	v19 =	vmul.f32 v9, v6  }
0x563: {  	v7 =	vsub.f32 v14, v5;
	v24 =	vmul.f32 $7.000000000e+00, v10;
	v10 =	vmax.f32 v10, $0.0e+00  }
0x564: {  	v21 =	vmax.f32 v13, $0.0e+00;
	v8 =	vmul.f32 $7.000000000e+00, v8;
	v13 =	vmul.f32 $7.000000000e+00, v13  }
0x565: {  	v12 =	vmin.f32 v16, $1.001000050e+00;
	v16 =	vmax.f32 v17, $0.0e+00;
	v10 =	vmin.f32 v10, $1.001000050e+00  }
0x566: {  	v21 =	vmin.f32 v21, $1.001000050e+00;
	v17 =	vmul.f32 $7.000000000e+00, v17;
	v12 =	vmul.f32 $7.000000000e+00, v12  }
0x567: {  	v16 =	vmin.f32 v16, $1.001000050e+00;
	v10 =	vmul.f32 $7.000000000e+00, v10;
	v21 =	vmul.f32 $7.000000000e+00, v21  }
0x568: {  	v14 =	vmax.f32 v19, $0.0e+00;
	v19 =	vmul.f32 $7.000000000e+00, v19;
	v9 =	vmul.f32 $7.000000000e+00, v16  }
0x569: {  	v16 =	vmul.f32 v7, v6;
	v7 =	vmin.f32 v15, $1.001000050e+00;
	v14 =	vmin.f32 v14, $1.001000050e+00  }
0x56a: {  	v15 =	vmax.f32 v11, $0.0e+00;
	v11 =	vmul.f32 $7.000000000e+00, v11;
	v7 =	vmul.f32 $7.000000000e+00, v7  }
0x56b: {  	v14 =	vmul.f32 $7.000000000e+00, v14;
	v12 =	vtrunc.f32 v12  }
0x56c: {  	v22 =	vld [tilespmem:s14+$0x10];
	v21 =	vtrunc.f32 v21;
	v38 =	vtrunc.f32 v10  }
0x56d: {  	v10 =	vmul.f32 $7.000000000e+00, v23;
	v9 =	vtrunc.f32 v9  }
0x56e: {  	v28 =	vcvt.f32.s32 v21;
	v31 =	vcvt.f32.s32 v12  }
0x56f: {  	v42 =	vcvt.f32.s32 v38;
	v25 =	vcvt.f32.s32 v9  }
0x570: {  	v9 =	vmin.f32 v15, $1.001000050e+00;
	v20 =	vtrunc.f32 v7;
	v7 =	vmul.f32 $7.000000000e+00, v16  }
0x571: {  	v27 =	vld [tilespmem:s14+$0xFFFFFFE0];
	v12 =	vsub.f32 v22, v5;
	v14 =	vtrunc.f32 v14;
	v9 =	vmul.f32 $7.000000000e+00, v9  }
0x572: {  	v21 =	vld [tilespmem:s14+$0x0];
	v20 =	vcvt.f32.s32 v20;
	v30 =	vcvt.f32.s32 v14  }
0x573: {  	v22 =	vld [tilespmem:s14+$0x30];
	v16 =	vmax.f32 v16, $0.0e+00;
	v32 =	vcvt.s32.f32 v28;
	v12 =	vmul.f32 v12, v6  }
0x574: {  	v34 =	vld [tilespmem:s14+$0xFFFFFFC0];
	v16 =	vmin.f32 v16, $1.001000050e+00;
	v36 =	vcvt.s32.f32 v31;
	v15 =	vcvt.s32.f32 v25  }
0x575: {  	v16 =	vmul.f32 $7.000000000e+00, v16;
	v9 =	vtrunc.f32 v9  }
0x576: {  	v14 =	vld [tilespmem:s14+$0xFFFFFFD0];
	v29 =	vcvt.s32.f32 v20;
	v33 =	vcvt.s32.f32 v30;
	v37 =	vmax.f32 v12, $0.0e+00  }
0x577: {  	v43 =	vsub.f32 v18, v36;
	v18 =	vcvt.s32.f32 v42;
	v15 =	vsub.f32 v17, v15  }
0x578: {  	v9 =	vcvt.f32.s32 v9;
	v17 =	vld [tilespmem:s14+$0xFFFFFFF0];
	v35 =	vsub.f32 v21, v5;
	v41 =	vsub.f32 v22, v5  }
0x579: {  	v39 =	vtrunc.f32 v16;
	v22 =	vsub.f32 v27, v5;
	v27 =	vsub.f32 v34, v5;
	v60 =	vld.idx.msk [tilespmem:v28+s25+$0x0], $0xffff  }
0x57a: {  	v8 =	vsub.f32 v8, v29;
	v21 =	vsub.f32 v19, v33;
	v45 =	vld.idx.msk [tilespmem:v31+s25+$0x0], $0xffff;
	v34 =	vcvt.f32.s32 v39  }
0x57b: {  	v26 =	vcvt.s32.f32 v9;
	v16 =	vsub.f32 v14, v5;
	v14 =	vmax.f32 v23, $0.0e+00;
	v19 =	vld.idx.msk [tilespmem:v25+s25+$0x0], $0xffff  }
0x57c: {  	v62 =	vmul.f32 v27, v6;
	v27 =	vmin.f32 v37, $1.001000050e+00;
	v29 =	vld.idx.msk [tilespmem:v20+s25+$0x0], $0xffff;
	v40 =	vmin.f32 v14, $1.001000050e+00  }
0x57d: {  	v37 =	vmul.f32 $7.000000000e+00, v27;
	v16 =	vmul.f32 v16, v6;
	v17 =	vsub.f32 v17, v5  }
0x57e: {  	v32 =	vsub.f32 v13, v32;
	v33 =	vcvt.s32.f32 v34;
	v23 =	vmul.f32 $7.000000000e+00, v40  }
0x57f: {  	v26 =	vsub.f32 v11, v26;
	v11 =	vmax.f32 v16, $0.0e+00;
	v17 =	vmul.f32 v17, v6  }
0x580: {  	v61 =	vld.idx.msk [tilespmem:v9+s25+$0x0], $0xffff;
	v32 =	vmul.f32 v32, v60;
	v39 =	vmul.f32 v43, v45;
	v11 =	vmin.f32 v11, $1.001000050e+00  }
0x581: {  	v63 =	vld.idx.msk [tilespmem:v25+s24+$0x0], $0xffff;
	v44 =	vmul.f32 v15, v19;
	v14 =	vmul.f32 v8, v29;
	v8 =	vmax.f32 v17, $0.0e+00  }
0x582: {  	v13 =	vld.idx.msk [tilespmem:v20+s24+$0x0], $0xffff;
	v15 =	vmul.f32 v41, v6;
	v29 =	vmul.f32 v35, v6;
	v8 =	vmin.f32 v8, $1.001000050e+00  }
0x583: {  	v20 =	vld.idx.msk [tilespmem:v28+s24+$0x0], $0xffff;
	v28 =	vsub.f32 v24, v18;
	v27 =	vmul.f32 $7.000000000e+00, v11;
	v59 =	vmul.f32 $7.000000000e+00, v8  }
0x584: {  	v36 =	vld.idx.msk [tilespmem:v30+s25+$0x0], $0xffff;
	v35 =	vtrunc.f32 v37;
	v25 =	vmax.f32 v15, $0.0e+00;
	v8 =	vmul.f32 $7.000000000e+00, v29  }
0x585: {  	v31 =	vld.idx.msk [tilespmem:v31+s24+$0x0], $0xffff;
	v24 =	vmul.f32 v26, v61;
	v26 =	vmax.f32 v62, $0.0e+00;
	v19 =	vtrunc.f32 v59  }
0x586: {  	v18 =	vld.idx.msk [tilespmem:v30+s24+$0x0], $0xffff;
	v26 =	vmin.f32 v26, $1.001000050e+00;
	v11 =	vcvt.f32.s32 v19;
	v19 =	vmax.f32 v29, $0.0e+00  }
0x587: {  	s6 =	simm.s32 $0xD840;
	s5 =	simm.s32 $0x8;
	v37 =	vld.idx.msk [tilespmem:v42+s25+$0x0], $0xffff;
	v29 =	vmin.f32 v25, $1.001000050e+00;
	v38 =	vmin.f32 v19, $1.001000050e+00;
	v19 =	vmul.f32 $7.000000000e+00, v62  }
0x588: {  	s8 =	simm.s32 $0xD8C0;
	s10 =	simm.s32 $0x4940;
	s1 =	simm.s32 $0xD8C0;
	v25 =	vld.idx.msk [tilespmem:v42+s24+$0x0], $0xffff;
	v40 =	vmul.f32 $7.000000000e+00, v29;
	v29 =	vadd.f32 v44, v63;
	v30 =	vcvt.s32.f32 v11  }
.LBB2_49:
0x589: {  	v41 =	vld [tilespmem:s10+$0x20];
	s5 =	sadd.s32 $0x8, s5;
	v22 =	vmul.f32 v22, v6;
	s8 =	sadd.s32 $0x80, s8;
	v21 =	vmul.f32 v21, v36;
	v20 =	vadd.f32 v32, v20  }
0x58a: {  	v32 =	vmul.f32 $7.000000000e+00, v38;
	v31 =	vadd.f32 v39, v31;
	p0 =	slt.u32 s5, $0x478;
	v36 =	vtrunc.f32 v40;
	v38 =	vld.idx.msk [tilespmem:v9+s24+$0x0], $0xffff  }
0x58b: {  	v17 =	vmul.f32 $7.000000000e+00, v17;
	v39 =	vld [tilespmem:s10+$0x10];
	v40 =	vmax.f32 v22, $0.0e+00;
	v9 =	vcvt.f32.s32 v36;
	[tilespmem:s6+$0xFFFFFFE0] =	vst v20  }
0x58c: {  	v23 =	vtrunc.f32 v23;
	v28 =	vmul.f32 v28, v37;
	v20 =	vmin.f32 v40, $1.001000050e+00;
	v36 =	vld.idx.msk [tilespmem:v34+s24+$0x0], $0xffff;
	[tilespmem:s6+$0x20] =	vst v31  }
0x58d: {  	v30 =	vsub.f32 v17, v30;
	v20 =	vmul.f32 $7.000000000e+00, v20;
	v31 =	vcvt.s32.f32 v9;
	v17 =	vld.idx.msk [tilespmem:v34+s25+$0x0], $0xffff  }
0x58e: {  	v12 =	vmul.f32 $7.000000000e+00, v12;
	v35 =	vcvt.f32.s32 v35;
	v33 =	vsub.f32 v7, v33;
	v7 =	vmovc v19;
	v34 =	vld [tilespmem:s10+$0xFFFFFFE0]  }
0x58f: {  	v18 =	vadd.f32 v21, v18;
	v21 =	vadd.f32 v28, v25;
	v19 =	vld [tilespmem:s10+$0xFFFFFFF0];
	v20 =	vtrunc.f32 v20  }
0x590: {  	v28 =	vcvt.s32.f32 v35;
	v24 =	vadd.f32 v24, v38;
	v25 =	vld [tilespmem:s10+$0x0];
	v20 =	vcvt.f32.s32 v20  }
0x591: {  	v27 =	vtrunc.f32 v27;
	v13 =	vadd.f32 v14, v13;
	v38 =	vcvt.f32.s32 v23;
	v37 =	vld [tilespmem:s10+$0x30];
	[tilespmem:s6+$0xFFFFFFF0] =	vst v29  }
0x592: {  	v16 =	vmul.f32 $7.000000000e+00, v16;
	v14 =	vsub.f32 v12, v28;
	v29 =	vcvt.f32.s32 v27;
	v23 =	vld [tilespmem:s10+$0xFFFFFFC0];
	[tilespmem:s6+$0x30] =	vst v24  }
0x593: {  	v12 =	vsub.f32 v39, v5;
	v27 =	vcvt.s32.f32 v20;
	v17 =	vmul.f32 v33, v17;
	v24 =	vld [tilespmem:s10+$0xFFFFFFD0];
	[tilespmem:s6+$0x10] =	vst v13  }
0x594: {  	v26 =	vmul.f32 $7.000000000e+00, v26;
	v28 =	vsub.f32 v41, v5;
	v33 =	vmul.f32 $7.000000000e+00, v22;
	v39 =	vld.idx.msk [tilespmem:v35+s25+$0x0], $0xffff;
	[tilespmem:s6+$0xFFFFFFD0] =	vst v18  }
0x595: {  	v12 =	vmul.f32 v12, v6;
	v40 =	vcvt.s32.f32 v29;
	v17 =	vadd.f32 v17, v36;
	v13 =	vld.idx.msk [tilespmem:v35+s24+$0x0], $0xffff;
	[tilespmem:s6+$0x0] =	vst v21  }
0x596: {  	v28 =	vmul.f32 v28, v6;
	v36 =	vcvt.s32.f32 v38;
	v25 =	vsub.f32 v25, v5;
	v35 =	vld.idx.msk [tilespmem:v20+s25+$0x0], $0xffff  }
0x597: {  	v26 =	vtrunc.f32 v26;
	v18 =	vsub.f32 v19, v5;
	v19 =	vmax.f32 v12, $0.0e+00;
	[tilespmem:s6+$0xFFFFFFC0] =	vst v17;
	s6 =	smov.u32 s1;
	s1 =	smov.u32 s8  }
0x598: {  	v32 =	vtrunc.f32 v32;
	v21 =	vmax.f32 v28, $0.0e+00;
	v24 =	vsub.f32 v24, v5;
	v20 =	vld.idx.msk [tilespmem:v20+s24+$0x0], $0xffff  }
0x599: {  	v41 =	vmin.f32 v21, $1.001000050e+00;
	v37 =	vsub.f32 v37, v5;
	v17 =	vmul.f32 v18, v6;
	v18 =	vld.idx.msk [tilespmem:v29+s24+$0x0], $0xffff  }
0x59a: {  	v15 =	vmul.f32 $7.000000000e+00, v15;
	v22 =	vsub.f32 v34, v5;
	v14 =	vmul.f32 v14, v39  }
0x59b: {  	v21 =	vsub.f32 v16, v40;
	v34 =	vsub.f32 v23, v5;
	v23 =	vmax.f32 v17, $0.0e+00;
	v39 =	vld.idx.msk [tilespmem:v11+s25+$0x0], $0xffff  }
0x59c: {  	v25 =	vmul.f32 v25, v6;
	v16 =	vmin.f32 v23, $1.001000050e+00;
	v23 =	vmul.f32 $7.000000000e+00, v28  }
0x59d: {  	v40 =	vcvt.f32.s32 v32;
	v42 =	vsub.f32 v10, v36;
	v28 =	vmul.f32 $7.000000000e+00, v16  }
0x59e: {  	v32 =	vsub.f32 v33, v27;
	v16 =	vmul.f32 v24, v6;
	v24 =	vmul.f32 $7.000000000e+00, v25;
	v10 =	vmovc v23;
	v33 =	vld.idx.msk [tilespmem:v9+s25+$0x0], $0xffff  }
0x59f: {  	v27 =	vcvt.s32.f32 v40;
	v23 =	vmul.f32 $7.000000000e+00, v41;
	v41 =	vsub.f32 v15, v31  }
0x5a0: {  	v19 =	vmin.f32 v19, $1.001000050e+00;
	v43 =	vmul.f32 v34, v6;
	v15 =	vmax.f32 v16, $0.0e+00;
	v44 =	vld.idx.msk [tilespmem:v38+s25+$0x0], $0xffff  }
0x5a1: {  	v19 =	vmul.f32 $7.000000000e+00, v19;
	v31 =	vmin.f32 v15, $1.001000050e+00;
	v45 =	vmul.f32 v30, v39  }
0x5a2: {  	v15 =	vmul.f32 v37, v6;
	v30 =	vtrunc.f32 v28;
	v28 =	vsub.f32 v8, v27;
	v8 =	vmovc v24;
	v46 =	vld.idx.msk [tilespmem:v11+s24+$0x0], $0xffff  }
0x5a3: {  	v34 =	vmax.f32 v25, $0.0e+00;
	v27 =	vmul.f32 $7.000000000e+00, v31;
	v11 =	vcvt.f32.s32 v30;
	v36 =	vld.idx.msk [tilespmem:v29+s25+$0x0], $0xffff  }
.Ltmp28:
0x5a4: {  	v32 =	vmul.f32 v32, v35;
	v25 =	vmax.f32 v15, $0.0e+00;
	v24 =	vmul.f32 v41, v33;
	v31 =	vld.idx.msk [tilespmem:v38+s24+$0x0], $0xffff;
	(pc) =	sbr.rel @p0 .LBB2_49-.Ltmp28, $4  }
0x5a5: {  	v29 =	vmax.f32 v43, $0.0e+00;
	v33 =	vmin.f32 v25, $1.001000050e+00;
	v30 =	vcvt.s32.f32 v11;
	v25 =	vld.idx.msk [tilespmem:v40+s24+$0x0], $0xffff  }
0x5a6: {  	v35 =	vtrunc.f32 v19;
	v38 =	vmin.f32 v34, $1.001000050e+00;
	v34 =	vcvt.f32.s32 v26;
	v37 =	vld.idx.msk [tilespmem:v40+s25+$0x0], $0xffff  }
0x5a7: {  	v19 =	vmul.f32 $7.000000000e+00, v43;
	v26 =	vmin.f32 v29, $1.001000050e+00;
	v39 =	vmul.f32 v42, v44  }
0x5a8: {  	s10 =	sadd.s32 $0x80, s10;
	v40 =	vmul.f32 $7.000000000e+00, v33;
	v33 =	vcvt.s32.f32 v34;
	v29 =	vadd.f32 v45, v46  }
0x5a9: {  	_ =	sdelay $0x1  }
0x5aa: {  	v22 =	vmul.f32 v22, v6;
	v35 =	vcvt.f32.s32 v35  }
0x5ab: {  	v27 =	vtrunc.f32 v27;
	v21 =	vmul.f32 v21, v36  }
0x5ac: {  	v9 =	vld.idx.msk [tilespmem:v9+s24+$0x0], $0xffff;
	v23 =	vtrunc.f32 v23;
	v17 =	vmul.f32 $7.000000000e+00, v17  }
0x5ad: {  	v42 =	vld.idx.msk [tilespmem:v34+s24+$0x0], $0xffff;
	v38 =	vmul.f32 $7.000000000e+00, v38;
	v27 =	vcvt.f32.s32 v27  }
0x5ae: {  	v58 =	vld.idx.msk [tilespmem:v34+s25+$0x0], $0xffff;
	v12 =	vmul.f32 $7.000000000e+00, v12;
	v23 =	vcvt.f32.s32 v23;
	v41 =	vmax.f32 v22, $0.0e+00  }
0x5af: {  	v26 =	vmul.f32 $7.000000000e+00, v26;
	v44 =	vld.idx.msk [tilespmem:v11+s25+$0x0], $0xffff;
	v16 =	vmul.f32 $7.000000000e+00, v16;
	v41 =	vmin.f32 v41, $1.001000050e+00  }
0x5b0: {  	v50 =	vld.idx.msk [tilespmem:v11+s24+$0x0], $0xffff;
	v57 =	vtrunc.f32 v40;
	v41 =	vmul.f32 $7.000000000e+00, v41  }
0x5b1: {  	v20 =	vadd.f32 v32, v20;
	v15 =	vmul.f32 $7.000000000e+00, v15;
	v36 =	vcvt.f32.s32 v57;
	v59 =	vld.idx.msk [tilespmem:v35+s25+$0x0], $0xffff  }
0x5b2: {  	v31 =	vadd.f32 v39, v31;
	v28 =	vmul.f32 v28, v37;
	v41 =	vtrunc.f32 v41;
	v32 =	vld.idx.msk [tilespmem:v35+s24+$0x0], $0xffff  }
0x5b3: {  	v13 =	vadd.f32 v14, v13;
	v63 =	vcvt.s32.f32 v35;
	v41 =	vcvt.f32.s32 v41;
	v35 =	vld.idx.msk [tilespmem:v27+s24+$0x0], $0xffff  }
0x5b4: {  	v7 =	vsub.f32 v7, v33;
	[tilespmem:s6+$0xFFFFFFF0] =	vst v29;
	v43 =	vtrunc.f32 v38;
	v45 =	vtrunc.f32 v26;
	v48 =	vld.idx.msk [tilespmem:v23+s25+$0x0], $0xffff  }
0x5b5: {  	[tilespmem:s6+$0xFFFFFFE0] =	vst v20;
	v18 =	vadd.f32 v21, v18;
	v47 =	vmul.f32 $7.000000000e+00, v22;
	v21 =	vcvt.f32.s32 v43;
	v52 =	vld.idx.msk [tilespmem:v23+s24+$0x0], $0xffff  }
0x5b6: {  	[tilespmem:s6+$0x20] =	vst v31;
	v49 =	vcvt.s32.f32 v23;
	v9 =	vadd.f32 v24, v9;
	v24 =	vcvt.f32.s32 v45;
	v54 =	vld.idx.msk [tilespmem:v27+s25+$0x0], $0xffff  }
0x5b7: {  	v17 =	vsub.f32 v17, v30;
	[tilespmem:s6+$0x10] =	vst v13;
	v53 =	vcvt.s32.f32 v27;
	v61 =	vcvt.s32.f32 v36;
	v46 =	vld.idx.msk [tilespmem:v36+s25+$0x0], $0xffff  }
0x5b8: {  	v25 =	vadd.f32 v28, v25;
	v12 =	vsub.f32 v12, v63;
	v7 =	vmul.f32 v7, v58;
	v55 =	vld.idx.msk [tilespmem:v36+s24+$0x0], $0xffff  }
0x5b9: {  	[tilespmem:s6+$0xFFFFFFD0] =	vst v18;
	v16 =	vsub.f32 v16, v53;
	v57 =	vcvt.s32.f32 v21;
	v17 =	vmul.f32 v17, v44;
	v60 =	vld.idx.msk [tilespmem:v41+s25+$0x0], $0xffff  }
0x5ba: {  	v15 =	vsub.f32 v15, v61;
	[tilespmem:s6+$0x30] =	vst v9;
	v9 =	vsub.f32 v10, v49;
	v62 =	vld.idx.msk [tilespmem:v41+s24+$0x0], $0xffff;
	v41 =	vcvt.s32.f32 v41  }
0x5bb: {  	[tilespmem:s6+$0x0] =	vst v25;
	v7 =	vadd.f32 v7, v42;
	v8 =	vsub.f32 v8, v57;
	v56 =	vld.idx.msk [tilespmem:v21+s25+$0x0], $0xffff  }
0x5bc: {  	v11 =	vadd.f32 v17, v50;
	v12 =	vmul.f32 v12, v59;
	v58 =	vld.idx.msk [tilespmem:v24+s25+$0x0], $0xffff;
	v51 =	vsub.f32 v47, v41  }
0x5bd: {  	[tilespmem:s6+$0xFFFFFFC0] =	vst v7;
	v59 =	vld.idx.msk [tilespmem:v21+s24+$0x0], $0xffff;
	v9 =	vmul.f32 v9, v48;
	v7 =	vmul.f32 v15, v46  }
0x5be: {  	[tilespmem:s1+$0xFFFFFFF0] =	vst v11;
	v63 =	vadd.f32 v12, v32;
	v13 =	vmul.f32 v51, v60;
	v60 =	vcvt.s32.f32 v24  }
0x5bf: {  	v61 =	vld.idx.msk [tilespmem:v24+s24+$0x0], $0xffff;
	v10 =	vmul.f32 v16, v54;
	v9 =	vadd.f32 v9, v52;
	v7 =	vadd.f32 v7, v55  }
0x5c0: {  	v8 =	vmul.f32 v8, v56;
	[tilespmem:s1+$0x10] =	vst v63;
	v13 =	vadd.f32 v13, v62;
	v62 =	vsub.f32 v19, v60  }
0x5c1: {  	s13 =	sadd.s32 $0x1, s13;
	v10 =	vadd.f32 v10, v35;
	[tilespmem:s1+$0x20] =	vst v9  }
0x5c2: {  	p0 =	sne.s32 s13, $0x4;
	v8 =	vadd.f32 v8, v59;
	[tilespmem:s1+$0x30] =	vst v7;
	v7 =	vmul.f32 v62, v58  }
.Ltmp29:
0x5c3: {  	[tilespmem:s1+$0xFFFFFFD0] =	vst v10;
	(pc) =	sbr.rel @p0 .LBB2_42-.Ltmp29, $4  }
0x5c4: {  	[tilespmem:s1+$0x0] =	vst v8;
	v7 =	vadd.f32 v7, v61  }
0x5c5: {  	[tilespmem:s1+$0xFFFFFFE0] =	vst v13  }
0x5c6: {  	s30 =	sadd.s32 s4, s30;
	[tilespmem:s1+$0xFFFFFFC0] =	vst v7  }
0x5c7: {  	[hbm4b:s30+s18] =	stream.strided.scatter [tilespmem:s9], [sflag:$0x4], $0x4800, s20, s18, $0x38;
	[tilespmem:$0x12180] =	vst v63  }
0x5c8: {  	s1 =	simm.s32 $0x3  }
0x5c9: {  	_ =	swait.ge [sflag:s1], $0x4800  }
0x5ca: {  	[sflag:s1] =	ssyncset.done $0x0  }
0x5cb: {  	[sflag:s1] =	ssyncadd.s32 $0xFFFFB800  }
0x5cc: {  	_ =	swait.ge [sflag:s16], $0x4800  }
0x5cd: {  	s13 =	simm.s32 $0x0;
	s5 =	simm.s32 $0x12000;
	[sflag:s16] =	ssyncset.done $0x0  }
0x5ce: {  	s14 =	simm.s32 $0x5;
	s12 =	rddreg [dreg:$0xe];
	[sflag:s16] =	ssyncadd.s32 $0xFFFFB800  }
0x5cf: {  	[tilespmem:s5], [sflag:$0x5] =	stream.linear.gather [hbm4b:s12+s13], $0x80, $0x38;
	[tilespmem:$0x12180] =	vst v63  }
0x5d0: {  	_ =	swait.ge [sflag:s14], $0x80  }
0x5d1: {  	[sflag:s14] =	ssyncset.done $0x0  }
0x5d2: {  	[sflag:s14] =	ssyncadd.s32 $0xFFFFFF80  }
0x5d3: {  	v5 =	vld.msk [tilespmem:s5+$0x0], $0xffff  }
0x5d4: {  	v6 =	vld.idx.msk [tilespmem:v0+s5+$0x0], $0xffff;
	_ =	sdelay $0x4  }
0x5d5: {  	v6 =	vsub.f32 v6, v5;
	_ =	sdelay $0x1  }
0x5d6: {  	(erf) = vrcp.f32 v6;
	_ =	sdelay $0x3  }
0x5d7: {  	v7 =	vld.idx.msk [tilespmem:v3+s5+$0x0], $0xffff  }
0x5d8: {  	v8 =	vld.idx.msk [tilespmem:v4+s5+$0x0], $0xffff  }
0x5d9: {  	v9 =	vld.idx.msk [tilespmem:v1+s5+$0x0], $0xffff  }
0x5da: {  	v11 =	vmul.f32 $7.000000000e+00, v6;
	_ =	sdelay $0x1  }
0x5db: {  	v12 =	vpop (erf);
	(erf) = vrcp.f32 v11  }
0x5dc: {  	v10 =	vld.idx.msk [tilespmem:v2+s5+$0x0], $0xffff  }
0x5dd: {  	v8 =	vsub.f32 v8, v7;
	v62 =	vmul.f32 v6, v9;
	_ =	sdelay $0x1  }
0x5de: {  	v63 =	vsub.f32 v7, v62;
	v8 =	vmul.f32 v8, v12;
	_ =	sdelay $0x1  }
0x5df: {  	v7 =	vsel vm1, v63, v7;
	v8 =	vsel vm0, v8, v10  }
0x5e0: {  	[tilespmem:$0x12080] =	vst v7;
	v8 =	vsel vm1, v9, v8  }
0x5e1: {  	s30 =	rddreg [dreg:$0x13];
	[tilespmem:$0x12100] =	vst v8  }
0x5e2: {  	v5 =	vsub.f32 v5, v6;
	[tilespmem:s13], [sflag:$0x1] =	stream.strided.gather [hbm4b:s30+s18], $0x4800, s20, s18, $0x38;
	v6 =	vpop (erf);
	[tilespmem:$0x12180] =	vst v63  }
.LBB2_52:
0x5e3: {  	s1 =	smul.u32 $0x48000, s13;
	_ =	sdelay $0x1  }
0x5e4: {  	s5 =	sadd.s32 s1, s7  }
0x5e5: {  	s30 =	sshrl.u32 s5, $0x3  }
0x5e6: {  	s5 =	sadd.s32 s2, s30  }
0x5e7: {  	[tilespmem:s21], [sflag:$0x2] =	stream.strided.gather [hbm4b:s5+s18], $0x4800, s20, s18, $0x38;
	[tilespmem:$0x12180] =	vst v63  }
0x5e8: {  	_ =	swait.ge [sflag:s22], $0x4800  }
0x5e9: {  	p0 =	seq.s32 s13, $0x0;
	[sflag:s22] =	ssyncset.done $0x0  }
0x5ea: {  	s5 =	simm.s32 @!p0 $0x3;
	[sflag:s22] =	ssyncadd.s32 $0xFFFFB800  }
0x5eb: {  	_ =	swait.ge @!p0 [sflag:s5], $0x4800  }
0x5ec: {  	[sflag:s5] =	ssyncset.done @!p0 $0x0  }
0x5ed: {  	s12 =	simm.s32 $0x40;
	[sflag:s5] =	ssyncadd.s32 @!p0 $0xFFFFB800  }
0x5ee: {  	v7 =	vld [tilespmem:s12+$0x20]  }
0x5ef: {  	v8 =	vld [tilespmem:s12+$0x10]  }
0x5f0: {  	v9 =	vld [tilespmem:s12+$0xFFFFFFF0]  }
0x5f1: {  	v10 =	vld [tilespmem:s12+$0x0]  }
0x5f2: {  	v11 =	vld [tilespmem:s12+$0x30]  }
0x5f3: {  	s14 =	simm.s32 $0xC0;
	v13 =	vld [tilespmem:s12+$0xFFFFFFE0]  }
0x5f4: {  	v23 =	vld [tilespmem:s14+$0x20]  }
0x5f5: {  	v12 =	vld [tilespmem:s12+$0xFFFFFFD0]  }
0x5f6: {  	v8 =	vsub.f32 v8, v5;
	v7 =	vsub.f32 v7, v5  }
0x5f7: {  	v9 =	vsub.f32 v9, v5;
	v10 =	vsub.f32 v10, v5  }
0x5f8: {  	v14 =	vld [tilespmem:s12+$0xFFFFFFC0];
	v11 =	vsub.f32 v11, v5;
	v13 =	vsub.f32 v13, v5;
	v8 =	vmul.f32 v8, v6  }
0x5f9: {  	v23 =	vsub.f32 v23, v5;
	v7 =	vmul.f32 v7, v6;
	v17 =	vmul.f32 v9, v6  }
0x5fa: {  	v9 =	vsub.f32 v12, v5;
	v10 =	vmul.f32 v10, v6;
	v11 =	vmul.f32 v11, v6  }
0x5fb: {  	v13 =	vmul.f32 v13, v6;
	v23 =	vmul.f32 v23, v6;
	v15 =	vmax.f32 v8, $0.0e+00  }
0x5fc: {  	v16 =	vmax.f32 v7, $0.0e+00;
	v18 =	vmul.f32 $7.000000000e+00, v7;
	v19 =	vmul.f32 v9, v6  }
0x5fd: {  	v7 =	vsub.f32 v14, v5;
	v24 =	vmul.f32 $7.000000000e+00, v10;
	v10 =	vmax.f32 v10, $0.0e+00  }
0x5fe: {  	v21 =	vmax.f32 v13, $0.0e+00;
	v8 =	vmul.f32 $7.000000000e+00, v8;
	v13 =	vmul.f32 $7.000000000e+00, v13  }
0x5ff: {  	v12 =	vmin.f32 v16, $1.001000050e+00;
	v16 =	vmax.f32 v17, $0.0e+00;
	v10 =	vmin.f32 v10, $1.001000050e+00  }
0x600: {  	v21 =	vmin.f32 v21, $1.001000050e+00;
	v17 =	vmul.f32 $7.000000000e+00, v17;
	v12 =	vmul.f32 $7.000000000e+00, v12  }
0x601: {  	v16 =	vmin.f32 v16, $1.001000050e+00;
	v10 =	vmul.f32 $7.000000000e+00, v10;
	v21 =	vmul.f32 $7.000000000e+00, v21  }
0x602: {  	v14 =	vmax.f32 v19, $0.0e+00;
	v19 =	vmul.f32 $7.000000000e+00, v19;
	v9 =	vmul.f32 $7.000000000e+00, v16  }
0x603: {  	v16 =	vmul.f32 v7, v6;
	v7 =	vmin.f32 v15, $1.001000050e+00;
	v14 =	vmin.f32 v14, $1.001000050e+00  }
0x604: {  	v15 =	vmax.f32 v11, $0.0e+00;
	v11 =	vmul.f32 $7.000000000e+00, v11;
	v7 =	vmul.f32 $7.000000000e+00, v7  }
0x605: {  	v14 =	vmul.f32 $7.000000000e+00, v14;
	v12 =	vtrunc.f32 v12  }
0x606: {  	v22 =	vld [tilespmem:s14+$0x10];
	v21 =	vtrunc.f32 v21;
	v38 =	vtrunc.f32 v10  }
0x607: {  	v10 =	vmul.f32 $7.000000000e+00, v23;
	v9 =	vtrunc.f32 v9  }
0x608: {  	v28 =	vcvt.f32.s32 v21;
	v31 =	vcvt.f32.s32 v12  }
0x609: {  	v58 =	vcvt.f32.s32 v38;
	v25 =	vcvt.f32.s32 v9  }
0x60a: {  	v9 =	vmin.f32 v15, $1.001000050e+00;
	v20 =	vtrunc.f32 v7;
	v7 =	vmul.f32 $7.000000000e+00, v16  }
0x60b: {  	v27 =	vld [tilespmem:s14+$0xFFFFFFE0];
	v12 =	vsub.f32 v22, v5;
	v14 =	vtrunc.f32 v14;
	v9 =	vmul.f32 $7.000000000e+00, v9  }
0x60c: {  	v21 =	vld [tilespmem:s14+$0x0];
	v20 =	vcvt.f32.s32 v20;
	v30 =	vcvt.f32.s32 v14  }
0x60d: {  	v22 =	vld [tilespmem:s14+$0x30];
	v16 =	vmax.f32 v16, $0.0e+00;
	v32 =	vcvt.s32.f32 v28;
	v12 =	vmul.f32 v12, v6  }
0x60e: {  	v34 =	vld [tilespmem:s14+$0xFFFFFFC0];
	v16 =	vmin.f32 v16, $1.001000050e+00;
	v36 =	vcvt.s32.f32 v31;
	v15 =	vcvt.s32.f32 v25  }
0x60f: {  	v16 =	vmul.f32 $7.000000000e+00, v16;
	v9 =	vtrunc.f32 v9  }
0x610: {  	v14 =	vld [tilespmem:s14+$0xFFFFFFD0];
	v29 =	vcvt.s32.f32 v20;
	v33 =	vcvt.s32.f32 v30;
	v42 =	vsub.f32 v18, v36  }
0x611: {  	v37 =	vmax.f32 v12, $0.0e+00;
	v32 =	vsub.f32 v13, v32;
	v15 =	vsub.f32 v17, v15  }
0x612: {  	v18 =	vcvt.s32.f32 v58;
	v17 =	vld [tilespmem:s14+$0xFFFFFFF0];
	v35 =	vsub.f32 v21, v5;
	v41 =	vsub.f32 v22, v5  }
0x613: {  	v9 =	vcvt.f32.s32 v9;
	v22 =	vsub.f32 v27, v5;
	v27 =	vsub.f32 v34, v5;
	v59 =	vld.idx.msk [tilespmem:v28+s25+$0x0], $0xffff  }
0x614: {  	v39 =	vtrunc.f32 v16;
	v8 =	vsub.f32 v8, v29;
	v21 =	vsub.f32 v19, v33;
	v62 =	vld.idx.msk [tilespmem:v31+s25+$0x0], $0xffff  }
0x615: {  	v33 =	vcvt.f32.s32 v39;
	v16 =	vsub.f32 v14, v5;
	v14 =	vmax.f32 v23, $0.0e+00;
	v19 =	vld.idx.msk [tilespmem:v25+s25+$0x0], $0xffff  }
0x616: {  	v26 =	vcvt.s32.f32 v9;
	v27 =	vmul.f32 v27, v6;
	v29 =	vld.idx.msk [tilespmem:v20+s25+$0x0], $0xffff;
	v40 =	vmin.f32 v14, $1.001000050e+00  }
0x617: {  	v34 =	vcvt.s32.f32 v33;
	v16 =	vmul.f32 v16, v6;
	v17 =	vsub.f32 v17, v5  }
0x618: {  	v23 =	vmul.f32 $7.000000000e+00, v40;
	v61 =	vsub.f32 v11, v26;
	v26 =	vmin.f32 v37, $1.001000050e+00  }
0x619: {  	v37 =	vmul.f32 $7.000000000e+00, v26;
	v11 =	vmax.f32 v16, $0.0e+00;
	v17 =	vmul.f32 v17, v6  }
0x61a: {  	v60 =	vld.idx.msk [tilespmem:v9+s25+$0x0], $0xffff;
	v32 =	vmul.f32 v32, v59;
	v39 =	vmul.f32 v42, v62;
	v11 =	vmin.f32 v11, $1.001000050e+00  }
0x61b: {  	v63 =	vld.idx.msk [tilespmem:v25+s24+$0x0], $0xffff;
	v43 =	vmul.f32 v15, v19;
	v14 =	vmul.f32 v8, v29;
	v8 =	vmax.f32 v17, $0.0e+00  }
0x61c: {  	v13 =	vld.idx.msk [tilespmem:v20+s24+$0x0], $0xffff;
	v15 =	vmul.f32 v41, v6;
	v29 =	vmul.f32 v35, v6;
	v8 =	vmin.f32 v8, $1.001000050e+00  }
0x61d: {  	v20 =	vld.idx.msk [tilespmem:v28+s24+$0x0], $0xffff;
	v28 =	vsub.f32 v24, v18;
	v26 =	vmul.f32 $7.000000000e+00, v11;
	v57 =	vmul.f32 $7.000000000e+00, v8  }
0x61e: {  	v36 =	vld.idx.msk [tilespmem:v30+s25+$0x0], $0xffff;
	v35 =	vtrunc.f32 v37;
	v25 =	vmax.f32 v15, $0.0e+00;
	v8 =	vmul.f32 $7.000000000e+00, v29  }
0x61f: {  	v31 =	vld.idx.msk [tilespmem:v31+s24+$0x0], $0xffff;
	v44 =	vmin.f32 v25, $1.001000050e+00;
	v24 =	vmul.f32 v61, v60;
	v19 =	vtrunc.f32 v57  }
0x620: {  	v18 =	vld.idx.msk [tilespmem:v30+s24+$0x0], $0xffff;
	v40 =	vmul.f32 $7.000000000e+00, v44;
	v11 =	vcvt.f32.s32 v19;
	v19 =	vmax.f32 v29, $0.0e+00  }
0x621: {  	s8 =	simm.s32 $0x90C0;
	s10 =	simm.s32 $0x90C0;
	s6 =	sadd.s32 s23, s1;
	v37 =	vld.idx.msk [tilespmem:v58+s25+$0x0], $0xffff;
	v29 =	vmax.f32 v27, $0.0e+00;
	v38 =	vmin.f32 v19, $1.001000050e+00;
	v19 =	vmul.f32 $7.000000000e+00, v27  }
0x622: {  	s5 =	simm.s32 $0x8;
	s12 =	simm.s32 $0x140;
	s14 =	simm.s32 $0x9040;
	v25 =	vld.idx.msk [tilespmem:v58+s24+$0x0], $0xffff;
	v27 =	vmin.f32 v29, $1.001000050e+00;
	v29 =	vadd.f32 v43, v63;
	v30 =	vcvt.s32.f32 v11  }
.LBB2_53:
0x623: {  	v41 =	vld [tilespmem:s12+$0x20];
	s5 =	sadd.s32 $0x8, s5;
	v22 =	vmul.f32 v22, v6;
	s8 =	sadd.s32 $0x80, s8;
	v21 =	vmul.f32 v21, v36;
	v20 =	vadd.f32 v32, v20  }
0x624: {  	v32 =	vmul.f32 $7.000000000e+00, v38;
	v31 =	vadd.f32 v39, v31;
	p1 =	slt.u32 s5, $0x478;
	v36 =	vtrunc.f32 v40;
	v38 =	vld.idx.msk [tilespmem:v9+s24+$0x0], $0xffff  }
0x625: {  	v17 =	vmul.f32 $7.000000000e+00, v17;
	v39 =	vld [tilespmem:s12+$0x10];
	v40 =	vmax.f32 v22, $0.0e+00;
	v9 =	vcvt.f32.s32 v36;
	[tilespmem:s14+$0xFFFFFFE0] =	vst v20  }
0x626: {  	v23 =	vtrunc.f32 v23;
	v28 =	vmul.f32 v28, v37;
	v20 =	vmin.f32 v40, $1.001000050e+00;
	v36 =	vld.idx.msk [tilespmem:v33+s24+$0x0], $0xffff;
	[tilespmem:s14+$0x20] =	vst v31  }
0x627: {  	v30 =	vsub.f32 v17, v30;
	v20 =	vmul.f32 $7.000000000e+00, v20;
	v31 =	vcvt.s32.f32 v9;
	v17 =	vld.idx.msk [tilespmem:v33+s25+$0x0], $0xffff  }
0x628: {  	v12 =	vmul.f32 $7.000000000e+00, v12;
	v35 =	vcvt.f32.s32 v35;
	v34 =	vsub.f32 v7, v34;
	v7 =	vmovc v19;
	v33 =	vld [tilespmem:s12+$0xFFFFFFE0]  }
0x629: {  	v18 =	vadd.f32 v21, v18;
	v21 =	vadd.f32 v28, v25;
	v19 =	vld [tilespmem:s12+$0xFFFFFFF0];
	v20 =	vtrunc.f32 v20  }
0x62a: {  	v28 =	vcvt.s32.f32 v35;
	v24 =	vadd.f32 v24, v38;
	v25 =	vld [tilespmem:s12+$0x0];
	v20 =	vcvt.f32.s32 v20  }
0x62b: {  	v26 =	vtrunc.f32 v26;
	v13 =	vadd.f32 v14, v13;
	v38 =	vcvt.f32.s32 v23;
	v37 =	vld [tilespmem:s12+$0x30];
	[tilespmem:s14+$0xFFFFFFF0] =	vst v29  }
0x62c: {  	v16 =	vmul.f32 $7.000000000e+00, v16;
	v14 =	vsub.f32 v12, v28;
	v29 =	vcvt.f32.s32 v26;
	v23 =	vld [tilespmem:s12+$0xFFFFFFC0];
	[tilespmem:s14+$0x30] =	vst v24  }
0x62d: {  	v12 =	vsub.f32 v39, v5;
	v26 =	vcvt.s32.f32 v20;
	v17 =	vmul.f32 v34, v17;
	v24 =	vld [tilespmem:s12+$0xFFFFFFD0];
	[tilespmem:s14+$0x10] =	vst v13  }
0x62e: {  	v27 =	vmul.f32 $7.000000000e+00, v27;
	v28 =	vsub.f32 v41, v5;
	v34 =	vmul.f32 $7.000000000e+00, v22;
	v39 =	vld.idx.msk [tilespmem:v35+s25+$0x0], $0xffff;
	[tilespmem:s14+$0xFFFFFFD0] =	vst v18  }
0x62f: {  	v12 =	vmul.f32 v12, v6;
	v40 =	vcvt.s32.f32 v29;
	v17 =	vadd.f32 v17, v36;
	v13 =	vld.idx.msk [tilespmem:v35+s24+$0x0], $0xffff;
	[tilespmem:s14+$0x0] =	vst v21  }
0x630: {  	v28 =	vmul.f32 v28, v6;
	v36 =	vcvt.s32.f32 v38;
	v25 =	vsub.f32 v25, v5;
	v35 =	vld.idx.msk [tilespmem:v20+s25+$0x0], $0xffff  }
0x631: {  	v27 =	vtrunc.f32 v27;
	v18 =	vsub.f32 v19, v5;
	v19 =	vmax.f32 v12, $0.0e+00;
	[tilespmem:s14+$0xFFFFFFC0] =	vst v17;
	s14 =	smov.u32 s10;
	s10 =	smov.u32 s8  }
0x632: {  	v32 =	vtrunc.f32 v32;
	v21 =	vmax.f32 v28, $0.0e+00;
	v24 =	vsub.f32 v24, v5;
	v20 =	vld.idx.msk [tilespmem:v20+s24+$0x0], $0xffff  }
0x633: {  	v41 =	vmin.f32 v21, $1.001000050e+00;
	v37 =	vsub.f32 v37, v5;
	v17 =	vmul.f32 v18, v6;
	v18 =	vld.idx.msk [tilespmem:v29+s24+$0x0], $0xffff  }
0x634: {  	v15 =	vmul.f32 $7.000000000e+00, v15;
	v22 =	vsub.f32 v33, v5;
	v14 =	vmul.f32 v14, v39  }
0x635: {  	v21 =	vsub.f32 v16, v40;
	v33 =	vsub.f32 v23, v5;
	v23 =	vmax.f32 v17, $0.0e+00;
	v39 =	vld.idx.msk [tilespmem:v11+s25+$0x0], $0xffff  }
0x636: {  	v25 =	vmul.f32 v25, v6;
	v16 =	vmin.f32 v23, $1.001000050e+00;
	v23 =	vmul.f32 $7.000000000e+00, v28  }
0x637: {  	v40 =	vcvt.f32.s32 v32;
	v42 =	vsub.f32 v10, v36;
	v28 =	vmul.f32 $7.000000000e+00, v16  }
0x638: {  	v32 =	vsub.f32 v34, v26;
	v16 =	vmul.f32 v24, v6;
	v24 =	vmul.f32 $7.000000000e+00, v25;
	v10 =	vmovc v23;
	v34 =	vld.idx.msk [tilespmem:v9+s25+$0x0], $0xffff  }
0x639: {  	v26 =	vcvt.s32.f32 v40;
	v23 =	vmul.f32 $7.000000000e+00, v41;
	v41 =	vsub.f32 v15, v31  }
0x63a: {  	v19 =	vmin.f32 v19, $1.001000050e+00;
	v43 =	vmul.f32 v33, v6;
	v15 =	vmax.f32 v16, $0.0e+00;
	v44 =	vld.idx.msk [tilespmem:v38+s25+$0x0], $0xffff  }
0x63b: {  	v19 =	vmul.f32 $7.000000000e+00, v19;
	v31 =	vmin.f32 v15, $1.001000050e+00;
	v45 =	vmul.f32 v30, v39  }
0x63c: {  	v15 =	vmul.f32 v37, v6;
	v30 =	vtrunc.f32 v28;
	v28 =	vsub.f32 v8, v26;
	v8 =	vmovc v24;
	v46 =	vld.idx.msk [tilespmem:v11+s24+$0x0], $0xffff  }
0x63d: {  	v33 =	vmax.f32 v25, $0.0e+00;
	v26 =	vmul.f32 $7.000000000e+00, v31;
	v11 =	vcvt.f32.s32 v30;
	v36 =	vld.idx.msk [tilespmem:v29+s25+$0x0], $0xffff  }
.Ltmp30:
0x63e: {  	v32 =	vmul.f32 v32, v35;
	v25 =	vmax.f32 v15, $0.0e+00;
	v24 =	vmul.f32 v41, v34;
	v31 =	vld.idx.msk [tilespmem:v38+s24+$0x0], $0xffff;
	(pc) =	sbr.rel @p1 .LBB2_53-.Ltmp30, $4  }
0x63f: {  	v29 =	vmax.f32 v43, $0.0e+00;
	v34 =	vmin.f32 v25, $1.001000050e+00;
	v30 =	vcvt.s32.f32 v11;
	v25 =	vld.idx.msk [tilespmem:v40+s24+$0x0], $0xffff  }
0x640: {  	v35 =	vtrunc.f32 v19;
	v38 =	vmin.f32 v33, $1.001000050e+00;
	v33 =	vcvt.f32.s32 v27;
	v37 =	vld.idx.msk [tilespmem:v40+s25+$0x0], $0xffff  }
0x641: {  	v19 =	vmul.f32 $7.000000000e+00, v43;
	v27 =	vmin.f32 v29, $1.001000050e+00;
	v39 =	vmul.f32 v42, v44  }
0x642: {  	s12 =	sadd.s32 $0x80, s12;
	v40 =	vmul.f32 $7.000000000e+00, v34;
	v34 =	vcvt.s32.f32 v33;
	v29 =	vadd.f32 v45, v46  }
0x643: {  	_ =	sdelay $0x1  }
0x644: {  	v22 =	vmul.f32 v22, v6;
	v35 =	vcvt.f32.s32 v35  }
0x645: {  	v26 =	vtrunc.f32 v26;
	v21 =	vmul.f32 v21, v36  }
0x646: {  	v9 =	vld.idx.msk [tilespmem:v9+s24+$0x0], $0xffff;
	v23 =	vtrunc.f32 v23;
	v17 =	vmul.f32 $7.000000000e+00, v17  }
0x647: {  	v42 =	vld.idx.msk [tilespmem:v33+s24+$0x0], $0xffff;
	v38 =	vmul.f32 $7.000000000e+00, v38;
	v26 =	vcvt.f32.s32 v26  }
0x648: {  	v58 =	vld.idx.msk [tilespmem:v33+s25+$0x0], $0xffff;
	v12 =	vmul.f32 $7.000000000e+00, v12;
	v23 =	vcvt.f32.s32 v23;
	v41 =	vmax.f32 v22, $0.0e+00  }
0x649: {  	v27 =	vmul.f32 $7.000000000e+00, v27;
	v44 =	vld.idx.msk [tilespmem:v11+s25+$0x0], $0xffff;
	v16 =	vmul.f32 $7.000000000e+00, v16;
	v41 =	vmin.f32 v41, $1.001000050e+00  }
0x64a: {  	v50 =	vld.idx.msk [tilespmem:v11+s24+$0x0], $0xffff;
	v57 =	vtrunc.f32 v40;
	v41 =	vmul.f32 $7.000000000e+00, v41  }
0x64b: {  	v20 =	vadd.f32 v32, v20;
	v15 =	vmul.f32 $7.000000000e+00, v15;
	v36 =	vcvt.f32.s32 v57;
	v59 =	vld.idx.msk [tilespmem:v35+s25+$0x0], $0xffff  }
0x64c: {  	v31 =	vadd.f32 v39, v31;
	v28 =	vmul.f32 v28, v37;
	v41 =	vtrunc.f32 v41;
	v32 =	vld.idx.msk [tilespmem:v35+s24+$0x0], $0xffff  }
0x64d: {  	v13 =	vadd.f32 v14, v13;
	v63 =	vcvt.s32.f32 v35;
	v41 =	vcvt.f32.s32 v41;
	v35 =	vld.idx.msk [tilespmem:v26+s24+$0x0], $0xffff  }
0x64e: {  	v7 =	vsub.f32 v7, v34;
	[tilespmem:s14+$0xFFFFFFF0] =	vst v29;
	v43 =	vtrunc.f32 v38;
	v45 =	vtrunc.f32 v27;
	v48 =	vld.idx.msk [tilespmem:v23+s25+$0x0], $0xffff  }
0x64f: {  	[tilespmem:s14+$0xFFFFFFE0] =	vst v20;
	v18 =	vadd.f32 v21, v18;
	v47 =	vmul.f32 $7.000000000e+00, v22;
	v21 =	vcvt.f32.s32 v43;
	v52 =	vld.idx.msk [tilespmem:v23+s24+$0x0], $0xffff  }
0x650: {  	[tilespmem:s14+$0x20] =	vst v31;
	v49 =	vcvt.s32.f32 v23;
	v9 =	vadd.f32 v24, v9;
	v24 =	vcvt.f32.s32 v45;
	v54 =	vld.idx.msk [tilespmem:v26+s25+$0x0], $0xffff  }
0x651: {  	v17 =	vsub.f32 v17, v30;
	[tilespmem:s14+$0x10] =	vst v13;
	v53 =	vcvt.s32.f32 v26;
	v61 =	vcvt.s32.f32 v36;
	v46 =	vld.idx.msk [tilespmem:v36+s25+$0x0], $0xffff  }
0x652: {  	v25 =	vadd.f32 v28, v25;
	v12 =	vsub.f32 v12, v63;
	v7 =	vmul.f32 v7, v58;
	v55 =	vld.idx.msk [tilespmem:v36+s24+$0x0], $0xffff  }
0x653: {  	[tilespmem:s14+$0xFFFFFFD0] =	vst v18;
	v16 =	vsub.f32 v16, v53;
	v57 =	vcvt.s32.f32 v21;
	v17 =	vmul.f32 v17, v44;
	v60 =	vld.idx.msk [tilespmem:v41+s25+$0x0], $0xffff  }
0x654: {  	v15 =	vsub.f32 v15, v61;
	[tilespmem:s14+$0x30] =	vst v9;
	v9 =	vsub.f32 v10, v49;
	v62 =	vld.idx.msk [tilespmem:v41+s24+$0x0], $0xffff;
	v41 =	vcvt.s32.f32 v41  }
0x655: {  	[tilespmem:s14+$0x0] =	vst v25;
	v7 =	vadd.f32 v7, v42;
	v8 =	vsub.f32 v8, v57;
	v56 =	vld.idx.msk [tilespmem:v21+s25+$0x0], $0xffff  }
0x656: {  	v11 =	vadd.f32 v17, v50;
	v12 =	vmul.f32 v12, v59;
	v58 =	vld.idx.msk [tilespmem:v24+s25+$0x0], $0xffff;
	v51 =	vsub.f32 v47, v41  }
0x657: {  	[tilespmem:s14+$0xFFFFFFC0] =	vst v7;
	v59 =	vld.idx.msk [tilespmem:v21+s24+$0x0], $0xffff;
	v9 =	vmul.f32 v9, v48;
	v7 =	vmul.f32 v15, v46  }
0x658: {  	[tilespmem:s10+$0xFFFFFFF0] =	vst v11;
	v63 =	vadd.f32 v12, v32;
	v13 =	vmul.f32 v51, v60;
	v60 =	vcvt.s32.f32 v24  }
0x659: {  	v61 =	vld.idx.msk [tilespmem:v24+s24+$0x0], $0xffff;
	v10 =	vmul.f32 v16, v54;
	v9 =	vadd.f32 v9, v52;
	v7 =	vadd.f32 v7, v55  }
0x65a: {  	v8 =	vmul.f32 v8, v56;
	[tilespmem:s10+$0x10] =	vst v63;
	v13 =	vadd.f32 v13, v62;
	v62 =	vsub.f32 v19, v60  }
0x65b: {  	v10 =	vadd.f32 v10, v35;
	[tilespmem:s10+$0x20] =	vst v9  }
0x65c: {  	p1 =	sne.s32 s13, $0x3;
	v8 =	vadd.f32 v8, v59;
	[tilespmem:s10+$0x30] =	vst v7;
	v7 =	vmul.f32 v62, v58  }
.Ltmp31:
0x65d: {  	[tilespmem:s10+$0xFFFFFFD0] =	vst v10;
	(pc) =	sbr.rel @p1 .LBB2_56-.Ltmp31, $4  }
0x65e: {  	[tilespmem:s10+$0x0] =	vst v8;
	v7 =	vadd.f32 v7, v61  }
0x65f: {  	s5 =	sshrl.u32 s6, $0x3;
	[tilespmem:s10+$0xFFFFFFE0] =	vst v13  }
0x660: {  	s5 =	sadd.s32 s4, s5;
	[tilespmem:s10+$0xFFFFFFC0] =	vst v7  }
0x661: {  	[hbm4b:s5+s18] =	stream.strided.scatter [tilespmem:s26], [sflag:$0x3], $0x4800, s20, s18, $0x38;
	[tilespmem:$0x12180] =	vst v63  }
.Ltmp32:
0x662: {  	(pc) =	sbr.rel .LBB2_57-.Ltmp32, $4  }
0x663: {  	_ = 	snop  }
0x664: {  	_ =	swait.ge [sflag:s28], $0x4800  }
0x665: {  	[sflag:s28] =	ssyncset.done $0x0  }
0x666: {  	[sflag:s28] =	ssyncadd.s32 $0xFFFFB800  }
.LBB2_56:
0x667: {  	s5 =	rddreg [dreg:$0x18]  }
0x668: {  	s1 =	sadd.s32 s1, s5  }
0x669: {  	s1 =	sshrl.u32 s1, $0x3  }
.Ltmp33:
0x66a: {  	s1 =	sadd.s32 s2, s1;
	(pc) =	sbr.rel @p0 .LBB2_58-.Ltmp33, $4  }
0x66b: {  	[tilespmem:s3], [sflag:$0x1] =	stream.strided.gather [hbm4b:s1+s18], $0x4800, s20, s18, $0x38;
	[tilespmem:$0x12180] =	vst v63  }
0x66c: {  	_ =	swait.ge [sflag:s28], $0x4800  }
0x66d: {  	[sflag:s28] =	ssyncset.done $0x0  }
0x66e: {  	[sflag:s28] =	ssyncadd.s32 $0xFFFFB800  }
.LBB2_57:
0x66f: {  	_ =	swait.ge [sflag:s16], $0x4800  }
0x670: {  	[sflag:s16] =	ssyncset.done $0x0  }
0x671: {  	[sflag:s16] =	ssyncadd.s32 $0xFFFFB800  }
.LBB2_58:
0x672: {  	s1 =	simm.s32 $0x4840  }
0x673: {  	v7 =	vld [tilespmem:s1+$0x20]  }
0x674: {  	v8 =	vld [tilespmem:s1+$0x10]  }
0x675: {  	v9 =	vld [tilespmem:s1+$0xFFFFFFF0]  }
0x676: {  	v10 =	vld [tilespmem:s1+$0x0]  }
0x677: {  	v11 =	vld [tilespmem:s1+$0x30]  }
0x678: {  	s14 =	simm.s32 $0x48C0;
	v13 =	vld [tilespmem:s1+$0xFFFFFFE0]  }
0x679: {  	v23 =	vld [tilespmem:s14+$0x20]  }
0x67a: {  	v12 =	vld [tilespmem:s1+$0xFFFFFFD0]  }
0x67b: {  	v8 =	vsub.f32 v8, v5;
	v7 =	vsub.f32 v7, v5  }
0x67c: {  	v9 =	vsub.f32 v9, v5;
	v10 =	vsub.f32 v10, v5  }
0x67d: {  	v14 =	vld [tilespmem:s1+$0xFFFFFFC0];
	v11 =	vsub.f32 v11, v5;
	v13 =	vsub.f32 v13, v5;
	v8 =	vmul.f32 v8, v6  }
0x67e: {  	v23 =	vsub.f32 v23, v5;
	v7 =	vmul.f32 v7, v6;
	v17 =	vmul.f32 v9, v6  }
0x67f: {  	v9 =	vsub.f32 v12, v5;
	v10 =	vmul.f32 v10, v6;
	v11 =	vmul.f32 v11, v6  }
0x680: {  	v13 =	vmul.f32 v13, v6;
	v23 =	vmul.f32 v23, v6;
	v15 =	vmax.f32 v8, $0.0e+00  }
0x681: {  	v16 =	vmax.f32 v7, $0.0e+00;
	v18 =	vmul.f32 $7.000000000e+00, v7;
	v19 =	vmul.f32 v9, v6  }
0x682: {  	v7 =	vsub.f32 v14, v5;
	v24 =	vmul.f32 $7.000000000e+00, v10;
	v10 =	vmax.f32 v10, $0.0e+00  }
0x683: {  	v21 =	vmax.f32 v13, $0.0e+00;
	v8 =	vmul.f32 $7.000000000e+00, v8;
	v13 =	vmul.f32 $7.000000000e+00, v13  }
0x684: {  	v12 =	vmin.f32 v16, $1.001000050e+00;
	v16 =	vmax.f32 v17, $0.0e+00;
	v10 =	vmin.f32 v10, $1.001000050e+00  }
0x685: {  	v21 =	vmin.f32 v21, $1.001000050e+00;
	v17 =	vmul.f32 $7.000000000e+00, v17;
	v12 =	vmul.f32 $7.000000000e+00, v12  }
0x686: {  	v16 =	vmin.f32 v16, $1.001000050e+00;
	v10 =	vmul.f32 $7.000000000e+00, v10;
	v21 =	vmul.f32 $7.000000000e+00, v21  }
0x687: {  	v14 =	vmax.f32 v19, $0.0e+00;
	v19 =	vmul.f32 $7.000000000e+00, v19;
	v9 =	vmul.f32 $7.000000000e+00, v16  }
0x688: {  	v16 =	vmul.f32 v7, v6;
	v7 =	vmin.f32 v15, $1.001000050e+00;
	v14 =	vmin.f32 v14, $1.001000050e+00  }
0x689: {  	v15 =	vmax.f32 v11, $0.0e+00;
	v11 =	vmul.f32 $7.000000000e+00, v11;
	v7 =	vmul.f32 $7.000000000e+00, v7  }
0x68a: {  	v14 =	vmul.f32 $7.000000000e+00, v14;
	v12 =	vtrunc.f32 v12  }
0x68b: {  	v22 =	vld [tilespmem:s14+$0x10];
	v21 =	vtrunc.f32 v21;
	v38 =	vtrunc.f32 v10  }
0x68c: {  	v10 =	vmul.f32 $7.000000000e+00, v23;
	v9 =	vtrunc.f32 v9  }
0x68d: {  	v28 =	vcvt.f32.s32 v21;
	v31 =	vcvt.f32.s32 v12  }
0x68e: {  	v42 =	vcvt.f32.s32 v38;
	v25 =	vcvt.f32.s32 v9  }
0x68f: {  	v9 =	vmin.f32 v15, $1.001000050e+00;
	v20 =	vtrunc.f32 v7;
	v7 =	vmul.f32 $7.000000000e+00, v16  }
0x690: {  	v27 =	vld [tilespmem:s14+$0xFFFFFFE0];
	v12 =	vsub.f32 v22, v5;
	v14 =	vtrunc.f32 v14;
	v9 =	vmul.f32 $7.000000000e+00, v9  }
0x691: {  	v21 =	vld [tilespmem:s14+$0x0];
	v20 =	vcvt.f32.s32 v20;
	v30 =	vcvt.f32.s32 v14  }
0x692: {  	v22 =	vld [tilespmem:s14+$0x30];
	v16 =	vmax.f32 v16, $0.0e+00;
	v32 =	vcvt.s32.f32 v28;
	v12 =	vmul.f32 v12, v6  }
0x693: {  	v34 =	vld [tilespmem:s14+$0xFFFFFFC0];
	v16 =	vmin.f32 v16, $1.001000050e+00;
	v36 =	vcvt.s32.f32 v31;
	v15 =	vcvt.s32.f32 v25  }
0x694: {  	v16 =	vmul.f32 $7.000000000e+00, v16;
	v9 =	vtrunc.f32 v9  }
0x695: {  	v14 =	vld [tilespmem:s14+$0xFFFFFFD0];
	v29 =	vcvt.s32.f32 v20;
	v33 =	vcvt.s32.f32 v30;
	v37 =	vmax.f32 v12, $0.0e+00  }
0x696: {  	v43 =	vsub.f32 v18, v36;
	v18 =	vcvt.s32.f32 v42;
	v15 =	vsub.f32 v17, v15  }
0x697: {  	v9 =	vcvt.f32.s32 v9;
	v17 =	vld [tilespmem:s14+$0xFFFFFFF0];
	v35 =	vsub.f32 v21, v5;
	v41 =	vsub.f32 v22, v5  }
0x698: {  	v39 =	vtrunc.f32 v16;
	v22 =	vsub.f32 v27, v5;
	v27 =	vsub.f32 v34, v5;
	v60 =	vld.idx.msk [tilespmem:v28+s25+$0x0], $0xffff  }
0x699: {  	v8 =	vsub.f32 v8, v29;
	v21 =	vsub.f32 v19, v33;
	v45 =	vld.idx.msk [tilespmem:v31+s25+$0x0], $0xffff;
	v34 =	vcvt.f32.s32 v39  }
0x69a: {  	v26 =	vcvt.s32.f32 v9;
	v16 =	vsub.f32 v14, v5;
	v14 =	vmax.f32 v23, $0.0e+00;
	v19 =	vld.idx.msk [tilespmem:v25+s25+$0x0], $0xffff  }
0x69b: {  	v62 =	vmul.f32 v27, v6;
	v27 =	vmin.f32 v37, $1.001000050e+00;
	v29 =	vld.idx.msk [tilespmem:v20+s25+$0x0], $0xffff;
	v40 =	vmin.f32 v14, $1.001000050e+00  }
0x69c: {  	v37 =	vmul.f32 $7.000000000e+00, v27;
	v16 =	vmul.f32 v16, v6;
	v17 =	vsub.f32 v17, v5  }
0x69d: {  	v32 =	vsub.f32 v13, v32;
	v33 =	vcvt.s32.f32 v34;
	v23 =	vmul.f32 $7.000000000e+00, v40  }
0x69e: {  	v26 =	vsub.f32 v11, v26;
	v11 =	vmax.f32 v16, $0.0e+00;
	v17 =	vmul.f32 v17, v6  }
0x69f: {  	v61 =	vld.idx.msk [tilespmem:v9+s25+$0x0], $0xffff;
	v32 =	vmul.f32 v32, v60;
	v39 =	vmul.f32 v43, v45;
	v11 =	vmin.f32 v11, $1.001000050e+00  }
0x6a0: {  	v63 =	vld.idx.msk [tilespmem:v25+s24+$0x0], $0xffff;
	v44 =	vmul.f32 v15, v19;
	v14 =	vmul.f32 v8, v29;
	v8 =	vmax.f32 v17, $0.0e+00  }
0x6a1: {  	v13 =	vld.idx.msk [tilespmem:v20+s24+$0x0], $0xffff;
	v15 =	vmul.f32 v41, v6;
	v29 =	vmul.f32 v35, v6;
	v8 =	vmin.f32 v8, $1.001000050e+00  }
0x6a2: {  	v20 =	vld.idx.msk [tilespmem:v28+s24+$0x0], $0xffff;
	v28 =	vsub.f32 v24, v18;
	v27 =	vmul.f32 $7.000000000e+00, v11;
	v59 =	vmul.f32 $7.000000000e+00, v8  }
0x6a3: {  	v36 =	vld.idx.msk [tilespmem:v30+s25+$0x0], $0xffff;
	v35 =	vtrunc.f32 v37;
	v25 =	vmax.f32 v15, $0.0e+00;
	v8 =	vmul.f32 $7.000000000e+00, v29  }
0x6a4: {  	v31 =	vld.idx.msk [tilespmem:v31+s24+$0x0], $0xffff;
	v24 =	vmul.f32 v26, v61;
	v26 =	vmax.f32 v62, $0.0e+00;
	v19 =	vtrunc.f32 v59  }
0x6a5: {  	v18 =	vld.idx.msk [tilespmem:v30+s24+$0x0], $0xffff;
	v26 =	vmin.f32 v26, $1.001000050e+00;
	v11 =	vcvt.f32.s32 v19;
	v19 =	vmax.f32 v29, $0.0e+00  }
0x6a6: {  	s6 =	simm.s32 $0xD840;
	s5 =	simm.s32 $0x8;
	v37 =	vld.idx.msk [tilespmem:v42+s25+$0x0], $0xffff;
	v29 =	vmin.f32 v25, $1.001000050e+00;
	v38 =	vmin.f32 v19, $1.001000050e+00;
	v19 =	vmul.f32 $7.000000000e+00, v62  }
0x6a7: {  	s8 =	simm.s32 $0xD8C0;
	s10 =	simm.s32 $0x4940;
	s1 =	simm.s32 $0xD8C0;
	v25 =	vld.idx.msk [tilespmem:v42+s24+$0x0], $0xffff;
	v40 =	vmul.f32 $7.000000000e+00, v29;
	v29 =	vadd.f32 v44, v63;
	v30 =	vcvt.s32.f32 v11  }
.LBB2_59:
0x6a8: {  	v41 =	vld [tilespmem:s10+$0x20];
	s5 =	sadd.s32 $0x8, s5;
	v22 =	vmul.f32 v22, v6;
	s8 =	sadd.s32 $0x80, s8;
	v21 =	vmul.f32 v21, v36;
	v20 =	vadd.f32 v32, v20  }
0x6a9: {  	v32 =	vmul.f32 $7.000000000e+00, v38;
	v31 =	vadd.f32 v39, v31;
	p0 =	slt.u32 s5, $0x478;
	v36 =	vtrunc.f32 v40;
	v38 =	vld.idx.msk [tilespmem:v9+s24+$0x0], $0xffff  }
0x6aa: {  	v17 =	vmul.f32 $7.000000000e+00, v17;
	v39 =	vld [tilespmem:s10+$0x10];
	v40 =	vmax.f32 v22, $0.0e+00;
	v9 =	vcvt.f32.s32 v36;
	[tilespmem:s6+$0xFFFFFFE0] =	vst v20  }
0x6ab: {  	v23 =	vtrunc.f32 v23;
	v28 =	vmul.f32 v28, v37;
	v20 =	vmin.f32 v40, $1.001000050e+00;
	v36 =	vld.idx.msk [tilespmem:v34+s24+$0x0], $0xffff;
	[tilespmem:s6+$0x20] =	vst v31  }
0x6ac: {  	v30 =	vsub.f32 v17, v30;
	v20 =	vmul.f32 $7.000000000e+00, v20;
	v31 =	vcvt.s32.f32 v9;
	v17 =	vld.idx.msk [tilespmem:v34+s25+$0x0], $0xffff  }
0x6ad: {  	v12 =	vmul.f32 $7.000000000e+00, v12;
	v35 =	vcvt.f32.s32 v35;
	v33 =	vsub.f32 v7, v33;
	v7 =	vmovc v19;
	v34 =	vld [tilespmem:s10+$0xFFFFFFE0]  }
0x6ae: {  	v18 =	vadd.f32 v21, v18;
	v21 =	vadd.f32 v28, v25;
	v19 =	vld [tilespmem:s10+$0xFFFFFFF0];
	v20 =	vtrunc.f32 v20  }
0x6af: {  	v28 =	vcvt.s32.f32 v35;
	v24 =	vadd.f32 v24, v38;
	v25 =	vld [tilespmem:s10+$0x0];
	v20 =	vcvt.f32.s32 v20  }
0x6b0: {  	v27 =	vtrunc.f32 v27;
	v13 =	vadd.f32 v14, v13;
	v38 =	vcvt.f32.s32 v23;
	v37 =	vld [tilespmem:s10+$0x30];
	[tilespmem:s6+$0xFFFFFFF0] =	vst v29  }
0x6b1: {  	v16 =	vmul.f32 $7.000000000e+00, v16;
	v14 =	vsub.f32 v12, v28;
	v29 =	vcvt.f32.s32 v27;
	v23 =	vld [tilespmem:s10+$0xFFFFFFC0];
	[tilespmem:s6+$0x30] =	vst v24  }
0x6b2: {  	v12 =	vsub.f32 v39, v5;
	v27 =	vcvt.s32.f32 v20;
	v17 =	vmul.f32 v33, v17;
	v24 =	vld [tilespmem:s10+$0xFFFFFFD0];
	[tilespmem:s6+$0x10] =	vst v13  }
0x6b3: {  	v26 =	vmul.f32 $7.000000000e+00, v26;
	v28 =	vsub.f32 v41, v5;
	v33 =	vmul.f32 $7.000000000e+00, v22;
	v39 =	vld.idx.msk [tilespmem:v35+s25+$0x0], $0xffff;
	[tilespmem:s6+$0xFFFFFFD0] =	vst v18  }
0x6b4: {  	v12 =	vmul.f32 v12, v6;
	v40 =	vcvt.s32.f32 v29;
	v17 =	vadd.f32 v17, v36;
	v13 =	vld.idx.msk [tilespmem:v35+s24+$0x0], $0xffff;
	[tilespmem:s6+$0x0] =	vst v21  }
0x6b5: {  	v28 =	vmul.f32 v28, v6;
	v36 =	vcvt.s32.f32 v38;
	v25 =	vsub.f32 v25, v5;
	v35 =	vld.idx.msk [tilespmem:v20+s25+$0x0], $0xffff  }
0x6b6: {  	v26 =	vtrunc.f32 v26;
	v18 =	vsub.f32 v19, v5;
	v19 =	vmax.f32 v12, $0.0e+00;
	[tilespmem:s6+$0xFFFFFFC0] =	vst v17;
	s6 =	smov.u32 s1;
	s1 =	smov.u32 s8  }
0x6b7: {  	v32 =	vtrunc.f32 v32;
	v21 =	vmax.f32 v28, $0.0e+00;
	v24 =	vsub.f32 v24, v5;
	v20 =	vld.idx.msk [tilespmem:v20+s24+$0x0], $0xffff  }
0x6b8: {  	v41 =	vmin.f32 v21, $1.001000050e+00;
	v37 =	vsub.f32 v37, v5;
	v17 =	vmul.f32 v18, v6;
	v18 =	vld.idx.msk [tilespmem:v29+s24+$0x0], $0xffff  }
0x6b9: {  	v15 =	vmul.f32 $7.000000000e+00, v15;
	v22 =	vsub.f32 v34, v5;
	v14 =	vmul.f32 v14, v39  }
0x6ba: {  	v21 =	vsub.f32 v16, v40;
	v34 =	vsub.f32 v23, v5;
	v23 =	vmax.f32 v17, $0.0e+00;
	v39 =	vld.idx.msk [tilespmem:v11+s25+$0x0], $0xffff  }
0x6bb: {  	v25 =	vmul.f32 v25, v6;
	v16 =	vmin.f32 v23, $1.001000050e+00;
	v23 =	vmul.f32 $7.000000000e+00, v28  }
0x6bc: {  	v40 =	vcvt.f32.s32 v32;
	v42 =	vsub.f32 v10, v36;
	v28 =	vmul.f32 $7.000000000e+00, v16  }
0x6bd: {  	v32 =	vsub.f32 v33, v27;
	v16 =	vmul.f32 v24, v6;
	v24 =	vmul.f32 $7.000000000e+00, v25;
	v10 =	vmovc v23;
	v33 =	vld.idx.msk [tilespmem:v9+s25+$0x0], $0xffff  }
0x6be: {  	v27 =	vcvt.s32.f32 v40;
	v23 =	vmul.f32 $7.000000000e+00, v41;
	v41 =	vsub.f32 v15, v31  }
0x6bf: {  	v19 =	vmin.f32 v19, $1.001000050e+00;
	v43 =	vmul.f32 v34, v6;
	v15 =	vmax.f32 v16, $0.0e+00;
	v44 =	vld.idx.msk [tilespmem:v38+s25+$0x0], $0xffff  }
0x6c0: {  	v19 =	vmul.f32 $7.000000000e+00, v19;
	v31 =	vmin.f32 v15, $1.001000050e+00;
	v45 =	vmul.f32 v30, v39  }
0x6c1: {  	v15 =	vmul.f32 v37, v6;
	v30 =	vtrunc.f32 v28;
	v28 =	vsub.f32 v8, v27;
	v8 =	vmovc v24;
	v46 =	vld.idx.msk [tilespmem:v11+s24+$0x0], $0xffff  }
0x6c2: {  	v34 =	vmax.f32 v25, $0.0e+00;
	v27 =	vmul.f32 $7.000000000e+00, v31;
	v11 =	vcvt.f32.s32 v30;
	v36 =	vld.idx.msk [tilespmem:v29+s25+$0x0], $0xffff  }
.Ltmp34:
0x6c3: {  	v32 =	vmul.f32 v32, v35;
	v25 =	vmax.f32 v15, $0.0e+00;
	v24 =	vmul.f32 v41, v33;
	v31 =	vld.idx.msk [tilespmem:v38+s24+$0x0], $0xffff;
	(pc) =	sbr.rel @p0 .LBB2_59-.Ltmp34, $4  }
0x6c4: {  	v29 =	vmax.f32 v43, $0.0e+00;
	v33 =	vmin.f32 v25, $1.001000050e+00;
	v30 =	vcvt.s32.f32 v11;
	v25 =	vld.idx.msk [tilespmem:v40+s24+$0x0], $0xffff  }
0x6c5: {  	v35 =	vtrunc.f32 v19;
	v38 =	vmin.f32 v34, $1.001000050e+00;
	v34 =	vcvt.f32.s32 v26;
	v37 =	vld.idx.msk [tilespmem:v40+s25+$0x0], $0xffff  }
0x6c6: {  	v19 =	vmul.f32 $7.000000000e+00, v43;
	v26 =	vmin.f32 v29, $1.001000050e+00;
	v39 =	vmul.f32 v42, v44  }
0x6c7: {  	s10 =	sadd.s32 $0x80, s10;
	v40 =	vmul.f32 $7.000000000e+00, v33;
	v33 =	vcvt.s32.f32 v34;
	v29 =	vadd.f32 v45, v46  }
0x6c8: {  	_ =	sdelay $0x1  }
0x6c9: {  	v22 =	vmul.f32 v22, v6;
	v35 =	vcvt.f32.s32 v35  }
0x6ca: {  	v27 =	vtrunc.f32 v27;
	v21 =	vmul.f32 v21, v36  }
0x6cb: {  	v9 =	vld.idx.msk [tilespmem:v9+s24+$0x0], $0xffff;
	v23 =	vtrunc.f32 v23;
	v17 =	vmul.f32 $7.000000000e+00, v17  }
0x6cc: {  	v42 =	vld.idx.msk [tilespmem:v34+s24+$0x0], $0xffff;
	v38 =	vmul.f32 $7.000000000e+00, v38;
	v27 =	vcvt.f32.s32 v27  }
0x6cd: {  	v58 =	vld.idx.msk [tilespmem:v34+s25+$0x0], $0xffff;
	v12 =	vmul.f32 $7.000000000e+00, v12;
	v23 =	vcvt.f32.s32 v23;
	v41 =	vmax.f32 v22, $0.0e+00  }
0x6ce: {  	v26 =	vmul.f32 $7.000000000e+00, v26;
	v44 =	vld.idx.msk [tilespmem:v11+s25+$0x0], $0xffff;
	v16 =	vmul.f32 $7.000000000e+00, v16;
	v41 =	vmin.f32 v41, $1.001000050e+00  }
0x6cf: {  	v50 =	vld.idx.msk [tilespmem:v11+s24+$0x0], $0xffff;
	v57 =	vtrunc.f32 v40;
	v41 =	vmul.f32 $7.000000000e+00, v41  }
0x6d0: {  	v20 =	vadd.f32 v32, v20;
	v15 =	vmul.f32 $7.000000000e+00, v15;
	v36 =	vcvt.f32.s32 v57;
	v59 =	vld.idx.msk [tilespmem:v35+s25+$0x0], $0xffff  }
0x6d1: {  	v31 =	vadd.f32 v39, v31;
	v28 =	vmul.f32 v28, v37;
	v41 =	vtrunc.f32 v41;
	v32 =	vld.idx.msk [tilespmem:v35+s24+$0x0], $0xffff  }
0x6d2: {  	v13 =	vadd.f32 v14, v13;
	v63 =	vcvt.s32.f32 v35;
	v41 =	vcvt.f32.s32 v41;
	v35 =	vld.idx.msk [tilespmem:v27+s24+$0x0], $0xffff  }
0x6d3: {  	v7 =	vsub.f32 v7, v33;
	[tilespmem:s6+$0xFFFFFFF0] =	vst v29;
	v43 =	vtrunc.f32 v38;
	v45 =	vtrunc.f32 v26;
	v48 =	vld.idx.msk [tilespmem:v23+s25+$0x0], $0xffff  }
0x6d4: {  	[tilespmem:s6+$0xFFFFFFE0] =	vst v20;
	v18 =	vadd.f32 v21, v18;
	v47 =	vmul.f32 $7.000000000e+00, v22;
	v21 =	vcvt.f32.s32 v43;
	v52 =	vld.idx.msk [tilespmem:v23+s24+$0x0], $0xffff  }
0x6d5: {  	[tilespmem:s6+$0x20] =	vst v31;
	v49 =	vcvt.s32.f32 v23;
	v9 =	vadd.f32 v24, v9;
	v24 =	vcvt.f32.s32 v45;
	v54 =	vld.idx.msk [tilespmem:v27+s25+$0x0], $0xffff  }
0x6d6: {  	v17 =	vsub.f32 v17, v30;
	[tilespmem:s6+$0x10] =	vst v13;
	v53 =	vcvt.s32.f32 v27;
	v61 =	vcvt.s32.f32 v36;
	v46 =	vld.idx.msk [tilespmem:v36+s25+$0x0], $0xffff  }
0x6d7: {  	v25 =	vadd.f32 v28, v25;
	v12 =	vsub.f32 v12, v63;
	v7 =	vmul.f32 v7, v58;
	v55 =	vld.idx.msk [tilespmem:v36+s24+$0x0], $0xffff  }
0x6d8: {  	[tilespmem:s6+$0xFFFFFFD0] =	vst v18;
	v16 =	vsub.f32 v16, v53;
	v57 =	vcvt.s32.f32 v21;
	v17 =	vmul.f32 v17, v44;
	v60 =	vld.idx.msk [tilespmem:v41+s25+$0x0], $0xffff  }
0x6d9: {  	v15 =	vsub.f32 v15, v61;
	[tilespmem:s6+$0x30] =	vst v9;
	v9 =	vsub.f32 v10, v49;
	v62 =	vld.idx.msk [tilespmem:v41+s24+$0x0], $0xffff;
	v41 =	vcvt.s32.f32 v41  }
0x6da: {  	[tilespmem:s6+$0x0] =	vst v25;
	v7 =	vadd.f32 v7, v42;
	v8 =	vsub.f32 v8, v57;
	v56 =	vld.idx.msk [tilespmem:v21+s25+$0x0], $0xffff  }
0x6db: {  	v11 =	vadd.f32 v17, v50;
	v12 =	vmul.f32 v12, v59;
	v58 =	vld.idx.msk [tilespmem:v24+s25+$0x0], $0xffff;
	v51 =	vsub.f32 v47, v41  }
0x6dc: {  	[tilespmem:s6+$0xFFFFFFC0] =	vst v7;
	v59 =	vld.idx.msk [tilespmem:v21+s24+$0x0], $0xffff;
	v9 =	vmul.f32 v9, v48;
	v7 =	vmul.f32 v15, v46  }
0x6dd: {  	[tilespmem:s1+$0xFFFFFFF0] =	vst v11;
	v63 =	vadd.f32 v12, v32;
	v13 =	vmul.f32 v51, v60;
	v60 =	vcvt.s32.f32 v24  }
0x6de: {  	v61 =	vld.idx.msk [tilespmem:v24+s24+$0x0], $0xffff;
	v10 =	vmul.f32 v16, v54;
	v9 =	vadd.f32 v9, v52;
	v7 =	vadd.f32 v7, v55  }
0x6df: {  	v8 =	vmul.f32 v8, v56;
	[tilespmem:s1+$0x10] =	vst v63;
	v13 =	vadd.f32 v13, v62;
	v62 =	vsub.f32 v19, v60  }
0x6e0: {  	s13 =	sadd.s32 $0x1, s13;
	v10 =	vadd.f32 v10, v35;
	[tilespmem:s1+$0x20] =	vst v9  }
0x6e1: {  	p0 =	sne.s32 s13, $0x4;
	v8 =	vadd.f32 v8, v59;
	[tilespmem:s1+$0x30] =	vst v7;
	v7 =	vmul.f32 v62, v58  }
.Ltmp35:
0x6e2: {  	[tilespmem:s1+$0xFFFFFFD0] =	vst v10;
	(pc) =	sbr.rel @p0 .LBB2_52-.Ltmp35, $4  }
0x6e3: {  	[tilespmem:s1+$0x0] =	vst v8;
	v7 =	vadd.f32 v7, v61  }
0x6e4: {  	[tilespmem:s1+$0xFFFFFFE0] =	vst v13  }
0x6e5: {  	s30 =	sadd.s32 s4, s30;
	[tilespmem:s1+$0xFFFFFFC0] =	vst v7  }
0x6e6: {  	[hbm4b:s30+s18] =	stream.strided.scatter [tilespmem:s9], [sflag:$0x4], $0x4800, s20, s18, $0x38;
	[tilespmem:$0x12180] =	vst v63  }
0x6e7: {  	s1 =	simm.s32 $0x3  }
0x6e8: {  	_ =	swait.ge [sflag:s1], $0x4800  }
0x6e9: {  	[sflag:s1] =	ssyncset.done $0x0  }
0x6ea: {  	[sflag:s1] =	ssyncadd.s32 $0xFFFFB800  }
0x6eb: {  	_ =	swait.ge [sflag:s16], $0x4800  }
0x6ec: {  	s5 =	rddreg [dreg:$0x19]  }
0x6ed: {  	s30 =	rddreg [dreg:$0x14];
	s5 =	sadd.s32 $0x1, s5  }
0x6ee: {  	p0 =	sne.s32 s5, s30  }
.Ltmp36:
0x6ef: {  	_ = 	snop;
	(pc) =	sbr.rel @p0 .LBB2_1-.Ltmp36, $3  }
0x6f0: {  	_ =	sdelay $0x1  }
0x6f1: {  	[sflag:s16] =	ssyncset.done $0x0  }
0x6f2: {  	[sflag:s16] =	ssyncadd.s32 $0xFFFFB800  }
0x6f3: {  	_ =	sfence.sel $0x180000  }
0x6f4: {  	[bflag:$0x0] =	sbarrier.arrive $0xFFFF  }
0x6f5: {  	_ =	strace $0x9000004A  }
0x6f6: {  	s0 =	stileid.u32;
	[bflag:$0x2] =	sbarrier.arrive $0xFFFF  }
0x6f7: {  	p0 =	sne.s32 s0, $0x0;
	s0 =	rddreg [dreg:$0x2]  }
0x6f8: {  	s0 =	sadd.s32 @!p0 $0x100000, s0  }
0x6f9: {  	[sflag:s0] =	ssyncadd.tile.s32 @!p0 $0x1;
	_ =	shalt  }
.Lfunc_end2:
_tile_overlayer_lowered:
.L_overlay_start_2:
0x6fa: {  	(tag) =	ssettag $0x2  }
0x6fb: {  	s0 =	rddreg [dreg:$0x0];
	s2 =	stileid.u32  }
0x6fc: {  	s1 =	rddreg [dreg:$0x1];
	p0 =	sne.s32 s2, $0x0  }
0x6fd: {  	s3 =	rddreg [dreg:$0x2];
	[bflag:$0x3] =	sbarrier.arrive $0xFFFF;
	s2 =	simm.s32 @!p0 $0x1C05  }
0x6fe: {  	[timem:s3], [sflag:s2] =	dma.local @!p0 [hbm:s0], s1  }
0x6ff: {  	s0 =	simm.s32 @!p0 $0x5  }
0x700: {  	_ =	swait.ge @!p0 [sflag:s0], s1  }
0x701: {  	s1 =	ssub.s32 @!p0 $0x0, s1;
	[sflag:s0] =	ssyncset.done @!p0 $0x0  }
0x702: {  	[sflag:s0] =	ssyncadd.s32 @!p0 s1  }
0x703: {  	[bflag:$0x3] =	sbarrier.arrive $0xFFFF  }
0x704: {  	_ =	shalt  }

// kernel: sparse-core-data-format-call.1.cloned.1.call-start
scs
called_computation.1_lowered:
.L_overlay_start_0:
0x0: {  	s2 =	sld [smem:$0x3FD9]  }
0x1: {  	s3 =	sld [smem:$0x3FFE];
	_ =	sdelay $0x1  }
0x2: {  	s1 =	srdreg.scid  }
0x3: {  	s0 =	sand.u32 $0x1, s1  }
0x4: {  	s19 =	sshll.u32 s0, $0xA;
	s2 =	sadd.s32 s3, s2  }
0x5: {  	s2 =	sadd.s32 s2, s19  }
0x6: {  	[smem:$0x3FC3] =	sst s2  }
0x7: {  	_ = 	snop  }
0x8: {  	s2 =	sld [smem:$0x3FC9]  }
0x9: {  	s20 =	sld [smem:$0x3FD0];
	(tm) =	ssettm $0x1  }
0xa: {  	s4 =	sld [smem:$0x3FFB];
	_ =	sdelay $0x3  }
0xb: {  	_ =	strace s4  }
0xc: {  	s4 =	sld [smem:$0x3FFC];
	_ =	sdelay $0x3  }
0xd: {  	_ =	strace s4  }
0xe: {  	s4 =	sld [smem:$0x3FFD];
	_ =	sdelay $0x3  }
0xf: {  	_ =	strace s4  }
0x10: {  	_ =	strace $0x8FFFFFFF  }
0x11: {  	s21 =	sld [smem:$0x3FDB];
	_ =	sdelay $0x1  }
0x12: {  	s5 =	simm.s32 $_scs_section_size  }
0x13: {  	s6 =	simm.s32 $_size__tile_overlayer_lowered;
	s7 =	simm.s32 $_tile_overlayer_lowered  }
0x14: {  	s24 =	simm.s32 $0x1BFF;
	s23 =	sshll.u32 s7, $0x1;
	s4 =	sadd.s32 s5, s21  }
0x15: {  	s8 =	simm.s32 $0x0;
	s22 =	sshll.u32 s6, $0x1;
	s6 =	sadd.s32 s23, s4  }
0x16: {  	[timem:s8], [sflag:s24] =	dma.local [hbm:s6], s22  }
0x17: {  	_ =	swait.ge [sflag:s24], s22  }
0x18: {  	s5 =	ssub.s32 $0x0, s22;
	[sflag:s24] =	ssyncset.done $0x0  }
0x19: {  	[sflag:s24] =	ssyncadd.s32 s5;
	_ =	sdelay $0x1  }
0x1a: {  	s25 =	simm.s32 $0x1B8B  }
0x1b: {  	_ =	swait.ge [sflag:s25], $0x1  }
0x1c: {  	[sflag:s25] =	ssyncset.done $0x0  }
0x1d: {  	s26 =	simm.s32 $0x1B8E;
	[sflag:s25] =	ssyncadd.s32 $0xFFFFFFFF  }
0x1e: {  	s27 =	simm.s32 $execute0_lowered;
	[smem:$0x3FD2] =	sst s26  }
0x1f: {  	s5 =	sshll.u32 s27, $0x1;
	_ =	strace $0x80000046;
	[dreg:$0x1] =	wrdreg $0xFFFFFFFF  }
0x20: {  	s28 =	simm.s32 $_size_execute0_lowered;
	s4 =	sadd.s32 s4, s5;
	[dreg:$0x0] =	wrdreg $0x0  }
0x21: {  	s5 =	sshll.u32 s28, $0x1;
	[dreg:$0x2] =	wrdreg s4  }
0x22: {  	[dreg:$0x3] =	wrdreg s5  }
0x23: {  	[dreg:$0x4] =	wrdreg $0xC0  }
0x24: {  	_ =	task [dreg:s8], $0x5FFFF  }
0x25: {  	[dreg:$0x1] =	wrdreg $0xFFFFFFFF  }
0x26: {  	[dreg:$0x0] =	wrdreg $0x60  }
0x27: {  	[dreg:$0x2] =	wrdreg s2  }
0x28: {  	[dreg:$0x3] =	wrdreg s20  }
0x29: {  	[dreg:$0x4] =	wrdreg $0x9  }
0x2a: {  	_ =	task.clear_ibuf [dreg:s8], $0x5FFFF;
	_ =	strace $0x90000046  }
0x2b: {  	s29 =	simm.s32 $0x9;
	_ =	strace $0x80000048  }
0x2c: {  	_ =	swait.ge [sflag:s29], $0x1  }
0x2d: {  	[sflag:s29] =	ssyncadd.s32 $0xFFFFFFFF  }
0x2e: {  	_ =	strace $0x90000048  }
0x2f: {  	_ =	sfence  }
0x30: {  	s30 =	sld [smem:$0x0];
	_ =	sdelay $0x2  }
0x31: {  	s31 =	sshll.u32 s1, $0xD;
	s1 =	sshrl.u32 s1, $0x2  }
0x32: {  	s3 =	sand.u32 $0x4000, s31;
	s1 =	sadd.s32 s1, s30  }
0x33: {  	s0 =	sor.u32 s3, s0;
	s1 =	sshll.u32 s1, $0x11  }
0x34: {  	s0 =	sor.u32 s1, s0  }
0x35: {  	s0 =	sadd.s32 $0x8F2B, s0  }
0x36: {  	[sflag:s0] =	ssyncadd.remote.s32 $0x1  }
0x37: {  	_ =	sfence.sel $0xFFFF  }
0x38: {  	[dreg:$0x0] =	wrdreg $0xFFFFFFFF;
	(pc) =	sbr.abs _section_cstart, $3  }
0x39: {  	[dreg:$0x1] =	wrdreg $0xFFFFFFFF  }
0x3a: {  	_ =	task.clear_ibuf [dreg:s8], $0x2FFFF;
	_ =	strace $0x9FFFFFFF  }
0x3b: {  	(tm) =	ssettm $0x7FFFFFFF  }
tec
execute0_lowered:
.L_overlay_start_1:
0x0: {  	(tag) =	ssettag $0x1  }
0x1: {  	s2 =	rddreg [dreg:$0x0]  }
0x2: {  	s3 =	rddreg [dreg:$0x1]  }
0x3: {  	s0 =	rddreg [dreg:$0x2]  }
0x4: {  	s1 =	srdreg.scid;
	_ =	strace $0x80000047;
	s7 =	simm.s32 $0x2  }
0x5: {  	s15 =	simm.s32 $0x0;
	p0 =	por $0x0, $0x0;
	s13 =	simm.s32 $0x0  }
0x6: {  	s16 =	simm.s32 $0x0;
	s14 =	simm.s32 $0x0;
	s9 =	simm.s32 $0x0  }
.Ltmp0:
0x7: {  	s10 =	simm.s32 $0x0;
	s4 =	sshll.u32 s1, $0x4;
	(pc) =	sbr.rel .LBB1_1-.Ltmp0, $4  }
0x8: {  	s1 =	stileid.u32;
	s5 =	sand.u32 $0x10, s4;
	s4 =	simm.s32 $0x1  }
0x9: {  	s8 =	simm.s32 $0x0;
	s6 =	sor.u32 s1, s5;
	[sflag:s4] =	ssyncpa.u1 $0x0  }
0xa: {  	s5 =	sand.u32 $0x3, s1;
	s6 =	sshrl.u32 s6, $0x2;
	[sflag:s7] =	ssyncpa.u1 $0x0  }
0xb: {  	s7 =	simm.s32 $0xC00;
	s12 =	smov.u32 s5;
	s11 =	smov.u32 s6  }
.LBB1_5:
0xc: {  	s17 =	sadd.s32 $0x80, s9  }
0xd: {  	s13 =	sadd.s32 $0x80, s10;
	s18 =	smov.u32 s10;
	p2 =	sgt.s32 s17, $0x17F  }
0xe: {  	s18 =	smov.u32 @p2 s13  }
0xf: {  	s19 =	smov.u32 s11;
	s13 =	sadd.s32 $0x8, s11;
	p3 =	sgt.s32 s18, $0x17F  }
0x10: {  	s19 =	smov.u32 @p3 s13  }
0x11: {  	s20 =	smov.u32 s12;
	s13 =	sadd.s32 $0x4, s12;
	p4 =	sgt.s32 s19, $0x7  }
0x12: {  	p1 =	slt.u32 s8, $0x2;
	s20 =	smov.u32 @p4 s13  }
0x13: {  	s8 =	sadd.s32 $0x1, s8;
	s17 =	simm.s32 @p2 $0x0;
	p2 =	sgt.s32 s20, $0x17  }
0x14: {  	s15 =	smov.u32 s9;
	s20 =	smov.u32 @p2 s5;
	p2 =	sne.s32 s8, $0x38  }
.Ltmp1:
0x15: {  	s16 =	smov.u32 s11;
	s21 =	simm.s32 @!p1 $0x2;
	(pc) =	sbr.rel @!p2 .LBB1_6-.Ltmp1, $4  }
0x16: {  	s14 =	smov.u32 s12;
	p0 =	por !p0, !p0;
	_ =	swait.ge @!p1 [sflag:s21], $0x4000  }
0x17: {  	[sflag:s21] =	ssyncset.done @!p1 $0x0;
	s9 =	smov.u32 s17;
	s18 =	simm.s32 @p3 $0x0  }
0x18: {  	[sflag:s21] =	ssyncadd.s32 @!p1 $0xFFFFC000;
	s19 =	smov.u32 @p4 s6;
	s13 =	smov.u32 s10  }
0x19: {  	s10 =	smov.u32 s18;
	s11 =	smov.u32 s19;
	s12 =	smov.u32 s20  }
.LBB1_1:
0x1a: {  	p1 =	sgt.u32 s8, $0x35  }
0x1b: {  	s17 =	sshrl.u32 @!p1 s10, $0x3  }
0x1c: {  	s18 =	sshll.u32 @!p1 s9, $0x3;
	s17 =	smul.u32 @!p1 $0xC00, s17  }
0x1d: {  	s19 =	sshll.u32 @!p1 s10, $0x7;
	s18 =	sand.u32 @!p1 $0xFFFFFC00, s18  }
0x1e: {  	s17 =	sadd.s32 @!p1 s17, s18;
	s18 =	sand.u32 @!p1 $0x380, s19  }
0x1f: {  	s19 =	sand.u32 @!p1 $0x7F, s9;
	s17 =	sor.u32 @!p1 s18, s17  }
0x20: {  	s18 =	sor.u32 @!p1 s19, s17;
	s17 =	smulhi.u32 @!p1 $0xAAAAAAAB, s17;
	_ =	sdelay $0x1  }
0x21: {  	s19 =	smulhi.u32 @!p1 $0xAAAAAAAB, s18;
	s17 =	sshrl.u32 @!p1 s17, $0x8  }
0x22: {  	s20 =	smulhi.u32 @!p1 $0xAAAAAB, s17  }
0x23: {  	s22 =	smul.u32 @!p1 $0x24000, s12  }
0x24: {  	s19 =	sshrl.u32 @!p1 s19, $0x8;
	s20 =	smul.u32 @!p1 $0x180, s20  }
0x25: {  	s21 =	sxor.u32 @!p1 $0xFFFFFFFF, s8;
	s19 =	smul.u32 @!p1 $0x180, s19  }
0x26: {  	s21 =	sshll.u32 @!p1 s21, $0xE;
	s17 =	ssub.s32 @!p1 s17, s20;
	s20 =	smul.u32 @!p1 $0x4800, s11  }
0x27: {  	s18 =	ssub.s32 @!p1 s18, s19;
	s19 =	sadd.s32 @!p1 s2, s22;
	s17 =	smul.u32 @!p1 $0x30, s17  }
0x28: {  	s21 =	sand.u32 @!p1 $0x4000, s21;
	s19 =	sadd.s32 @!p1 s20, s19;
	s20 =	sand.u32 @!p1 $0x7, s18  }
0x29: {  	s18 =	sshrl.u32 @!p1 s18, $0x3;
	s17 =	sadd.s32 @!p1 s17, s19;
	s19 =	sshll.u32 @!p1 s20, $0x12  }
0x2a: {  	s17 =	sadd.s32 @!p1 s18, s17;
	s18 =	sor.u32 @!p1 $0x400, s19;
	s19 =	simm.s32 @!p1 $0xC00  }
0x2b: {  	[tilespmem:s21], [sflag:$0x1] =	stream.strided.gather @!p1 [hbm4b:s17+s18], $0x4000, s19, s18, $0x38;
	[tilespmem:$0x10000] =	vst v63  }
0x2c: {  	p1 =	seq.s32 s8, $0x0  }
0x2d: {  	p2 =	seq.s32 @!p1 s8, $0x37  }
0x2e: {  	p1 =	por p1, p2  }
.Ltmp2:
0x2f: {  	_ = 	snop;
	(pc) =	sbr.rel @p1 .LBB1_5-.Ltmp2, $1  }
0x30: {  	_ =	sdelay $0x3  }
0x31: {  	s17 =	simm.s32 $0x1  }
0x32: {  	s17 =	simm.s32 @!p0 $0x0  }
0x33: {  	s17 =	sshll.u32 s17, $0xE  }
0x34: {  	s18 =	sor.u32 $0x40, s17  }
0x35: {  	v1 =	vmov s18;
	_ =	sdelay $0x1  }
0x36: {  	_ =	swait.ge [sflag:s4], $0x4000  }
0x37: {  	[sflag:s4] =	ssyncset.done $0x0  }
0x38: {  	s19 =	simm.s32 $0x0;
	[sflag:s4] =	ssyncadd.s32 $0xFFFFC000  }
0x39: {  	s17 =	sor.u32 $0x8070, s17;
	v6 =	vld.idx.msk [tilespmem:v1+s19+$0x30 ss:$0x1], $0xffff  }
0x3a: {  	v0 =	vmov s17;
	v8 =	vld.idx.msk [tilespmem:v1+s19+$0xFFFFFFC0 ss:$0x1], $0xffff  }
0x3b: {  	v7 =	vld.idx.msk [tilespmem:v1+s19+$0xFFFFFFD0 ss:$0x1], $0xffff  }
0x3c: {  	v5 =	vld.idx.msk [tilespmem:v1+s19+$0xFFFFFFE0 ss:$0x1], $0xffff  }
0x3d: {  	v4 =	vld.idx.msk [tilespmem:v1+s19+$0xFFFFFFF0 ss:$0x1], $0xffff  }
0x3e: {  	s31 =	sshll.u32 s8, $0xE;
	v2 =	vld.idx.msk [tilespmem:v1+s19+$0x0 ss:$0x1], $0xffff  }
0x3f: {  	s17 =	sand.u32 $0x4000, s31;
	v3 =	vld.idx.msk [tilespmem:v1+s19+$0x10 ss:$0x1], $0xffff;
	[tilespmem:v0+s19+$0x0 ss:$0x1] =	vst.idx.msk $0xffff, v6  }
0x40: {  	s20 =	simm.s32 $0x400;
	s18 =	simm.s32 $0x80;
	s17 =	sor.u32 $0x8000, s17;
	[tilespmem:v0+s19+$0xFFFFFF90 ss:$0x1] =	vst.idx.msk $0xffff, v8;
	v6 =	vld.idx.msk [tilespmem:v1+s19+$0x20 ss:$0x1], $0xffff  }
.LBB1_3:
0x41: {  	p1 =	sne.s32 s20, $0xFE00;
	v8 =	vld.idx.msk [tilespmem:v1+s18+$0x30 ss:$0x1], $0xffff;
	[tilespmem:v0+s19+$0xFFFFFFA0 ss:$0x1] =	vst.idx.msk $0xffff, v7  }
0x42: {  	v9 =	vld.idx.msk [tilespmem:v1+s18+$0xFFFFFFC0 ss:$0x1], $0xffff;
	[tilespmem:v0+s19+$0xFFFFFFB0 ss:$0x1] =	vst.idx.msk $0xffff, v5  }
0x43: {  	v7 =	vld.idx.msk [tilespmem:v1+s18+$0xFFFFFFD0 ss:$0x1], $0xffff;
	[tilespmem:v0+s19+$0xFFFFFFC0 ss:$0x1] =	vst.idx.msk $0xffff, v4  }
.Ltmp3:
0x44: {  	v5 =	vld.idx.msk [tilespmem:v1+s18+$0xFFFFFFE0 ss:$0x1], $0xffff;
	[tilespmem:v0+s19+$0xFFFFFFD0 ss:$0x1] =	vst.idx.msk $0xffff, v2;
	(pc) =	sbr.rel @p1 .LBB1_3-.Ltmp3, $4  }
0x45: {  	v4 =	vld.idx.msk [tilespmem:v1+s18+$0xFFFFFFF0 ss:$0x1], $0xffff;
	[tilespmem:v0+s19+$0xFFFFFFE0 ss:$0x1] =	vst.idx.msk $0xffff, v3  }
0x46: {  	v2 =	vld.idx.msk [tilespmem:v1+s18+$0x0 ss:$0x1], $0xffff;
	[tilespmem:v0+s19+$0xFFFFFFF0 ss:$0x1] =	vst.idx.msk $0xffff, v6;
	s19 =	smov.u32 s18  }
0x47: {  	v3 =	vld.idx.msk [tilespmem:v1+s19+$0x10 ss:$0x1], $0xffff;
	[tilespmem:v0+s19+$0x0 ss:$0x1] =	vst.idx.msk $0xffff, v8  }
0x48: {  	s18 =	sshra.s32 s20, $0x2;
	s20 =	sadd.s32 $0x200, s20;
	[tilespmem:v0+s19+$0xFFFFFF90 ss:$0x1] =	vst.idx.msk $0xffff, v9;
	v6 =	vld.idx.msk [tilespmem:v1+s19+$0x20 ss:$0x1], $0xffff  }
0x49: {  	_ =	sdelay $0x2  }
0x4a: {  	s20 =	sshrl.u32 s16, $0x3  }
0x4b: {  	s21 =	sshll.u32 s15, $0x3;
	[tilespmem:v0+s19+$0xFFFFFFA0 ss:$0x1] =	vst.idx.msk $0xffff, v7;
	s20 =	smul.u32 $0xC00, s20  }
0x4c: {  	s27 =	sshll.u32 s16, $0x7;
	v56 =	vld.idx.msk [tilespmem:v1+s18+$0x30 ss:$0x1], $0xffff;
	[tilespmem:v0+s19+$0xFFFFFFB0 ss:$0x1] =	vst.idx.msk $0xffff, v5;
	s21 =	sand.u32 $0xFFFFFC00, s21  }
0x4d: {  	v57 =	vld.idx.msk [tilespmem:v1+s18+$0xFFFFFFC0 ss:$0x1], $0xffff;
	s16 =	sand.u32 $0x380, s27;
	[tilespmem:v0+s19+$0xFFFFFFC0 ss:$0x1] =	vst.idx.msk $0xffff, v4;
	s20 =	sadd.s32 s20, s21  }
0x4e: {  	s28 =	sand.u32 $0x7F, s15;
	v58 =	vld.idx.msk [tilespmem:v1+s18+$0xFFFFFFD0 ss:$0x1], $0xffff;
	[tilespmem:v0+s19+$0xFFFFFFD0 ss:$0x1] =	vst.idx.msk $0xffff, v2;
	s16 =	sor.u32 s16, s20  }
0x4f: {  	v59 =	vld.idx.msk [tilespmem:v1+s18+$0xFFFFFFE0 ss:$0x1], $0xffff;
	[tilespmem:v0+s19+$0xFFFFFFE0 ss:$0x1] =	vst.idx.msk $0xffff, v3;
	s15 =	sor.u32 s28, s16;
	s16 =	smulhi.u32 $0xAAAAAAAB, s16  }
0x50: {  	v60 =	vld.idx.msk [tilespmem:v1+s18+$0xFFFFFFF0 ss:$0x1], $0xffff;
	[tilespmem:v0+s19+$0xFFFFFFF0 ss:$0x1] =	vst.idx.msk $0xffff, v6;
	s29 =	smulhi.u32 $0xAAAAAAAB, s15  }
0x51: {  	v61 =	vld.idx.msk [tilespmem:v1+s18+$0x0 ss:$0x1], $0xffff;
	s14 =	smul.u32 $0x24000, s14;
	[tilespmem:v0+s18+$0x0 ss:$0x1] =	vst.idx.msk $0xffff, v56  }
0x52: {  	v62 =	vld.idx.msk [tilespmem:v1+s18+$0x10 ss:$0x1], $0xffff;
	s13 =	smul.u32 $0x180, s13;
	[tilespmem:v0+s18+$0xFFFFFF90 ss:$0x1] =	vst.idx.msk $0xffff, v57;
	s16 =	sshrl.u32 s16, $0x8;
	s30 =	sshrl.u32 s29, $0x8  }
0x53: {  	v63 =	vld.idx.msk [tilespmem:v1+s18+$0x20 ss:$0x1], $0xffff;
	[tilespmem:v0+s18+$0xFFFFFFA0 ss:$0x1] =	vst.idx.msk $0xffff, v58;
	s16 =	sand.u32 $0x7, s16;
	s19 =	smul.u32 $0x180, s30  }
0x54: {  	[tilespmem:v0+s18+$0xFFFFFFB0 ss:$0x1] =	vst.idx.msk $0xffff, v59;
	s16 =	smul.u32 $0x30, s16  }
.Ltmp4:
0x55: {  	s14 =	sadd.s32 s3, s14;
	[tilespmem:v0+s18+$0xFFFFFFC0 ss:$0x1] =	vst.idx.msk $0xffff, v60;
	s15 =	ssub.s32 s15, s19;
	(pc) =	sbr.rel .LBB1_5-.Ltmp4, $4  }
0x56: {  	s13 =	sadd.s32 s13, s14;
	[tilespmem:v0+s18+$0xFFFFFFD0 ss:$0x1] =	vst.idx.msk $0xffff, v61;
	s31 =	sand.u32 $0x7, s15  }
0x57: {  	[tilespmem:v0+s18+$0xFFFFFFE0 ss:$0x1] =	vst.idx.msk $0xffff, v62;
	s13 =	sadd.s32 s16, s13;
	s15 =	sshrl.u32 s15, $0x3;
	s14 =	sshll.u32 s31, $0x12  }
0x58: {  	[tilespmem:v0+s18+$0xFFFFFFF0 ss:$0x1] =	vst.idx.msk $0xffff, v63;
	s13 =	sadd.s32 s15, s13;
	s14 =	sor.u32 $0x80, s14  }
0x59: {  	[hbm4b:s13+s14] =	stream.strided.scatter [tilespmem:s17], [sflag:$0x2], $0x4000, s7, s14, $0x38;
	[tilespmem:$0x10000] =	vst v63  }
.LBB1_6:
0x5a: {  	_ =	sfence.sel $0x180000  }
0x5b: {  	s2 =	simm.s32 $0x1;
	[bflag:$0x0] =	sbarrier.arrive $0xFFFF  }
0x5c: {  	s31 =	simm.s32 $0x2;
	[sflag:s2] =	ssyncpa.u1 $0x1  }
0x5d: {  	[sflag:s31] =	ssyncpa.u1 $0x1  }
0x5e: {  	p0 =	sne.s32 s1, $0x0;
	_ =	strace $0x90000047  }
0x5f: {  	s0 =	sadd.s32 @!p0 $0x100000, s0;
	[bflag:$0x2] =	sbarrier.arrive $0xFFFF  }
0x60: {  	[sflag:s0] =	ssyncadd.tile.s32 @!p0 $0x1;
	_ =	shalt  }
.Lfunc_end1:
_tile_overlayer_lowered:
.L_overlay_start_2:
0x61: {  	(tag) =	ssettag $0x2  }
0x62: {  	s0 =	rddreg [dreg:$0x0];
	s2 =	stileid.u32  }
0x63: {  	s1 =	rddreg [dreg:$0x1];
	p0 =	sne.s32 s2, $0x0  }
0x64: {  	s3 =	rddreg [dreg:$0x2];
	[bflag:$0x3] =	sbarrier.arrive $0xFFFF;
	s2 =	simm.s32 @!p0 $0x1C01  }
0x65: {  	[timem:s3], [sflag:s2] =	dma.local @!p0 [hbm:s0], s1  }
0x66: {  	s0 =	simm.s32 @!p0 $0x1  }
0x67: {  	_ =	swait.ge @!p0 [sflag:s0], s1  }
0x68: {  	s1 =	ssub.s32 @!p0 $0x0, s1;
	[sflag:s0] =	ssyncset.done @!p0 $0x0  }
0x69: {  	[sflag:s0] =	ssyncadd.s32 @!p0 s1  }
0x6a: {  	[bflag:$0x3] =	sbarrier.arrive $0xFFFF  }
0x6b: {  	_ =	shalt  }

// kernel: sparse-core-data-format-call.cloned.1.call-start
scs
called_computation_lowered:
.L_overlay_start_0:
0x0: {  	s2 =	sld [smem:$0x3FD9]  }
0x1: {  	s3 =	sld [smem:$0x3FFE];
	_ =	sdelay $0x1  }
0x2: {  	s1 =	srdreg.scid  }
0x3: {  	s0 =	sand.u32 $0x1, s1  }
0x4: {  	s18 =	sshll.u32 s0, $0xA;
	s2 =	sadd.s32 s3, s2  }
0x5: {  	s2 =	sadd.s32 s2, s18  }
0x6: {  	[smem:$0x3FC3] =	sst s2  }
0x7: {  	_ = 	snop  }
0x8: {  	s2 =	sld [smem:$0x3FD0];
	(tm) =	ssettm $0x1  }
0x9: {  	s19 =	sld [smem:$0x3FFB];
	_ =	sdelay $0x3  }
0xa: {  	_ =	strace s19  }
0xb: {  	s3 =	sld [smem:$0x3FFC];
	_ =	sdelay $0x3  }
0xc: {  	_ =	strace s3  }
0xd: {  	s3 =	sld [smem:$0x3FFD];
	_ =	sdelay $0x3  }
0xe: {  	_ =	strace s3  }
0xf: {  	_ =	strace $0x8FFFFFFF  }
0x10: {  	s20 =	sld [smem:$0x3FDB];
	_ =	sdelay $0x1  }
0x11: {  	s4 =	simm.s32 $_scs_section_size  }
0x12: {  	s5 =	simm.s32 $_size__tile_overlayer_lowered;
	s6 =	simm.s32 $_tile_overlayer_lowered  }
0x13: {  	s23 =	simm.s32 $0x1BFF;
	s22 =	sshll.u32 s6, $0x1;
	s3 =	sadd.s32 s4, s20  }
0x14: {  	s7 =	simm.s32 $0x0;
	s21 =	sshll.u32 s5, $0x1;
	s5 =	sadd.s32 s22, s3  }
0x15: {  	[timem:s7], [sflag:s23] =	dma.local [hbm:s5], s21  }
0x16: {  	_ =	swait.ge [sflag:s23], s21  }
0x17: {  	s4 =	ssub.s32 $0x0, s21;
	[sflag:s23] =	ssyncset.done $0x0  }
0x18: {  	[sflag:s23] =	ssyncadd.s32 s4;
	_ =	sdelay $0x1  }
0x19: {  	s24 =	simm.s32 $0x1B8B  }
0x1a: {  	_ =	swait.ge [sflag:s24], $0x1  }
0x1b: {  	[sflag:s24] =	ssyncset.done $0x0  }
0x1c: {  	s26 =	simm.s32 $0x1B8E;
	s25 =	sld [smem:$0x3FFE];
	[sflag:s24] =	ssyncadd.s32 $0xFFFFFFFF  }
0x1d: {  	s27 =	simm.s32 $execute0_lowered;
	[smem:$0x3FD2] =	sst s26  }
0x1e: {  	s5 =	sshll.u32 s27, $0x1;
	_ =	strace $0x8000004C;
	[dreg:$0x1] =	wrdreg $0xFFFFFFFF  }
0x1f: {  	s28 =	simm.s32 $_size_execute0_lowered;
	s3 =	sadd.s32 s3, s5;
	[dreg:$0x0] =	wrdreg $0x0  }
0x20: {  	s5 =	sshll.u32 s28, $0x1;
	[dreg:$0x2] =	wrdreg s3  }
0x21: {  	[dreg:$0x3] =	wrdreg s5  }
0x22: {  	[dreg:$0x4] =	wrdreg $0xC0  }
0x23: {  	_ =	task [dreg:s7], $0x5FFFF  }
0x24: {  	[dreg:$0x1] =	wrdreg $0xFFFFFFFF  }
0x25: {  	[dreg:$0x0] =	wrdreg $0x60  }
0x26: {  	[dreg:$0x2] =	wrdreg s25  }
0x27: {  	[dreg:$0x3] =	wrdreg s2  }
0x28: {  	[dreg:$0x4] =	wrdreg $0x9  }
0x29: {  	_ =	task.clear_ibuf [dreg:s7], $0x5FFFF;
	_ =	strace $0x9000004C  }
0x2a: {  	s29 =	simm.s32 $0x9;
	_ =	strace $0x8000004E  }
0x2b: {  	_ =	swait.ge [sflag:s29], $0x1  }
0x2c: {  	[sflag:s29] =	ssyncadd.s32 $0xFFFFFFFF  }
0x2d: {  	_ =	strace $0x9000004E  }
0x2e: {  	_ =	sfence  }
0x2f: {  	s30 =	sld [smem:$0x0];
	_ =	sdelay $0x2  }
0x30: {  	s31 =	sshll.u32 s1, $0xD;
	s1 =	sshrl.u32 s1, $0x2  }
0x31: {  	s3 =	sand.u32 $0x4000, s31;
	s1 =	sadd.s32 s1, s30  }
0x32: {  	s0 =	sor.u32 s3, s0;
	s1 =	sshll.u32 s1, $0x11  }
0x33: {  	s0 =	sor.u32 s1, s0  }
0x34: {  	s0 =	sadd.s32 $0x8F2B, s0  }
0x35: {  	[sflag:s0] =	ssyncadd.remote.s32 $0x1  }
0x36: {  	_ =	sfence.sel $0xFFFF  }
0x37: {  	[dreg:$0x0] =	wrdreg $0xFFFFFFFF;
	(pc) =	sbr.abs _section_cstart, $3  }
0x38: {  	[dreg:$0x1] =	wrdreg $0xFFFFFFFF  }
0x39: {  	_ =	task.clear_ibuf [dreg:s7], $0x2FFFF;
	_ =	strace $0x9FFFFFFF  }
0x3a: {  	(tm) =	ssettm $0x7FFFFFFF  }
0x3b: {  	_ =	shalt  }
tec
execute0_lowered:
.L_overlay_start_1:
0x0: {  	(tag) =	ssettag $0x1  }
0x1: {  	s1 =	rddreg [dreg:$0x0]  }
0x2: {  	s2 =	rddreg [dreg:$0x1]  }
0x3: {  	s0 =	rddreg [dreg:$0x2];
	s4 =	srdreg.scid  }
0x4: {  	_ =	strace $0x8000004D;
	s7 =	simm.s32 $0x2;
	s15 =	simm.s32 $0x0  }
0x5: {  	p0 =	por $0x0, $0x0;
	s13 =	simm.s32 $0x0;
	s16 =	simm.s32 $0x0  }
0x6: {  	s14 =	simm.s32 $0x0;
	s9 =	simm.s32 $0x0;
	s11 =	simm.s32 $0x0  }
.Ltmp0:
0x7: {  	s3 =	sadd.s32 $0x1A00, s1;
	s4 =	sshll.u32 s4, $0x4;
	(pc) =	sbr.rel .LBB1_1-.Ltmp0, $4  }
0x8: {  	s1 =	stileid.u32;
	s5 =	sand.u32 $0x10, s4;
	s4 =	simm.s32 $0x1  }
0x9: {  	s8 =	simm.s32 $0x0;
	s6 =	sor.u32 s1, s5;
	[sflag:s4] =	ssyncpa.u1 $0x0  }
0xa: {  	s5 =	sand.u32 $0x3, s1;
	s6 =	sshrl.u32 s6, $0x2;
	[sflag:s7] =	ssyncpa.u1 $0x0  }
0xb: {  	s7 =	simm.s32 $0xC00;
	s12 =	smov.u32 s5;
	s10 =	smov.u32 s6  }
.LBB1_5:
0xc: {  	s17 =	sadd.s32 $0x80, s9  }
0xd: {  	s13 =	sadd.s32 $0x8, s10;
	s18 =	smov.u32 s10;
	p2 =	sgt.s32 s17, $0x17F  }
0xe: {  	s18 =	smov.u32 @p2 s13  }
0xf: {  	s19 =	smov.u32 s11;
	s13 =	sadd.s32 $0x80, s11;
	p3 =	sgt.s32 s18, $0x7  }
0x10: {  	s19 =	smov.u32 @p3 s13  }
0x11: {  	s20 =	smov.u32 s12;
	s13 =	sadd.s32 $0x4, s12;
	p4 =	sgt.s32 s19, $0x17F  }
0x12: {  	p1 =	slt.u32 s8, $0x2;
	s20 =	smov.u32 @p4 s13  }
0x13: {  	s8 =	sadd.s32 $0x1, s8;
	s17 =	simm.s32 @p2 $0x0;
	p2 =	sgt.s32 s20, $0x17  }
0x14: {  	s15 =	smov.u32 s9;
	s20 =	smov.u32 @p2 s5;
	p2 =	sne.s32 s8, $0x38  }
.Ltmp1:
0x15: {  	s16 =	smov.u32 s11;
	s21 =	simm.s32 @!p1 $0x2;
	(pc) =	sbr.rel @!p2 .LBB1_6-.Ltmp1, $4  }
0x16: {  	s14 =	smov.u32 s12;
	p0 =	por !p0, !p0;
	_ =	swait.ge @!p1 [sflag:s21], $0x4000  }
0x17: {  	[sflag:s21] =	ssyncset.done @!p1 $0x0;
	s9 =	smov.u32 s17;
	s18 =	smov.u32 @p3 s6  }
0x18: {  	[sflag:s21] =	ssyncadd.s32 @!p1 $0xFFFFC000;
	s19 =	simm.s32 @p4 $0x0;
	s13 =	smov.u32 s10  }
0x19: {  	s10 =	smov.u32 s18;
	s11 =	smov.u32 s19;
	s12 =	smov.u32 s20  }
.LBB1_1:
0x1a: {  	p1 =	sgt.u32 s8, $0x35  }
0x1b: {  	s17 =	sshrl.u32 @!p1 s10, $0x3  }
0x1c: {  	s18 =	sshll.u32 @!p1 s9, $0x3;
	s17 =	smul.u32 @!p1 $0xC00, s17  }
0x1d: {  	s19 =	sshll.u32 @!p1 s10, $0x7;
	s18 =	sand.u32 @!p1 $0xFFFFFC00, s18  }
0x1e: {  	s17 =	sadd.s32 @!p1 s17, s18;
	s18 =	sand.u32 @!p1 $0x380, s19  }
0x1f: {  	s19 =	sand.u32 @!p1 $0x7F, s9;
	s17 =	sor.u32 @!p1 s18, s17  }
0x20: {  	s18 =	sor.u32 @!p1 s19, s17  }
0x21: {  	s19 =	smulhi.u32 @!p1 $0xAAAAAAAB, s18  }
0x22: {  	s17 =	smulhi.u32 @!p1 $0xAAAAAAAB, s17  }
0x23: {  	s21 =	smul.u32 @!p1 $0x24000, s12;
	s19 =	sshrl.u32 @!p1 s19, $0x8  }
0x24: {  	s20 =	sxor.u32 @!p1 $0xFFFFFFFF, s8;
	s17 =	sshrl.u32 @!p1 s17, $0x8;
	s19 =	smul.u32 @!p1 $0x180, s19  }
0x25: {  	s22 =	smul.u32 @!p1 $0x180, s11;
	s20 =	sshll.u32 @!p1 s20, $0xE;
	s17 =	sand.u32 @!p1 $0x7, s17  }
0x26: {  	s17 =	smul.u32 @!p1 $0x30, s17;
	s18 =	ssub.s32 @!p1 s18, s19;
	s19 =	sadd.s32 @!p1 s3, s21  }
0x27: {  	s20 =	sand.u32 @!p1 $0x4000, s20;
	s19 =	sadd.s32 @!p1 s22, s19;
	s21 =	sand.u32 @!p1 $0x7, s18  }
0x28: {  	s18 =	sshrl.u32 @!p1 s18, $0x3;
	s17 =	sadd.s32 @!p1 s17, s19;
	s19 =	sshll.u32 @!p1 s21, $0x12  }
0x29: {  	s17 =	sadd.s32 @!p1 s18, s17;
	s18 =	sor.u32 @!p1 $0x80, s19;
	s19 =	simm.s32 @!p1 $0xC00  }
0x2a: {  	[tilespmem:s20], [sflag:$0x1] =	stream.strided.gather @!p1 [hbm4b:s17+s18], $0x4000, s19, s18, $0x38;
	[tilespmem:$0x10000] =	vst v63  }
0x2b: {  	p1 =	seq.s32 s8, $0x0  }
0x2c: {  	p2 =	seq.s32 @!p1 s8, $0x37  }
0x2d: {  	p1 =	por p1, p2  }
.Ltmp2:
0x2e: {  	_ = 	snop;
	(pc) =	sbr.rel @p1 .LBB1_5-.Ltmp2, $1  }
0x2f: {  	_ =	sdelay $0x3  }
0x30: {  	s17 =	simm.s32 $0x1  }
0x31: {  	s17 =	simm.s32 @!p0 $0x0  }
0x32: {  	s17 =	sshll.u32 s17, $0xE  }
0x33: {  	s18 =	sor.u32 $0x70, s17  }
0x34: {  	v1 =	vmov s18;
	_ =	sdelay $0x1  }
0x35: {  	_ =	swait.ge [sflag:s4], $0x4000  }
0x36: {  	[sflag:s4] =	ssyncset.done $0x0  }
0x37: {  	s19 =	simm.s32 $0x0;
	[sflag:s4] =	ssyncadd.s32 $0xFFFFC000  }
0x38: {  	s17 =	sor.u32 $0x8040, s17;
	v6 =	vld.idx.msk [tilespmem:v1+s19+$0x0 ss:$0x1], $0xffff  }
0x39: {  	v0 =	vmov s17;
	v8 =	vld.idx.msk [tilespmem:v1+s19+$0xFFFFFF90 ss:$0x1], $0xffff  }
0x3a: {  	v7 =	vld.idx.msk [tilespmem:v1+s19+$0xFFFFFFA0 ss:$0x1], $0xffff  }
0x3b: {  	v5 =	vld.idx.msk [tilespmem:v1+s19+$0xFFFFFFB0 ss:$0x1], $0xffff  }
0x3c: {  	v4 =	vld.idx.msk [tilespmem:v1+s19+$0xFFFFFFC0 ss:$0x1], $0xffff  }
0x3d: {  	s31 =	sshll.u32 s8, $0xE;
	v2 =	vld.idx.msk [tilespmem:v1+s19+$0xFFFFFFD0 ss:$0x1], $0xffff  }
0x3e: {  	s17 =	sand.u32 $0x4000, s31;
	v3 =	vld.idx.msk [tilespmem:v1+s19+$0xFFFFFFE0 ss:$0x1], $0xffff;
	[tilespmem:v0+s19+$0x30 ss:$0x1] =	vst.idx.msk $0xffff, v6  }
0x3f: {  	s20 =	simm.s32 $0x400;
	s18 =	simm.s32 $0x80;
	s17 =	sor.u32 $0x8000, s17;
	[tilespmem:v0+s19+$0xFFFFFFC0 ss:$0x1] =	vst.idx.msk $0xffff, v8;
	v6 =	vld.idx.msk [tilespmem:v1+s19+$0xFFFFFFF0 ss:$0x1], $0xffff  }
.LBB1_3:
0x40: {  	p1 =	sne.s32 s20, $0xFE00;
	v8 =	vld.idx.msk [tilespmem:v1+s18+$0x0 ss:$0x1], $0xffff;
	[tilespmem:v0+s19+$0xFFFFFFD0 ss:$0x1] =	vst.idx.msk $0xffff, v7  }
0x41: {  	v9 =	vld.idx.msk [tilespmem:v1+s18+$0xFFFFFF90 ss:$0x1], $0xffff;
	[tilespmem:v0+s19+$0xFFFFFFE0 ss:$0x1] =	vst.idx.msk $0xffff, v5  }
0x42: {  	v7 =	vld.idx.msk [tilespmem:v1+s18+$0xFFFFFFA0 ss:$0x1], $0xffff;
	[tilespmem:v0+s19+$0xFFFFFFF0 ss:$0x1] =	vst.idx.msk $0xffff, v4  }
.Ltmp3:
0x43: {  	v5 =	vld.idx.msk [tilespmem:v1+s18+$0xFFFFFFB0 ss:$0x1], $0xffff;
	[tilespmem:v0+s19+$0x0 ss:$0x1] =	vst.idx.msk $0xffff, v2;
	(pc) =	sbr.rel @p1 .LBB1_3-.Ltmp3, $4  }
0x44: {  	v4 =	vld.idx.msk [tilespmem:v1+s18+$0xFFFFFFC0 ss:$0x1], $0xffff;
	[tilespmem:v0+s19+$0x10 ss:$0x1] =	vst.idx.msk $0xffff, v3  }
0x45: {  	v2 =	vld.idx.msk [tilespmem:v1+s18+$0xFFFFFFD0 ss:$0x1], $0xffff;
	[tilespmem:v0+s19+$0x20 ss:$0x1] =	vst.idx.msk $0xffff, v6;
	s19 =	smov.u32 s18  }
0x46: {  	v3 =	vld.idx.msk [tilespmem:v1+s19+$0xFFFFFFE0 ss:$0x1], $0xffff;
	[tilespmem:v0+s19+$0x30 ss:$0x1] =	vst.idx.msk $0xffff, v8  }
0x47: {  	s18 =	sshra.s32 s20, $0x2;
	s20 =	sadd.s32 $0x200, s20;
	[tilespmem:v0+s19+$0xFFFFFFC0 ss:$0x1] =	vst.idx.msk $0xffff, v9;
	v6 =	vld.idx.msk [tilespmem:v1+s19+$0xFFFFFFF0 ss:$0x1], $0xffff  }
0x48: {  	s20 =	sshrl.u32 s16, $0x3  }
0x49: {  	s21 =	sshll.u32 s15, $0x3;
	s20 =	smul.u32 $0xC00, s20  }
0x4a: {  	s26 =	sshll.u32 s16, $0x7;
	s21 =	sand.u32 $0xFFFFFC00, s21  }
0x4b: {  	s16 =	sand.u32 $0x380, s26;
	s20 =	sadd.s32 s20, s21  }
0x4c: {  	[tilespmem:v0+s19+$0xFFFFFFD0 ss:$0x1] =	vst.idx.msk $0xffff, v7;
	s27 =	sand.u32 $0x7F, s15;
	s16 =	sor.u32 s16, s20  }
0x4d: {  	v56 =	vld.idx.msk [tilespmem:v1+s18+$0x0 ss:$0x1], $0xffff;
	[tilespmem:v0+s19+$0xFFFFFFE0 ss:$0x1] =	vst.idx.msk $0xffff, v5;
	s15 =	sor.u32 s27, s16;
	s16 =	smulhi.u32 $0xAAAAAAAB, s16  }
0x4e: {  	v57 =	vld.idx.msk [tilespmem:v1+s18+$0xFFFFFF90 ss:$0x1], $0xffff;
	[tilespmem:v0+s19+$0xFFFFFFF0 ss:$0x1] =	vst.idx.msk $0xffff, v4  }
0x4f: {  	v58 =	vld.idx.msk [tilespmem:v1+s18+$0xFFFFFFA0 ss:$0x1], $0xffff;
	s14 =	smul.u32 $0x24000, s14;
	[tilespmem:v0+s19+$0x0 ss:$0x1] =	vst.idx.msk $0xffff, v2;
	s16 =	sshrl.u32 s16, $0x8  }
0x50: {  	v59 =	vld.idx.msk [tilespmem:v1+s18+$0xFFFFFFB0 ss:$0x1], $0xffff;
	[tilespmem:v0+s19+$0x10 ss:$0x1] =	vst.idx.msk $0xffff, v3;
	s30 =	smulhi.u32 $0xAAAAAB, s16  }
0x51: {  	v60 =	vld.idx.msk [tilespmem:v1+s18+$0xFFFFFFC0 ss:$0x1], $0xffff;
	[tilespmem:v0+s19+$0x20 ss:$0x1] =	vst.idx.msk $0xffff, v6;
	s28 =	smulhi.u32 $0xAAAAAAAB, s15  }
0x52: {  	v61 =	vld.idx.msk [tilespmem:v1+s18+$0xFFFFFFD0 ss:$0x1], $0xffff;
	[tilespmem:v0+s18+$0x30 ss:$0x1] =	vst.idx.msk $0xffff, v56;
	s20 =	smul.u32 $0x180, s30  }
0x53: {  	v62 =	vld.idx.msk [tilespmem:v1+s18+$0xFFFFFFE0 ss:$0x1], $0xffff;
	s13 =	smul.u32 $0x4800, s13;
	[tilespmem:v0+s18+$0xFFFFFFC0 ss:$0x1] =	vst.idx.msk $0xffff, v57;
	s29 =	sshrl.u32 s28, $0x8  }
0x54: {  	v63 =	vld.idx.msk [tilespmem:v1+s18+$0xFFFFFFF0 ss:$0x1], $0xffff;
	[tilespmem:v0+s18+$0xFFFFFFD0 ss:$0x1] =	vst.idx.msk $0xffff, v58;
	s19 =	smul.u32 $0x180, s29;
	s16 =	ssub.s32 s16, s20  }
0x55: {  	[tilespmem:v0+s18+$0xFFFFFFE0 ss:$0x1] =	vst.idx.msk $0xffff, v59;
	s16 =	smul.u32 $0x30, s16  }
.Ltmp4:
0x56: {  	s14 =	sadd.s32 s2, s14;
	[tilespmem:v0+s18+$0xFFFFFFF0 ss:$0x1] =	vst.idx.msk $0xffff, v60;
	s15 =	ssub.s32 s15, s19;
	(pc) =	sbr.rel .LBB1_5-.Ltmp4, $4  }
0x57: {  	s13 =	sadd.s32 s13, s14;
	[tilespmem:v0+s18+$0x0 ss:$0x1] =	vst.idx.msk $0xffff, v61;
	s31 =	sand.u32 $0x7, s15  }
0x58: {  	[tilespmem:v0+s18+$0x10 ss:$0x1] =	vst.idx.msk $0xffff, v62;
	s15 =	sshrl.u32 s15, $0x3;
	s14 =	sshll.u32 s31, $0x12;
	s13 =	sadd.s32 s16, s13  }
0x59: {  	[tilespmem:v0+s18+$0x20 ss:$0x1] =	vst.idx.msk $0xffff, v63;
	s14 =	sor.u32 $0x400, s14;
	s13 =	sadd.s32 s15, s13  }
0x5a: {  	[hbm4b:s13+s14] =	stream.strided.scatter [tilespmem:s17], [sflag:$0x2], $0x4000, s7, s14, $0x38;
	[tilespmem:$0x10000] =	vst v63  }
.LBB1_6:
0x5b: {  	_ =	sfence.sel $0x180000  }
0x5c: {  	s2 =	simm.s32 $0x1;
	[bflag:$0x0] =	sbarrier.arrive $0xFFFF  }
0x5d: {  	s31 =	simm.s32 $0x2;
	[sflag:s2] =	ssyncpa.u1 $0x1  }
0x5e: {  	[sflag:s31] =	ssyncpa.u1 $0x1  }
0x5f: {  	p0 =	sne.s32 s1, $0x0;
	_ =	strace $0x9000004D  }
0x60: {  	s0 =	sadd.s32 @!p0 $0x100000, s0;
	[bflag:$0x2] =	sbarrier.arrive $0xFFFF  }
0x61: {  	[sflag:s0] =	ssyncadd.tile.s32 @!p0 $0x1;
	_ =	shalt  }
.Lfunc_end1:
_tile_overlayer_lowered:
.L_overlay_start_2:
0x62: {  	(tag) =	ssettag $0x2  }
0x63: {  	s0 =	rddreg [dreg:$0x0];
	s2 =	stileid.u32  }
0x64: {  	s1 =	rddreg [dreg:$0x1];
	p0 =	sne.s32 s2, $0x0  }
0x65: {  	s3 =	rddreg [dreg:$0x2];
	[bflag:$0x3] =	sbarrier.arrive $0xFFFF;
	s2 =	simm.s32 @!p0 $0x1C01  }
0x66: {  	[timem:s3], [sflag:s2] =	dma.local @!p0 [hbm:s0], s1  }
0x67: {  	s0 =	simm.s32 @!p0 $0x1  }
0x68: {  	_ =	swait.ge @!p0 [sflag:s0], s1  }
0x69: {  	s1 =	ssub.s32 @!p0 $0x0, s1;
	[sflag:s0] =	ssyncset.done @!p0 $0x0  }
0x6a: {  	[sflag:s0] =	ssyncadd.s32 @!p0 s1  }
0x6b: {  	[bflag:$0x3] =	sbarrier.arrive $0xFFFF  }
0x6c: {  	_ =	shalt  }

</sc_bundles>
